<compile_context>
chip_gen: v7x
topology: tpu7x:2x2x1
jax: 0.10.2.dev20260603
libtpu: 0.0.44.dev20260713+nightly
codegen_flags: <defaults>
</compile_context>

<pallas_src>
import functools

import jax
import jax.numpy as jnp
from jax import lax
from jax.experimental import pallas as pl
from jax.experimental.pallas import tpu as pltpu
from jax.experimental.pallas import tpu_sc as plsc

_NC = 2
_NS = 16
_L = 16


def _make_agg(N, D, E, with_deg, NP):
    NW = _NC * _NS
    C = 80
    EPW = -(-(E // NW) // C) * C
    NCH = EPW // C
    PAD = EPW - E // NW
    NA = N + max(8, PAD)
    FULL = NP // _NS
    LAST = N - FULL * (_NS - 1)
    ZC = C
    mesh = plsc.VectorSubcoreMesh(core_axis_name="c", subcore_axis_name="s")

    out_type = [jax.ShapeDtypeStruct((_NC, N, D), jnp.float32)]
    scratch = [
        pltpu.VMEM_SHARED((NA, D), jnp.float32),
        pltpu.VMEM((4, C), jnp.int32),
        pltpu.VMEM((NCH, C), jnp.int32),
        [pltpu.VMEM((C, D), jnp.float32) for _ in range(3)],
        [pltpu.SemaphoreType.DMA for _ in range(3)],
        [pltpu.SemaphoreType.DMA for _ in range(3)],
        pltpu.SemaphoreType.DMA((4,)),
        pltpu.SemaphoreType.DMA,
    ]
    if with_deg:
        out_type.append(jax.ShapeDtypeStruct((_NC * N,), jnp.float32))
        scratch += [
            pltpu.VMEM_SHARED((NA,), jnp.float32),
            pltpu.VMEM((C,), jnp.float32),
            pltpu.VMEM((FULL,), jnp.float32),
        ]

    @functools.partial(pl.kernel, out_type=out_type, mesh=mesh,
                       scratch_types=scratch)
    def agg(*refs):
        if with_deg:
            (y_hbm, src_hbm, dst_hbm, out_hbm, deg_hbm,
             acc, srcb, dstv, rows, gsems, ssems, isems, dsem,
             dacc, ones, dzero) = refs
        else:
            (y_hbm, src_hbm, dst_hbm, out_hbm,
             acc, srcb, dstv, rows, gsems, ssems, isems, dsem) = refs
        c = lax.axis_index("c")
        s = lax.axis_index("s")
        wid = s * _NC + c
        ebase = wid * EPW
        zv = jnp.zeros((_L,), jnp.float32)

        def idx_desc(g, q):
            off = pl.multiple_of(ebase + g * C, 8)
            return pltpu.make_async_copy(src_hbm.at[pl.ds(off, C)],
                                         srcb.at[q], isems.at[q])

        def gather_desc(g, b):
            q = g % 4 if isinstance(g, int) else lax.rem(g, 4)
            return pltpu.make_async_copy(y_hbm.at[srcb.at[q]], rows[b],
                                         gsems[b])

        for q in range(4):
            idx_desc(q, q).start()
        dslab = pltpu.make_async_copy(dst_hbm.at[wid], dstv, dsem)
        dslab.start()

        def zrow(i, carry):
            for b in range(3):
                for j in range(D // _L):
                    rows[b][i, pl.ds(j * _L, _L)] = zv
            return carry
        lax.fori_loop(0, C, zrow, 0)
        n_last = LAST // ZC
        rem = LAST % ZC
        for k in range(FULL // ZC):
            def zcopy(nr=ZC, k=k):
                pltpu.sync_copy(rows[k % 3].at[pl.ds(0, nr)],
                                acc.at[pl.ds(s * FULL + k * ZC, nr)])
            if k < n_last:
                zcopy()
            else:
                pl.when(s < _NS - 1)(zcopy)
                if k == n_last and rem:
                    pl.when(s == _NS - 1)(lambda: zcopy(rem))
        if with_deg:
            ov = jnp.full((_L,), 1.0, jnp.float32)
            for i in range(C // _L):
                ones[pl.ds(i * _L, _L)] = ov
            def dzrow(i, carry):
                dzero[pl.ds(i * _L, _L)] = zv
                return carry
            lax.fori_loop(0, FULL // _L, dzrow, 0)
            @pl.when(s < _NS - 1)
            def _():
                pltpu.sync_copy(dzero, dacc.at[pl.ds(s * FULL, FULL)])
            @pl.when(s == _NS - 1)
            def _():
                pltpu.sync_copy(dzero.at[pl.ds(0, LAST)],
                                dacc.at[pl.ds(s * FULL, LAST)])
        plsc.subcore_barrier()

        idx_desc(0, 0).wait()
        gather_desc(0, 0).start()
        idx_desc(1, 1).wait()
        gather_desc(1, 1).start()
        dslab.wait()

        def scat_desc(g, b):
            return pltpu.make_async_copy(rows[b], acc.at[dstv.at[g]],
                                         ssems[b])

        def step(g, b):
            gather_desc(g, b).wait()
            @pl.when(g >= 1)
            def _():
                scat_desc(g - 1, (b + 2) % 3).wait()
            @pl.when(g + 2 < NCH)
            def _():
                idx_desc(g + 2, lax.rem(g + 2, 4)).wait()
                gather_desc(g + 2, (b + 2) % 3).start()
            pltpu.async_copy(rows[b], acc.at[dstv.at[g]], ssems[b], add=True)
            if with_deg:
                pltpu.sync_copy(ones, dacc.at[dstv.at[g]], add=True)
            @pl.when(g + 4 < NCH)
            def _():
                idx_desc(g + 4, lax.rem(g, 4)).start()

        def grp(gg, carry):
            g0 = gg * 3
            for b in range(3):
                @pl.when(g0 + b < NCH)
                def _(b=b):
                    step(g0 + b, b)
            return carry
        lax.fori_loop(0, (NCH + 2) // 3, grp, 0)
        scat_desc(NCH - 1, (NCH - 1) % 3).wait()

        plsc.subcore_barrier()
        @pl.when(s < _NS - 1)
        def _():
            pltpu.sync_copy(acc.at[pl.ds(s * FULL, FULL)],
                            out_hbm.at[c, pl.ds(s * FULL, FULL)])
        @pl.when(s == _NS - 1)
        def _():
            pltpu.sync_copy(acc.at[pl.ds(s * FULL, LAST)],
                            out_hbm.at[c, pl.ds(s * FULL, LAST)])
        if with_deg:
            @pl.when(s < _NS - 1)
            def _():
                pltpu.sync_copy(dacc.at[pl.ds(s * FULL, FULL)], dzero)
                pltpu.sync_copy(
                    dzero, deg_hbm.at[pl.ds(c * N + s * FULL, FULL)])
            @pl.when(s == _NS - 1)
            def _():
                pltpu.sync_copy(dacc.at[pl.ds(s * FULL, LAST)],
                                dzero.at[pl.ds(0, LAST)])
                pltpu.sync_copy(
                    dzero.at[pl.ds(0, LAST)],
                    deg_hbm.at[pl.ds(c * N + s * FULL, LAST)])

    return agg


def _make_deg(N, E, NP):
    NW = _NC * _NS
    C = 80
    EPW = -(-(E // NW) // C) * C
    NCH = EPW // C
    PAD = EPW - E // NW
    NA = N + max(8, PAD)
    FULL = NP // _NS
    LAST = N - FULL * (_NS - 1)
    mesh = plsc.VectorSubcoreMesh(core_axis_name="c", subcore_axis_name="s")

    @functools.partial(
        pl.kernel,
        out_type=jax.ShapeDtypeStruct((_NC * N,), jnp.float32),
        mesh=mesh,
        scratch_types=[
            pltpu.VMEM_SHARED((NA,), jnp.float32),
            pltpu.VMEM((NCH, C), jnp.int32),
            pltpu.VMEM((C,), jnp.float32),
            pltpu.VMEM((FULL,), jnp.float32),
            pltpu.SemaphoreType.DMA,
            pltpu.SemaphoreType.DMA,
        ])
    def deg(dst_hbm, deg_hbm, dacc, dstv, ones, dzero, dsem, ssem):
        c = lax.axis_index("c")
        s = lax.axis_index("s")
        wid = s * _NC + c
        zv = jnp.zeros((_L,), jnp.float32)
        dslab = pltpu.make_async_copy(dst_hbm.at[wid], dstv, dsem)
        dslab.start()
        ov = jnp.full((_L,), 1.0, jnp.float32)
        for i in range(C // _L):
            ones[pl.ds(i * _L, _L)] = ov
        def dzrow(i, carry):
            dzero[pl.ds(i * _L, _L)] = zv
            return carry
        lax.fori_loop(0, FULL // _L, dzrow, 0)
        @pl.when(s < _NS - 1)
        def _():
            pltpu.sync_copy(dzero, dacc.at[pl.ds(s * FULL, FULL)])
        @pl.when(s == _NS - 1)
        def _():
            pltpu.sync_copy(dzero.at[pl.ds(0, LAST)],
                            dacc.at[pl.ds(s * FULL, LAST)])
        dslab.wait()
        plsc.subcore_barrier()

        B = 5
        def grp(gg, carry):
            g0 = gg * B
            for j in range(B):
                pltpu.async_copy(ones, dacc.at[dstv.at[g0 + j]], ssem,
                                 add=True)
            for j in range(B):
                pltpu.make_async_copy(ones, dacc.at[dstv.at[g0 + j]],
                                      ssem).wait()
            return carry
        lax.fori_loop(0, NCH // B, grp, 0)
        for g in range(NCH - NCH % B, NCH):
            pltpu.sync_copy(ones, dacc.at[dstv.at[g]], add=True)

        plsc.subcore_barrier()
        @pl.when(s < _NS - 1)
        def _():
            pltpu.sync_copy(dacc.at[pl.ds(s * FULL, FULL)], dzero)
            pltpu.sync_copy(dzero, deg_hbm.at[pl.ds(c * N + s * FULL, FULL)])
        @pl.when(s == _NS - 1)
        def _():
            pltpu.sync_copy(dacc.at[pl.ds(s * FULL, LAST)],
                            dzero.at[pl.ds(0, LAST)])
            pltpu.sync_copy(dzero.at[pl.ds(0, LAST)],
                            deg_hbm.at[pl.ds(c * N + s * FULL, LAST)])

    return deg


def _proj(x, Wl, Wr, bl):
    N, Din = x.shape
    Do = Wl.shape[1]
    BN = 2000

    def body(x_ref, wl_ref, wr_ref, b_ref, y_ref, z_ref):
        xb = x_ref[...]
        y_ref[...] = jnp.dot(xb, wl_ref[...],
                             preferred_element_type=jnp.float32)
        z_ref[...] = jnp.dot(xb, wr_ref[...],
                             preferred_element_type=jnp.float32) + b_ref[...]

    y, z = pl.pallas_call(
        body,
        grid=(N // BN,),
        in_specs=[
            pl.BlockSpec((BN, Din), lambda i: (i, 0)),
            pl.BlockSpec((Din, Do), lambda i: (0, 0)),
            pl.BlockSpec((Din, Do), lambda i: (0, 0)),
            pl.BlockSpec((1, Do), lambda i: (0, 0)),
        ],
        out_specs=[
            pl.BlockSpec((BN, Do), lambda i: (i, 0)),
            pl.BlockSpec((BN, Do), lambda i: (i, 0)),
        ],
        out_shape=[jax.ShapeDtypeStruct((N, Do), jnp.float32)] * 2,
    )(x, Wl, Wr, bl.reshape(1, -1))
    return y, z


def _comb_proj(p0, p1, z, d0, d1, Wl, Wr, bl, emit_h):
    N, Dh = z.shape
    Do = Wr.shape[1]
    BN = 2000

    def body(p0_ref, p1_ref, z_ref, d0_ref, d1_ref, wl_ref, wr_ref, b_ref,
             y_ref, z2_ref):
        deg = jnp.maximum(d0_ref[...] + d1_ref[...], 1.0)
        h = jnp.maximum((p0_ref[...] + p1_ref[...]) / deg + z_ref[...], 0.0)
        if emit_h:
            y_ref[...] = h
        else:
            y_ref[...] = jnp.dot(h, wl_ref[...],
                                 preferred_element_type=jnp.float32)
        z2_ref[...] = jnp.dot(h, wr_ref[...],
                              preferred_element_type=jnp.float32) + b_ref[...]

    return pl.pallas_call(
        body,
        grid=(N // BN,),
        in_specs=[
            pl.BlockSpec((BN, Dh), lambda i: (i, 0)),
            pl.BlockSpec((BN, Dh), lambda i: (i, 0)),
            pl.BlockSpec((BN, Dh), lambda i: (i, 0)),
            pl.BlockSpec((BN, 1), lambda i: (i, 0)),
            pl.BlockSpec((BN, 1), lambda i: (i, 0)),
            pl.BlockSpec(Wl.shape, lambda i: (0, 0)),
            pl.BlockSpec((Dh, Do), lambda i: (0, 0)),
            pl.BlockSpec((1, Do), lambda i: (0, 0)),
        ],
        out_specs=[
            pl.BlockSpec((BN, Dh), lambda i: (i, 0)),
            pl.BlockSpec((BN, Do), lambda i: (i, 0)),
        ],
        out_shape=[jax.ShapeDtypeStruct((N, Dh), jnp.float32),
                   jax.ShapeDtypeStruct((N, Do), jnp.float32)],
    )(p0, p1, z, d0, d1, Wl, Wr, bl.reshape(1, -1))


def _final(p0, p1, z2, d0, d1, Wl):
    N, Dh = p0.shape
    Do = Wl.shape[1]
    BN = 2000

    def body(p0_ref, p1_ref, z2_ref, d0_ref, d1_ref, wl_ref, o_ref):
        deg = jnp.maximum(d0_ref[...] + d1_ref[...], 1.0)
        m = (p0_ref[...] + p1_ref[...]) / deg
        u = (jnp.dot(m, wl_ref[...], preferred_element_type=jnp.float32)
             + z2_ref[...])
        mx = jnp.max(u, axis=1, keepdims=True)
        e = u - mx
        o_ref[...] = e - jnp.log(jnp.sum(jnp.exp(e), axis=1, keepdims=True))

    return pl.pallas_call(
        body,
        grid=(N // BN,),
        in_specs=[
            pl.BlockSpec((BN, Dh), lambda i: (i, 0)),
            pl.BlockSpec((BN, Dh), lambda i: (i, 0)),
            pl.BlockSpec((BN, Do), lambda i: (i, 0)),
            pl.BlockSpec((BN, 1), lambda i: (i, 0)),
            pl.BlockSpec((BN, 1), lambda i: (i, 0)),
            pl.BlockSpec((Dh, Do), lambda i: (0, 0)),
        ],
        out_specs=pl.BlockSpec((BN, Do), lambda i: (i, 0)),
        out_shape=jax.ShapeDtypeStruct((N, Do), jnp.float32),
    )(p0, p1, z2, d0, d1, Wl)


def kernel(x, edge_index, Wl0, bl0, Wr0, Wl1, bl1, Wr1, Wl2, bl2, Wr2):
    N, Din = x.shape
    E = edge_index.shape[1]
    Dh = Wl0.shape[1]
    NP = ((N + 128 * _NS - 1) // (128 * _NS)) * (128 * _NS)
    NW = _NC * _NS
    C = 80
    EPW_r = E // NW
    EPW = -(-EPW_r // C) * C
    pad = EPW - EPW_r
    src = jnp.pad(edge_index[0].reshape(NW, EPW_r),
                  ((0, 0), (0, pad))).reshape(-1)
    dump = jnp.broadcast_to(N + jnp.arange(pad, dtype=jnp.int32),
                            (NW, pad))
    dst = jnp.concatenate(
        [edge_index[1].reshape(NW, EPW_r), dump],
        axis=1).reshape(NW, EPW // C, C)

    agg_h = _make_agg(N, Dh, E, False, NP)

    degf = _make_deg(N, E, NP)(dst)
    y, z = _proj(x, Wl0, Wr0, bl0)
    (p,) = agg_h(y, src, dst)
    degp = degf.reshape(_NC, N)
    d0 = degp[0].reshape(N, 1)
    d1 = degp[1].reshape(N, 1)

    y, z = _comb_proj(p[0], p[1], z, d0, d1, Wl1, Wr1, bl1, emit_h=False)
    (p,) = agg_h(y, src, dst)

    h2, z2 = _comb_proj(p[0], p[1], z, d0, d1, Wl2, Wr2, bl2, emit_h=True)
    (p,) = agg_h(h2, src, dst)
    return _final(p[0], p[1], z2, d0, d1, Wl2)

# --- scband reference (transcript-rebuilt; emitter-appended) ---
"""Pipeline reference for scband-modified-sage-19301583029054 (READ-ONLY COPY).

The authoritative reference and input builder live on the scoring server;
editing this copy changes nothing except your own understanding.
"""

import jax, jax.numpy as jnp
import numpy as np

N = 10000
E = 320000
D_IN = 128
D_H = 128
D_OUT = 64


def _glorot(key, fan_in, fan_out):
    scale = jnp.sqrt(2.0 / (fan_in + fan_out))
    return jax.random.normal(key, (fan_in, fan_out), dtype=jnp.float32) * scale


def setup_inputs(seed: int = 0) -> dict:
    key = jax.random.key(seed)
    ks = jax.random.split(key, 12)
    x = jax.random.normal(ks[0], (N, D_IN), dtype=jnp.float32)
    edge_index = jax.random.randint(ks[1], (2, E), 0, N, dtype=jnp.int32)
    # SAGEConv layer 0: input_dim -> hidden_dim
    Wl0 = _glorot(ks[2], D_IN, D_H)
    bl0 = jnp.zeros((D_H,), dtype=jnp.float32)
    Wr0 = _glorot(ks[3], D_IN, D_H)
    # SAGEConv hidden layer: hidden_dim -> hidden_dim
    Wl1 = _glorot(ks[4], D_H, D_H)
    bl1 = jnp.zeros((D_H,), dtype=jnp.float32)
    Wr1 = _glorot(ks[5], D_H, D_H)
    # SAGEConv output layer: hidden_dim -> output_dim
    Wl2 = _glorot(ks[6], D_H, D_OUT)
    bl2 = jnp.zeros((D_OUT,), dtype=jnp.float32)
    Wr2 = _glorot(ks[7], D_H, D_OUT)
    return {"x": x, "edge_index": edge_index,
            "Wl0": Wl0, "bl0": bl0, "Wr0": Wr0,
            "Wl1": Wl1, "bl1": bl1, "Wr1": Wr1,
            "Wl2": Wl2, "bl2": bl2, "Wr2": Wr2}


def _sage_conv(x, edge_index, Wl, bl, Wr):
    # PyG SAGEConv with mean aggregation:
    # out = lin_l(mean_{j in N(i)} x_j) + lin_r(x_i)
    src = edge_index[0]
    dst = edge_index[1]
    msgs = jnp.take(x, src, axis=0)                       # gather (SparseCore)
    agg = jax.ops.segment_sum(msgs, dst, num_segments=x.shape[0])  # scatter-add
    deg = jax.ops.segment_sum(jnp.ones((src.shape[0],), dtype=x.dtype), dst,
                              num_segments=x.shape[0])
    agg = agg / jnp.clip(deg, 1.0, None)[:, None]
    return agg @ Wl + bl + x @ Wr


def reference(x, edge_index, Wl0, bl0, Wr0, Wl1, bl1, Wr1, Wl2, bl2, Wr2):
    h = jax.nn.relu(_sage_conv(x, edge_index, Wl0, bl0, Wr0))
    h = jax.nn.relu(_sage_conv(h, edge_index, Wl1, bl1, Wr1))
    h = _sage_conv(h, edge_index, Wl2, bl2, Wr2)
    return jax.nn.log_softmax(h, axis=1)

if __name__ == "__main__":
    import jax
    _d = setup_inputs()
    print(jax.jit(kernel)(*tuple(_d.values())))

</pallas_src>

<mosaic_0001>
#map = affine_map<(d0, d1) -> (0, 0)>
#map1 = affine_map<(d0, d1) -> (0)>
#map2 = affine_map<(d0, d1) -> (0, 0, 0)>
module attributes {stable_mosaic.version = 14 : i64} {
  func.func @agg(%arg0: i32, %arg1: i32, %arg2: memref<10000x128xf32, #tpu.memory_space<hbm>>, %arg3: memref<320000xi32, #tpu.memory_space<hbm>>, %arg4: memref<32x125x80xi32, #tpu.memory_space<hbm>>, %arg5: memref<2x10000x128xf32, #tpu.memory_space<hbm>>, %arg6: memref<10008x128xf32, #tpu.memory_space<vmem_shared>>, %arg7: memref<4x80xi32, #tpu.memory_space<vmem>>, %arg8: memref<125x80xi32, #tpu.memory_space<vmem>>, %arg9: memref<80x128xf32, #tpu.memory_space<vmem>>, %arg10: memref<80x128xf32, #tpu.memory_space<vmem>>, %arg11: memref<80x128xf32, #tpu.memory_space<vmem>>, %arg12: memref<!tpu.dma_semaphore, #tpu.memory_space<semaphore_mem>>, %arg13: memref<!tpu.dma_semaphore, #tpu.memory_space<semaphore_mem>>, %arg14: memref<!tpu.dma_semaphore, #tpu.memory_space<semaphore_mem>>, %arg15: memref<!tpu.dma_semaphore, #tpu.memory_space<semaphore_mem>>, %arg16: memref<!tpu.dma_semaphore, #tpu.memory_space<semaphore_mem>>, %arg17: memref<!tpu.dma_semaphore, #tpu.memory_space<semaphore_mem>>, %arg18: memref<4x!tpu.dma_semaphore, #tpu.memory_space<semaphore_mem>>, %arg19: memref<!tpu.dma_semaphore, #tpu.memory_space<semaphore_mem>>) attributes {dimension_semantics = [#tpu.dimension_semantics<core_parallel>, #tpu.dimension_semantics<subcore_parallel>], iteration_bounds = array<i64: 2, 16>, scalar_prefetch = 0 : i64, scratch_operands = 14 : i64, tpu.core_type = #tpu.core_type<sc_vector_subcore>, window_params = [{transform_indices = #map}, {transform_indices = #map1}, {transform_indices = #map2}, {transform_indices = #map2}]} {
    %mul3A = arith.constant 2 : i32
    %mul3A_0 = arith.muli %arg1, %mul3A : i32
    %add3A = arith.addi %mul3A_0, %arg0 : i32
    %mul3A_1 = arith.constant 10000 : i32
    %mul3A_2 = arith.muli %add3A, %mul3A_1 : i32
    %broadcast_in_dim3A = arith.constant 0.000000e+00 : f32
    %broadcast_in_dim3A_3 = vector.broadcast %broadcast_in_dim3A : f32 to vector<16xf32>
    %add3A_4 = arith.constant 0 : i32
    %add3A_5 = arith.addi %mul3A_2, %add3A_4 : i32
    %multiple_of3A = tpu.assume_multiple %add3A_5, 8 : i32
    %dma_start3A = arith.constant 0 : i32
    %dma_start3A_6 = arith.constant 0 : i32
    %dma_start3A_7 = arith.constant 0 : i32
    %dma_start3A_8 = tpu.memref_slice %arg7[%dma_start3A, %dma_start3A_7] : memref<4x80xi32, #tpu.memory_space<vmem>> -> memref<1x80xi32, #tpu.memory_space<vmem>>
    %dma_start3A_9 = tpu.memref_squeeze %dma_start3A_8 : memref<1x80xi32, #tpu.memory_space<vmem>> -> memref<80xi32, #tpu.memory_space<vmem>>
    %dma_start3A_10 = tpu.memref_slice %arg3[%multiple_of3A] : memref<320000xi32, #tpu.memory_space<hbm>> -> memref<80xi32, #tpu.memory_space<hbm>>
    %dma_start3A_11 = tpu.memref_slice %arg18[%dma_start3A_6] : memref<4x!tpu.dma_semaphore, #tpu.memory_space<semaphore_mem>> -> memref<1x!tpu.dma_semaphore, #tpu.memory_space<semaphore_mem>>
    %dma_start3A_12 = tpu.memref_squeeze %dma_start3A_11 : memref<1x!tpu.dma_semaphore, #tpu.memory_space<semaphore_mem>> -> memref<!tpu.dma_semaphore, #tpu.memory_space<semaphore_mem>>
    %dma_start3A_13 = arith.constant 0 : i32
    %dma_start3A_14 = tpu.memref_slice %arg7[%dma_start3A, %dma_start3A_13] : memref<4x80xi32, #tpu.memory_space<vmem>> -> memref<1x80xi32, #tpu.memory_space<vmem>>
    %dma_start3A_15 = tpu.memref_squeeze %dma_start3A_14 : memref<1x80xi32, #tpu.memory_space<vmem>> -> memref<80xi32, #tpu.memory_space<vmem>>
    %dma_start3A_16 = tpu.memref_slice %arg3[%multiple_of3A] : memref<320000xi32, #tpu.memory_space<hbm>> -> memref<80xi32, #tpu.memory_space<hbm>>
    tpu.enqueue_dma source(%dma_start3A_16 : memref<80xi32, #tpu.memory_space<hbm>>) target(%dma_start3A_15 : memref<80xi32, #tpu.memory_space<vmem>>) target_semaphore(%dma_start3A_12 : memref<!tpu.dma_semaphore, #tpu.memory_space<semaphore_mem>>)
    %add3A_17 = arith.constant 80 : i32
    %add3A_18 = arith.addi %mul3A_2, %add3A_17 : i32
    %multiple_of3A_19 = tpu.assume_multiple %add3A_18, 8 : i32
    %dma_start3A_20 = arith.constant 1 : i32
    %dma_start3A_21 = arith.constant 1 : i32
    %dma_start3A_22 = arith.constant 0 : i32
    %dma_start3A_23 = tpu.memref_slice %arg7[%dma_start3A_20, %dma_start3A_22] : memref<4x80xi32, #tpu.memory_space<vmem>> -> memref<1x80xi32, #tpu.memory_space<vmem>>
    %dma_start3A_24 = tpu.memref_squeeze %dma_start3A_23 : memref<1x80xi32, #tpu.memory_space<vmem>> -> memref<80xi32, #tpu.memory_space<vmem>>
    %dma_start3A_25 = tpu.memref_slice %arg3[%multiple_of3A_19] : memref<320000xi32, #tpu.memory_space<hbm>> -> memref<80xi32, #tpu.memory_space<hbm>>
    %dma_start3A_26 = tpu.memref_slice %arg18[%dma_start3A_21] : memref<4x!tpu.dma_semaphore, #tpu.memory_space<semaphore_mem>> -> memref<1x!tpu.dma_semaphore, #tpu.memory_space<semaphore_mem>>
    %dma_start3A_27 = tpu.memref_squeeze %dma_start3A_26 : memref<1x!tpu.dma_semaphore, #tpu.memory_space<semaphore_mem>> -> memref<!tpu.dma_semaphore, #tpu.memory_space<semaphore_mem>>
    %dma_start3A_28 = arith.constant 0 : i32
    %dma_start3A_29 = tpu.memref_slice %arg7[%dma_start3A_20, %dma_start3A_28] : memref<4x80xi32, #tpu.memory_space<vmem>> -> memref<1x80xi32, #tpu.memory_space<vmem>>
    %dma_start3A_30 = tpu.memref_squeeze %dma_start3A_29 : memref<1x80xi32, #tpu.memory_space<vmem>> -> memref<80xi32, #tpu.memory_space<vmem>>
    %dma_start3A_31 = tpu.memref_slice %arg3[%multiple_of3A_19] : memref<320000xi32, #tpu.memory_space<hbm>> -> memref<80xi32, #tpu.memory_space<hbm>>
    tpu.enqueue_dma source(%dma_start3A_31 : memref<80xi32, #tpu.memory_space<hbm>>) target(%dma_start3A_30 : memref<80xi32, #tpu.memory_space<vmem>>) target_semaphore(%dma_start3A_27 : memref<!tpu.dma_semaphore, #tpu.memory_space<semaphore_mem>>)
    %add3A_32 = arith.constant 160 : i32
    %add3A_33 = arith.addi %mul3A_2, %add3A_32 : i32
    %multiple_of3A_34 = tpu.assume_multiple %add3A_33, 8 : i32
    %dma_start3A_35 = arith.constant 2 : i32
    %dma_start3A_36 = arith.constant 2 : i32
    %dma_start3A_37 = arith.constant 0 : i32
    %dma_start3A_38 = tpu.memref_slice %arg7[%dma_start3A_35, %dma_start3A_37] : memref<4x80xi32, #tpu.memory_space<vmem>> -> memref<1x80xi32, #tpu.memory_space<vmem>>
    %dma_start3A_39 = tpu.memref_squeeze %dma_start3A_38 : memref<1x80xi32, #tpu.memory_space<vmem>> -> memref<80xi32, #tpu.memory_space<vmem>>
    %dma_start3A_40 = tpu.memref_slice %arg3[%multiple_of3A_34] : memref<320000xi32, #tpu.memory_space<hbm>> -> memref<80xi32, #tpu.memory_space<hbm>>
    %dma_start3A_41 = tpu.memref_slice %arg18[%dma_start3A_36] : memref<4x!tpu.dma_semaphore, #tpu.memory_space<semaphore_mem>> -> memref<1x!tpu.dma_semaphore, #tpu.memory_space<semaphore_mem>>
    %dma_start3A_42 = tpu.memref_squeeze %dma_start3A_41 : memref<1x!tpu.dma_semaphore, #tpu.memory_space<semaphore_mem>> -> memref<!tpu.dma_semaphore, #tpu.memory_space<semaphore_mem>>
    %dma_start3A_43 = arith.constant 0 : i32
    %dma_start3A_44 = tpu.memref_slice %arg7[%dma_start3A_35, %dma_start3A_43] : memref<4x80xi32, #tpu.memory_space<vmem>> -> memref<1x80xi32, #tpu.memory_space<vmem>>
    %dma_start3A_45 = tpu.memref_squeeze %dma_start3A_44 : memref<1x80xi32, #tpu.memory_space<vmem>> -> memref<80xi32, #tpu.memory_space<vmem>>
    %dma_start3A_46 = tpu.memref_slice %arg3[%multiple_of3A_34] : memref<320000xi32, #tpu.memory_space<hbm>> -> memref<80xi32, #tpu.memory_space<hbm>>
    tpu.enqueue_dma source(%dma_start3A_46 : memref<80xi32, #tpu.memory_space<hbm>>) target(%dma_start3A_45 : memref<80xi32, #tpu.memory_space<vmem>>) target_semaphore(%dma_start3A_42 : memref<!tpu.dma_semaphore, #tpu.memory_space<semaphore_mem>>)
    %add3A_47 = arith.constant 240 : i32
    %add3A_48 = arith.addi %mul3A_2, %add3A_47 : i32
    %multiple_of3A_49 = tpu.assume_multiple %add3A_48, 8 : i32
    %dma_start3A_50 = arith.constant 3 : i32
    %dma_start3A_51 = arith.constant 3 : i32
    %dma_start3A_52 = arith.constant 0 : i32
    %dma_start3A_53 = tpu.memref_slice %arg7[%dma_start3A_50, %dma_start3A_52] : memref<4x80xi32, #tpu.memory_space<vmem>> -> memref<1x80xi32, #tpu.memory_space<vmem>>
    %dma_start3A_54 = tpu.memref_squeeze %dma_start3A_53 : memref<1x80xi32, #tpu.memory_space<vmem>> -> memref<80xi32, #tpu.memory_space<vmem>>
    %dma_start3A_55 = tpu.memref_slice %arg3[%multiple_of3A_49] : memref<320000xi32, #tpu.memory_space<hbm>> -> memref<80xi32, #tpu.memory_space<hbm>>
    %dma_start3A_56 = tpu.memref_slice %arg18[%dma_start3A_51] : memref<4x!tpu.dma_semaphore, #tpu.memory_space<semaphore_mem>> -> memref<1x!tpu.dma_semaphore, #tpu.memory_space<semaphore_mem>>
    %dma_start3A_57 = tpu.memref_squeeze %dma_start3A_56 : memref<1x!tpu.dma_semaphore, #tpu.memory_space<semaphore_mem>> -> memref<!tpu.dma_semaphore, #tpu.memory_space<semaphore_mem>>
    %dma_start3A_58 = arith.constant 0 : i32
    %dma_start3A_59 = tpu.memref_slice %arg7[%dma_start3A_50, %dma_start3A_58] : memref<4x80xi32, #tpu.memory_space<vmem>> -> memref<1x80xi32, #tpu.memory_space<vmem>>
    %dma_start3A_60 = tpu.memref_squeeze %dma_start3A_59 : memref<1x80xi32, #tpu.memory_space<vmem>> -> memref<80xi32, #tpu.memory_space<vmem>>
    %dma_start3A_61 = tpu.memref_slice %arg3[%multiple_of3A_49] : memref<320000xi32, #tpu.memory_space<hbm>> -> memref<80xi32, #tpu.memory_space<hbm>>
    tpu.enqueue_dma source(%dma_start3A_61 : memref<80xi32, #tpu.memory_space<hbm>>) target(%dma_start3A_60 : memref<80xi32, #tpu.memory_space<vmem>>) target_semaphore(%dma_start3A_57 : memref<!tpu.dma_semaphore, #tpu.memory_space<semaphore_mem>>)
    %dma_start3A_62 = arith.constant 0 : i32
    %dma_start3A_63 = arith.constant 0 : i32
    %dma_start3A_64 = tpu.memref_slice %arg4[%add3A, %dma_start3A_62, %dma_start3A_63] : memref<32x125x80xi32, #tpu.memory_space<hbm>> -> memref<1x125x80xi32, #tpu.memory_space<hbm>>
    %dma_start3A_65 = tpu.memref_squeeze %dma_start3A_64 : memref<1x125x80xi32, #tpu.memory_space<hbm>> -> memref<125x80xi32, #tpu.memory_space<hbm>>
    %dma_start3A_66 = arith.constant 0 : i32
    %dma_start3A_67 = arith.constant 0 : i32
    %dma_start3A_68 = tpu.memref_slice %arg4[%add3A, %dma_start3A_66, %dma_start3A_67] : memref<32x125x80xi32, #tpu.memory_space<hbm>> -> memref<1x125x80xi32, #tpu.memory_space<hbm>>
    %dma_start3A_69 = tpu.memref_squeeze %dma_start3A_68 : memref<1x125x80xi32, #tpu.memory_space<hbm>> -> memref<125x80xi32, #tpu.memory_space<hbm>>
    tpu.enqueue_dma source(%dma_start3A_69 : memref<125x80xi32, #tpu.memory_space<hbm>>) target(%arg8 : memref<125x80xi32, #tpu.memory_space<vmem>>) target_semaphore(%arg19 : memref<!tpu.dma_semaphore, #tpu.memory_space<semaphore_mem>>)
    %scan3A = arith.constant 0 : i32
    %scan3A_70 = arith.constant 0 : i32
    %scan3A_71 = arith.constant 80 : i32
    %scan3A_72 = arith.addi %scan3A_70, %scan3A_71 : i32
    %scan3A_73 = arith.constant 1 : i32
    scf.for %scan3A_181 = %scan3A_70 to %scan3A_72 step %scan3A_73  : i32 {
      %swap3A = arith.index_cast %scan3A_181 : i32 to index
      %swap3A_182 = arith.constant 0 : index
      %swap3A_183 = tpu.vector_load %arg9[%swap3A, %swap3A_182] {strides = array<i32>} : memref<80x128xf32, #tpu.memory_space<vmem>>, vector<1x16xf32>,
      %swap3A_184 = vector.shape_cast %swap3A_183 : vector<1x16xf32> to vector<16xf32>
      %swap3A_185 = vector.shape_cast %broadcast_in_dim3A_3 : vector<16xf32> to vector<1x16xf32>
      tpu.vector_store %arg9[%swap3A, %swap3A_182], %swap3A_185 {strides = array<i32>} : memref<80x128xf32, #tpu.memory_space<vmem>>, vector<1x16xf32>,
      %swap3A_186 = arith.index_cast %scan3A_181 : i32 to index
      %swap3A_187 = arith.constant 16 : index
      %swap3A_188 = tpu.vector_load %arg9[%swap3A_186, %swap3A_187] {strides = array<i32>} : memref<80x128xf32, #tpu.memory_space<vmem>>, vector<1x16xf32>,
      %swap3A_189 = vector.shape_cast %swap3A_188 : vector<1x16xf32> to vector<16xf32>
      %swap3A_190 = vector.shape_cast %broadcast_in_dim3A_3 : vector<16xf32> to vector<1x16xf32>
      tpu.vector_store %arg9[%swap3A_186, %swap3A_187], %swap3A_190 {strides = array<i32>} : memref<80x128xf32, #tpu.memory_space<vmem>>, vector<1x16xf32>,
      %swap3A_191 = arith.index_cast %scan3A_181 : i32 to index
      %swap3A_192 = arith.constant 32 : index
      %swap3A_193 = tpu.vector_load %arg9[%swap3A_191, %swap3A_192] {strides = array<i32>} : memref<80x128xf32, #tpu.memory_space<vmem>>, vector<1x16xf32>,
      %swap3A_194 = vector.shape_cast %swap3A_193 : vector<1x16xf32> to vector<16xf32>
      %swap3A_195 = vector.shape_cast %broadcast_in_dim3A_3 : vector<16xf32> to vector<1x16xf32>
      tpu.vector_store %arg9[%swap3A_191, %swap3A_192], %swap3A_195 {strides = array<i32>} : memref<80x128xf32, #tpu.memory_space<vmem>>, vector<1x16xf32>,
      %swap3A_196 = arith.index_cast %scan3A_181 : i32 to index
      %swap3A_197 = arith.constant 48 : index
      %swap3A_198 = tpu.vector_load %arg9[%swap3A_196, %swap3A_197] {strides = array<i32>} : memref<80x128xf32, #tpu.memory_space<vmem>>, vector<1x16xf32>,
      %swap3A_199 = vector.shape_cast %swap3A_198 : vector<1x16xf32> to vector<16xf32>
      %swap3A_200 = vector.shape_cast %broadcast_in_dim3A_3 : vector<16xf32> to vector<1x16xf32>
      tpu.vector_store %arg9[%swap3A_196, %swap3A_197], %swap3A_200 {strides = array<i32>} : memref<80x128xf32, #tpu.memory_space<vmem>>, vector<1x16xf32>,
      %swap3A_201 = arith.index_cast %scan3A_181 : i32 to index
      %swap3A_202 = arith.constant 64 : index
      %swap3A_203 = tpu.vector_load %arg9[%swap3A_201, %swap3A_202] {strides = array<i32>} : memref<80x128xf32, #tpu.memory_space<vmem>>, vector<1x16xf32>,
      %swap3A_204 = vector.shape_cast %swap3A_203 : vector<1x16xf32> to vector<16xf32>
      %swap3A_205 = vector.shape_cast %broadcast_in_dim3A_3 : vector<16xf32> to vector<1x16xf32>
      tpu.vector_store %arg9[%swap3A_201, %swap3A_202], %swap3A_205 {strides = array<i32>} : memref<80x128xf32, #tpu.memory_space<vmem>>, vector<1x16xf32>,
      %swap3A_206 = arith.index_cast %scan3A_181 : i32 to index
      %swap3A_207 = arith.constant 80 : index
      %swap3A_208 = tpu.vector_load %arg9[%swap3A_206, %swap3A_207] {strides = array<i32>} : memref<80x128xf32, #tpu.memory_space<vmem>>, vector<1x16xf32>,
      %swap3A_209 = vector.shape_cast %swap3A_208 : vector<1x16xf32> to vector<16xf32>
      %swap3A_210 = vector.shape_cast %broadcast_in_dim3A_3 : vector<16xf32> to vector<1x16xf32>
      tpu.vector_store %arg9[%swap3A_206, %swap3A_207], %swap3A_210 {strides = array<i32>} : memref<80x128xf32, #tpu.memory_space<vmem>>, vector<1x16xf32>,
      %swap3A_211 = arith.index_cast %scan3A_181 : i32 to index
      %swap3A_212 = arith.constant 96 : index
      %swap3A_213 = tpu.vector_load %arg9[%swap3A_211, %swap3A_212] {strides = array<i32>} : memref<80x128xf32, #tpu.memory_space<vmem>>, vector<1x16xf32>,
      %swap3A_214 = vector.shape_cast %swap3A_213 : vector<1x16xf32> to vector<16xf32>
      %swap3A_215 = vector.shape_cast %broadcast_in_dim3A_3 : vector<16xf32> to vector<1x16xf32>
      tpu.vector_store %arg9[%swap3A_211, %swap3A_212], %swap3A_215 {strides = array<i32>} : memref<80x128xf32, #tpu.memory_space<vmem>>, vector<1x16xf32>,
      %swap3A_216 = arith.index_cast %scan3A_181 : i32 to index
      %swap3A_217 = arith.constant 112 : index
      %swap3A_218 = tpu.vector_load %arg9[%swap3A_216, %swap3A_217] {strides = array<i32>} : memref<80x128xf32, #tpu.memory_space<vmem>>, vector<1x16xf32>,
      %swap3A_219 = vector.shape_cast %swap3A_218 : vector<1x16xf32> to vector<16xf32>
      %swap3A_220 = vector.shape_cast %broadcast_in_dim3A_3 : vector<16xf32> to vector<1x16xf32>
      tpu.vector_store %arg9[%swap3A_216, %swap3A_217], %swap3A_220 {strides = array<i32>} : memref<80x128xf32, #tpu.memory_space<vmem>>, vector<1x16xf32>,
      %swap3A_221 = arith.index_cast %scan3A_181 : i32 to index
      %swap3A_222 = arith.constant 0 : index
      %swap3A_223 = tpu.vector_load %arg10[%swap3A_221, %swap3A_222] {strides = array<i32>} : memref<80x128xf32, #tpu.memory_space<vmem>>, vector<1x16xf32>,
      %swap3A_224 = vector.shape_cast %swap3A_223 : vector<1x16xf32> to vector<16xf32>
      %swap3A_225 = vector.shape_cast %broadcast_in_dim3A_3 : vector<16xf32> to vector<1x16xf32>
      tpu.vector_store %arg10[%swap3A_221, %swap3A_222], %swap3A_225 {strides = array<i32>} : memref<80x128xf32, #tpu.memory_space<vmem>>, vector<1x16xf32>,
      %swap3A_226 = arith.index_cast %scan3A_181 : i32 to index
      %swap3A_227 = arith.constant 16 : index
      %swap3A_228 = tpu.vector_load %arg10[%swap3A_226, %swap3A_227] {strides = array<i32>} : memref<80x128xf32, #tpu.memory_space<vmem>>, vector<1x16xf32>,
      %swap3A_229 = vector.shape_cast %swap3A_228 : vector<1x16xf32> to vector<16xf32>
      %swap3A_230 = vector.shape_cast %broadcast_in_dim3A_3 : vector<16xf32> to vector<1x16xf32>
      tpu.vector_store %arg10[%swap3A_226, %swap3A_227], %swap3A_230 {strides = array<i32>} : memref<80x128xf32, #tpu.memory_space<vmem>>, vector<1x16xf32>,
      %swap3A_231 = arith.index_cast %scan3A_181 : i32 to index
      %swap3A_232 = arith.constant 32 : index
      %swap3A_233 = tpu.vector_load %arg10[%swap3A_231, %swap3A_232] {strides = array<i32>} : memref<80x128xf32, #tpu.memory_space<vmem>>, vector<1x16xf32>,
      %swap3A_234 = vector.shape_cast %swap3A_233 : vector<1x16xf32> to vector<16xf32>
      %swap3A_235 = vector.shape_cast %broadcast_in_dim3A_3 : vector<16xf32> to vector<1x16xf32>
      tpu.vector_store %arg10[%swap3A_231, %swap3A_232], %swap3A_235 {strides = array<i32>} : memref<80x128xf32, #tpu.memory_space<vmem>>, vector<1x16xf32>,
      %swap3A_236 = arith.index_cast %scan3A_181 : i32 to index
      %swap3A_237 = arith.constant 48 : index
      %swap3A_238 = tpu.vector_load %arg10[%swap3A_236, %swap3A_237] {strides = array<i32>} : memref<80x128xf32, #tpu.memory_space<vmem>>, vector<1x16xf32>,
      %swap3A_239 = vector.shape_cast %swap3A_238 : vector<1x16xf32> to vector<16xf32>
      %swap3A_240 = vector.shape_cast %broadcast_in_dim3A_3 : vector<16xf32> to vector<1x16xf32>
      tpu.vector_store %arg10[%swap3A_236, %swap3A_237], %swap3A_240 {strides = array<i32>} : memref<80x128xf32, #tpu.memory_space<vmem>>, vector<1x16xf32>,
      %swap3A_241 = arith.index_cast %scan3A_181 : i32 to index
      %swap3A_242 = arith.constant 64 : index
      %swap3A_243 = tpu.vector_load %arg10[%swap3A_241, %swap3A_242] {strides = array<i32>} : memref<80x128xf32, #tpu.memory_space<vmem>>, vector<1x16xf32>,
      %swap3A_244 = vector.shape_cast %swap3A_243 : vector<1x16xf32> to vector<16xf32>
      %swap3A_245 = vector.shape_cast %broadcast_in_dim3A_3 : vector<16xf32> to vector<1x16xf32>
      tpu.vector_store %arg10[%swap3A_241, %swap3A_242], %swap3A_245 {strides = array<i32>} : memref<80x128xf32, #tpu.memory_space<vmem>>, vector<1x16xf32>,
      %swap3A_246 = arith.index_cast %scan3A_181 : i32 to index
      %swap3A_247 = arith.constant 80 : index
      %swap3A_248 = tpu.vector_load %arg10[%swap3A_246, %swap3A_247] {strides = array<i32>} : memref<80x128xf32, #tpu.memory_space<vmem>>, vector<1x16xf32>,
      %swap3A_249 = vector.shape_cast %swap3A_248 : vector<1x16xf32> to vector<16xf32>
      %swap3A_250 = vector.shape_cast %broadcast_in_dim3A_3 : vector<16xf32> to vector<1x16xf32>
      tpu.vector_store %arg10[%swap3A_246, %swap3A_247], %swap3A_250 {strides = array<i32>} : memref<80x128xf32, #tpu.memory_space<vmem>>, vector<1x16xf32>,
      %swap3A_251 = arith.index_cast %scan3A_181 : i32 to index
      %swap3A_252 = arith.constant 96 : index
      %swap3A_253 = tpu.vector_load %arg10[%swap3A_251, %swap3A_252] {strides = array<i32>} : memref<80x128xf32, #tpu.memory_space<vmem>>, vector<1x16xf32>,
      %swap3A_254 = vector.shape_cast %swap3A_253 : vector<1x16xf32> to vector<16xf32>
      %swap3A_255 = vector.shape_cast %broadcast_in_dim3A_3 : vector<16xf32> to vector<1x16xf32>
      tpu.vector_store %arg10[%swap3A_251, %swap3A_252], %swap3A_255 {strides = array<i32>} : memref<80x128xf32, #tpu.memory_space<vmem>>, vector<1x16xf32>,
      %swap3A_256 = arith.index_cast %scan3A_181 : i32 to index
      %swap3A_257 = arith.constant 112 : index
      %swap3A_258 = tpu.vector_load %arg10[%swap3A_256, %swap3A_257] {strides = array<i32>} : memref<80x128xf32, #tpu.memory_space<vmem>>, vector<1x16xf32>,
      %swap3A_259 = vector.shape_cast %swap3A_258 : vector<1x16xf32> to vector<16xf32>
      %swap3A_260 = vector.shape_cast %broadcast_in_dim3A_3 : vector<16xf32> to vector<1x16xf32>
      tpu.vector_store %arg10[%swap3A_256, %swap3A_257], %swap3A_260 {strides = array<i32>} : memref<80x128xf32, #tpu.memory_space<vmem>>, vector<1x16xf32>,
      %swap3A_261 = arith.index_cast %scan3A_181 : i32 to index
      %swap3A_262 = arith.constant 0 : index
      %swap3A_263 = tpu.vector_load %arg11[%swap3A_261, %swap3A_262] {strides = array<i32>} : memref<80x128xf32, #tpu.memory_space<vmem>>, vector<1x16xf32>,
      %swap3A_264 = vector.shape_cast %swap3A_263 : vector<1x16xf32> to vector<16xf32>
      %swap3A_265 = vector.shape_cast %broadcast_in_dim3A_3 : vector<16xf32> to vector<1x16xf32>
      tpu.vector_store %arg11[%swap3A_261, %swap3A_262], %swap3A_265 {strides = array<i32>} : memref<80x128xf32, #tpu.memory_space<vmem>>, vector<1x16xf32>,
      %swap3A_266 = arith.index_cast %scan3A_181 : i32 to index
      %swap3A_267 = arith.constant 16 : index
      %swap3A_268 = tpu.vector_load %arg11[%swap3A_266, %swap3A_267] {strides = array<i32>} : memref<80x128xf32, #tpu.memory_space<vmem>>, vector<1x16xf32>,
      %swap3A_269 = vector.shape_cast %swap3A_268 : vector<1x16xf32> to vector<16xf32>
      %swap3A_270 = vector.shape_cast %broadcast_in_dim3A_3 : vector<16xf32> to vector<1x16xf32>
      tpu.vector_store %arg11[%swap3A_266, %swap3A_267], %swap3A_270 {strides = array<i32>} : memref<80x128xf32, #tpu.memory_space<vmem>>, vector<1x16xf32>,
      %swap3A_271 = arith.index_cast %scan3A_181 : i32 to index
      %swap3A_272 = arith.constant 32 : index
      %swap3A_273 = tpu.vector_load %arg11[%swap3A_271, %swap3A_272] {strides = array<i32>} : memref<80x128xf32, #tpu.memory_space<vmem>>, vector<1x16xf32>,
      %swap3A_274 = vector.shape_cast %swap3A_273 : vector<1x16xf32> to vector<16xf32>
      %swap3A_275 = vector.shape_cast %broadcast_in_dim3A_3 : vector<16xf32> to vector<1x16xf32>
      tpu.vector_store %arg11[%swap3A_271, %swap3A_272], %swap3A_275 {strides = array<i32>} : memref<80x128xf32, #tpu.memory_space<vmem>>, vector<1x16xf32>,
      %swap3A_276 = arith.index_cast %scan3A_181 : i32 to index
      %swap3A_277 = arith.constant 48 : index
      %swap3A_278 = tpu.vector_load %arg11[%swap3A_276, %swap3A_277] {strides = array<i32>} : memref<80x128xf32, #tpu.memory_space<vmem>>, vector<1x16xf32>,
      %swap3A_279 = vector.shape_cast %swap3A_278 : vector<1x16xf32> to vector<16xf32>
      %swap3A_280 = vector.shape_cast %broadcast_in_dim3A_3 : vector<16xf32> to vector<1x16xf32>
      tpu.vector_store %arg11[%swap3A_276, %swap3A_277], %swap3A_280 {strides = array<i32>} : memref<80x128xf32, #tpu.memory_space<vmem>>, vector<1x16xf32>,
      %swap3A_281 = arith.index_cast %scan3A_181 : i32 to index
      %swap3A_282 = arith.constant 64 : index
      %swap3A_283 = tpu.vector_load %arg11[%swap3A_281, %swap3A_282] {strides = array<i32>} : memref<80x128xf32, #tpu.memory_space<vmem>>, vector<1x16xf32>,
      %swap3A_284 = vector.shape_cast %swap3A_283 : vector<1x16xf32> to vector<16xf32>
      %swap3A_285 = vector.shape_cast %broadcast_in_dim3A_3 : vector<16xf32> to vector<1x16xf32>
      tpu.vector_store %arg11[%swap3A_281, %swap3A_282], %swap3A_285 {strides = array<i32>} : memref<80x128xf32, #tpu.memory_space<vmem>>, vector<1x16xf32>,
      %swap3A_286 = arith.index_cast %scan3A_181 : i32 to index
      %swap3A_287 = arith.constant 80 : index
      %swap3A_288 = tpu.vector_load %arg11[%swap3A_286, %swap3A_287] {strides = array<i32>} : memref<80x128xf32, #tpu.memory_space<vmem>>, vector<1x16xf32>,
      %swap3A_289 = vector.shape_cast %swap3A_288 : vector<1x16xf32> to vector<16xf32>
      %swap3A_290 = vector.shape_cast %broadcast_in_dim3A_3 : vector<16xf32> to vector<1x16xf32>
      tpu.vector_store %arg11[%swap3A_286, %swap3A_287], %swap3A_290 {strides = array<i32>} : memref<80x128xf32, #tpu.memory_space<vmem>>, vector<1x16xf32>,
      %swap3A_291 = arith.index_cast %scan3A_181 : i32 to index
      %swap3A_292 = arith.constant 96 : index
      %swap3A_293 = tpu.vector_load %arg11[%swap3A_291, %swap3A_292] {strides = array<i32>} : memref<80x128xf32, #tpu.memory_space<vmem>>, vector<1x16xf32>,
      %swap3A_294 = vector.shape_cast %swap3A_293 : vector<1x16xf32> to vector<16xf32>
      %swap3A_295 = vector.shape_cast %broadcast_in_dim3A_3 : vector<16xf32> to vector<1x16xf32>
      tpu.vector_store %arg11[%swap3A_291, %swap3A_292], %swap3A_295 {strides = array<i32>} : memref<80x128xf32, #tpu.memory_space<vmem>>, vector<1x16xf32>,
      %swap3A_296 = arith.index_cast %scan3A_181 : i32 to index
      %swap3A_297 = arith.constant 112 : index
      %swap3A_298 = tpu.vector_load %arg11[%swap3A_296, %swap3A_297] {strides = array<i32>} : memref<80x128xf32, #tpu.memory_space<vmem>>, vector<1x16xf32>,
      %swap3A_299 = vector.shape_cast %swap3A_298 : vector<1x16xf32> to vector<16xf32>
      %swap3A_300 = vector.shape_cast %broadcast_in_dim3A_3 : vector<16xf32> to vector<1x16xf32>
      tpu.vector_store %arg11[%swap3A_296, %swap3A_297], %swap3A_300 {strides = array<i32>} : memref<80x128xf32, #tpu.memory_space<vmem>>, vector<1x16xf32>,
    }
    %scan3A_74 = arith.constant 80 : i32
    %mul3A_75 = arith.constant 640 : i32
    %mul3A_76 = arith.muli %arg1, %mul3A_75 : i32
    %add3A_77 = arith.constant 0 : i32
    %add3A_78 = arith.addi %mul3A_76, %add3A_77 : i32
    "tpu.region"() ({
      %run_scoped3A = tpu.sem_alloc : memref<!tpu.dma_semaphore, #tpu.memory_space<semaphore_mem>>
      %dma_start3A_181 = arith.constant 0 : i32
      %dma_start3A_182 = arith.constant 0 : i32
      %dma_start3A_183 = tpu.memref_slice %arg9[%dma_start3A_181, %dma_start3A_182] : memref<80x128xf32, #tpu.memory_space<vmem>> -> memref<80x128xf32, #tpu.memory_space<vmem>>
      %dma_start3A_184 = arith.constant 0 : i32
      %dma_start3A_185 = tpu.memref_slice %arg6[%add3A_78, %dma_start3A_184] : memref<10008x128xf32, #tpu.memory_space<vmem_shared>> -> memref<80x128xf32, #tpu.memory_space<vmem_shared>>
      %dma_start3A_186 = arith.constant 0 : i32
      %dma_start3A_187 = tpu.memref_slice %arg6[%add3A_78, %dma_start3A_186] : memref<10008x128xf32, #tpu.memory_space<vmem_shared>> -> memref<80x128xf32, #tpu.memory_space<vmem_shared>>
      %dma_start3A_188 = arith.constant 0 : i32
      %dma_start3A_189 = arith.constant 0 : i32
      %dma_start3A_190 = tpu.memref_slice %arg9[%dma_start3A_188, %dma_start3A_189] : memref<80x128xf32, #tpu.memory_space<vmem>> -> memref<80x128xf32, #tpu.memory_space<vmem>>
      tpu.enqueue_dma source(%dma_start3A_190 : memref<80x128xf32, #tpu.memory_space<vmem>>) target(%dma_start3A_187 : memref<80x128xf32, #tpu.memory_space<vmem_shared>>) target_semaphore(%run_scoped3A : memref<!tpu.dma_semaphore, #tpu.memory_space<semaphore_mem>>)
      %dma_wait3A_191 = arith.constant 0 : i32
      %dma_wait3A_192 = arith.constant 0 : i32
      %dma_wait3A_193 = tpu.memref_slice %arg9[%dma_wait3A_191, %dma_wait3A_192] : memref<80x128xf32, #tpu.memory_space<vmem>> -> memref<80x128xf32, #tpu.memory_space<vmem>>
      %dma_wait3A_194 = arith.constant 0 : i32
      %dma_wait3A_195 = tpu.memref_slice %arg6[%add3A_78, %dma_wait3A_194] : memref<10008x128xf32, #tpu.memory_space<vmem_shared>> -> memref<80x128xf32, #tpu.memory_space<vmem_shared>>
      %dma_wait3A_196 = arith.constant 0 : i32
      %dma_wait3A_197 = tpu.memref_slice %arg6[%add3A_78, %dma_wait3A_196] : memref<10008x128xf32, #tpu.memory_space<vmem_shared>> -> memref<80x128xf32, #tpu.memory_space<vmem_shared>>
      %dma_wait3A_198 = arith.constant 0 : i32
      %dma_wait3A_199 = arith.constant 0 : i32
      %dma_wait3A_200 = tpu.memref_slice %arg9[%dma_wait3A_198, %dma_wait3A_199] : memref<80x128xf32, #tpu.memory_space<vmem>> -> memref<80x128xf32, #tpu.memory_space<vmem>>
      tpu.wait_dma2 semaphore(%run_scoped3A : memref<!tpu.dma_semaphore, #tpu.memory_space<semaphore_mem>>) src(%dma_wait3A_200 : memref<80x128xf32, #tpu.memory_space<vmem>>) dst(%dma_wait3A_197 : memref<80x128xf32, #tpu.memory_space<vmem_shared>>)
      tpu.yield
    }) : () -> ()
    %mul3A_79 = arith.constant 640 : i32
    %mul3A_80 = arith.muli %arg1, %mul3A_79 : i32
    %add3A_81 = arith.constant 80 : i32
    %add3A_82 = arith.addi %mul3A_80, %add3A_81 : i32
    "tpu.region"() ({
      %run_scoped3A = tpu.sem_alloc : memref<!tpu.dma_semaphore, #tpu.memory_space<semaphore_mem>>
      %dma_start3A_181 = arith.constant 0 : i32
      %dma_start3A_182 = arith.constant 0 : i32
      %dma_start3A_183 = tpu.memref_slice %arg10[%dma_start3A_181, %dma_start3A_182] : memref<80x128xf32, #tpu.memory_space<vmem>> -> memref<80x128xf32, #tpu.memory_space<vmem>>
      %dma_start3A_184 = arith.constant 0 : i32
      %dma_start3A_185 = tpu.memref_slice %arg6[%add3A_82, %dma_start3A_184] : memref<10008x128xf32, #tpu.memory_space<vmem_shared>> -> memref<80x128xf32, #tpu.memory_space<vmem_shared>>
      %dma_start3A_186 = arith.constant 0 : i32
      %dma_start3A_187 = tpu.memref_slice %arg6[%add3A_82, %dma_start3A_186] : memref<10008x128xf32, #tpu.memory_space<vmem_shared>> -> memref<80x128xf32, #tpu.memory_space<vmem_shared>>
      %dma_start3A_188 = arith.constant 0 : i32
      %dma_start3A_189 = arith.constant 0 : i32
      %dma_start3A_190 = tpu.memref_slice %arg10[%dma_start3A_188, %dma_start3A_189] : memref<80x128xf32, #tpu.memory_space<vmem>> -> memref<80x128xf32, #tpu.memory_space<vmem>>
      tpu.enqueue_dma source(%dma_start3A_190 : memref<80x128xf32, #tpu.memory_space<vmem>>) target(%dma_start3A_187 : memref<80x128xf32, #tpu.memory_space<vmem_shared>>) target_semaphore(%run_scoped3A : memref<!tpu.dma_semaphore, #tpu.memory_space<semaphore_mem>>)
      %dma_wait3A_191 = arith.constant 0 : i32
      %dma_wait3A_192 = arith.constant 0 : i32
      %dma_wait3A_193 = tpu.memref_slice %arg10[%dma_wait3A_191, %dma_wait3A_192] : memref<80x128xf32, #tpu.memory_space<vmem>> -> memref<80x128xf32, #tpu.memory_space<vmem>>
      %dma_wait3A_194 = arith.constant 0 : i32
      %dma_wait3A_195 = tpu.memref_slice %arg6[%add3A_82, %dma_wait3A_194] : memref<10008x128xf32, #tpu.memory_space<vmem_shared>> -> memref<80x128xf32, #tpu.memory_space<vmem_shared>>
      %dma_wait3A_196 = arith.constant 0 : i32
      %dma_wait3A_197 = tpu.memref_slice %arg6[%add3A_82, %dma_wait3A_196] : memref<10008x128xf32, #tpu.memory_space<vmem_shared>> -> memref<80x128xf32, #tpu.memory_space<vmem_shared>>
      %dma_wait3A_198 = arith.constant 0 : i32
      %dma_wait3A_199 = arith.constant 0 : i32
      %dma_wait3A_200 = tpu.memref_slice %arg10[%dma_wait3A_198, %dma_wait3A_199] : memref<80x128xf32, #tpu.memory_space<vmem>> -> memref<80x128xf32, #tpu.memory_space<vmem>>
      tpu.wait_dma2 semaphore(%run_scoped3A : memref<!tpu.dma_semaphore, #tpu.memory_space<semaphore_mem>>) src(%dma_wait3A_200 : memref<80x128xf32, #tpu.memory_space<vmem>>) dst(%dma_wait3A_197 : memref<80x128xf32, #tpu.memory_space<vmem_shared>>)
      tpu.yield
    }) : () -> ()
    %mul3A_83 = arith.constant 640 : i32
    %mul3A_84 = arith.muli %arg1, %mul3A_83 : i32
    %add3A_85 = arith.constant 160 : i32
    %add3A_86 = arith.addi %mul3A_84, %add3A_85 : i32
    "tpu.region"() ({
      %run_scoped3A = tpu.sem_alloc : memref<!tpu.dma_semaphore, #tpu.memory_space<semaphore_mem>>
      %dma_start3A_181 = arith.constant 0 : i32
      %dma_start3A_182 = arith.constant 0 : i32
      %dma_start3A_183 = tpu.memref_slice %arg11[%dma_start3A_181, %dma_start3A_182] : memref<80x128xf32, #tpu.memory_space<vmem>> -> memref<80x128xf32, #tpu.memory_space<vmem>>
      %dma_start3A_184 = arith.constant 0 : i32
      %dma_start3A_185 = tpu.memref_slice %arg6[%add3A_86, %dma_start3A_184] : memref<10008x128xf32, #tpu.memory_space<vmem_shared>> -> memref<80x128xf32, #tpu.memory_space<vmem_shared>>
      %dma_start3A_186 = arith.constant 0 : i32
      %dma_start3A_187 = tpu.memref_slice %arg6[%add3A_86, %dma_start3A_186] : memref<10008x128xf32, #tpu.memory_space<vmem_shared>> -> memref<80x128xf32, #tpu.memory_space<vmem_shared>>
      %dma_start3A_188 = arith.constant 0 : i32
      %dma_start3A_189 = arith.constant 0 : i32
      %dma_start3A_190 = tpu.memref_slice %arg11[%dma_start3A_188, %dma_start3A_189] : memref<80x128xf32, #tpu.memory_space<vmem>> -> memref<80x128xf32, #tpu.memory_space<vmem>>
      tpu.enqueue_dma source(%dma_start3A_190 : memref<80x128xf32, #tpu.memory_space<vmem>>) target(%dma_start3A_187 : memref<80x128xf32, #tpu.memory_space<vmem_shared>>) target_semaphore(%run_scoped3A : memref<!tpu.dma_semaphore, #tpu.memory_space<semaphore_mem>>)
      %dma_wait3A_191 = arith.constant 0 : i32
      %dma_wait3A_192 = arith.constant 0 : i32
      %dma_wait3A_193 = tpu.memref_slice %arg11[%dma_wait3A_191, %dma_wait3A_192] : memref<80x128xf32, #tpu.memory_space<vmem>> -> memref<80x128xf32, #tpu.memory_space<vmem>>
      %dma_wait3A_194 = arith.constant 0 : i32
      %dma_wait3A_195 = tpu.memref_slice %arg6[%add3A_86, %dma_wait3A_194] : memref<10008x128xf32, #tpu.memory_space<vmem_shared>> -> memref<80x128xf32, #tpu.memory_space<vmem_shared>>
      %dma_wait3A_196 = arith.constant 0 : i32
      %dma_wait3A_197 = tpu.memref_slice %arg6[%add3A_86, %dma_wait3A_196] : memref<10008x128xf32, #tpu.memory_space<vmem_shared>> -> memref<80x128xf32, #tpu.memory_space<vmem_shared>>
      %dma_wait3A_198 = arith.constant 0 : i32
      %dma_wait3A_199 = arith.constant 0 : i32
      %dma_wait3A_200 = tpu.memref_slice %arg11[%dma_wait3A_198, %dma_wait3A_199] : memref<80x128xf32, #tpu.memory_space<vmem>> -> memref<80x128xf32, #tpu.memory_space<vmem>>
      tpu.wait_dma2 semaphore(%run_scoped3A : memref<!tpu.dma_semaphore, #tpu.memory_space<semaphore_mem>>) src(%dma_wait3A_200 : memref<80x128xf32, #tpu.memory_space<vmem>>) dst(%dma_wait3A_197 : memref<80x128xf32, #tpu.memory_space<vmem_shared>>)
      tpu.yield
    }) : () -> ()
    %mul3A_87 = arith.constant 640 : i32
    %mul3A_88 = arith.muli %arg1, %mul3A_87 : i32
    %add3A_89 = arith.constant 240 : i32
    %add3A_90 = arith.addi %mul3A_88, %add3A_89 : i32
    "tpu.region"() ({
      %run_scoped3A = tpu.sem_alloc : memref<!tpu.dma_semaphore, #tpu.memory_space<semaphore_mem>>
      %dma_start3A_181 = arith.constant 0 : i32
      %dma_start3A_182 = arith.constant 0 : i32
      %dma_start3A_183 = tpu.memref_slice %arg9[%dma_start3A_181, %dma_start3A_182] : memref<80x128xf32, #tpu.memory_space<vmem>> -> memref<80x128xf32, #tpu.memory_space<vmem>>
      %dma_start3A_184 = arith.constant 0 : i32
      %dma_start3A_185 = tpu.memref_slice %arg6[%add3A_90, %dma_start3A_184] : memref<10008x128xf32, #tpu.memory_space<vmem_shared>> -> memref<80x128xf32, #tpu.memory_space<vmem_shared>>
      %dma_start3A_186 = arith.constant 0 : i32
      %dma_start3A_187 = tpu.memref_slice %arg6[%add3A_90, %dma_start3A_186] : memref<10008x128xf32, #tpu.memory_space<vmem_shared>> -> memref<80x128xf32, #tpu.memory_space<vmem_shared>>
      %dma_start3A_188 = arith.constant 0 : i32
      %dma_start3A_189 = arith.constant 0 : i32
      %dma_start3A_190 = tpu.memref_slice %arg9[%dma_start3A_188, %dma_start3A_189] : memref<80x128xf32, #tpu.memory_space<vmem>> -> memref<80x128xf32, #tpu.memory_space<vmem>>
      tpu.enqueue_dma source(%dma_start3A_190 : memref<80x128xf32, #tpu.memory_space<vmem>>) target(%dma_start3A_187 : memref<80x128xf32, #tpu.memory_space<vmem_shared>>) target_semaphore(%run_scoped3A : memref<!tpu.dma_semaphore, #tpu.memory_space<semaphore_mem>>)
      %dma_wait3A_191 = arith.constant 0 : i32
      %dma_wait3A_192 = arith.constant 0 : i32
      %dma_wait3A_193 = tpu.memref_slice %arg9[%dma_wait3A_191, %dma_wait3A_192] : memref<80x128xf32, #tpu.memory_space<vmem>> -> memref<80x128xf32, #tpu.memory_space<vmem>>
      %dma_wait3A_194 = arith.constant 0 : i32
      %dma_wait3A_195 = tpu.memref_slice %arg6[%add3A_90, %dma_wait3A_194] : memref<10008x128xf32, #tpu.memory_space<vmem_shared>> -> memref<80x128xf32, #tpu.memory_space<vmem_shared>>
      %dma_wait3A_196 = arith.constant 0 : i32
      %dma_wait3A_197 = tpu.memref_slice %arg6[%add3A_90, %dma_wait3A_196] : memref<10008x128xf32, #tpu.memory_space<vmem_shared>> -> memref<80x128xf32, #tpu.memory_space<vmem_shared>>
      %dma_wait3A_198 = arith.constant 0 : i32
      %dma_wait3A_199 = arith.constant 0 : i32
      %dma_wait3A_200 = tpu.memref_slice %arg9[%dma_wait3A_198, %dma_wait3A_199] : memref<80x128xf32, #tpu.memory_space<vmem>> -> memref<80x128xf32, #tpu.memory_space<vmem>>
      tpu.wait_dma2 semaphore(%run_scoped3A : memref<!tpu.dma_semaphore, #tpu.memory_space<semaphore_mem>>) src(%dma_wait3A_200 : memref<80x128xf32, #tpu.memory_space<vmem>>) dst(%dma_wait3A_197 : memref<80x128xf32, #tpu.memory_space<vmem_shared>>)
      tpu.yield
    }) : () -> ()
    %mul3A_91 = arith.constant 640 : i32
    %mul3A_92 = arith.muli %arg1, %mul3A_91 : i32
    %add3A_93 = arith.constant 320 : i32
    %add3A_94 = arith.addi %mul3A_92, %add3A_93 : i32
    "tpu.region"() ({
      %run_scoped3A = tpu.sem_alloc : memref<!tpu.dma_semaphore, #tpu.memory_space<semaphore_mem>>
      %dma_start3A_181 = arith.constant 0 : i32
      %dma_start3A_182 = arith.constant 0 : i32
      %dma_start3A_183 = tpu.memref_slice %arg10[%dma_start3A_181, %dma_start3A_182] : memref<80x128xf32, #tpu.memory_space<vmem>> -> memref<80x128xf32, #tpu.memory_space<vmem>>
      %dma_start3A_184 = arith.constant 0 : i32
      %dma_start3A_185 = tpu.memref_slice %arg6[%add3A_94, %dma_start3A_184] : memref<10008x128xf32, #tpu.memory_space<vmem_shared>> -> memref<80x128xf32, #tpu.memory_space<vmem_shared>>
      %dma_start3A_186 = arith.constant 0 : i32
      %dma_start3A_187 = tpu.memref_slice %arg6[%add3A_94, %dma_start3A_186] : memref<10008x128xf32, #tpu.memory_space<vmem_shared>> -> memref<80x128xf32, #tpu.memory_space<vmem_shared>>
      %dma_start3A_188 = arith.constant 0 : i32
      %dma_start3A_189 = arith.constant 0 : i32
      %dma_start3A_190 = tpu.memref_slice %arg10[%dma_start3A_188, %dma_start3A_189] : memref<80x128xf32, #tpu.memory_space<vmem>> -> memref<80x128xf32, #tpu.memory_space<vmem>>
      tpu.enqueue_dma source(%dma_start3A_190 : memref<80x128xf32, #tpu.memory_space<vmem>>) target(%dma_start3A_187 : memref<80x128xf32, #tpu.memory_space<vmem_shared>>) target_semaphore(%run_scoped3A : memref<!tpu.dma_semaphore, #tpu.memory_space<semaphore_mem>>)
      %dma_wait3A_191 = arith.constant 0 : i32
      %dma_wait3A_192 = arith.constant 0 : i32
      %dma_wait3A_193 = tpu.memref_slice %arg10[%dma_wait3A_191, %dma_wait3A_192] : memref<80x128xf32, #tpu.memory_space<vmem>> -> memref<80x128xf32, #tpu.memory_space<vmem>>
      %dma_wait3A_194 = arith.constant 0 : i32
      %dma_wait3A_195 = tpu.memref_slice %arg6[%add3A_94, %dma_wait3A_194] : memref<10008x128xf32, #tpu.memory_space<vmem_shared>> -> memref<80x128xf32, #tpu.memory_space<vmem_shared>>
      %dma_wait3A_196 = arith.constant 0 : i32
      %dma_wait3A_197 = tpu.memref_slice %arg6[%add3A_94, %dma_wait3A_196] : memref<10008x128xf32, #tpu.memory_space<vmem_shared>> -> memref<80x128xf32, #tpu.memory_space<vmem_shared>>
      %dma_wait3A_198 = arith.constant 0 : i32
      %dma_wait3A_199 = arith.constant 0 : i32
      %dma_wait3A_200 = tpu.memref_slice %arg10[%dma_wait3A_198, %dma_wait3A_199] : memref<80x128xf32, #tpu.memory_space<vmem>> -> memref<80x128xf32, #tpu.memory_space<vmem>>
      tpu.wait_dma2 semaphore(%run_scoped3A : memref<!tpu.dma_semaphore, #tpu.memory_space<semaphore_mem>>) src(%dma_wait3A_200 : memref<80x128xf32, #tpu.memory_space<vmem>>) dst(%dma_wait3A_197 : memref<80x128xf32, #tpu.memory_space<vmem_shared>>)
      tpu.yield
    }) : () -> ()
    %lt3A = arith.constant 15 : i32
    %lt3A_95 = arith.cmpi slt, %arg1, %lt3A : i32
    %convert_element_type3A = arith.extui %lt3A_95 : i1 to i32
    %cond3A = arith.constant 0 : i32
    %cond3A_96 = arith.cmpi ne, %convert_element_type3A, %cond3A : i32
    scf.if %cond3A_96 {
      %mul3A_181 = arith.constant 640 : i32
      %mul3A_182 = arith.muli %arg1, %mul3A_181 : i32
      %add3A_183 = arith.constant 400 : i32
      %add3A_184 = arith.addi %mul3A_182, %add3A_183 : i32
      "tpu.region"() ({
        %run_scoped3A = tpu.sem_alloc : memref<!tpu.dma_semaphore, #tpu.memory_space<semaphore_mem>>
        %dma_start3A_185 = arith.constant 0 : i32
        %dma_start3A_186 = arith.constant 0 : i32
        %dma_start3A_187 = tpu.memref_slice %arg11[%dma_start3A_185, %dma_start3A_186] : memref<80x128xf32, #tpu.memory_space<vmem>> -> memref<80x128xf32, #tpu.memory_space<vmem>>
        %dma_start3A_188 = arith.constant 0 : i32
        %dma_start3A_189 = tpu.memref_slice %arg6[%add3A_184, %dma_start3A_188] : memref<10008x128xf32, #tpu.memory_space<vmem_shared>> -> memref<80x128xf32, #tpu.memory_space<vmem_shared>>
        %dma_start3A_190 = arith.constant 0 : i32
        %dma_start3A_191 = tpu.memref_slice %arg6[%add3A_184, %dma_start3A_190] : memref<10008x128xf32, #tpu.memory_space<vmem_shared>> -> memref<80x128xf32, #tpu.memory_space<vmem_shared>>
        %dma_start3A_192 = arith.constant 0 : i32
        %dma_start3A_193 = arith.constant 0 : i32
        %dma_start3A_194 = tpu.memref_slice %arg11[%dma_start3A_192, %dma_start3A_193] : memref<80x128xf32, #tpu.memory_space<vmem>> -> memref<80x128xf32, #tpu.memory_space<vmem>>
        tpu.enqueue_dma source(%dma_start3A_194 : memref<80x128xf32, #tpu.memory_space<vmem>>) target(%dma_start3A_191 : memref<80x128xf32, #tpu.memory_space<vmem_shared>>) target_semaphore(%run_scoped3A : memref<!tpu.dma_semaphore, #tpu.memory_space<semaphore_mem>>)
        %dma_wait3A_195 = arith.constant 0 : i32
        %dma_wait3A_196 = arith.constant 0 : i32
        %dma_wait3A_197 = tpu.memref_slice %arg11[%dma_wait3A_195, %dma_wait3A_196] : memref<80x128xf32, #tpu.memory_space<vmem>> -> memref<80x128xf32, #tpu.memory_space<vmem>>
        %dma_wait3A_198 = arith.constant 0 : i32
        %dma_wait3A_199 = tpu.memref_slice %arg6[%add3A_184, %dma_wait3A_198] : memref<10008x128xf32, #tpu.memory_space<vmem_shared>> -> memref<80x128xf32, #tpu.memory_space<vmem_shared>>
        %dma_wait3A_200 = arith.constant 0 : i32
        %dma_wait3A_201 = tpu.memref_slice %arg6[%add3A_184, %dma_wait3A_200] : memref<10008x128xf32, #tpu.memory_space<vmem_shared>> -> memref<80x128xf32, #tpu.memory_space<vmem_shared>>
        %dma_wait3A_202 = arith.constant 0 : i32
        %dma_wait3A_203 = arith.constant 0 : i32
        %dma_wait3A_204 = tpu.memref_slice %arg11[%dma_wait3A_202, %dma_wait3A_203] : memref<80x128xf32, #tpu.memory_space<vmem>> -> memref<80x128xf32, #tpu.memory_space<vmem>>
        tpu.wait_dma2 semaphore(%run_scoped3A : memref<!tpu.dma_semaphore, #tpu.memory_space<semaphore_mem>>) src(%dma_wait3A_204 : memref<80x128xf32, #tpu.memory_space<vmem>>) dst(%dma_wait3A_201 : memref<80x128xf32, #tpu.memory_space<vmem_shared>>)
        tpu.yield
      }) : () -> ()
    } else {
    }
    %lt3A_97 = arith.constant 15 : i32
    %lt3A_98 = arith.cmpi slt, %arg1, %lt3A_97 : i32
    %convert_element_type3A_99 = arith.extui %lt3A_98 : i1 to i32
    %cond3A_100 = arith.constant 0 : i32
    %cond3A_101 = arith.cmpi ne, %convert_element_type3A_99, %cond3A_100 : i32
    scf.if %cond3A_101 {
      %mul3A_181 = arith.constant 640 : i32
      %mul3A_182 = arith.muli %arg1, %mul3A_181 : i32
      %add3A_183 = arith.constant 480 : i32
      %add3A_184 = arith.addi %mul3A_182, %add3A_183 : i32
      "tpu.region"() ({
        %run_scoped3A = tpu.sem_alloc : memref<!tpu.dma_semaphore, #tpu.memory_space<semaphore_mem>>
        %dma_start3A_185 = arith.constant 0 : i32
        %dma_start3A_186 = arith.constant 0 : i32
        %dma_start3A_187 = tpu.memref_slice %arg9[%dma_start3A_185, %dma_start3A_186] : memref<80x128xf32, #tpu.memory_space<vmem>> -> memref<80x128xf32, #tpu.memory_space<vmem>>
        %dma_start3A_188 = arith.constant 0 : i32
        %dma_start3A_189 = tpu.memref_slice %arg6[%add3A_184, %dma_start3A_188] : memref<10008x128xf32, #tpu.memory_space<vmem_shared>> -> memref<80x128xf32, #tpu.memory_space<vmem_shared>>
        %dma_start3A_190 = arith.constant 0 : i32
        %dma_start3A_191 = tpu.memref_slice %arg6[%add3A_184, %dma_start3A_190] : memref<10008x128xf32, #tpu.memory_space<vmem_shared>> -> memref<80x128xf32, #tpu.memory_space<vmem_shared>>
        %dma_start3A_192 = arith.constant 0 : i32
        %dma_start3A_193 = arith.constant 0 : i32
        %dma_start3A_194 = tpu.memref_slice %arg9[%dma_start3A_192, %dma_start3A_193] : memref<80x128xf32, #tpu.memory_space<vmem>> -> memref<80x128xf32, #tpu.memory_space<vmem>>
        tpu.enqueue_dma source(%dma_start3A_194 : memref<80x128xf32, #tpu.memory_space<vmem>>) target(%dma_start3A_191 : memref<80x128xf32, #tpu.memory_space<vmem_shared>>) target_semaphore(%run_scoped3A : memref<!tpu.dma_semaphore, #tpu.memory_space<semaphore_mem>>)
        %dma_wait3A_195 = arith.constant 0 : i32
        %dma_wait3A_196 = arith.constant 0 : i32
        %dma_wait3A_197 = tpu.memref_slice %arg9[%dma_wait3A_195, %dma_wait3A_196] : memref<80x128xf32, #tpu.memory_space<vmem>> -> memref<80x128xf32, #tpu.memory_space<vmem>>
        %dma_wait3A_198 = arith.constant 0 : i32
        %dma_wait3A_199 = tpu.memref_slice %arg6[%add3A_184, %dma_wait3A_198] : memref<10008x128xf32, #tpu.memory_space<vmem_shared>> -> memref<80x128xf32, #tpu.memory_space<vmem_shared>>
        %dma_wait3A_200 = arith.constant 0 : i32
        %dma_wait3A_201 = tpu.memref_slice %arg6[%add3A_184, %dma_wait3A_200] : memref<10008x128xf32, #tpu.memory_space<vmem_shared>> -> memref<80x128xf32, #tpu.memory_space<vmem_shared>>
        %dma_wait3A_202 = arith.constant 0 : i32
        %dma_wait3A_203 = arith.constant 0 : i32
        %dma_wait3A_204 = tpu.memref_slice %arg9[%dma_wait3A_202, %dma_wait3A_203] : memref<80x128xf32, #tpu.memory_space<vmem>> -> memref<80x128xf32, #tpu.memory_space<vmem>>
        tpu.wait_dma2 semaphore(%run_scoped3A : memref<!tpu.dma_semaphore, #tpu.memory_space<semaphore_mem>>) src(%dma_wait3A_204 : memref<80x128xf32, #tpu.memory_space<vmem>>) dst(%dma_wait3A_201 : memref<80x128xf32, #tpu.memory_space<vmem_shared>>)
        tpu.yield
      }) : () -> ()
    } else {
    }
    %lt3A_102 = arith.constant 15 : i32
    %lt3A_103 = arith.cmpi slt, %arg1, %lt3A_102 : i32
    %convert_element_type3A_104 = arith.extui %lt3A_103 : i1 to i32
    %cond3A_105 = arith.constant 0 : i32
    %cond3A_106 = arith.cmpi ne, %convert_element_type3A_104, %cond3A_105 : i32
    scf.if %cond3A_106 {
      %mul3A_181 = arith.constant 640 : i32
      %mul3A_182 = arith.muli %arg1, %mul3A_181 : i32
      %add3A_183 = arith.constant 560 : i32
      %add3A_184 = arith.addi %mul3A_182, %add3A_183 : i32
      "tpu.region"() ({
        %run_scoped3A = tpu.sem_alloc : memref<!tpu.dma_semaphore, #tpu.memory_space<semaphore_mem>>
        %dma_start3A_185 = arith.constant 0 : i32
        %dma_start3A_186 = arith.constant 0 : i32
        %dma_start3A_187 = tpu.memref_slice %arg10[%dma_start3A_185, %dma_start3A_186] : memref<80x128xf32, #tpu.memory_space<vmem>> -> memref<80x128xf32, #tpu.memory_space<vmem>>
        %dma_start3A_188 = arith.constant 0 : i32
        %dma_start3A_189 = tpu.memref_slice %arg6[%add3A_184, %dma_start3A_188] : memref<10008x128xf32, #tpu.memory_space<vmem_shared>> -> memref<80x128xf32, #tpu.memory_space<vmem_shared>>
        %dma_start3A_190 = arith.constant 0 : i32
        %dma_start3A_191 = tpu.memref_slice %arg6[%add3A_184, %dma_start3A_190] : memref<10008x128xf32, #tpu.memory_space<vmem_shared>> -> memref<80x128xf32, #tpu.memory_space<vmem_shared>>
        %dma_start3A_192 = arith.constant 0 : i32
        %dma_start3A_193 = arith.constant 0 : i32
        %dma_start3A_194 = tpu.memref_slice %arg10[%dma_start3A_192, %dma_start3A_193] : memref<80x128xf32, #tpu.memory_space<vmem>> -> memref<80x128xf32, #tpu.memory_space<vmem>>
        tpu.enqueue_dma source(%dma_start3A_194 : memref<80x128xf32, #tpu.memory_space<vmem>>) target(%dma_start3A_191 : memref<80x128xf32, #tpu.memory_space<vmem_shared>>) target_semaphore(%run_scoped3A : memref<!tpu.dma_semaphore, #tpu.memory_space<semaphore_mem>>)
        %dma_wait3A_195 = arith.constant 0 : i32
        %dma_wait3A_196 = arith.constant 0 : i32
        %dma_wait3A_197 = tpu.memref_slice %arg10[%dma_wait3A_195, %dma_wait3A_196] : memref<80x128xf32, #tpu.memory_space<vmem>> -> memref<80x128xf32, #tpu.memory_space<vmem>>
        %dma_wait3A_198 = arith.constant 0 : i32
        %dma_wait3A_199 = tpu.memref_slice %arg6[%add3A_184, %dma_wait3A_198] : memref<10008x128xf32, #tpu.memory_space<vmem_shared>> -> memref<80x128xf32, #tpu.memory_space<vmem_shared>>
        %dma_wait3A_200 = arith.constant 0 : i32
        %dma_wait3A_201 = tpu.memref_slice %arg6[%add3A_184, %dma_wait3A_200] : memref<10008x128xf32, #tpu.memory_space<vmem_shared>> -> memref<80x128xf32, #tpu.memory_space<vmem_shared>>
        %dma_wait3A_202 = arith.constant 0 : i32
        %dma_wait3A_203 = arith.constant 0 : i32
        %dma_wait3A_204 = tpu.memref_slice %arg10[%dma_wait3A_202, %dma_wait3A_203] : memref<80x128xf32, #tpu.memory_space<vmem>> -> memref<80x128xf32, #tpu.memory_space<vmem>>
        tpu.wait_dma2 semaphore(%run_scoped3A : memref<!tpu.dma_semaphore, #tpu.memory_space<semaphore_mem>>) src(%dma_wait3A_204 : memref<80x128xf32, #tpu.memory_space<vmem>>) dst(%dma_wait3A_201 : memref<80x128xf32, #tpu.memory_space<vmem_shared>>)
        tpu.yield
      }) : () -> ()
    } else {
    }
    %barrier3A = arith.constant 0 : index
    tpu.barrier barrier_id(%barrier3A)
    %add3A_107 = arith.constant 0 : i32
    %add3A_108 = arith.addi %mul3A_2, %add3A_107 : i32
    %multiple_of3A_109 = tpu.assume_multiple %add3A_108, 8 : i32
    %dma_wait3A = arith.constant 0 : i32
    %dma_wait3A_110 = arith.constant 0 : i32
    %dma_wait3A_111 = arith.constant 0 : i32
    %dma_wait3A_112 = tpu.memref_slice %arg7[%dma_wait3A, %dma_wait3A_111] : memref<4x80xi32, #tpu.memory_space<vmem>> -> memref<1x80xi32, #tpu.memory_space<vmem>>
    %dma_wait3A_113 = tpu.memref_squeeze %dma_wait3A_112 : memref<1x80xi32, #tpu.memory_space<vmem>> -> memref<80xi32, #tpu.memory_space<vmem>>
    %dma_wait3A_114 = tpu.memref_slice %arg3[%multiple_of3A_109] : memref<320000xi32, #tpu.memory_space<hbm>> -> memref<80xi32, #tpu.memory_space<hbm>>
    %dma_wait3A_115 = tpu.memref_slice %arg18[%dma_wait3A_110] : memref<4x!tpu.dma_semaphore, #tpu.memory_space<semaphore_mem>> -> memref<1x!tpu.dma_semaphore, #tpu.memory_space<semaphore_mem>>
    %dma_wait3A_116 = tpu.memref_squeeze %dma_wait3A_115 : memref<1x!tpu.dma_semaphore, #tpu.memory_space<semaphore_mem>> -> memref<!tpu.dma_semaphore, #tpu.memory_space<semaphore_mem>>
    %dma_wait3A_117 = arith.constant 0 : i32
    %dma_wait3A_118 = tpu.memref_slice %arg7[%dma_wait3A, %dma_wait3A_117] : memref<4x80xi32, #tpu.memory_space<vmem>> -> memref<1x80xi32, #tpu.memory_space<vmem>>
    %dma_wait3A_119 = tpu.memref_squeeze %dma_wait3A_118 : memref<1x80xi32, #tpu.memory_space<vmem>> -> memref<80xi32, #tpu.memory_space<vmem>>
    %dma_wait3A_120 = tpu.memref_slice %arg3[%multiple_of3A_109] : memref<320000xi32, #tpu.memory_space<hbm>> -> memref<80xi32, #tpu.memory_space<hbm>>
    tpu.wait_dma2 semaphore(%dma_wait3A_116 : memref<!tpu.dma_semaphore, #tpu.memory_space<semaphore_mem>>) src(%dma_wait3A_120 : memref<80xi32, #tpu.memory_space<hbm>>) dst(%dma_wait3A_119 : memref<80xi32, #tpu.memory_space<vmem>>)
    %dma_start3A_121 = arith.constant 0 : i32
    %dma_start3A_122 = arith.constant 0 : i32
    %dma_start3A_123 = tpu.memref_slice %arg7[%dma_start3A_121, %dma_start3A_122] : memref<4x80xi32, #tpu.memory_space<vmem>> -> memref<1x80xi32, #tpu.memory_space<vmem>>
    %dma_start3A_124 = tpu.memref_squeeze %dma_start3A_123 : memref<1x80xi32, #tpu.memory_space<vmem>> -> memref<80xi32, #tpu.memory_space<vmem>>
    %dma_start3A_125 = arith.constant 0 : i32
    %dma_start3A_126 = arith.constant 0 : i32
    %dma_start3A_127 = tpu.memref_slice %arg2[%dma_start3A_125, %dma_start3A_126] : memref<10000x128xf32, #tpu.memory_space<hbm>> -> memref<10000x128xf32, #tpu.memory_space<hbm>>
    tpu.enqueue_indirect_dma source(%dma_start3A_127 : memref<10000x128xf32, #tpu.memory_space<hbm>>) target(%arg9 : memref<80x128xf32, #tpu.memory_space<vmem>>) offsets(%dma_start3A_124 : memref<80xi32, #tpu.memory_space<vmem>>) semaphore(%arg12 : memref<!tpu.dma_semaphore, #tpu.memory_space<semaphore_mem>>)
    %add3A_128 = arith.constant 80 : i32
    %add3A_129 = arith.addi %mul3A_2, %add3A_128 : i32
    %multiple_of3A_130 = tpu.assume_multiple %add3A_129, 8 : i32
    %dma_wait3A_131 = arith.constant 1 : i32
    %dma_wait3A_132 = arith.constant 1 : i32
    %dma_wait3A_133 = arith.constant 0 : i32
    %dma_wait3A_134 = tpu.memref_slice %arg7[%dma_wait3A_131, %dma_wait3A_133] : memref<4x80xi32, #tpu.memory_space<vmem>> -> memref<1x80xi32, #tpu.memory_space<vmem>>
    %dma_wait3A_135 = tpu.memref_squeeze %dma_wait3A_134 : memref<1x80xi32, #tpu.memory_space<vmem>> -> memref<80xi32, #tpu.memory_space<vmem>>
    %dma_wait3A_136 = tpu.memref_slice %arg3[%multiple_of3A_130] : memref<320000xi32, #tpu.memory_space<hbm>> -> memref<80xi32, #tpu.memory_space<hbm>>
    %dma_wait3A_137 = tpu.memref_slice %arg18[%dma_wait3A_132] : memref<4x!tpu.dma_semaphore, #tpu.memory_space<semaphore_mem>> -> memref<1x!tpu.dma_semaphore, #tpu.memory_space<semaphore_mem>>
    %dma_wait3A_138 = tpu.memref_squeeze %dma_wait3A_137 : memref<1x!tpu.dma_semaphore, #tpu.memory_space<semaphore_mem>> -> memref<!tpu.dma_semaphore, #tpu.memory_space<semaphore_mem>>
    %dma_wait3A_139 = arith.constant 0 : i32
    %dma_wait3A_140 = tpu.memref_slice %arg7[%dma_wait3A_131, %dma_wait3A_139] : memref<4x80xi32, #tpu.memory_space<vmem>> -> memref<1x80xi32, #tpu.memory_space<vmem>>
    %dma_wait3A_141 = tpu.memref_squeeze %dma_wait3A_140 : memref<1x80xi32, #tpu.memory_space<vmem>> -> memref<80xi32, #tpu.memory_space<vmem>>
    %dma_wait3A_142 = tpu.memref_slice %arg3[%multiple_of3A_130] : memref<320000xi32, #tpu.memory_space<hbm>> -> memref<80xi32, #tpu.memory_space<hbm>>
    tpu.wait_dma2 semaphore(%dma_wait3A_138 : memref<!tpu.dma_semaphore, #tpu.memory_space<semaphore_mem>>) src(%dma_wait3A_142 : memref<80xi32, #tpu.memory_space<hbm>>) dst(%dma_wait3A_141 : memref<80xi32, #tpu.memory_space<vmem>>)
    %dma_start3A_143 = arith.constant 1 : i32
    %dma_start3A_144 = arith.constant 0 : i32
    %dma_start3A_145 = tpu.memref_slice %arg7[%dma_start3A_143, %dma_start3A_144] : memref<4x80xi32, #tpu.memory_space<vmem>> -> memref<1x80xi32, #tpu.memory_space<vmem>>
    %dma_start3A_146 = tpu.memref_squeeze %dma_start3A_145 : memref<1x80xi32, #tpu.memory_space<vmem>> -> memref<80xi32, #tpu.memory_space<vmem>>
    %dma_start3A_147 = arith.constant 0 : i32
    %dma_start3A_148 = arith.constant 0 : i32
    %dma_start3A_149 = tpu.memref_slice %arg2[%dma_start3A_147, %dma_start3A_148] : memref<10000x128xf32, #tpu.memory_space<hbm>> -> memref<10000x128xf32, #tpu.memory_space<hbm>>
    tpu.enqueue_indirect_dma source(%dma_start3A_149 : memref<10000x128xf32, #tpu.memory_space<hbm>>) target(%arg10 : memref<80x128xf32, #tpu.memory_space<vmem>>) offsets(%dma_start3A_146 : memref<80xi32, #tpu.memory_space<vmem>>) semaphore(%arg13 : memref<!tpu.dma_semaphore, #tpu.memory_space<semaphore_mem>>)
    %dma_wait3A_150 = arith.constant 0 : i32
    %dma_wait3A_151 = arith.constant 0 : i32
    %dma_wait3A_152 = tpu.memref_slice %arg4[%add3A, %dma_wait3A_150, %dma_wait3A_151] : memref<32x125x80xi32, #tpu.memory_space<hbm>> -> memref<1x125x80xi32, #tpu.memory_space<hbm>>
    %dma_wait3A_153 = tpu.memref_squeeze %dma_wait3A_152 : memref<1x125x80xi32, #tpu.memory_space<hbm>> -> memref<125x80xi32, #tpu.memory_space<hbm>>
    %dma_wait3A_154 = arith.constant 0 : i32
    %dma_wait3A_155 = arith.constant 0 : i32
    %dma_wait3A_156 = tpu.memref_slice %arg4[%add3A, %dma_wait3A_154, %dma_wait3A_155] : memref<32x125x80xi32, #tpu.memory_space<hbm>> -> memref<1x125x80xi32, #tpu.memory_space<hbm>>
    %dma_wait3A_157 = tpu.memref_squeeze %dma_wait3A_156 : memref<1x125x80xi32, #tpu.memory_space<hbm>> -> memref<125x80xi32, #tpu.memory_space<hbm>>
    tpu.wait_dma2 semaphore(%arg19 : memref<!tpu.dma_semaphore, #tpu.memory_space<semaphore_mem>>) src(%dma_wait3A_157 : memref<125x80xi32, #tpu.memory_space<hbm>>) dst(%arg8 : memref<125x80xi32, #tpu.memory_space<vmem>>)
    %scan3A_158 = arith.constant 0 : i32
    %scan3A_159 = arith.constant 0 : i32
    %scan3A_160 = arith.constant 42 : i32
    %scan3A_161 = arith.addi %scan3A_159, %scan3A_160 : i32
    %scan3A_162 = arith.constant 1 : i32
    scf.for %scan3A_181 = %scan3A_159 to %scan3A_161 step %scan3A_162  : i32 {
      %mul3A_182 = arith.constant 3 : i32
      %mul3A_183 = arith.muli %scan3A_181, %mul3A_182 : i32
      %add3A_184 = arith.constant 0 : i32
      %add3A_185 = arith.addi %mul3A_183, %add3A_184 : i32
      %lt3A_186 = arith.constant 125 : i32
      %lt3A_187 = arith.cmpi slt, %add3A_185, %lt3A_186 : i32
      %convert_element_type3A_188 = arith.extui %lt3A_187 : i1 to i32
      %cond3A_189 = arith.constant 0 : i32
      %cond3A_190 = arith.cmpi ne, %convert_element_type3A_188, %cond3A_189 : i32
      scf.if %cond3A_190 {
        %add3A_205 = arith.constant 0 : i32
        %add3A_206 = arith.addi %mul3A_183, %add3A_205 : i32
        %rem3A = arith.constant 4 : i32
        %rem3A_207 = arith.remsi %add3A_206, %rem3A : i32
        %dma_wait3A_208 = arith.constant 0 : i32
        %dma_wait3A_209 = tpu.memref_slice %arg7[%rem3A_207, %dma_wait3A_208] : memref<4x80xi32, #tpu.memory_space<vmem>> -> memref<1x80xi32, #tpu.memory_space<vmem>>
        %dma_wait3A_210 = tpu.memref_squeeze %dma_wait3A_209 : memref<1x80xi32, #tpu.memory_space<vmem>> -> memref<80xi32, #tpu.memory_space<vmem>>
        %dma_wait3A_211 = arith.constant 0 : i32
        %dma_wait3A_212 = arith.constant 0 : i32
        %dma_wait3A_213 = tpu.memref_slice %arg2[%dma_wait3A_211, %dma_wait3A_212] : memref<10000x128xf32, #tpu.memory_space<hbm>> -> memref<10000x128xf32, #tpu.memory_space<hbm>>
        tpu.wait_indirect_dma semaphore(%arg12 : memref<!tpu.dma_semaphore, #tpu.memory_space<semaphore_mem>>) src(%dma_wait3A_213 : memref<10000x128xf32, #tpu.memory_space<hbm>>) dst(%arg9 : memref<80x128xf32, #tpu.memory_space<vmem>>)
        %ge3A = arith.constant 1 : i32
        %ge3A_214 = arith.cmpi sge, %add3A_206, %ge3A : i32
        %convert_element_type3A_215 = arith.extui %ge3A_214 : i1 to i32
        %cond3A_216 = arith.constant 0 : i32
        %cond3A_217 = arith.cmpi ne, %convert_element_type3A_215, %cond3A_216 : i32
        scf.if %cond3A_217 {
          %sub3A = arith.constant 1 : i32
          %sub3A_238 = arith.subi %add3A_206, %sub3A : i32
          %dma_wait3A_239 = arith.constant 0 : i32
          %dma_wait3A_240 = tpu.memref_slice %arg8[%sub3A_238, %dma_wait3A_239] : memref<125x80xi32, #tpu.memory_space<vmem>> -> memref<1x80xi32, #tpu.memory_space<vmem>>
          %dma_wait3A_241 = tpu.memref_squeeze %dma_wait3A_240 : memref<1x80xi32, #tpu.memory_space<vmem>> -> memref<80xi32, #tpu.memory_space<vmem>>
          %dma_wait3A_242 = arith.constant 0 : i32
          %dma_wait3A_243 = arith.constant 0 : i32
          %dma_wait3A_244 = tpu.memref_slice %arg6[%dma_wait3A_242, %dma_wait3A_243] : memref<10008x128xf32, #tpu.memory_space<vmem_shared>> -> memref<10008x128xf32, #tpu.memory_space<vmem_shared>>
          tpu.wait_indirect_dma semaphore(%arg17 : memref<!tpu.dma_semaphore, #tpu.memory_space<semaphore_mem>>) src(%arg11 : memref<80x128xf32, #tpu.memory_space<vmem>>) dst(%dma_wait3A_244 : memref<10008x128xf32, #tpu.memory_space<vmem_shared>>)
        } else {
        }
        %add3A_218 = arith.constant 2 : i32
        %add3A_219 = arith.addi %add3A_206, %add3A_218 : i32
        %lt3A_220 = arith.constant 125 : i32
        %lt3A_221 = arith.cmpi slt, %add3A_219, %lt3A_220 : i32
        %convert_element_type3A_222 = arith.extui %lt3A_221 : i1 to i32
        %cond3A_223 = arith.constant 0 : i32
        %cond3A_224 = arith.cmpi ne, %convert_element_type3A_222, %cond3A_223 : i32
        scf.if %cond3A_224 {
          %add3A_238 = arith.constant 2 : i32
          %add3A_239 = arith.addi %add3A_206, %add3A_238 : i32
          %add3A_240 = arith.constant 2 : i32
          %add3A_241 = arith.addi %add3A_206, %add3A_240 : i32
          %rem3A_242 = arith.constant 4 : i32
          %rem3A_243 = arith.remsi %add3A_241, %rem3A_242 : i32
          %mul3A_244 = arith.constant 80 : i32
          %mul3A_245 = arith.muli %add3A_239, %mul3A_244 : i32
          %add3A_246 = arith.addi %mul3A_2, %mul3A_245 : i32
          %multiple_of3A_247 = tpu.assume_multiple %add3A_246, 8 : i32
          %dma_wait3A_248 = arith.constant 0 : i32
          %dma_wait3A_249 = tpu.memref_slice %arg7[%rem3A_243, %dma_wait3A_248] : memref<4x80xi32, #tpu.memory_space<vmem>> -> memref<1x80xi32, #tpu.memory_space<vmem>>
          %dma_wait3A_250 = tpu.memref_squeeze %dma_wait3A_249 : memref<1x80xi32, #tpu.memory_space<vmem>> -> memref<80xi32, #tpu.memory_space<vmem>>
          %dma_wait3A_251 = tpu.memref_slice %arg3[%multiple_of3A_247] : memref<320000xi32, #tpu.memory_space<hbm>> -> memref<80xi32, #tpu.memory_space<hbm>>
          %dma_wait3A_252 = tpu.memref_slice %arg18[%rem3A_243] : memref<4x!tpu.dma_semaphore, #tpu.memory_space<semaphore_mem>> -> memref<1x!tpu.dma_semaphore, #tpu.memory_space<semaphore_mem>>
          %dma_wait3A_253 = tpu.memref_squeeze %dma_wait3A_252 : memref<1x!tpu.dma_semaphore, #tpu.memory_space<semaphore_mem>> -> memref<!tpu.dma_semaphore, #tpu.memory_space<semaphore_mem>>
          %dma_wait3A_254 = arith.constant 0 : i32
          %dma_wait3A_255 = tpu.memref_slice %arg7[%rem3A_243, %dma_wait3A_254] : memref<4x80xi32, #tpu.memory_space<vmem>> -> memref<1x80xi32, #tpu.memory_space<vmem>>
          %dma_wait3A_256 = tpu.memref_squeeze %dma_wait3A_255 : memref<1x80xi32, #tpu.memory_space<vmem>> -> memref<80xi32, #tpu.memory_space<vmem>>
          %dma_wait3A_257 = tpu.memref_slice %arg3[%multiple_of3A_247] : memref<320000xi32, #tpu.memory_space<hbm>> -> memref<80xi32, #tpu.memory_space<hbm>>
          tpu.wait_dma2 semaphore(%dma_wait3A_253 : memref<!tpu.dma_semaphore, #tpu.memory_space<semaphore_mem>>) src(%dma_wait3A_257 : memref<80xi32, #tpu.memory_space<hbm>>) dst(%dma_wait3A_256 : memref<80xi32, #tpu.memory_space<vmem>>)
          %add3A_258 = arith.constant 2 : i32
          %add3A_259 = arith.addi %add3A_206, %add3A_258 : i32
          %rem3A_260 = arith.constant 4 : i32
          %rem3A_261 = arith.remsi %add3A_259, %rem3A_260 : i32
          %dma_start3A_262 = arith.constant 0 : i32
          %dma_start3A_263 = tpu.memref_slice %arg7[%rem3A_261, %dma_start3A_262] : memref<4x80xi32, #tpu.memory_space<vmem>> -> memref<1x80xi32, #tpu.memory_space<vmem>>
          %dma_start3A_264 = tpu.memref_squeeze %dma_start3A_263 : memref<1x80xi32, #tpu.memory_space<vmem>> -> memref<80xi32, #tpu.memory_space<vmem>>
          %dma_start3A_265 = arith.constant 0 : i32
          %dma_start3A_266 = arith.constant 0 : i32
          %dma_start3A_267 = tpu.memref_slice %arg2[%dma_start3A_265, %dma_start3A_266] : memref<10000x128xf32, #tpu.memory_space<hbm>> -> memref<10000x128xf32, #tpu.memory_space<hbm>>
          tpu.enqueue_indirect_dma source(%dma_start3A_267 : memref<10000x128xf32, #tpu.memory_space<hbm>>) target(%arg11 : memref<80x128xf32, #tpu.memory_space<vmem>>) offsets(%dma_start3A_264 : memref<80xi32, #tpu.memory_space<vmem>>) semaphore(%arg14 : memref<!tpu.dma_semaphore, #tpu.memory_space<semaphore_mem>>)
        } else {
        }
        %dma_start3A_225 = arith.constant 0 : i32
        %dma_start3A_226 = tpu.memref_slice %arg8[%add3A_206, %dma_start3A_225] : memref<125x80xi32, #tpu.memory_space<vmem>> -> memref<1x80xi32, #tpu.memory_space<vmem>>
        %dma_start3A_227 = tpu.memref_squeeze %dma_start3A_226 : memref<1x80xi32, #tpu.memory_space<vmem>> -> memref<80xi32, #tpu.memory_space<vmem>>
        %dma_start3A_228 = arith.constant 0 : i32
        %dma_start3A_229 = arith.constant 0 : i32
        %dma_start3A_230 = tpu.memref_slice %arg6[%dma_start3A_228, %dma_start3A_229] : memref<10008x128xf32, #tpu.memory_space<vmem_shared>> -> memref<10008x128xf32, #tpu.memory_space<vmem_shared>>
        tpu.enqueue_indirect_dma source(%arg9 : memref<80x128xf32, #tpu.memory_space<vmem>>) target(%dma_start3A_230 : memref<10008x128xf32, #tpu.memory_space<vmem_shared>>) offsets(%dma_start3A_227 : memref<80xi32, #tpu.memory_space<vmem>>) semaphore(%arg15 : memref<!tpu.dma_semaphore, #tpu.memory_space<semaphore_mem>>) {add = true}
        %add3A_231 = arith.constant 4 : i32
        %add3A_232 = arith.addi %add3A_206, %add3A_231 : i32
        %lt3A_233 = arith.constant 125 : i32
        %lt3A_234 = arith.cmpi slt, %add3A_232, %lt3A_233 : i32
        %convert_element_type3A_235 = arith.extui %lt3A_234 : i1 to i32
        %cond3A_236 = arith.constant 0 : i32
        %cond3A_237 = arith.cmpi ne, %convert_element_type3A_235, %cond3A_236 : i32
        scf.if %cond3A_237 {
          %add3A_238 = arith.constant 4 : i32
          %add3A_239 = arith.addi %add3A_206, %add3A_238 : i32
          %rem3A_240 = arith.constant 4 : i32
          %rem3A_241 = arith.remsi %add3A_206, %rem3A_240 : i32
          %mul3A_242 = arith.constant 80 : i32
          %mul3A_243 = arith.muli %add3A_239, %mul3A_242 : i32
          %add3A_244 = arith.addi %mul3A_2, %mul3A_243 : i32
          %multiple_of3A_245 = tpu.assume_multiple %add3A_244, 8 : i32
          %dma_start3A_246 = arith.constant 0 : i32
          %dma_start3A_247 = tpu.memref_slice %arg7[%rem3A_241, %dma_start3A_246] : memref<4x80xi32, #tpu.memory_space<vmem>> -> memref<1x80xi32, #tpu.memory_space<vmem>>
          %dma_start3A_248 = tpu.memref_squeeze %dma_start3A_247 : memref<1x80xi32, #tpu.memory_space<vmem>> -> memref<80xi32, #tpu.memory_space<vmem>>
          %dma_start3A_249 = tpu.memref_slice %arg3[%multiple_of3A_245] : memref<320000xi32, #tpu.memory_space<hbm>> -> memref<80xi32, #tpu.memory_space<hbm>>
          %dma_start3A_250 = tpu.memref_slice %arg18[%rem3A_241] : memref<4x!tpu.dma_semaphore, #tpu.memory_space<semaphore_mem>> -> memref<1x!tpu.dma_semaphore, #tpu.memory_space<semaphore_mem>>
          %dma_start3A_251 = tpu.memref_squeeze %dma_start3A_250 : memref<1x!tpu.dma_semaphore, #tpu.memory_space<semaphore_mem>> -> memref<!tpu.dma_semaphore, #tpu.memory_space<semaphore_mem>>
          %dma_start3A_252 = arith.constant 0 : i32
          %dma_start3A_253 = tpu.memref_slice %arg7[%rem3A_241, %dma_start3A_252] : memref<4x80xi32, #tpu.memory_space<vmem>> -> memref<1x80xi32, #tpu.memory_space<vmem>>
          %dma_start3A_254 = tpu.memref_squeeze %dma_start3A_253 : memref<1x80xi32, #tpu.memory_space<vmem>> -> memref<80xi32, #tpu.memory_space<vmem>>
          %dma_start3A_255 = tpu.memref_slice %arg3[%multiple_of3A_245] : memref<320000xi32, #tpu.memory_space<hbm>> -> memref<80xi32, #tpu.memory_space<hbm>>
          tpu.enqueue_dma source(%dma_start3A_255 : memref<80xi32, #tpu.memory_space<hbm>>) target(%dma_start3A_254 : memref<80xi32, #tpu.memory_space<vmem>>) target_semaphore(%dma_start3A_251 : memref<!tpu.dma_semaphore, #tpu.memory_space<semaphore_mem>>)
        } else {
        }
      } else {
      }
      %add3A_191 = arith.constant 1 : i32
      %add3A_192 = arith.addi %mul3A_183, %add3A_191 : i32
      %lt3A_193 = arith.constant 125 : i32
      %lt3A_194 = arith.cmpi slt, %add3A_192, %lt3A_193 : i32
      %convert_element_type3A_195 = arith.extui %lt3A_194 : i1 to i32
      %cond3A_196 = arith.constant 0 : i32
      %cond3A_197 = arith.cmpi ne, %convert_element_type3A_195, %cond3A_196 : i32
      scf.if %cond3A_197 {
        %add3A_205 = arith.constant 1 : i32
        %add3A_206 = arith.addi %mul3A_183, %add3A_205 : i32
        %rem3A = arith.constant 4 : i32
        %rem3A_207 = arith.remsi %add3A_206, %rem3A : i32
        %dma_wait3A_208 = arith.constant 0 : i32
        %dma_wait3A_209 = tpu.memref_slice %arg7[%rem3A_207, %dma_wait3A_208] : memref<4x80xi32, #tpu.memory_space<vmem>> -> memref<1x80xi32, #tpu.memory_space<vmem>>
        %dma_wait3A_210 = tpu.memref_squeeze %dma_wait3A_209 : memref<1x80xi32, #tpu.memory_space<vmem>> -> memref<80xi32, #tpu.memory_space<vmem>>
        %dma_wait3A_211 = arith.constant 0 : i32
        %dma_wait3A_212 = arith.constant 0 : i32
        %dma_wait3A_213 = tpu.memref_slice %arg2[%dma_wait3A_211, %dma_wait3A_212] : memref<10000x128xf32, #tpu.memory_space<hbm>> -> memref<10000x128xf32, #tpu.memory_space<hbm>>
        tpu.wait_indirect_dma semaphore(%arg13 : memref<!tpu.dma_semaphore, #tpu.memory_space<semaphore_mem>>) src(%dma_wait3A_213 : memref<10000x128xf32, #tpu.memory_space<hbm>>) dst(%arg10 : memref<80x128xf32, #tpu.memory_space<vmem>>)
        %ge3A = arith.constant 1 : i32
        %ge3A_214 = arith.cmpi sge, %add3A_206, %ge3A : i32
        %convert_element_type3A_215 = arith.extui %ge3A_214 : i1 to i32
        %cond3A_216 = arith.constant 0 : i32
        %cond3A_217 = arith.cmpi ne, %convert_element_type3A_215, %cond3A_216 : i32
        scf.if %cond3A_217 {
          %sub3A = arith.constant 1 : i32
          %sub3A_238 = arith.subi %add3A_206, %sub3A : i32
          %dma_wait3A_239 = arith.constant 0 : i32
          %dma_wait3A_240 = tpu.memref_slice %arg8[%sub3A_238, %dma_wait3A_239] : memref<125x80xi32, #tpu.memory_space<vmem>> -> memref<1x80xi32, #tpu.memory_space<vmem>>
          %dma_wait3A_241 = tpu.memref_squeeze %dma_wait3A_240 : memref<1x80xi32, #tpu.memory_space<vmem>> -> memref<80xi32, #tpu.memory_space<vmem>>
          %dma_wait3A_242 = arith.constant 0 : i32
          %dma_wait3A_243 = arith.constant 0 : i32
          %dma_wait3A_244 = tpu.memref_slice %arg6[%dma_wait3A_242, %dma_wait3A_243] : memref<10008x128xf32, #tpu.memory_space<vmem_shared>> -> memref<10008x128xf32, #tpu.memory_space<vmem_shared>>
          tpu.wait_indirect_dma semaphore(%arg15 : memref<!tpu.dma_semaphore, #tpu.memory_space<semaphore_mem>>) src(%arg9 : memref<80x128xf32, #tpu.memory_space<vmem>>) dst(%dma_wait3A_244 : memref<10008x128xf32, #tpu.memory_space<vmem_shared>>)
        } else {
        }
        %add3A_218 = arith.constant 2 : i32
        %add3A_219 = arith.addi %add3A_206, %add3A_218 : i32
        %lt3A_220 = arith.constant 125 : i32
        %lt3A_221 = arith.cmpi slt, %add3A_219, %lt3A_220 : i32
        %convert_element_type3A_222 = arith.extui %lt3A_221 : i1 to i32
        %cond3A_223 = arith.constant 0 : i32
        %cond3A_224 = arith.cmpi ne, %convert_element_type3A_222, %cond3A_223 : i32
        scf.if %cond3A_224 {
          %add3A_238 = arith.constant 2 : i32
          %add3A_239 = arith.addi %add3A_206, %add3A_238 : i32
          %add3A_240 = arith.constant 2 : i32
          %add3A_241 = arith.addi %add3A_206, %add3A_240 : i32
          %rem3A_242 = arith.constant 4 : i32
          %rem3A_243 = arith.remsi %add3A_241, %rem3A_242 : i32
          %mul3A_244 = arith.constant 80 : i32
          %mul3A_245 = arith.muli %add3A_239, %mul3A_244 : i32
          %add3A_246 = arith.addi %mul3A_2, %mul3A_245 : i32
          %multiple_of3A_247 = tpu.assume_multiple %add3A_246, 8 : i32
          %dma_wait3A_248 = arith.constant 0 : i32
          %dma_wait3A_249 = tpu.memref_slice %arg7[%rem3A_243, %dma_wait3A_248] : memref<4x80xi32, #tpu.memory_space<vmem>> -> memref<1x80xi32, #tpu.memory_space<vmem>>
          %dma_wait3A_250 = tpu.memref_squeeze %dma_wait3A_249 : memref<1x80xi32, #tpu.memory_space<vmem>> -> memref<80xi32, #tpu.memory_space<vmem>>
          %dma_wait3A_251 = tpu.memref_slice %arg3[%multiple_of3A_247] : memref<320000xi32, #tpu.memory_space<hbm>> -> memref<80xi32, #tpu.memory_space<hbm>>
          %dma_wait3A_252 = tpu.memref_slice %arg18[%rem3A_243] : memref<4x!tpu.dma_semaphore, #tpu.memory_space<semaphore_mem>> -> memref<1x!tpu.dma_semaphore, #tpu.memory_space<semaphore_mem>>
          %dma_wait3A_253 = tpu.memref_squeeze %dma_wait3A_252 : memref<1x!tpu.dma_semaphore, #tpu.memory_space<semaphore_mem>> -> memref<!tpu.dma_semaphore, #tpu.memory_space<semaphore_mem>>
          %dma_wait3A_254 = arith.constant 0 : i32
          %dma_wait3A_255 = tpu.memref_slice %arg7[%rem3A_243, %dma_wait3A_254] : memref<4x80xi32, #tpu.memory_space<vmem>> -> memref<1x80xi32, #tpu.memory_space<vmem>>
          %dma_wait3A_256 = tpu.memref_squeeze %dma_wait3A_255 : memref<1x80xi32, #tpu.memory_space<vmem>> -> memref<80xi32, #tpu.memory_space<vmem>>
          %dma_wait3A_257 = tpu.memref_slice %arg3[%multiple_of3A_247] : memref<320000xi32, #tpu.memory_space<hbm>> -> memref<80xi32, #tpu.memory_space<hbm>>
          tpu.wait_dma2 semaphore(%dma_wait3A_253 : memref<!tpu.dma_semaphore, #tpu.memory_space<semaphore_mem>>) src(%dma_wait3A_257 : memref<80xi32, #tpu.memory_space<hbm>>) dst(%dma_wait3A_256 : memref<80xi32, #tpu.memory_space<vmem>>)
          %add3A_258 = arith.constant 2 : i32
          %add3A_259 = arith.addi %add3A_206, %add3A_258 : i32
          %rem3A_260 = arith.constant 4 : i32
          %rem3A_261 = arith.remsi %add3A_259, %rem3A_260 : i32
          %dma_start3A_262 = arith.constant 0 : i32
          %dma_start3A_263 = tpu.memref_slice %arg7[%rem3A_261, %dma_start3A_262] : memref<4x80xi32, #tpu.memory_space<vmem>> -> memref<1x80xi32, #tpu.memory_space<vmem>>
          %dma_start3A_264 = tpu.memref_squeeze %dma_start3A_263 : memref<1x80xi32, #tpu.memory_space<vmem>> -> memref<80xi32, #tpu.memory_space<vmem>>
          %dma_start3A_265 = arith.constant 0 : i32
          %dma_start3A_266 = arith.constant 0 : i32
          %dma_start3A_267 = tpu.memref_slice %arg2[%dma_start3A_265, %dma_start3A_266] : memref<10000x128xf32, #tpu.memory_space<hbm>> -> memref<10000x128xf32, #tpu.memory_space<hbm>>
          tpu.enqueue_indirect_dma source(%dma_start3A_267 : memref<10000x128xf32, #tpu.memory_space<hbm>>) target(%arg9 : memref<80x128xf32, #tpu.memory_space<vmem>>) offsets(%dma_start3A_264 : memref<80xi32, #tpu.memory_space<vmem>>) semaphore(%arg12 : memref<!tpu.dma_semaphore, #tpu.memory_space<semaphore_mem>>)
        } else {
        }
        %dma_start3A_225 = arith.constant 0 : i32
        %dma_start3A_226 = tpu.memref_slice %arg8[%add3A_206, %dma_start3A_225] : memref<125x80xi32, #tpu.memory_space<vmem>> -> memref<1x80xi32, #tpu.memory_space<vmem>>
        %dma_start3A_227 = tpu.memref_squeeze %dma_start3A_226 : memref<1x80xi32, #tpu.memory_space<vmem>> -> memref<80xi32, #tpu.memory_space<vmem>>
        %dma_start3A_228 = arith.constant 0 : i32
        %dma_start3A_229 = arith.constant 0 : i32
        %dma_start3A_230 = tpu.memref_slice %arg6[%dma_start3A_228, %dma_start3A_229] : memref<10008x128xf32, #tpu.memory_space<vmem_shared>> -> memref<10008x128xf32, #tpu.memory_space<vmem_shared>>
        tpu.enqueue_indirect_dma source(%arg10 : memref<80x128xf32, #tpu.memory_space<vmem>>) target(%dma_start3A_230 : memref<10008x128xf32, #tpu.memory_space<vmem_shared>>) offsets(%dma_start3A_227 : memref<80xi32, #tpu.memory_space<vmem>>) semaphore(%arg16 : memref<!tpu.dma_semaphore, #tpu.memory_space<semaphore_mem>>) {add = true}
        %add3A_231 = arith.constant 4 : i32
        %add3A_232 = arith.addi %add3A_206, %add3A_231 : i32
        %lt3A_233 = arith.constant 125 : i32
        %lt3A_234 = arith.cmpi slt, %add3A_232, %lt3A_233 : i32
        %convert_element_type3A_235 = arith.extui %lt3A_234 : i1 to i32
        %cond3A_236 = arith.constant 0 : i32
        %cond3A_237 = arith.cmpi ne, %convert_element_type3A_235, %cond3A_236 : i32
        scf.if %cond3A_237 {
          %add3A_238 = arith.constant 4 : i32
          %add3A_239 = arith.addi %add3A_206, %add3A_238 : i32
          %rem3A_240 = arith.constant 4 : i32
          %rem3A_241 = arith.remsi %add3A_206, %rem3A_240 : i32
          %mul3A_242 = arith.constant 80 : i32
          %mul3A_243 = arith.muli %add3A_239, %mul3A_242 : i32
          %add3A_244 = arith.addi %mul3A_2, %mul3A_243 : i32
          %multiple_of3A_245 = tpu.assume_multiple %add3A_244, 8 : i32
          %dma_start3A_246 = arith.constant 0 : i32
          %dma_start3A_247 = tpu.memref_slice %arg7[%rem3A_241, %dma_start3A_246] : memref<4x80xi32, #tpu.memory_space<vmem>> -> memref<1x80xi32, #tpu.memory_space<vmem>>
          %dma_start3A_248 = tpu.memref_squeeze %dma_start3A_247 : memref<1x80xi32, #tpu.memory_space<vmem>> -> memref<80xi32, #tpu.memory_space<vmem>>
          %dma_start3A_249 = tpu.memref_slice %arg3[%multiple_of3A_245] : memref<320000xi32, #tpu.memory_space<hbm>> -> memref<80xi32, #tpu.memory_space<hbm>>
          %dma_start3A_250 = tpu.memref_slice %arg18[%rem3A_241] : memref<4x!tpu.dma_semaphore, #tpu.memory_space<semaphore_mem>> -> memref<1x!tpu.dma_semaphore, #tpu.memory_space<semaphore_mem>>
          %dma_start3A_251 = tpu.memref_squeeze %dma_start3A_250 : memref<1x!tpu.dma_semaphore, #tpu.memory_space<semaphore_mem>> -> memref<!tpu.dma_semaphore, #tpu.memory_space<semaphore_mem>>
          %dma_start3A_252 = arith.constant 0 : i32
          %dma_start3A_253 = tpu.memref_slice %arg7[%rem3A_241, %dma_start3A_252] : memref<4x80xi32, #tpu.memory_space<vmem>> -> memref<1x80xi32, #tpu.memory_space<vmem>>
          %dma_start3A_254 = tpu.memref_squeeze %dma_start3A_253 : memref<1x80xi32, #tpu.memory_space<vmem>> -> memref<80xi32, #tpu.memory_space<vmem>>
          %dma_start3A_255 = tpu.memref_slice %arg3[%multiple_of3A_245] : memref<320000xi32, #tpu.memory_space<hbm>> -> memref<80xi32, #tpu.memory_space<hbm>>
          tpu.enqueue_dma source(%dma_start3A_255 : memref<80xi32, #tpu.memory_space<hbm>>) target(%dma_start3A_254 : memref<80xi32, #tpu.memory_space<vmem>>) target_semaphore(%dma_start3A_251 : memref<!tpu.dma_semaphore, #tpu.memory_space<semaphore_mem>>)
        } else {
        }
      } else {
      }
      %add3A_198 = arith.constant 2 : i32
      %add3A_199 = arith.addi %mul3A_183, %add3A_198 : i32
      %lt3A_200 = arith.constant 125 : i32
      %lt3A_201 = arith.cmpi slt, %add3A_199, %lt3A_200 : i32
      %convert_element_type3A_202 = arith.extui %lt3A_201 : i1 to i32
      %cond3A_203 = arith.constant 0 : i32
      %cond3A_204 = arith.cmpi ne, %convert_element_type3A_202, %cond3A_203 : i32
      scf.if %cond3A_204 {
        %add3A_205 = arith.constant 2 : i32
        %add3A_206 = arith.addi %mul3A_183, %add3A_205 : i32
        %rem3A = arith.constant 4 : i32
        %rem3A_207 = arith.remsi %add3A_206, %rem3A : i32
        %dma_wait3A_208 = arith.constant 0 : i32
        %dma_wait3A_209 = tpu.memref_slice %arg7[%rem3A_207, %dma_wait3A_208] : memref<4x80xi32, #tpu.memory_space<vmem>> -> memref<1x80xi32, #tpu.memory_space<vmem>>
        %dma_wait3A_210 = tpu.memref_squeeze %dma_wait3A_209 : memref<1x80xi32, #tpu.memory_space<vmem>> -> memref<80xi32, #tpu.memory_space<vmem>>
        %dma_wait3A_211 = arith.constant 0 : i32
        %dma_wait3A_212 = arith.constant 0 : i32
        %dma_wait3A_213 = tpu.memref_slice %arg2[%dma_wait3A_211, %dma_wait3A_212] : memref<10000x128xf32, #tpu.memory_space<hbm>> -> memref<10000x128xf32, #tpu.memory_space<hbm>>
        tpu.wait_indirect_dma semaphore(%arg14 : memref<!tpu.dma_semaphore, #tpu.memory_space<semaphore_mem>>) src(%dma_wait3A_213 : memref<10000x128xf32, #tpu.memory_space<hbm>>) dst(%arg11 : memref<80x128xf32, #tpu.memory_space<vmem>>)
        %ge3A = arith.constant 1 : i32
        %ge3A_214 = arith.cmpi sge, %add3A_206, %ge3A : i32
        %convert_element_type3A_215 = arith.extui %ge3A_214 : i1 to i32
        %cond3A_216 = arith.constant 0 : i32
        %cond3A_217 = arith.cmpi ne, %convert_element_type3A_215, %cond3A_216 : i32
        scf.if %cond3A_217 {
          %sub3A = arith.constant 1 : i32
          %sub3A_238 = arith.subi %add3A_206, %sub3A : i32
          %dma_wait3A_239 = arith.constant 0 : i32
          %dma_wait3A_240 = tpu.memref_slice %arg8[%sub3A_238, %dma_wait3A_239] : memref<125x80xi32, #tpu.memory_space<vmem>> -> memref<1x80xi32, #tpu.memory_space<vmem>>
          %dma_wait3A_241 = tpu.memref_squeeze %dma_wait3A_240 : memref<1x80xi32, #tpu.memory_space<vmem>> -> memref<80xi32, #tpu.memory_space<vmem>>
          %dma_wait3A_242 = arith.constant 0 : i32
          %dma_wait3A_243 = arith.constant 0 : i32
          %dma_wait3A_244 = tpu.memref_slice %arg6[%dma_wait3A_242, %dma_wait3A_243] : memref<10008x128xf32, #tpu.memory_space<vmem_shared>> -> memref<10008x128xf32, #tpu.memory_space<vmem_shared>>
          tpu.wait_indirect_dma semaphore(%arg16 : memref<!tpu.dma_semaphore, #tpu.memory_space<semaphore_mem>>) src(%arg10 : memref<80x128xf32, #tpu.memory_space<vmem>>) dst(%dma_wait3A_244 : memref<10008x128xf32, #tpu.memory_space<vmem_shared>>)
        } else {
        }
        %add3A_218 = arith.constant 2 : i32
        %add3A_219 = arith.addi %add3A_206, %add3A_218 : i32
        %lt3A_220 = arith.constant 125 : i32
        %lt3A_221 = arith.cmpi slt, %add3A_219, %lt3A_220 : i32
        %convert_element_type3A_222 = arith.extui %lt3A_221 : i1 to i32
        %cond3A_223 = arith.constant 0 : i32
        %cond3A_224 = arith.cmpi ne, %convert_element_type3A_222, %cond3A_223 : i32
        scf.if %cond3A_224 {
          %add3A_238 = arith.constant 2 : i32
          %add3A_239 = arith.addi %add3A_206, %add3A_238 : i32
          %add3A_240 = arith.constant 2 : i32
          %add3A_241 = arith.addi %add3A_206, %add3A_240 : i32
          %rem3A_242 = arith.constant 4 : i32
          %rem3A_243 = arith.remsi %add3A_241, %rem3A_242 : i32
          %mul3A_244 = arith.constant 80 : i32
          %mul3A_245 = arith.muli %add3A_239, %mul3A_244 : i32
          %add3A_246 = arith.addi %mul3A_2, %mul3A_245 : i32
          %multiple_of3A_247 = tpu.assume_multiple %add3A_246, 8 : i32
          %dma_wait3A_248 = arith.constant 0 : i32
          %dma_wait3A_249 = tpu.memref_slice %arg7[%rem3A_243, %dma_wait3A_248] : memref<4x80xi32, #tpu.memory_space<vmem>> -> memref<1x80xi32, #tpu.memory_space<vmem>>
          %dma_wait3A_250 = tpu.memref_squeeze %dma_wait3A_249 : memref<1x80xi32, #tpu.memory_space<vmem>> -> memref<80xi32, #tpu.memory_space<vmem>>
          %dma_wait3A_251 = tpu.memref_slice %arg3[%multiple_of3A_247] : memref<320000xi32, #tpu.memory_space<hbm>> -> memref<80xi32, #tpu.memory_space<hbm>>
          %dma_wait3A_252 = tpu.memref_slice %arg18[%rem3A_243] : memref<4x!tpu.dma_semaphore, #tpu.memory_space<semaphore_mem>> -> memref<1x!tpu.dma_semaphore, #tpu.memory_space<semaphore_mem>>
          %dma_wait3A_253 = tpu.memref_squeeze %dma_wait3A_252 : memref<1x!tpu.dma_semaphore, #tpu.memory_space<semaphore_mem>> -> memref<!tpu.dma_semaphore, #tpu.memory_space<semaphore_mem>>
          %dma_wait3A_254 = arith.constant 0 : i32
          %dma_wait3A_255 = tpu.memref_slice %arg7[%rem3A_243, %dma_wait3A_254] : memref<4x80xi32, #tpu.memory_space<vmem>> -> memref<1x80xi32, #tpu.memory_space<vmem>>
          %dma_wait3A_256 = tpu.memref_squeeze %dma_wait3A_255 : memref<1x80xi32, #tpu.memory_space<vmem>> -> memref<80xi32, #tpu.memory_space<vmem>>
          %dma_wait3A_257 = tpu.memref_slice %arg3[%multiple_of3A_247] : memref<320000xi32, #tpu.memory_space<hbm>> -> memref<80xi32, #tpu.memory_space<hbm>>
          tpu.wait_dma2 semaphore(%dma_wait3A_253 : memref<!tpu.dma_semaphore, #tpu.memory_space<semaphore_mem>>) src(%dma_wait3A_257 : memref<80xi32, #tpu.memory_space<hbm>>) dst(%dma_wait3A_256 : memref<80xi32, #tpu.memory_space<vmem>>)
          %add3A_258 = arith.constant 2 : i32
          %add3A_259 = arith.addi %add3A_206, %add3A_258 : i32
          %rem3A_260 = arith.constant 4 : i32
          %rem3A_261 = arith.remsi %add3A_259, %rem3A_260 : i32
          %dma_start3A_262 = arith.constant 0 : i32
          %dma_start3A_263 = tpu.memref_slice %arg7[%rem3A_261, %dma_start3A_262] : memref<4x80xi32, #tpu.memory_space<vmem>> -> memref<1x80xi32, #tpu.memory_space<vmem>>
          %dma_start3A_264 = tpu.memref_squeeze %dma_start3A_263 : memref<1x80xi32, #tpu.memory_space<vmem>> -> memref<80xi32, #tpu.memory_space<vmem>>
          %dma_start3A_265 = arith.constant 0 : i32
          %dma_start3A_266 = arith.constant 0 : i32
          %dma_start3A_267 = tpu.memref_slice %arg2[%dma_start3A_265, %dma_start3A_266] : memref<10000x128xf32, #tpu.memory_space<hbm>> -> memref<10000x128xf32, #tpu.memory_space<hbm>>
          tpu.enqueue_indirect_dma source(%dma_start3A_267 : memref<10000x128xf32, #tpu.memory_space<hbm>>) target(%arg10 : memref<80x128xf32, #tpu.memory_space<vmem>>) offsets(%dma_start3A_264 : memref<80xi32, #tpu.memory_space<vmem>>) semaphore(%arg13 : memref<!tpu.dma_semaphore, #tpu.memory_space<semaphore_mem>>)
        } else {
        }
        %dma_start3A_225 = arith.constant 0 : i32
        %dma_start3A_226 = tpu.memref_slice %arg8[%add3A_206, %dma_start3A_225] : memref<125x80xi32, #tpu.memory_space<vmem>> -> memref<1x80xi32, #tpu.memory_space<vmem>>
        %dma_start3A_227 = tpu.memref_squeeze %dma_start3A_226 : memref<1x80xi32, #tpu.memory_space<vmem>> -> memref<80xi32, #tpu.memory_space<vmem>>
        %dma_start3A_228 = arith.constant 0 : i32
        %dma_start3A_229 = arith.constant 0 : i32
        %dma_start3A_230 = tpu.memref_slice %arg6[%dma_start3A_228, %dma_start3A_229] : memref<10008x128xf32, #tpu.memory_space<vmem_shared>> -> memref<10008x128xf32, #tpu.memory_space<vmem_shared>>
        tpu.enqueue_indirect_dma source(%arg11 : memref<80x128xf32, #tpu.memory_space<vmem>>) target(%dma_start3A_230 : memref<10008x128xf32, #tpu.memory_space<vmem_shared>>) offsets(%dma_start3A_227 : memref<80xi32, #tpu.memory_space<vmem>>) semaphore(%arg17 : memref<!tpu.dma_semaphore, #tpu.memory_space<semaphore_mem>>) {add = true}
        %add3A_231 = arith.constant 4 : i32
        %add3A_232 = arith.addi %add3A_206, %add3A_231 : i32
        %lt3A_233 = arith.constant 125 : i32
        %lt3A_234 = arith.cmpi slt, %add3A_232, %lt3A_233 : i32
        %convert_element_type3A_235 = arith.extui %lt3A_234 : i1 to i32
        %cond3A_236 = arith.constant 0 : i32
        %cond3A_237 = arith.cmpi ne, %convert_element_type3A_235, %cond3A_236 : i32
        scf.if %cond3A_237 {
          %add3A_238 = arith.constant 4 : i32
          %add3A_239 = arith.addi %add3A_206, %add3A_238 : i32
          %rem3A_240 = arith.constant 4 : i32
          %rem3A_241 = arith.remsi %add3A_206, %rem3A_240 : i32
          %mul3A_242 = arith.constant 80 : i32
          %mul3A_243 = arith.muli %add3A_239, %mul3A_242 : i32
          %add3A_244 = arith.addi %mul3A_2, %mul3A_243 : i32
          %multiple_of3A_245 = tpu.assume_multiple %add3A_244, 8 : i32
          %dma_start3A_246 = arith.constant 0 : i32
          %dma_start3A_247 = tpu.memref_slice %arg7[%rem3A_241, %dma_start3A_246] : memref<4x80xi32, #tpu.memory_space<vmem>> -> memref<1x80xi32, #tpu.memory_space<vmem>>
          %dma_start3A_248 = tpu.memref_squeeze %dma_start3A_247 : memref<1x80xi32, #tpu.memory_space<vmem>> -> memref<80xi32, #tpu.memory_space<vmem>>
          %dma_start3A_249 = tpu.memref_slice %arg3[%multiple_of3A_245] : memref<320000xi32, #tpu.memory_space<hbm>> -> memref<80xi32, #tpu.memory_space<hbm>>
          %dma_start3A_250 = tpu.memref_slice %arg18[%rem3A_241] : memref<4x!tpu.dma_semaphore, #tpu.memory_space<semaphore_mem>> -> memref<1x!tpu.dma_semaphore, #tpu.memory_space<semaphore_mem>>
          %dma_start3A_251 = tpu.memref_squeeze %dma_start3A_250 : memref<1x!tpu.dma_semaphore, #tpu.memory_space<semaphore_mem>> -> memref<!tpu.dma_semaphore, #tpu.memory_space<semaphore_mem>>
          %dma_start3A_252 = arith.constant 0 : i32
          %dma_start3A_253 = tpu.memref_slice %arg7[%rem3A_241, %dma_start3A_252] : memref<4x80xi32, #tpu.memory_space<vmem>> -> memref<1x80xi32, #tpu.memory_space<vmem>>
          %dma_start3A_254 = tpu.memref_squeeze %dma_start3A_253 : memref<1x80xi32, #tpu.memory_space<vmem>> -> memref<80xi32, #tpu.memory_space<vmem>>
          %dma_start3A_255 = tpu.memref_slice %arg3[%multiple_of3A_245] : memref<320000xi32, #tpu.memory_space<hbm>> -> memref<80xi32, #tpu.memory_space<hbm>>
          tpu.enqueue_dma source(%dma_start3A_255 : memref<80xi32, #tpu.memory_space<hbm>>) target(%dma_start3A_254 : memref<80xi32, #tpu.memory_space<vmem>>) target_semaphore(%dma_start3A_251 : memref<!tpu.dma_semaphore, #tpu.memory_space<semaphore_mem>>)
        } else {
        }
      } else {
      }
    }
    %scan3A_163 = arith.constant 42 : i32
    %dma_wait3A_164 = arith.constant 124 : i32
    %dma_wait3A_165 = arith.constant 0 : i32
    %dma_wait3A_166 = tpu.memref_slice %arg8[%dma_wait3A_164, %dma_wait3A_165] : memref<125x80xi32, #tpu.memory_space<vmem>> -> memref<1x80xi32, #tpu.memory_space<vmem>>
    %dma_wait3A_167 = tpu.memref_squeeze %dma_wait3A_166 : memref<1x80xi32, #tpu.memory_space<vmem>> -> memref<80xi32, #tpu.memory_space<vmem>>
    %dma_wait3A_168 = arith.constant 0 : i32
    %dma_wait3A_169 = arith.constant 0 : i32
    %dma_wait3A_170 = tpu.memref_slice %arg6[%dma_wait3A_168, %dma_wait3A_169] : memref<10008x128xf32, #tpu.memory_space<vmem_shared>> -> memref<10008x128xf32, #tpu.memory_space<vmem_shared>>
    tpu.wait_indirect_dma semaphore(%arg16 : memref<!tpu.dma_semaphore, #tpu.memory_space<semaphore_mem>>) src(%arg10 : memref<80x128xf32, #tpu.memory_space<vmem>>) dst(%dma_wait3A_170 : memref<10008x128xf32, #tpu.memory_space<vmem_shared>>)
    %barrier3A_171 = arith.constant 0 : index
    tpu.barrier barrier_id(%barrier3A_171)
    %lt3A_172 = arith.constant 15 : i32
    %lt3A_173 = arith.cmpi slt, %arg1, %lt3A_172 : i32
    %convert_element_type3A_174 = arith.extui %lt3A_173 : i1 to i32
    %cond3A_175 = arith.constant 0 : i32
    %cond3A_176 = arith.cmpi ne, %convert_element_type3A_174, %cond3A_175 : i32
    scf.if %cond3A_176 {
      %mul3A_181 = arith.constant 640 : i32
      %mul3A_182 = arith.muli %arg1, %mul3A_181 : i32
      %mul3A_183 = arith.constant 640 : i32
      %mul3A_184 = arith.muli %arg1, %mul3A_183 : i32
      "tpu.region"() ({
        %run_scoped3A = tpu.sem_alloc : memref<!tpu.dma_semaphore, #tpu.memory_space<semaphore_mem>>
        %dma_start3A_185 = arith.constant 0 : i32
        %dma_start3A_186 = tpu.memref_slice %arg5[%arg0, %mul3A_184, %dma_start3A_185] : memref<2x10000x128xf32, #tpu.memory_space<hbm>> -> memref<1x640x128xf32, #tpu.memory_space<hbm>>
        %dma_start3A_187 = tpu.memref_squeeze %dma_start3A_186 : memref<1x640x128xf32, #tpu.memory_space<hbm>> -> memref<640x128xf32, #tpu.memory_space<hbm>>
        %dma_start3A_188 = arith.constant 0 : i32
        %dma_start3A_189 = tpu.memref_slice %arg6[%mul3A_182, %dma_start3A_188] : memref<10008x128xf32, #tpu.memory_space<vmem_shared>> -> memref<640x128xf32, #tpu.memory_space<vmem_shared>>
        tpu.enqueue_dma source(%dma_start3A_189 : memref<640x128xf32, #tpu.memory_space<vmem_shared>>) target(%dma_start3A_187 : memref<640x128xf32, #tpu.memory_space<hbm>>) target_semaphore(%run_scoped3A : memref<!tpu.dma_semaphore, #tpu.memory_space<semaphore_mem>>)
        %dma_wait3A_190 = arith.constant 0 : i32
        %dma_wait3A_191 = tpu.memref_slice %arg5[%arg0, %mul3A_184, %dma_wait3A_190] : memref<2x10000x128xf32, #tpu.memory_space<hbm>> -> memref<1x640x128xf32, #tpu.memory_space<hbm>>
        %dma_wait3A_192 = tpu.memref_squeeze %dma_wait3A_191 : memref<1x640x128xf32, #tpu.memory_space<hbm>> -> memref<640x128xf32, #tpu.memory_space<hbm>>
        %dma_wait3A_193 = arith.constant 0 : i32
        %dma_wait3A_194 = tpu.memref_slice %arg6[%mul3A_182, %dma_wait3A_193] : memref<10008x128xf32, #tpu.memory_space<vmem_shared>> -> memref<640x128xf32, #tpu.memory_space<vmem_shared>>
        tpu.wait_dma2 semaphore(%run_scoped3A : memref<!tpu.dma_semaphore, #tpu.memory_space<semaphore_mem>>) src(%dma_wait3A_194 : memref<640x128xf32, #tpu.memory_space<vmem_shared>>) dst(%dma_wait3A_192 : memref<640x128xf32, #tpu.memory_space<hbm>>)
        tpu.yield
      }) : () -> ()
    } else {
    }
    %eq3A = arith.constant 15 : i32
    %eq3A_177 = arith.cmpi eq, %arg1, %eq3A : i32
    %convert_element_type3A_178 = arith.extui %eq3A_177 : i1 to i32
    %cond3A_179 = arith.constant 0 : i32
    %cond3A_180 = arith.cmpi ne, %convert_element_type3A_178, %cond3A_179 : i32
    scf.if %cond3A_180 {
      %mul3A_181 = arith.constant 640 : i32
      %mul3A_182 = arith.muli %arg1, %mul3A_181 : i32
      %mul3A_183 = arith.constant 640 : i32
      %mul3A_184 = arith.muli %arg1, %mul3A_183 : i32
      "tpu.region"() ({
        %run_scoped3A = tpu.sem_alloc : memref<!tpu.dma_semaphore, #tpu.memory_space<semaphore_mem>>
        %dma_start3A_185 = arith.constant 0 : i32
        %dma_start3A_186 = tpu.memref_slice %arg5[%arg0, %mul3A_184, %dma_start3A_185] : memref<2x10000x128xf32, #tpu.memory_space<hbm>> -> memref<1x400x128xf32, #tpu.memory_space<hbm>>
        %dma_start3A_187 = tpu.memref_squeeze %dma_start3A_186 : memref<1x400x128xf32, #tpu.memory_space<hbm>> -> memref<400x128xf32, #tpu.memory_space<hbm>>
        %dma_start3A_188 = arith.constant 0 : i32
        %dma_start3A_189 = tpu.memref_slice %arg6[%mul3A_182, %dma_start3A_188] : memref<10008x128xf32, #tpu.memory_space<vmem_shared>> -> memref<400x128xf32, #tpu.memory_space<vmem_shared>>
        tpu.enqueue_dma source(%dma_start3A_189 : memref<400x128xf32, #tpu.memory_space<vmem_shared>>) target(%dma_start3A_187 : memref<400x128xf32, #tpu.memory_space<hbm>>) target_semaphore(%run_scoped3A : memref<!tpu.dma_semaphore, #tpu.memory_space<semaphore_mem>>)
        %dma_wait3A_190 = arith.constant 0 : i32
        %dma_wait3A_191 = tpu.memref_slice %arg5[%arg0, %mul3A_184, %dma_wait3A_190] : memref<2x10000x128xf32, #tpu.memory_space<hbm>> -> memref<1x400x128xf32, #tpu.memory_space<hbm>>
        %dma_wait3A_192 = tpu.memref_squeeze %dma_wait3A_191 : memref<1x400x128xf32, #tpu.memory_space<hbm>> -> memref<400x128xf32, #tpu.memory_space<hbm>>
        %dma_wait3A_193 = arith.constant 0 : i32
        %dma_wait3A_194 = tpu.memref_slice %arg6[%mul3A_182, %dma_wait3A_193] : memref<10008x128xf32, #tpu.memory_space<vmem_shared>> -> memref<400x128xf32, #tpu.memory_space<vmem_shared>>
        tpu.wait_dma2 semaphore(%run_scoped3A : memref<!tpu.dma_semaphore, #tpu.memory_space<semaphore_mem>>) src(%dma_wait3A_194 : memref<400x128xf32, #tpu.memory_space<vmem_shared>>) dst(%dma_wait3A_192 : memref<400x128xf32, #tpu.memory_space<hbm>>)
        tpu.yield
      }) : () -> ()
    } else {
    }
    return
  }
}

#map = affine_map<(d0, d1) -> (0, 0, 0)>
#map1 = affine_map<(d0, d1) -> (0)>
module attributes {stable_mosaic.version = 14 : i64} {
  func.func @deg(%arg0: i32, %arg1: i32, %arg2: memref<32x125x80xi32, #tpu.memory_space<hbm>>, %arg3: memref<20000xf32, #tpu.memory_space<hbm>>, %arg4: memref<10008xf32, #tpu.memory_space<vmem_shared>>, %arg5: memref<125x80xi32, #tpu.memory_space<vmem>>, %arg6: memref<80xf32, #tpu.memory_space<vmem>>, %arg7: memref<640xf32, #tpu.memory_space<vmem>>, %arg8: memref<!tpu.dma_semaphore, #tpu.memory_space<semaphore_mem>>, %arg9: memref<!tpu.dma_semaphore, #tpu.memory_space<semaphore_mem>>) attributes {dimension_semantics = [#tpu.dimension_semantics<core_parallel>, #tpu.dimension_semantics<subcore_parallel>], iteration_bounds = array<i64: 2, 16>, scalar_prefetch = 0 : i64, scratch_operands = 6 : i64, tpu.core_type = #tpu.core_type<sc_vector_subcore>, window_params = [{transform_indices = #map}, {transform_indices = #map1}]} {
    %mul3A = arith.constant 2 : i32
    %mul3A_0 = arith.muli %arg1, %mul3A : i32
    %add3A = arith.addi %mul3A_0, %arg0 : i32
    %broadcast_in_dim3A = arith.constant 0.000000e+00 : f32
    %broadcast_in_dim3A_1 = vector.broadcast %broadcast_in_dim3A : f32 to vector<16xf32>
    %dma_start3A = arith.constant 0 : i32
    %dma_start3A_2 = arith.constant 0 : i32
    %dma_start3A_3 = tpu.memref_slice %arg2[%add3A, %dma_start3A, %dma_start3A_2] : memref<32x125x80xi32, #tpu.memory_space<hbm>> -> memref<1x125x80xi32, #tpu.memory_space<hbm>>
    %dma_start3A_4 = tpu.memref_squeeze %dma_start3A_3 : memref<1x125x80xi32, #tpu.memory_space<hbm>> -> memref<125x80xi32, #tpu.memory_space<hbm>>
    %dma_start3A_5 = arith.constant 0 : i32
    %dma_start3A_6 = arith.constant 0 : i32
    %dma_start3A_7 = tpu.memref_slice %arg2[%add3A, %dma_start3A_5, %dma_start3A_6] : memref<32x125x80xi32, #tpu.memory_space<hbm>> -> memref<1x125x80xi32, #tpu.memory_space<hbm>>
    %dma_start3A_8 = tpu.memref_squeeze %dma_start3A_7 : memref<1x125x80xi32, #tpu.memory_space<hbm>> -> memref<125x80xi32, #tpu.memory_space<hbm>>
    tpu.enqueue_dma source(%dma_start3A_8 : memref<125x80xi32, #tpu.memory_space<hbm>>) target(%arg5 : memref<125x80xi32, #tpu.memory_space<vmem>>) target_semaphore(%arg8 : memref<!tpu.dma_semaphore, #tpu.memory_space<semaphore_mem>>)
    %broadcast_in_dim3A_9 = arith.constant 1.000000e+00 : f32
    %broadcast_in_dim3A_10 = vector.broadcast %broadcast_in_dim3A_9 : f32 to vector<16xf32>
    %swap3A = arith.constant 0 : index
    %swap3A_11 = tpu.vector_load %arg6[%swap3A] {strides = array<i32>} : memref<80xf32, #tpu.memory_space<vmem>>, vector<16xf32>,
    %swap3A_12 = vector.shape_cast %swap3A_11 : vector<16xf32> to vector<16xf32>
    %swap3A_13 = vector.shape_cast %broadcast_in_dim3A_10 : vector<16xf32> to vector<16xf32>
    tpu.vector_store %arg6[%swap3A], %swap3A_13 {strides = array<i32>} : memref<80xf32, #tpu.memory_space<vmem>>, vector<16xf32>,
    %swap3A_14 = arith.constant 16 : index
    %swap3A_15 = tpu.vector_load %arg6[%swap3A_14] {strides = array<i32>} : memref<80xf32, #tpu.memory_space<vmem>>, vector<16xf32>,
    %swap3A_16 = vector.shape_cast %swap3A_15 : vector<16xf32> to vector<16xf32>
    %swap3A_17 = vector.shape_cast %broadcast_in_dim3A_10 : vector<16xf32> to vector<16xf32>
    tpu.vector_store %arg6[%swap3A_14], %swap3A_17 {strides = array<i32>} : memref<80xf32, #tpu.memory_space<vmem>>, vector<16xf32>,
    %swap3A_18 = arith.constant 32 : index
    %swap3A_19 = tpu.vector_load %arg6[%swap3A_18] {strides = array<i32>} : memref<80xf32, #tpu.memory_space<vmem>>, vector<16xf32>,
    %swap3A_20 = vector.shape_cast %swap3A_19 : vector<16xf32> to vector<16xf32>
    %swap3A_21 = vector.shape_cast %broadcast_in_dim3A_10 : vector<16xf32> to vector<16xf32>
    tpu.vector_store %arg6[%swap3A_18], %swap3A_21 {strides = array<i32>} : memref<80xf32, #tpu.memory_space<vmem>>, vector<16xf32>,
    %swap3A_22 = arith.constant 48 : index
    %swap3A_23 = tpu.vector_load %arg6[%swap3A_22] {strides = array<i32>} : memref<80xf32, #tpu.memory_space<vmem>>, vector<16xf32>,
    %swap3A_24 = vector.shape_cast %swap3A_23 : vector<16xf32> to vector<16xf32>
    %swap3A_25 = vector.shape_cast %broadcast_in_dim3A_10 : vector<16xf32> to vector<16xf32>
    tpu.vector_store %arg6[%swap3A_22], %swap3A_25 {strides = array<i32>} : memref<80xf32, #tpu.memory_space<vmem>>, vector<16xf32>,
    %swap3A_26 = arith.constant 64 : index
    %swap3A_27 = tpu.vector_load %arg6[%swap3A_26] {strides = array<i32>} : memref<80xf32, #tpu.memory_space<vmem>>, vector<16xf32>,
    %swap3A_28 = vector.shape_cast %swap3A_27 : vector<16xf32> to vector<16xf32>
    %swap3A_29 = vector.shape_cast %broadcast_in_dim3A_10 : vector<16xf32> to vector<16xf32>
    tpu.vector_store %arg6[%swap3A_26], %swap3A_29 {strides = array<i32>} : memref<80xf32, #tpu.memory_space<vmem>>, vector<16xf32>,
    %scan3A = arith.constant 0 : i32
    %scan3A_30 = arith.constant 0 : i32
    %scan3A_31 = arith.constant 40 : i32
    %scan3A_32 = arith.addi %scan3A_30, %scan3A_31 : i32
    %scan3A_33 = arith.constant 1 : i32
    scf.for %scan3A_65 = %scan3A_30 to %scan3A_32 step %scan3A_33  : i32 {
      %mul3A_66 = arith.constant 16 : i32
      %mul3A_67 = arith.muli %scan3A_65, %mul3A_66 : i32
      %swap3A_68 = arith.index_cast %mul3A_67 : i32 to index
      %swap3A_69 = tpu.vector_load %arg7[%swap3A_68] {strides = array<i32>} : memref<640xf32, #tpu.memory_space<vmem>>, vector<16xf32>,
      %swap3A_70 = vector.shape_cast %swap3A_69 : vector<16xf32> to vector<16xf32>
      %swap3A_71 = vector.shape_cast %broadcast_in_dim3A_1 : vector<16xf32> to vector<16xf32>
      tpu.vector_store %arg7[%swap3A_68], %swap3A_71 {strides = array<i32>} : memref<640xf32, #tpu.memory_space<vmem>>, vector<16xf32>,
    }
    %scan3A_34 = arith.constant 40 : i32
    %lt3A = arith.constant 15 : i32
    %lt3A_35 = arith.cmpi slt, %arg1, %lt3A : i32
    %convert_element_type3A = arith.extui %lt3A_35 : i1 to i32
    %cond3A = arith.constant 0 : i32
    %cond3A_36 = arith.cmpi ne, %convert_element_type3A, %cond3A : i32
    scf.if %cond3A_36 {
      %mul3A_65 = arith.constant 640 : i32
      %mul3A_66 = arith.muli %arg1, %mul3A_65 : i32
      "tpu.region"() ({
        %run_scoped3A = tpu.sem_alloc : memref<!tpu.dma_semaphore, #tpu.memory_space<semaphore_mem>>
        %dma_start3A_67 = tpu.memref_slice %arg4[%mul3A_66] : memref<10008xf32, #tpu.memory_space<vmem_shared>> -> memref<640xf32, #tpu.memory_space<vmem_shared>>
        %dma_start3A_68 = tpu.memref_slice %arg4[%mul3A_66] : memref<10008xf32, #tpu.memory_space<vmem_shared>> -> memref<640xf32, #tpu.memory_space<vmem_shared>>
        tpu.enqueue_dma source(%arg7 : memref<640xf32, #tpu.memory_space<vmem>>) target(%dma_start3A_68 : memref<640xf32, #tpu.memory_space<vmem_shared>>) target_semaphore(%run_scoped3A : memref<!tpu.dma_semaphore, #tpu.memory_space<semaphore_mem>>)
        %dma_wait3A_69 = tpu.memref_slice %arg4[%mul3A_66] : memref<10008xf32, #tpu.memory_space<vmem_shared>> -> memref<640xf32, #tpu.memory_space<vmem_shared>>
        %dma_wait3A_70 = tpu.memref_slice %arg4[%mul3A_66] : memref<10008xf32, #tpu.memory_space<vmem_shared>> -> memref<640xf32, #tpu.memory_space<vmem_shared>>
        tpu.wait_dma2 semaphore(%run_scoped3A : memref<!tpu.dma_semaphore, #tpu.memory_space<semaphore_mem>>) src(%arg7 : memref<640xf32, #tpu.memory_space<vmem>>) dst(%dma_wait3A_70 : memref<640xf32, #tpu.memory_space<vmem_shared>>)
        tpu.yield
      }) : () -> ()
    } else {
    }
    %eq3A = arith.constant 15 : i32
    %eq3A_37 = arith.cmpi eq, %arg1, %eq3A : i32
    %convert_element_type3A_38 = arith.extui %eq3A_37 : i1 to i32
    %cond3A_39 = arith.constant 0 : i32
    %cond3A_40 = arith.cmpi ne, %convert_element_type3A_38, %cond3A_39 : i32
    scf.if %cond3A_40 {
      %mul3A_65 = arith.constant 640 : i32
      %mul3A_66 = arith.muli %arg1, %mul3A_65 : i32
      "tpu.region"() ({
        %run_scoped3A = tpu.sem_alloc : memref<!tpu.dma_semaphore, #tpu.memory_space<semaphore_mem>>
        %dma_start3A_67 = arith.constant 0 : i32
        %dma_start3A_68 = tpu.memref_slice %arg7[%dma_start3A_67] : memref<640xf32, #tpu.memory_space<vmem>> -> memref<400xf32, #tpu.memory_space<vmem>>
        %dma_start3A_69 = tpu.memref_slice %arg4[%mul3A_66] : memref<10008xf32, #tpu.memory_space<vmem_shared>> -> memref<400xf32, #tpu.memory_space<vmem_shared>>
        %dma_start3A_70 = tpu.memref_slice %arg4[%mul3A_66] : memref<10008xf32, #tpu.memory_space<vmem_shared>> -> memref<400xf32, #tpu.memory_space<vmem_shared>>
        %dma_start3A_71 = arith.constant 0 : i32
        %dma_start3A_72 = tpu.memref_slice %arg7[%dma_start3A_71] : memref<640xf32, #tpu.memory_space<vmem>> -> memref<400xf32, #tpu.memory_space<vmem>>
        tpu.enqueue_dma source(%dma_start3A_72 : memref<400xf32, #tpu.memory_space<vmem>>) target(%dma_start3A_70 : memref<400xf32, #tpu.memory_space<vmem_shared>>) target_semaphore(%run_scoped3A : memref<!tpu.dma_semaphore, #tpu.memory_space<semaphore_mem>>)
        %dma_wait3A_73 = arith.constant 0 : i32
        %dma_wait3A_74 = tpu.memref_slice %arg7[%dma_wait3A_73] : memref<640xf32, #tpu.memory_space<vmem>> -> memref<400xf32, #tpu.memory_space<vmem>>
        %dma_wait3A_75 = tpu.memref_slice %arg4[%mul3A_66] : memref<10008xf32, #tpu.memory_space<vmem_shared>> -> memref<400xf32, #tpu.memory_space<vmem_shared>>
        %dma_wait3A_76 = tpu.memref_slice %arg4[%mul3A_66] : memref<10008xf32, #tpu.memory_space<vmem_shared>> -> memref<400xf32, #tpu.memory_space<vmem_shared>>
        %dma_wait3A_77 = arith.constant 0 : i32
        %dma_wait3A_78 = tpu.memref_slice %arg7[%dma_wait3A_77] : memref<640xf32, #tpu.memory_space<vmem>> -> memref<400xf32, #tpu.memory_space<vmem>>
        tpu.wait_dma2 semaphore(%run_scoped3A : memref<!tpu.dma_semaphore, #tpu.memory_space<semaphore_mem>>) src(%dma_wait3A_78 : memref<400xf32, #tpu.memory_space<vmem>>) dst(%dma_wait3A_76 : memref<400xf32, #tpu.memory_space<vmem_shared>>)
        tpu.yield
      }) : () -> ()
    } else {
    }
    %dma_wait3A = arith.constant 0 : i32
    %dma_wait3A_41 = arith.constant 0 : i32
    %dma_wait3A_42 = tpu.memref_slice %arg2[%add3A, %dma_wait3A, %dma_wait3A_41] : memref<32x125x80xi32, #tpu.memory_space<hbm>> -> memref<1x125x80xi32, #tpu.memory_space<hbm>>
    %dma_wait3A_43 = tpu.memref_squeeze %dma_wait3A_42 : memref<1x125x80xi32, #tpu.memory_space<hbm>> -> memref<125x80xi32, #tpu.memory_space<hbm>>
    %dma_wait3A_44 = arith.constant 0 : i32
    %dma_wait3A_45 = arith.constant 0 : i32
    %dma_wait3A_46 = tpu.memref_slice %arg2[%add3A, %dma_wait3A_44, %dma_wait3A_45] : memref<32x125x80xi32, #tpu.memory_space<hbm>> -> memref<1x125x80xi32, #tpu.memory_space<hbm>>
    %dma_wait3A_47 = tpu.memref_squeeze %dma_wait3A_46 : memref<1x125x80xi32, #tpu.memory_space<hbm>> -> memref<125x80xi32, #tpu.memory_space<hbm>>
    tpu.wait_dma2 semaphore(%arg8 : memref<!tpu.dma_semaphore, #tpu.memory_space<semaphore_mem>>) src(%dma_wait3A_47 : memref<125x80xi32, #tpu.memory_space<hbm>>) dst(%arg5 : memref<125x80xi32, #tpu.memory_space<vmem>>)
    %barrier3A = arith.constant 0 : index
    tpu.barrier barrier_id(%barrier3A)
    %scan3A_48 = arith.constant 0 : i32
    %scan3A_49 = arith.constant 0 : i32
    %scan3A_50 = arith.constant 25 : i32
    %scan3A_51 = arith.addi %scan3A_49, %scan3A_50 : i32
    %scan3A_52 = arith.constant 1 : i32
    scf.for %scan3A_65 = %scan3A_49 to %scan3A_51 step %scan3A_52  : i32 {
      %mul3A_66 = arith.constant 5 : i32
      %mul3A_67 = arith.muli %scan3A_65, %mul3A_66 : i32
      %add3A_68 = arith.constant 0 : i32
      %add3A_69 = arith.addi %mul3A_67, %add3A_68 : i32
      %dma_start3A_70 = arith.constant 0 : i32
      %dma_start3A_71 = tpu.memref_slice %arg5[%add3A_69, %dma_start3A_70] : memref<125x80xi32, #tpu.memory_space<vmem>> -> memref<1x80xi32, #tpu.memory_space<vmem>>
      %dma_start3A_72 = tpu.memref_squeeze %dma_start3A_71 : memref<1x80xi32, #tpu.memory_space<vmem>> -> memref<80xi32, #tpu.memory_space<vmem>>
      %dma_start3A_73 = arith.constant 0 : i32
      %dma_start3A_74 = tpu.memref_slice %arg4[%dma_start3A_73] : memref<10008xf32, #tpu.memory_space<vmem_shared>> -> memref<10008xf32, #tpu.memory_space<vmem_shared>>
      tpu.enqueue_indirect_dma source(%arg6 : memref<80xf32, #tpu.memory_space<vmem>>) target(%dma_start3A_74 : memref<10008xf32, #tpu.memory_space<vmem_shared>>) offsets(%dma_start3A_72 : memref<80xi32, #tpu.memory_space<vmem>>) semaphore(%arg9 : memref<!tpu.dma_semaphore, #tpu.memory_space<semaphore_mem>>) {add = true}
      %add3A_75 = arith.constant 1 : i32
      %add3A_76 = arith.addi %mul3A_67, %add3A_75 : i32
      %dma_start3A_77 = arith.constant 0 : i32
      %dma_start3A_78 = tpu.memref_slice %arg5[%add3A_76, %dma_start3A_77] : memref<125x80xi32, #tpu.memory_space<vmem>> -> memref<1x80xi32, #tpu.memory_space<vmem>>
      %dma_start3A_79 = tpu.memref_squeeze %dma_start3A_78 : memref<1x80xi32, #tpu.memory_space<vmem>> -> memref<80xi32, #tpu.memory_space<vmem>>
      %dma_start3A_80 = arith.constant 0 : i32
      %dma_start3A_81 = tpu.memref_slice %arg4[%dma_start3A_80] : memref<10008xf32, #tpu.memory_space<vmem_shared>> -> memref<10008xf32, #tpu.memory_space<vmem_shared>>
      tpu.enqueue_indirect_dma source(%arg6 : memref<80xf32, #tpu.memory_space<vmem>>) target(%dma_start3A_81 : memref<10008xf32, #tpu.memory_space<vmem_shared>>) offsets(%dma_start3A_79 : memref<80xi32, #tpu.memory_space<vmem>>) semaphore(%arg9 : memref<!tpu.dma_semaphore, #tpu.memory_space<semaphore_mem>>) {add = true}
      %add3A_82 = arith.constant 2 : i32
      %add3A_83 = arith.addi %mul3A_67, %add3A_82 : i32
      %dma_start3A_84 = arith.constant 0 : i32
      %dma_start3A_85 = tpu.memref_slice %arg5[%add3A_83, %dma_start3A_84] : memref<125x80xi32, #tpu.memory_space<vmem>> -> memref<1x80xi32, #tpu.memory_space<vmem>>
      %dma_start3A_86 = tpu.memref_squeeze %dma_start3A_85 : memref<1x80xi32, #tpu.memory_space<vmem>> -> memref<80xi32, #tpu.memory_space<vmem>>
      %dma_start3A_87 = arith.constant 0 : i32
      %dma_start3A_88 = tpu.memref_slice %arg4[%dma_start3A_87] : memref<10008xf32, #tpu.memory_space<vmem_shared>> -> memref<10008xf32, #tpu.memory_space<vmem_shared>>
      tpu.enqueue_indirect_dma source(%arg6 : memref<80xf32, #tpu.memory_space<vmem>>) target(%dma_start3A_88 : memref<10008xf32, #tpu.memory_space<vmem_shared>>) offsets(%dma_start3A_86 : memref<80xi32, #tpu.memory_space<vmem>>) semaphore(%arg9 : memref<!tpu.dma_semaphore, #tpu.memory_space<semaphore_mem>>) {add = true}
      %add3A_89 = arith.constant 3 : i32
      %add3A_90 = arith.addi %mul3A_67, %add3A_89 : i32
      %dma_start3A_91 = arith.constant 0 : i32
      %dma_start3A_92 = tpu.memref_slice %arg5[%add3A_90, %dma_start3A_91] : memref<125x80xi32, #tpu.memory_space<vmem>> -> memref<1x80xi32, #tpu.memory_space<vmem>>
      %dma_start3A_93 = tpu.memref_squeeze %dma_start3A_92 : memref<1x80xi32, #tpu.memory_space<vmem>> -> memref<80xi32, #tpu.memory_space<vmem>>
      %dma_start3A_94 = arith.constant 0 : i32
      %dma_start3A_95 = tpu.memref_slice %arg4[%dma_start3A_94] : memref<10008xf32, #tpu.memory_space<vmem_shared>> -> memref<10008xf32, #tpu.memory_space<vmem_shared>>
      tpu.enqueue_indirect_dma source(%arg6 : memref<80xf32, #tpu.memory_space<vmem>>) target(%dma_start3A_95 : memref<10008xf32, #tpu.memory_space<vmem_shared>>) offsets(%dma_start3A_93 : memref<80xi32, #tpu.memory_space<vmem>>) semaphore(%arg9 : memref<!tpu.dma_semaphore, #tpu.memory_space<semaphore_mem>>) {add = true}
      %add3A_96 = arith.constant 4 : i32
      %add3A_97 = arith.addi %mul3A_67, %add3A_96 : i32
      %dma_start3A_98 = arith.constant 0 : i32
      %dma_start3A_99 = tpu.memref_slice %arg5[%add3A_97, %dma_start3A_98] : memref<125x80xi32, #tpu.memory_space<vmem>> -> memref<1x80xi32, #tpu.memory_space<vmem>>
      %dma_start3A_100 = tpu.memref_squeeze %dma_start3A_99 : memref<1x80xi32, #tpu.memory_space<vmem>> -> memref<80xi32, #tpu.memory_space<vmem>>
      %dma_start3A_101 = arith.constant 0 : i32
      %dma_start3A_102 = tpu.memref_slice %arg4[%dma_start3A_101] : memref<10008xf32, #tpu.memory_space<vmem_shared>> -> memref<10008xf32, #tpu.memory_space<vmem_shared>>
      tpu.enqueue_indirect_dma source(%arg6 : memref<80xf32, #tpu.memory_space<vmem>>) target(%dma_start3A_102 : memref<10008xf32, #tpu.memory_space<vmem_shared>>) offsets(%dma_start3A_100 : memref<80xi32, #tpu.memory_space<vmem>>) semaphore(%arg9 : memref<!tpu.dma_semaphore, #tpu.memory_space<semaphore_mem>>) {add = true}
      %add3A_103 = arith.constant 0 : i32
      %add3A_104 = arith.addi %mul3A_67, %add3A_103 : i32
      %dma_wait3A_105 = arith.constant 0 : i32
      %dma_wait3A_106 = tpu.memref_slice %arg5[%add3A_104, %dma_wait3A_105] : memref<125x80xi32, #tpu.memory_space<vmem>> -> memref<1x80xi32, #tpu.memory_space<vmem>>
      %dma_wait3A_107 = tpu.memref_squeeze %dma_wait3A_106 : memref<1x80xi32, #tpu.memory_space<vmem>> -> memref<80xi32, #tpu.memory_space<vmem>>
      %dma_wait3A_108 = arith.constant 0 : i32
      %dma_wait3A_109 = tpu.memref_slice %arg4[%dma_wait3A_108] : memref<10008xf32, #tpu.memory_space<vmem_shared>> -> memref<10008xf32, #tpu.memory_space<vmem_shared>>
      tpu.wait_indirect_dma semaphore(%arg9 : memref<!tpu.dma_semaphore, #tpu.memory_space<semaphore_mem>>) src(%arg6 : memref<80xf32, #tpu.memory_space<vmem>>) dst(%dma_wait3A_109 : memref<10008xf32, #tpu.memory_space<vmem_shared>>)
      %add3A_110 = arith.constant 1 : i32
      %add3A_111 = arith.addi %mul3A_67, %add3A_110 : i32
      %dma_wait3A_112 = arith.constant 0 : i32
      %dma_wait3A_113 = tpu.memref_slice %arg5[%add3A_111, %dma_wait3A_112] : memref<125x80xi32, #tpu.memory_space<vmem>> -> memref<1x80xi32, #tpu.memory_space<vmem>>
      %dma_wait3A_114 = tpu.memref_squeeze %dma_wait3A_113 : memref<1x80xi32, #tpu.memory_space<vmem>> -> memref<80xi32, #tpu.memory_space<vmem>>
      %dma_wait3A_115 = arith.constant 0 : i32
      %dma_wait3A_116 = tpu.memref_slice %arg4[%dma_wait3A_115] : memref<10008xf32, #tpu.memory_space<vmem_shared>> -> memref<10008xf32, #tpu.memory_space<vmem_shared>>
      tpu.wait_indirect_dma semaphore(%arg9 : memref<!tpu.dma_semaphore, #tpu.memory_space<semaphore_mem>>) src(%arg6 : memref<80xf32, #tpu.memory_space<vmem>>) dst(%dma_wait3A_116 : memref<10008xf32, #tpu.memory_space<vmem_shared>>)
      %add3A_117 = arith.constant 2 : i32
      %add3A_118 = arith.addi %mul3A_67, %add3A_117 : i32
      %dma_wait3A_119 = arith.constant 0 : i32
      %dma_wait3A_120 = tpu.memref_slice %arg5[%add3A_118, %dma_wait3A_119] : memref<125x80xi32, #tpu.memory_space<vmem>> -> memref<1x80xi32, #tpu.memory_space<vmem>>
      %dma_wait3A_121 = tpu.memref_squeeze %dma_wait3A_120 : memref<1x80xi32, #tpu.memory_space<vmem>> -> memref<80xi32, #tpu.memory_space<vmem>>
      %dma_wait3A_122 = arith.constant 0 : i32
      %dma_wait3A_123 = tpu.memref_slice %arg4[%dma_wait3A_122] : memref<10008xf32, #tpu.memory_space<vmem_shared>> -> memref<10008xf32, #tpu.memory_space<vmem_shared>>
      tpu.wait_indirect_dma semaphore(%arg9 : memref<!tpu.dma_semaphore, #tpu.memory_space<semaphore_mem>>) src(%arg6 : memref<80xf32, #tpu.memory_space<vmem>>) dst(%dma_wait3A_123 : memref<10008xf32, #tpu.memory_space<vmem_shared>>)
      %add3A_124 = arith.constant 3 : i32
      %add3A_125 = arith.addi %mul3A_67, %add3A_124 : i32
      %dma_wait3A_126 = arith.constant 0 : i32
      %dma_wait3A_127 = tpu.memref_slice %arg5[%add3A_125, %dma_wait3A_126] : memref<125x80xi32, #tpu.memory_space<vmem>> -> memref<1x80xi32, #tpu.memory_space<vmem>>
      %dma_wait3A_128 = tpu.memref_squeeze %dma_wait3A_127 : memref<1x80xi32, #tpu.memory_space<vmem>> -> memref<80xi32, #tpu.memory_space<vmem>>
      %dma_wait3A_129 = arith.constant 0 : i32
      %dma_wait3A_130 = tpu.memref_slice %arg4[%dma_wait3A_129] : memref<10008xf32, #tpu.memory_space<vmem_shared>> -> memref<10008xf32, #tpu.memory_space<vmem_shared>>
      tpu.wait_indirect_dma semaphore(%arg9 : memref<!tpu.dma_semaphore, #tpu.memory_space<semaphore_mem>>) src(%arg6 : memref<80xf32, #tpu.memory_space<vmem>>) dst(%dma_wait3A_130 : memref<10008xf32, #tpu.memory_space<vmem_shared>>)
      %add3A_131 = arith.constant 4 : i32
      %add3A_132 = arith.addi %mul3A_67, %add3A_131 : i32
      %dma_wait3A_133 = arith.constant 0 : i32
      %dma_wait3A_134 = tpu.memref_slice %arg5[%add3A_132, %dma_wait3A_133] : memref<125x80xi32, #tpu.memory_space<vmem>> -> memref<1x80xi32, #tpu.memory_space<vmem>>
      %dma_wait3A_135 = tpu.memref_squeeze %dma_wait3A_134 : memref<1x80xi32, #tpu.memory_space<vmem>> -> memref<80xi32, #tpu.memory_space<vmem>>
      %dma_wait3A_136 = arith.constant 0 : i32
      %dma_wait3A_137 = tpu.memref_slice %arg4[%dma_wait3A_136] : memref<10008xf32, #tpu.memory_space<vmem_shared>> -> memref<10008xf32, #tpu.memory_space<vmem_shared>>
      tpu.wait_indirect_dma semaphore(%arg9 : memref<!tpu.dma_semaphore, #tpu.memory_space<semaphore_mem>>) src(%arg6 : memref<80xf32, #tpu.memory_space<vmem>>) dst(%dma_wait3A_137 : memref<10008xf32, #tpu.memory_space<vmem_shared>>)
    }
    %scan3A_53 = arith.constant 25 : i32
    %barrier3A_54 = arith.constant 0 : index
    tpu.barrier barrier_id(%barrier3A_54)
    %lt3A_55 = arith.constant 15 : i32
    %lt3A_56 = arith.cmpi slt, %arg1, %lt3A_55 : i32
    %convert_element_type3A_57 = arith.extui %lt3A_56 : i1 to i32
    %cond3A_58 = arith.constant 0 : i32
    %cond3A_59 = arith.cmpi ne, %convert_element_type3A_57, %cond3A_58 : i32
    scf.if %cond3A_59 {
      %mul3A_65 = arith.constant 640 : i32
      %mul3A_66 = arith.muli %arg1, %mul3A_65 : i32
      "tpu.region"() ({
        %run_scoped3A = tpu.sem_alloc : memref<!tpu.dma_semaphore, #tpu.memory_space<semaphore_mem>>
        %dma_start3A_72 = tpu.memref_slice %arg4[%mul3A_66] : memref<10008xf32, #tpu.memory_space<vmem_shared>> -> memref<640xf32, #tpu.memory_space<vmem_shared>>
        %dma_start3A_73 = tpu.memref_slice %arg4[%mul3A_66] : memref<10008xf32, #tpu.memory_space<vmem_shared>> -> memref<640xf32, #tpu.memory_space<vmem_shared>>
        tpu.enqueue_dma source(%dma_start3A_73 : memref<640xf32, #tpu.memory_space<vmem_shared>>) target(%arg7 : memref<640xf32, #tpu.memory_space<vmem>>) target_semaphore(%run_scoped3A : memref<!tpu.dma_semaphore, #tpu.memory_space<semaphore_mem>>)
        %dma_wait3A_74 = tpu.memref_slice %arg4[%mul3A_66] : memref<10008xf32, #tpu.memory_space<vmem_shared>> -> memref<640xf32, #tpu.memory_space<vmem_shared>>
        %dma_wait3A_75 = tpu.memref_slice %arg4[%mul3A_66] : memref<10008xf32, #tpu.memory_space<vmem_shared>> -> memref<640xf32, #tpu.memory_space<vmem_shared>>
        tpu.wait_dma2 semaphore(%run_scoped3A : memref<!tpu.dma_semaphore, #tpu.memory_space<semaphore_mem>>) src(%dma_wait3A_75 : memref<640xf32, #tpu.memory_space<vmem_shared>>) dst(%arg7 : memref<640xf32, #tpu.memory_space<vmem>>)
        tpu.yield
      }) : () -> ()
      %mul3A_67 = arith.constant 10000 : i32
      %mul3A_68 = arith.muli %arg0, %mul3A_67 : i32
      %mul3A_69 = arith.constant 640 : i32
      %mul3A_70 = arith.muli %arg1, %mul3A_69 : i32
      %add3A_71 = arith.addi %mul3A_68, %mul3A_70 : i32
      "tpu.region"() ({
        %run_scoped3A = tpu.sem_alloc : memref<!tpu.dma_semaphore, #tpu.memory_space<semaphore_mem>>
        %dma_start3A_72 = tpu.memref_slice %arg3[%add3A_71] : memref<20000xf32, #tpu.memory_space<hbm>> -> memref<640xf32, #tpu.memory_space<hbm>>
        %dma_start3A_73 = tpu.memref_slice %arg3[%add3A_71] : memref<20000xf32, #tpu.memory_space<hbm>> -> memref<640xf32, #tpu.memory_space<hbm>>
        tpu.enqueue_dma source(%arg7 : memref<640xf32, #tpu.memory_space<vmem>>) target(%dma_start3A_73 : memref<640xf32, #tpu.memory_space<hbm>>) target_semaphore(%run_scoped3A : memref<!tpu.dma_semaphore, #tpu.memory_space<semaphore_mem>>)
        %dma_wait3A_74 = tpu.memref_slice %arg3[%add3A_71] : memref<20000xf32, #tpu.memory_space<hbm>> -> memref<640xf32, #tpu.memory_space<hbm>>
        %dma_wait3A_75 = tpu.memref_slice %arg3[%add3A_71] : memref<20000xf32, #tpu.memory_space<hbm>> -> memref<640xf32, #tpu.memory_space<hbm>>
        tpu.wait_dma2 semaphore(%run_scoped3A : memref<!tpu.dma_semaphore, #tpu.memory_space<semaphore_mem>>) src(%arg7 : memref<640xf32, #tpu.memory_space<vmem>>) dst(%dma_wait3A_75 : memref<640xf32, #tpu.memory_space<hbm>>)
        tpu.yield
      }) : () -> ()
    } else {
    }
    %eq3A_60 = arith.constant 15 : i32
    %eq3A_61 = arith.cmpi eq, %arg1, %eq3A_60 : i32
    %convert_element_type3A_62 = arith.extui %eq3A_61 : i1 to i32
    %cond3A_63 = arith.constant 0 : i32
    %cond3A_64 = arith.cmpi ne, %convert_element_type3A_62, %cond3A_63 : i32
    scf.if %cond3A_64 {
      %mul3A_65 = arith.constant 640 : i32
      %mul3A_66 = arith.muli %arg1, %mul3A_65 : i32
      "tpu.region"() ({
        %run_scoped3A = tpu.sem_alloc : memref<!tpu.dma_semaphore, #tpu.memory_space<semaphore_mem>>
        %dma_start3A_72 = arith.constant 0 : i32
        %dma_start3A_73 = tpu.memref_slice %arg7[%dma_start3A_72] : memref<640xf32, #tpu.memory_space<vmem>> -> memref<400xf32, #tpu.memory_space<vmem>>
        %dma_start3A_74 = tpu.memref_slice %arg4[%mul3A_66] : memref<10008xf32, #tpu.memory_space<vmem_shared>> -> memref<400xf32, #tpu.memory_space<vmem_shared>>
        %dma_start3A_75 = arith.constant 0 : i32
        %dma_start3A_76 = tpu.memref_slice %arg7[%dma_start3A_75] : memref<640xf32, #tpu.memory_space<vmem>> -> memref<400xf32, #tpu.memory_space<vmem>>
        %dma_start3A_77 = tpu.memref_slice %arg4[%mul3A_66] : memref<10008xf32, #tpu.memory_space<vmem_shared>> -> memref<400xf32, #tpu.memory_space<vmem_shared>>
        tpu.enqueue_dma source(%dma_start3A_77 : memref<400xf32, #tpu.memory_space<vmem_shared>>) target(%dma_start3A_76 : memref<400xf32, #tpu.memory_space<vmem>>) target_semaphore(%run_scoped3A : memref<!tpu.dma_semaphore, #tpu.memory_space<semaphore_mem>>)
        %dma_wait3A_78 = arith.constant 0 : i32
        %dma_wait3A_79 = tpu.memref_slice %arg7[%dma_wait3A_78] : memref<640xf32, #tpu.memory_space<vmem>> -> memref<400xf32, #tpu.memory_space<vmem>>
        %dma_wait3A_80 = tpu.memref_slice %arg4[%mul3A_66] : memref<10008xf32, #tpu.memory_space<vmem_shared>> -> memref<400xf32, #tpu.memory_space<vmem_shared>>
        %dma_wait3A_81 = arith.constant 0 : i32
        %dma_wait3A_82 = tpu.memref_slice %arg7[%dma_wait3A_81] : memref<640xf32, #tpu.memory_space<vmem>> -> memref<400xf32, #tpu.memory_space<vmem>>
        %dma_wait3A_83 = tpu.memref_slice %arg4[%mul3A_66] : memref<10008xf32, #tpu.memory_space<vmem_shared>> -> memref<400xf32, #tpu.memory_space<vmem_shared>>
        tpu.wait_dma2 semaphore(%run_scoped3A : memref<!tpu.dma_semaphore, #tpu.memory_space<semaphore_mem>>) src(%dma_wait3A_83 : memref<400xf32, #tpu.memory_space<vmem_shared>>) dst(%dma_wait3A_82 : memref<400xf32, #tpu.memory_space<vmem>>)
        tpu.yield
      }) : () -> ()
      %mul3A_67 = arith.constant 10000 : i32
      %mul3A_68 = arith.muli %arg0, %mul3A_67 : i32
      %mul3A_69 = arith.constant 640 : i32
      %mul3A_70 = arith.muli %arg1, %mul3A_69 : i32
      %add3A_71 = arith.addi %mul3A_68, %mul3A_70 : i32
      "tpu.region"() ({
        %run_scoped3A = tpu.sem_alloc : memref<!tpu.dma_semaphore, #tpu.memory_space<semaphore_mem>>
        %dma_start3A_72 = arith.constant 0 : i32
        %dma_start3A_73 = tpu.memref_slice %arg7[%dma_start3A_72] : memref<640xf32, #tpu.memory_space<vmem>> -> memref<400xf32, #tpu.memory_space<vmem>>
        %dma_start3A_74 = tpu.memref_slice %arg3[%add3A_71] : memref<20000xf32, #tpu.memory_space<hbm>> -> memref<400xf32, #tpu.memory_space<hbm>>
        %dma_start3A_75 = tpu.memref_slice %arg3[%add3A_71] : memref<20000xf32, #tpu.memory_space<hbm>> -> memref<400xf32, #tpu.memory_space<hbm>>
        %dma_start3A_76 = arith.constant 0 : i32
        %dma_start3A_77 = tpu.memref_slice %arg7[%dma_start3A_76] : memref<640xf32, #tpu.memory_space<vmem>> -> memref<400xf32, #tpu.memory_space<vmem>>
        tpu.enqueue_dma source(%dma_start3A_77 : memref<400xf32, #tpu.memory_space<vmem>>) target(%dma_start3A_75 : memref<400xf32, #tpu.memory_space<hbm>>) target_semaphore(%run_scoped3A : memref<!tpu.dma_semaphore, #tpu.memory_space<semaphore_mem>>)
        %dma_wait3A_78 = arith.constant 0 : i32
        %dma_wait3A_79 = tpu.memref_slice %arg7[%dma_wait3A_78] : memref<640xf32, #tpu.memory_space<vmem>> -> memref<400xf32, #tpu.memory_space<vmem>>
        %dma_wait3A_80 = tpu.memref_slice %arg3[%add3A_71] : memref<20000xf32, #tpu.memory_space<hbm>> -> memref<400xf32, #tpu.memory_space<hbm>>
        %dma_wait3A_81 = tpu.memref_slice %arg3[%add3A_71] : memref<20000xf32, #tpu.memory_space<hbm>> -> memref<400xf32, #tpu.memory_space<hbm>>
        %dma_wait3A_82 = arith.constant 0 : i32
        %dma_wait3A_83 = tpu.memref_slice %arg7[%dma_wait3A_82] : memref<640xf32, #tpu.memory_space<vmem>> -> memref<400xf32, #tpu.memory_space<vmem>>
        tpu.wait_dma2 semaphore(%run_scoped3A : memref<!tpu.dma_semaphore, #tpu.memory_space<semaphore_mem>>) src(%dma_wait3A_83 : memref<400xf32, #tpu.memory_space<vmem>>) dst(%dma_wait3A_81 : memref<400xf32, #tpu.memory_space<hbm>>)
        tpu.yield
      }) : () -> ()
    } else {
    }
    return
  }
}

#map = affine_map<(d0, d1) -> (0, 0)>
#map1 = affine_map<(d0, d1) -> (0)>
#map2 = affine_map<(d0, d1) -> (0, 0, 0)>
module attributes {stable_mosaic.version = 14 : i64} {
  func.func @agg(%arg0: i32, %arg1: i32, %arg2: memref<10000x128xf32, #tpu.memory_space<hbm>>, %arg3: memref<320000xi32, #tpu.memory_space<hbm>>, %arg4: memref<32x125x80xi32, #tpu.memory_space<hbm>>, %arg5: memref<2x10000x128xf32, #tpu.memory_space<hbm>>, %arg6: memref<10008x128xf32, #tpu.memory_space<vmem_shared>>, %arg7: memref<4x80xi32, #tpu.memory_space<vmem>>, %arg8: memref<125x80xi32, #tpu.memory_space<vmem>>, %arg9: memref<80x128xf32, #tpu.memory_space<vmem>>, %arg10: memref<80x128xf32, #tpu.memory_space<vmem>>, %arg11: memref<80x128xf32, #tpu.memory_space<vmem>>, %arg12: memref<!tpu.dma_semaphore, #tpu.memory_space<semaphore_mem>>, %arg13: memref<!tpu.dma_semaphore, #tpu.memory_space<semaphore_mem>>, %arg14: memref<!tpu.dma_semaphore, #tpu.memory_space<semaphore_mem>>, %arg15: memref<!tpu.dma_semaphore, #tpu.memory_space<semaphore_mem>>, %arg16: memref<!tpu.dma_semaphore, #tpu.memory_space<semaphore_mem>>, %arg17: memref<!tpu.dma_semaphore, #tpu.memory_space<semaphore_mem>>, %arg18: memref<4x!tpu.dma_semaphore, #tpu.memory_space<semaphore_mem>>, %arg19: memref<!tpu.dma_semaphore, #tpu.memory_space<semaphore_mem>>) attributes {dimension_semantics = [#tpu.dimension_semantics<core_parallel>, #tpu.dimension_semantics<subcore_parallel>], iteration_bounds = array<i64: 2, 16>, scalar_prefetch = 0 : i64, scratch_operands = 14 : i64, tpu.core_type = #tpu.core_type<sc_vector_subcore>, window_params = [{transform_indices = #map}, {transform_indices = #map1}, {transform_indices = #map2}, {transform_indices = #map2}]} {
    %mul3A = arith.constant 2 : i32
    %mul3A_0 = arith.muli %arg1, %mul3A : i32
    %add3A = arith.addi %mul3A_0, %arg0 : i32
    %mul3A_1 = arith.constant 10000 : i32
    %mul3A_2 = arith.muli %add3A, %mul3A_1 : i32
    %broadcast_in_dim3A = arith.constant 0.000000e+00 : f32
    %broadcast_in_dim3A_3 = vector.broadcast %broadcast_in_dim3A : f32 to vector<16xf32>
    %add3A_4 = arith.constant 0 : i32
    %add3A_5 = arith.addi %mul3A_2, %add3A_4 : i32
    %multiple_of3A = tpu.assume_multiple %add3A_5, 8 : i32
    %dma_start3A = arith.constant 0 : i32
    %dma_start3A_6 = arith.constant 0 : i32
    %dma_start3A_7 = arith.constant 0 : i32
    %dma_start3A_8 = tpu.memref_slice %arg7[%dma_start3A, %dma_start3A_7] : memref<4x80xi32, #tpu.memory_space<vmem>> -> memref<1x80xi32, #tpu.memory_space<vmem>>
    %dma_start3A_9 = tpu.memref_squeeze %dma_start3A_8 : memref<1x80xi32, #tpu.memory_space<vmem>> -> memref<80xi32, #tpu.memory_space<vmem>>
    %dma_start3A_10 = tpu.memref_slice %arg3[%multiple_of3A] : memref<320000xi32, #tpu.memory_space<hbm>> -> memref<80xi32, #tpu.memory_space<hbm>>
    %dma_start3A_11 = tpu.memref_slice %arg18[%dma_start3A_6] : memref<4x!tpu.dma_semaphore, #tpu.memory_space<semaphore_mem>> -> memref<1x!tpu.dma_semaphore, #tpu.memory_space<semaphore_mem>>
    %dma_start3A_12 = tpu.memref_squeeze %dma_start3A_11 : memref<1x!tpu.dma_semaphore, #tpu.memory_space<semaphore_mem>> -> memref<!tpu.dma_semaphore, #tpu.memory_space<semaphore_mem>>
    %dma_start3A_13 = arith.constant 0 : i32
    %dma_start3A_14 = tpu.memref_slice %arg7[%dma_start3A, %dma_start3A_13] : memref<4x80xi32, #tpu.memory_space<vmem>> -> memref<1x80xi32, #tpu.memory_space<vmem>>
    %dma_start3A_15 = tpu.memref_squeeze %dma_start3A_14 : memref<1x80xi32, #tpu.memory_space<vmem>> -> memref<80xi32, #tpu.memory_space<vmem>>
    %dma_start3A_16 = tpu.memref_slice %arg3[%multiple_of3A] : memref<320000xi32, #tpu.memory_space<hbm>> -> memref<80xi32, #tpu.memory_space<hbm>>
    tpu.enqueue_dma source(%dma_start3A_16 : memref<80xi32, #tpu.memory_space<hbm>>) target(%dma_start3A_15 : memref<80xi32, #tpu.memory_space<vmem>>) target_semaphore(%dma_start3A_12 : memref<!tpu.dma_semaphore, #tpu.memory_space<semaphore_mem>>)
    %add3A_17 = arith.constant 80 : i32
    %add3A_18 = arith.addi %mul3A_2, %add3A_17 : i32
    %multiple_of3A_19 = tpu.assume_multiple %add3A_18, 8 : i32
    %dma_start3A_20 = arith.constant 1 : i32
    %dma_start3A_21 = arith.constant 1 : i32
    %dma_start3A_22 = arith.constant 0 : i32
    %dma_start3A_23 = tpu.memref_slice %arg7[%dma_start3A_20, %dma_start3A_22] : memref<4x80xi32, #tpu.memory_space<vmem>> -> memref<1x80xi32, #tpu.memory_space<vmem>>
    %dma_start3A_24 = tpu.memref_squeeze %dma_start3A_23 : memref<1x80xi32, #tpu.memory_space<vmem>> -> memref<80xi32, #tpu.memory_space<vmem>>
    %dma_start3A_25 = tpu.memref_slice %arg3[%multiple_of3A_19] : memref<320000xi32, #tpu.memory_space<hbm>> -> memref<80xi32, #tpu.memory_space<hbm>>
    %dma_start3A_26 = tpu.memref_slice %arg18[%dma_start3A_21] : memref<4x!tpu.dma_semaphore, #tpu.memory_space<semaphore_mem>> -> memref<1x!tpu.dma_semaphore, #tpu.memory_space<semaphore_mem>>
    %dma_start3A_27 = tpu.memref_squeeze %dma_start3A_26 : memref<1x!tpu.dma_semaphore, #tpu.memory_space<semaphore_mem>> -> memref<!tpu.dma_semaphore, #tpu.memory_space<semaphore_mem>>
    %dma_start3A_28 = arith.constant 0 : i32
    %dma_start3A_29 = tpu.memref_slice %arg7[%dma_start3A_20, %dma_start3A_28] : memref<4x80xi32, #tpu.memory_space<vmem>> -> memref<1x80xi32, #tpu.memory_space<vmem>>
    %dma_start3A_30 = tpu.memref_squeeze %dma_start3A_29 : memref<1x80xi32, #tpu.memory_space<vmem>> -> memref<80xi32, #tpu.memory_space<vmem>>
    %dma_start3A_31 = tpu.memref_slice %arg3[%multiple_of3A_19] : memref<320000xi32, #tpu.memory_space<hbm>> -> memref<80xi32, #tpu.memory_space<hbm>>
    tpu.enqueue_dma source(%dma_start3A_31 : memref<80xi32, #tpu.memory_space<hbm>>) target(%dma_start3A_30 : memref<80xi32, #tpu.memory_space<vmem>>) target_semaphore(%dma_start3A_27 : memref<!tpu.dma_semaphore, #tpu.memory_space<semaphore_mem>>)
    %add3A_32 = arith.constant 160 : i32
    %add3A_33 = arith.addi %mul3A_2, %add3A_32 : i32
    %multiple_of3A_34 = tpu.assume_multiple %add3A_33, 8 : i32
    %dma_start3A_35 = arith.constant 2 : i32
    %dma_start3A_36 = arith.constant 2 : i32
    %dma_start3A_37 = arith.constant 0 : i32
    %dma_start3A_38 = tpu.memref_slice %arg7[%dma_start3A_35, %dma_start3A_37] : memref<4x80xi32, #tpu.memory_space<vmem>> -> memref<1x80xi32, #tpu.memory_space<vmem>>
    %dma_start3A_39 = tpu.memref_squeeze %dma_start3A_38 : memref<1x80xi32, #tpu.memory_space<vmem>> -> memref<80xi32, #tpu.memory_space<vmem>>
    %dma_start3A_40 = tpu.memref_slice %arg3[%multiple_of3A_34] : memref<320000xi32, #tpu.memory_space<hbm>> -> memref<80xi32, #tpu.memory_space<hbm>>
    %dma_start3A_41 = tpu.memref_slice %arg18[%dma_start3A_36] : memref<4x!tpu.dma_semaphore, #tpu.memory_space<semaphore_mem>> -> memref<1x!tpu.dma_semaphore, #tpu.memory_space<semaphore_mem>>
    %dma_start3A_42 = tpu.memref_squeeze %dma_start3A_41 : memref<1x!tpu.dma_semaphore, #tpu.memory_space<semaphore_mem>> -> memref<!tpu.dma_semaphore, #tpu.memory_space<semaphore_mem>>
    %dma_start3A_43 = arith.constant 0 : i32
    %dma_start3A_44 = tpu.memref_slice %arg7[%dma_start3A_35, %dma_start3A_43] : memref<4x80xi32, #tpu.memory_space<vmem>> -> memref<1x80xi32, #tpu.memory_space<vmem>>
    %dma_start3A_45 = tpu.memref_squeeze %dma_start3A_44 : memref<1x80xi32, #tpu.memory_space<vmem>> -> memref<80xi32, #tpu.memory_space<vmem>>
    %dma_start3A_46 = tpu.memref_slice %arg3[%multiple_of3A_34] : memref<320000xi32, #tpu.memory_space<hbm>> -> memref<80xi32, #tpu.memory_space<hbm>>
    tpu.enqueue_dma source(%dma_start3A_46 : memref<80xi32, #tpu.memory_space<hbm>>) target(%dma_start3A_45 : memref<80xi32, #tpu.memory_space<vmem>>) target_semaphore(%dma_start3A_42 : memref<!tpu.dma_semaphore, #tpu.memory_space<semaphore_mem>>)
    %add3A_47 = arith.constant 240 : i32
    %add3A_48 = arith.addi %mul3A_2, %add3A_47 : i32
    %multiple_of3A_49 = tpu.assume_multiple %add3A_48, 8 : i32
    %dma_start3A_50 = arith.constant 3 : i32
    %dma_start3A_51 = arith.constant 3 : i32
    %dma_start3A_52 = arith.constant 0 : i32
    %dma_start3A_53 = tpu.memref_slice %arg7[%dma_start3A_50, %dma_start3A_52] : memref<4x80xi32, #tpu.memory_space<vmem>> -> memref<1x80xi32, #tpu.memory_space<vmem>>
    %dma_start3A_54 = tpu.memref_squeeze %dma_start3A_53 : memref<1x80xi32, #tpu.memory_space<vmem>> -> memref<80xi32, #tpu.memory_space<vmem>>
    %dma_start3A_55 = tpu.memref_slice %arg3[%multiple_of3A_49] : memref<320000xi32, #tpu.memory_space<hbm>> -> memref<80xi32, #tpu.memory_space<hbm>>
    %dma_start3A_56 = tpu.memref_slice %arg18[%dma_start3A_51] : memref<4x!tpu.dma_semaphore, #tpu.memory_space<semaphore_mem>> -> memref<1x!tpu.dma_semaphore, #tpu.memory_space<semaphore_mem>>
    %dma_start3A_57 = tpu.memref_squeeze %dma_start3A_56 : memref<1x!tpu.dma_semaphore, #tpu.memory_space<semaphore_mem>> -> memref<!tpu.dma_semaphore, #tpu.memory_space<semaphore_mem>>
    %dma_start3A_58 = arith.constant 0 : i32
    %dma_start3A_59 = tpu.memref_slice %arg7[%dma_start3A_50, %dma_start3A_58] : memref<4x80xi32, #tpu.memory_space<vmem>> -> memref<1x80xi32, #tpu.memory_space<vmem>>
    %dma_start3A_60 = tpu.memref_squeeze %dma_start3A_59 : memref<1x80xi32, #tpu.memory_space<vmem>> -> memref<80xi32, #tpu.memory_space<vmem>>
    %dma_start3A_61 = tpu.memref_slice %arg3[%multiple_of3A_49] : memref<320000xi32, #tpu.memory_space<hbm>> -> memref<80xi32, #tpu.memory_space<hbm>>
    tpu.enqueue_dma source(%dma_start3A_61 : memref<80xi32, #tpu.memory_space<hbm>>) target(%dma_start3A_60 : memref<80xi32, #tpu.memory_space<vmem>>) target_semaphore(%dma_start3A_57 : memref<!tpu.dma_semaphore, #tpu.memory_space<semaphore_mem>>)
    %dma_start3A_62 = arith.constant 0 : i32
    %dma_start3A_63 = arith.constant 0 : i32
    %dma_start3A_64 = tpu.memref_slice %arg4[%add3A, %dma_start3A_62, %dma_start3A_63] : memref<32x125x80xi32, #tpu.memory_space<hbm>> -> memref<1x125x80xi32, #tpu.memory_space<hbm>>
    %dma_start3A_65 = tpu.memref_squeeze %dma_start3A_64 : memref<1x125x80xi32, #tpu.memory_space<hbm>> -> memref<125x80xi32, #tpu.memory_space<hbm>>
    %dma_start3A_66 = arith.constant 0 : i32
    %dma_start3A_67 = arith.constant 0 : i32
    %dma_start3A_68 = tpu.memref_slice %arg4[%add3A, %dma_start3A_66, %dma_start3A_67] : memref<32x125x80xi32, #tpu.memory_space<hbm>> -> memref<1x125x80xi32, #tpu.memory_space<hbm>>
    %dma_start3A_69 = tpu.memref_squeeze %dma_start3A_68 : memref<1x125x80xi32, #tpu.memory_space<hbm>> -> memref<125x80xi32, #tpu.memory_space<hbm>>
    tpu.enqueue_dma source(%dma_start3A_69 : memref<125x80xi32, #tpu.memory_space<hbm>>) target(%arg8 : memref<125x80xi32, #tpu.memory_space<vmem>>) target_semaphore(%arg19 : memref<!tpu.dma_semaphore, #tpu.memory_space<semaphore_mem>>)
    %scan3A = arith.constant 0 : i32
    %scan3A_70 = arith.constant 0 : i32
    %scan3A_71 = arith.constant 80 : i32
    %scan3A_72 = arith.addi %scan3A_70, %scan3A_71 : i32
    %scan3A_73 = arith.constant 1 : i32
    scf.for %scan3A_181 = %scan3A_70 to %scan3A_72 step %scan3A_73  : i32 {
      %swap3A = arith.index_cast %scan3A_181 : i32 to index
      %swap3A_182 = arith.constant 0 : index
      %swap3A_183 = tpu.vector_load %arg9[%swap3A, %swap3A_182] {strides = array<i32>} : memref<80x128xf32, #tpu.memory_space<vmem>>, vector<1x16xf32>,
      %swap3A_184 = vector.shape_cast %swap3A_183 : vector<1x16xf32> to vector<16xf32>
      %swap3A_185 = vector.shape_cast %broadcast_in_dim3A_3 : vector<16xf32> to vector<1x16xf32>
      tpu.vector_store %arg9[%swap3A, %swap3A_182], %swap3A_185 {strides = array<i32>} : memref<80x128xf32, #tpu.memory_space<vmem>>, vector<1x16xf32>,
      %swap3A_186 = arith.index_cast %scan3A_181 : i32 to index
      %swap3A_187 = arith.constant 16 : index
      %swap3A_188 = tpu.vector_load %arg9[%swap3A_186, %swap3A_187] {strides = array<i32>} : memref<80x128xf32, #tpu.memory_space<vmem>>, vector<1x16xf32>,
      %swap3A_189 = vector.shape_cast %swap3A_188 : vector<1x16xf32> to vector<16xf32>
      %swap3A_190 = vector.shape_cast %broadcast_in_dim3A_3 : vector<16xf32> to vector<1x16xf32>
      tpu.vector_store %arg9[%swap3A_186, %swap3A_187], %swap3A_190 {strides = array<i32>} : memref<80x128xf32, #tpu.memory_space<vmem>>, vector<1x16xf32>,
      %swap3A_191 = arith.index_cast %scan3A_181 : i32 to index
      %swap3A_192 = arith.constant 32 : index
      %swap3A_193 = tpu.vector_load %arg9[%swap3A_191, %swap3A_192] {strides = array<i32>} : memref<80x128xf32, #tpu.memory_space<vmem>>, vector<1x16xf32>,
      %swap3A_194 = vector.shape_cast %swap3A_193 : vector<1x16xf32> to vector<16xf32>
      %swap3A_195 = vector.shape_cast %broadcast_in_dim3A_3 : vector<16xf32> to vector<1x16xf32>
      tpu.vector_store %arg9[%swap3A_191, %swap3A_192], %swap3A_195 {strides = array<i32>} : memref<80x128xf32, #tpu.memory_space<vmem>>, vector<1x16xf32>,
      %swap3A_196 = arith.index_cast %scan3A_181 : i32 to index
      %swap3A_197 = arith.constant 48 : index
      %swap3A_198 = tpu.vector_load %arg9[%swap3A_196, %swap3A_197] {strides = array<i32>} : memref<80x128xf32, #tpu.memory_space<vmem>>, vector<1x16xf32>,
      %swap3A_199 = vector.shape_cast %swap3A_198 : vector<1x16xf32> to vector<16xf32>
      %swap3A_200 = vector.shape_cast %broadcast_in_dim3A_3 : vector<16xf32> to vector<1x16xf32>
      tpu.vector_store %arg9[%swap3A_196, %swap3A_197], %swap3A_200 {strides = array<i32>} : memref<80x128xf32, #tpu.memory_space<vmem>>, vector<1x16xf32>,
      %swap3A_201 = arith.index_cast %scan3A_181 : i32 to index
      %swap3A_202 = arith.constant 64 : index
      %swap3A_203 = tpu.vector_load %arg9[%swap3A_201, %swap3A_202] {strides = array<i32>} : memref<80x128xf32, #tpu.memory_space<vmem>>, vector<1x16xf32>,
      %swap3A_204 = vector.shape_cast %swap3A_203 : vector<1x16xf32> to vector<16xf32>
      %swap3A_205 = vector.shape_cast %broadcast_in_dim3A_3 : vector<16xf32> to vector<1x16xf32>
      tpu.vector_store %arg9[%swap3A_201, %swap3A_202], %swap3A_205 {strides = array<i32>} : memref<80x128xf32, #tpu.memory_space<vmem>>, vector<1x16xf32>,
      %swap3A_206 = arith.index_cast %scan3A_181 : i32 to index
      %swap3A_207 = arith.constant 80 : index
      %swap3A_208 = tpu.vector_load %arg9[%swap3A_206, %swap3A_207] {strides = array<i32>} : memref<80x128xf32, #tpu.memory_space<vmem>>, vector<1x16xf32>,
      %swap3A_209 = vector.shape_cast %swap3A_208 : vector<1x16xf32> to vector<16xf32>
      %swap3A_210 = vector.shape_cast %broadcast_in_dim3A_3 : vector<16xf32> to vector<1x16xf32>
      tpu.vector_store %arg9[%swap3A_206, %swap3A_207], %swap3A_210 {strides = array<i32>} : memref<80x128xf32, #tpu.memory_space<vmem>>, vector<1x16xf32>,
      %swap3A_211 = arith.index_cast %scan3A_181 : i32 to index
      %swap3A_212 = arith.constant 96 : index
      %swap3A_213 = tpu.vector_load %arg9[%swap3A_211, %swap3A_212] {strides = array<i32>} : memref<80x128xf32, #tpu.memory_space<vmem>>, vector<1x16xf32>,
      %swap3A_214 = vector.shape_cast %swap3A_213 : vector<1x16xf32> to vector<16xf32>
      %swap3A_215 = vector.shape_cast %broadcast_in_dim3A_3 : vector<16xf32> to vector<1x16xf32>
      tpu.vector_store %arg9[%swap3A_211, %swap3A_212], %swap3A_215 {strides = array<i32>} : memref<80x128xf32, #tpu.memory_space<vmem>>, vector<1x16xf32>,
      %swap3A_216 = arith.index_cast %scan3A_181 : i32 to index
      %swap3A_217 = arith.constant 112 : index
      %swap3A_218 = tpu.vector_load %arg9[%swap3A_216, %swap3A_217] {strides = array<i32>} : memref<80x128xf32, #tpu.memory_space<vmem>>, vector<1x16xf32>,
      %swap3A_219 = vector.shape_cast %swap3A_218 : vector<1x16xf32> to vector<16xf32>
      %swap3A_220 = vector.shape_cast %broadcast_in_dim3A_3 : vector<16xf32> to vector<1x16xf32>
      tpu.vector_store %arg9[%swap3A_216, %swap3A_217], %swap3A_220 {strides = array<i32>} : memref<80x128xf32, #tpu.memory_space<vmem>>, vector<1x16xf32>,
      %swap3A_221 = arith.index_cast %scan3A_181 : i32 to index
      %swap3A_222 = arith.constant 0 : index
      %swap3A_223 = tpu.vector_load %arg10[%swap3A_221, %swap3A_222] {strides = array<i32>} : memref<80x128xf32, #tpu.memory_space<vmem>>, vector<1x16xf32>,
      %swap3A_224 = vector.shape_cast %swap3A_223 : vector<1x16xf32> to vector<16xf32>
      %swap3A_225 = vector.shape_cast %broadcast_in_dim3A_3 : vector<16xf32> to vector<1x16xf32>
      tpu.vector_store %arg10[%swap3A_221, %swap3A_222], %swap3A_225 {strides = array<i32>} : memref<80x128xf32, #tpu.memory_space<vmem>>, vector<1x16xf32>,
      %swap3A_226 = arith.index_cast %scan3A_181 : i32 to index
      %swap3A_227 = arith.constant 16 : index
      %swap3A_228 = tpu.vector_load %arg10[%swap3A_226, %swap3A_227] {strides = array<i32>} : memref<80x128xf32, #tpu.memory_space<vmem>>, vector<1x16xf32>,
      %swap3A_229 = vector.shape_cast %swap3A_228 : vector<1x16xf32> to vector<16xf32>
      %swap3A_230 = vector.shape_cast %broadcast_in_dim3A_3 : vector<16xf32> to vector<1x16xf32>
      tpu.vector_store %arg10[%swap3A_226, %swap3A_227], %swap3A_230 {strides = array<i32>} : memref<80x128xf32, #tpu.memory_space<vmem>>, vector<1x16xf32>,
      %swap3A_231 = arith.index_cast %scan3A_181 : i32 to index
      %swap3A_232 = arith.constant 32 : index
      %swap3A_233 = tpu.vector_load %arg10[%swap3A_231, %swap3A_232] {strides = array<i32>} : memref<80x128xf32, #tpu.memory_space<vmem>>, vector<1x16xf32>,
      %swap3A_234 = vector.shape_cast %swap3A_233 : vector<1x16xf32> to vector<16xf32>
      %swap3A_235 = vector.shape_cast %broadcast_in_dim3A_3 : vector<16xf32> to vector<1x16xf32>
      tpu.vector_store %arg10[%swap3A_231, %swap3A_232], %swap3A_235 {strides = array<i32>} : memref<80x128xf32, #tpu.memory_space<vmem>>, vector<1x16xf32>,
      %swap3A_236 = arith.index_cast %scan3A_181 : i32 to index
      %swap3A_237 = arith.constant 48 : index
      %swap3A_238 = tpu.vector_load %arg10[%swap3A_236, %swap3A_237] {strides = array<i32>} : memref<80x128xf32, #tpu.memory_space<vmem>>, vector<1x16xf32>,
      %swap3A_239 = vector.shape_cast %swap3A_238 : vector<1x16xf32> to vector<16xf32>
      %swap3A_240 = vector.shape_cast %broadcast_in_dim3A_3 : vector<16xf32> to vector<1x16xf32>
      tpu.vector_store %arg10[%swap3A_236, %swap3A_237], %swap3A_240 {strides = array<i32>} : memref<80x128xf32, #tpu.memory_space<vmem>>, vector<1x16xf32>,
      %swap3A_241 = arith.index_cast %scan3A_181 : i32 to index
      %swap3A_242 = arith.constant 64 : index
      %swap3A_243 = tpu.vector_load %arg10[%swap3A_241, %swap3A_242] {strides = array<i32>} : memref<80x128xf32, #tpu.memory_space<vmem>>, vector<1x16xf32>,
      %swap3A_244 = vector.shape_cast %swap3A_243 : vector<1x16xf32> to vector<16xf32>
      %swap3A_245 = vector.shape_cast %broadcast_in_dim3A_3 : vector<16xf32> to vector<1x16xf32>
      tpu.vector_store %arg10[%swap3A_241, %swap3A_242], %swap3A_245 {strides = array<i32>} : memref<80x128xf32, #tpu.memory_space<vmem>>, vector<1x16xf32>,
      %swap3A_246 = arith.index_cast %scan3A_181 : i32 to index
      %swap3A_247 = arith.constant 80 : index
      %swap3A_248 = tpu.vector_load %arg10[%swap3A_246, %swap3A_247] {strides = array<i32>} : memref<80x128xf32, #tpu.memory_space<vmem>>, vector<1x16xf32>,
      %swap3A_249 = vector.shape_cast %swap3A_248 : vector<1x16xf32> to vector<16xf32>
      %swap3A_250 = vector.shape_cast %broadcast_in_dim3A_3 : vector<16xf32> to vector<1x16xf32>
      tpu.vector_store %arg10[%swap3A_246, %swap3A_247], %swap3A_250 {strides = array<i32>} : memref<80x128xf32, #tpu.memory_space<vmem>>, vector<1x16xf32>,
      %swap3A_251 = arith.index_cast %scan3A_181 : i32 to index
      %swap3A_252 = arith.constant 96 : index
      %swap3A_253 = tpu.vector_load %arg10[%swap3A_251, %swap3A_252] {strides = array<i32>} : memref<80x128xf32, #tpu.memory_space<vmem>>, vector<1x16xf32>,
      %swap3A_254 = vector.shape_cast %swap3A_253 : vector<1x16xf32> to vector<16xf32>
      %swap3A_255 = vector.shape_cast %broadcast_in_dim3A_3 : vector<16xf32> to vector<1x16xf32>
      tpu.vector_store %arg10[%swap3A_251, %swap3A_252], %swap3A_255 {strides = array<i32>} : memref<80x128xf32, #tpu.memory_space<vmem>>, vector<1x16xf32>,
      %swap3A_256 = arith.index_cast %scan3A_181 : i32 to index
      %swap3A_257 = arith.constant 112 : index
      %swap3A_258 = tpu.vector_load %arg10[%swap3A_256, %swap3A_257] {strides = array<i32>} : memref<80x128xf32, #tpu.memory_space<vmem>>, vector<1x16xf32>,
      %swap3A_259 = vector.shape_cast %swap3A_258 : vector<1x16xf32> to vector<16xf32>
      %swap3A_260 = vector.shape_cast %broadcast_in_dim3A_3 : vector<16xf32> to vector<1x16xf32>
      tpu.vector_store %arg10[%swap3A_256, %swap3A_257], %swap3A_260 {strides = array<i32>} : memref<80x128xf32, #tpu.memory_space<vmem>>, vector<1x16xf32>,
      %swap3A_261 = arith.index_cast %scan3A_181 : i32 to index
      %swap3A_262 = arith.constant 0 : index
      %swap3A_263 = tpu.vector_load %arg11[%swap3A_261, %swap3A_262] {strides = array<i32>} : memref<80x128xf32, #tpu.memory_space<vmem>>, vector<1x16xf32>,
      %swap3A_264 = vector.shape_cast %swap3A_263 : vector<1x16xf32> to vector<16xf32>
      %swap3A_265 = vector.shape_cast %broadcast_in_dim3A_3 : vector<16xf32> to vector<1x16xf32>
      tpu.vector_store %arg11[%swap3A_261, %swap3A_262], %swap3A_265 {strides = array<i32>} : memref<80x128xf32, #tpu.memory_space<vmem>>, vector<1x16xf32>,
      %swap3A_266 = arith.index_cast %scan3A_181 : i32 to index
      %swap3A_267 = arith.constant 16 : index
      %swap3A_268 = tpu.vector_load %arg11[%swap3A_266, %swap3A_267] {strides = array<i32>} : memref<80x128xf32, #tpu.memory_space<vmem>>, vector<1x16xf32>,
      %swap3A_269 = vector.shape_cast %swap3A_268 : vector<1x16xf32> to vector<16xf32>
      %swap3A_270 = vector.shape_cast %broadcast_in_dim3A_3 : vector<16xf32> to vector<1x16xf32>
      tpu.vector_store %arg11[%swap3A_266, %swap3A_267], %swap3A_270 {strides = array<i32>} : memref<80x128xf32, #tpu.memory_space<vmem>>, vector<1x16xf32>,
      %swap3A_271 = arith.index_cast %scan3A_181 : i32 to index
      %swap3A_272 = arith.constant 32 : index
      %swap3A_273 = tpu.vector_load %arg11[%swap3A_271, %swap3A_272] {strides = array<i32>} : memref<80x128xf32, #tpu.memory_space<vmem>>, vector<1x16xf32>,
      %swap3A_274 = vector.shape_cast %swap3A_273 : vector<1x16xf32> to vector<16xf32>
      %swap3A_275 = vector.shape_cast %broadcast_in_dim3A_3 : vector<16xf32> to vector<1x16xf32>
      tpu.vector_store %arg11[%swap3A_271, %swap3A_272], %swap3A_275 {strides = array<i32>} : memref<80x128xf32, #tpu.memory_space<vmem>>, vector<1x16xf32>,
      %swap3A_276 = arith.index_cast %scan3A_181 : i32 to index
      %swap3A_277 = arith.constant 48 : index
      %swap3A_278 = tpu.vector_load %arg11[%swap3A_276, %swap3A_277] {strides = array<i32>} : memref<80x128xf32, #tpu.memory_space<vmem>>, vector<1x16xf32>,
      %swap3A_279 = vector.shape_cast %swap3A_278 : vector<1x16xf32> to vector<16xf32>
      %swap3A_280 = vector.shape_cast %broadcast_in_dim3A_3 : vector<16xf32> to vector<1x16xf32>
      tpu.vector_store %arg11[%swap3A_276, %swap3A_277], %swap3A_280 {strides = array<i32>} : memref<80x128xf32, #tpu.memory_space<vmem>>, vector<1x16xf32>,
      %swap3A_281 = arith.index_cast %scan3A_181 : i32 to index
      %swap3A_282 = arith.constant 64 : index
      %swap3A_283 = tpu.vector_load %arg11[%swap3A_281, %swap3A_282] {strides = array<i32>} : memref<80x128xf32, #tpu.memory_space<vmem>>, vector<1x16xf32>,
      %swap3A_284 = vector.shape_cast %swap3A_283 : vector<1x16xf32> to vector<16xf32>
      %swap3A_285 = vector.shape_cast %broadcast_in_dim3A_3 : vector<16xf32> to vector<1x16xf32>
      tpu.vector_store %arg11[%swap3A_281, %swap3A_282], %swap3A_285 {strides = array<i32>} : memref<80x128xf32, #tpu.memory_space<vmem>>, vector<1x16xf32>,
      %swap3A_286 = arith.index_cast %scan3A_181 : i32 to index
      %swap3A_287 = arith.constant 80 : index
      %swap3A_288 = tpu.vector_load %arg11[%swap3A_286, %swap3A_287] {strides = array<i32>} : memref<80x128xf32, #tpu.memory_space<vmem>>, vector<1x16xf32>,
      %swap3A_289 = vector.shape_cast %swap3A_288 : vector<1x16xf32> to vector<16xf32>
      %swap3A_290 = vector.shape_cast %broadcast_in_dim3A_3 : vector<16xf32> to vector<1x16xf32>
      tpu.vector_store %arg11[%swap3A_286, %swap3A_287], %swap3A_290 {strides = array<i32>} : memref<80x128xf32, #tpu.memory_space<vmem>>, vector<1x16xf32>,
      %swap3A_291 = arith.index_cast %scan3A_181 : i32 to index
      %swap3A_292 = arith.constant 96 : index
      %swap3A_293 = tpu.vector_load %arg11[%swap3A_291, %swap3A_292] {strides = array<i32>} : memref<80x128xf32, #tpu.memory_space<vmem>>, vector<1x16xf32>,
      %swap3A_294 = vector.shape_cast %swap3A_293 : vector<1x16xf32> to vector<16xf32>
      %swap3A_295 = vector.shape_cast %broadcast_in_dim3A_3 : vector<16xf32> to vector<1x16xf32>
      tpu.vector_store %arg11[%swap3A_291, %swap3A_292], %swap3A_295 {strides = array<i32>} : memref<80x128xf32, #tpu.memory_space<vmem>>, vector<1x16xf32>,
      %swap3A_296 = arith.index_cast %scan3A_181 : i32 to index
      %swap3A_297 = arith.constant 112 : index
      %swap3A_298 = tpu.vector_load %arg11[%swap3A_296, %swap3A_297] {strides = array<i32>} : memref<80x128xf32, #tpu.memory_space<vmem>>, vector<1x16xf32>,
      %swap3A_299 = vector.shape_cast %swap3A_298 : vector<1x16xf32> to vector<16xf32>
      %swap3A_300 = vector.shape_cast %broadcast_in_dim3A_3 : vector<16xf32> to vector<1x16xf32>
      tpu.vector_store %arg11[%swap3A_296, %swap3A_297], %swap3A_300 {strides = array<i32>} : memref<80x128xf32, #tpu.memory_space<vmem>>, vector<1x16xf32>,
    }
    %scan3A_74 = arith.constant 80 : i32
    %mul3A_75 = arith.constant 640 : i32
    %mul3A_76 = arith.muli %arg1, %mul3A_75 : i32
    %add3A_77 = arith.constant 0 : i32
    %add3A_78 = arith.addi %mul3A_76, %add3A_77 : i32
    "tpu.region"() ({
      %run_scoped3A = tpu.sem_alloc : memref<!tpu.dma_semaphore, #tpu.memory_space<semaphore_mem>>
      %dma_start3A_181 = arith.constant 0 : i32
      %dma_start3A_182 = arith.constant 0 : i32
      %dma_start3A_183 = tpu.memref_slice %arg9[%dma_start3A_181, %dma_start3A_182] : memref<80x128xf32, #tpu.memory_space<vmem>> -> memref<80x128xf32, #tpu.memory_space<vmem>>
      %dma_start3A_184 = arith.constant 0 : i32
      %dma_start3A_185 = tpu.memref_slice %arg6[%add3A_78, %dma_start3A_184] : memref<10008x128xf32, #tpu.memory_space<vmem_shared>> -> memref<80x128xf32, #tpu.memory_space<vmem_shared>>
      %dma_start3A_186 = arith.constant 0 : i32
      %dma_start3A_187 = tpu.memref_slice %arg6[%add3A_78, %dma_start3A_186] : memref<10008x128xf32, #tpu.memory_space<vmem_shared>> -> memref<80x128xf32, #tpu.memory_space<vmem_shared>>
      %dma_start3A_188 = arith.constant 0 : i32
      %dma_start3A_189 = arith.constant 0 : i32
      %dma_start3A_190 = tpu.memref_slice %arg9[%dma_start3A_188, %dma_start3A_189] : memref<80x128xf32, #tpu.memory_space<vmem>> -> memref<80x128xf32, #tpu.memory_space<vmem>>
      tpu.enqueue_dma source(%dma_start3A_190 : memref<80x128xf32, #tpu.memory_space<vmem>>) target(%dma_start3A_187 : memref<80x128xf32, #tpu.memory_space<vmem_shared>>) target_semaphore(%run_scoped3A : memref<!tpu.dma_semaphore, #tpu.memory_space<semaphore_mem>>)
      %dma_wait3A_191 = arith.constant 0 : i32
      %dma_wait3A_192 = arith.constant 0 : i32
      %dma_wait3A_193 = tpu.memref_slice %arg9[%dma_wait3A_191, %dma_wait3A_192] : memref<80x128xf32, #tpu.memory_space<vmem>> -> memref<80x128xf32, #tpu.memory_space<vmem>>
      %dma_wait3A_194 = arith.constant 0 : i32
      %dma_wait3A_195 = tpu.memref_slice %arg6[%add3A_78, %dma_wait3A_194] : memref<10008x128xf32, #tpu.memory_space<vmem_shared>> -> memref<80x128xf32, #tpu.memory_space<vmem_shared>>
      %dma_wait3A_196 = arith.constant 0 : i32
      %dma_wait3A_197 = tpu.memref_slice %arg6[%add3A_78, %dma_wait3A_196] : memref<10008x128xf32, #tpu.memory_space<vmem_shared>> -> memref<80x128xf32, #tpu.memory_space<vmem_shared>>
      %dma_wait3A_198 = arith.constant 0 : i32
      %dma_wait3A_199 = arith.constant 0 : i32
      %dma_wait3A_200 = tpu.memref_slice %arg9[%dma_wait3A_198, %dma_wait3A_199] : memref<80x128xf32, #tpu.memory_space<vmem>> -> memref<80x128xf32, #tpu.memory_space<vmem>>
      tpu.wait_dma2 semaphore(%run_scoped3A : memref<!tpu.dma_semaphore, #tpu.memory_space<semaphore_mem>>) src(%dma_wait3A_200 : memref<80x128xf32, #tpu.memory_space<vmem>>) dst(%dma_wait3A_197 : memref<80x128xf32, #tpu.memory_space<vmem_shared>>)
      tpu.yield
    }) : () -> ()
    %mul3A_79 = arith.constant 640 : i32
    %mul3A_80 = arith.muli %arg1, %mul3A_79 : i32
    %add3A_81 = arith.constant 80 : i32
    %add3A_82 = arith.addi %mul3A_80, %add3A_81 : i32
    "tpu.region"() ({
      %run_scoped3A = tpu.sem_alloc : memref<!tpu.dma_semaphore, #tpu.memory_space<semaphore_mem>>
      %dma_start3A_181 = arith.constant 0 : i32
      %dma_start3A_182 = arith.constant 0 : i32
      %dma_start3A_183 = tpu.memref_slice %arg10[%dma_start3A_181, %dma_start3A_182] : memref<80x128xf32, #tpu.memory_space<vmem>> -> memref<80x128xf32, #tpu.memory_space<vmem>>
      %dma_start3A_184 = arith.constant 0 : i32
      %dma_start3A_185 = tpu.memref_slice %arg6[%add3A_82, %dma_start3A_184] : memref<10008x128xf32, #tpu.memory_space<vmem_shared>> -> memref<80x128xf32, #tpu.memory_space<vmem_shared>>
      %dma_start3A_186 = arith.constant 0 : i32
      %dma_start3A_187 = tpu.memref_slice %arg6[%add3A_82, %dma_start3A_186] : memref<10008x128xf32, #tpu.memory_space<vmem_shared>> -> memref<80x128xf32, #tpu.memory_space<vmem_shared>>
      %dma_start3A_188 = arith.constant 0 : i32
      %dma_start3A_189 = arith.constant 0 : i32
      %dma_start3A_190 = tpu.memref_slice %arg10[%dma_start3A_188, %dma_start3A_189] : memref<80x128xf32, #tpu.memory_space<vmem>> -> memref<80x128xf32, #tpu.memory_space<vmem>>
      tpu.enqueue_dma source(%dma_start3A_190 : memref<80x128xf32, #tpu.memory_space<vmem>>) target(%dma_start3A_187 : memref<80x128xf32, #tpu.memory_space<vmem_shared>>) target_semaphore(%run_scoped3A : memref<!tpu.dma_semaphore, #tpu.memory_space<semaphore_mem>>)
      %dma_wait3A_191 = arith.constant 0 : i32
      %dma_wait3A_192 = arith.constant 0 : i32
      %dma_wait3A_193 = tpu.memref_slice %arg10[%dma_wait3A_191, %dma_wait3A_192] : memref<80x128xf32, #tpu.memory_space<vmem>> -> memref<80x128xf32, #tpu.memory_space<vmem>>
      %dma_wait3A_194 = arith.constant 0 : i32
      %dma_wait3A_195 = tpu.memref_slice %arg6[%add3A_82, %dma_wait3A_194] : memref<10008x128xf32, #tpu.memory_space<vmem_shared>> -> memref<80x128xf32, #tpu.memory_space<vmem_shared>>
      %dma_wait3A_196 = arith.constant 0 : i32
      %dma_wait3A_197 = tpu.memref_slice %arg6[%add3A_82, %dma_wait3A_196] : memref<10008x128xf32, #tpu.memory_space<vmem_shared>> -> memref<80x128xf32, #tpu.memory_space<vmem_shared>>
      %dma_wait3A_198 = arith.constant 0 : i32
      %dma_wait3A_199 = arith.constant 0 : i32
      %dma_wait3A_200 = tpu.memref_slice %arg10[%dma_wait3A_198, %dma_wait3A_199] : memref<80x128xf32, #tpu.memory_space<vmem>> -> memref<80x128xf32, #tpu.memory_space<vmem>>
      tpu.wait_dma2 semaphore(%run_scoped3A : memref<!tpu.dma_semaphore, #tpu.memory_space<semaphore_mem>>) src(%dma_wait3A_200 : memref<80x128xf32, #tpu.memory_space<vmem>>) dst(%dma_wait3A_197 : memref<80x128xf32, #tpu.memory_space<vmem_shared>>)
      tpu.yield
    }) : () -> ()
    %mul3A_83 = arith.constant 640 : i32
    %mul3A_84 = arith.muli %arg1, %mul3A_83 : i32
    %add3A_85 = arith.constant 160 : i32
    %add3A_86 = arith.addi %mul3A_84, %add3A_85 : i32
    "tpu.region"() ({
      %run_scoped3A = tpu.sem_alloc : memref<!tpu.dma_semaphore, #tpu.memory_space<semaphore_mem>>
      %dma_start3A_181 = arith.constant 0 : i32
      %dma_start3A_182 = arith.constant 0 : i32
      %dma_start3A_183 = tpu.memref_slice %arg11[%dma_start3A_181, %dma_start3A_182] : memref<80x128xf32, #tpu.memory_space<vmem>> -> memref<80x128xf32, #tpu.memory_space<vmem>>
      %dma_start3A_184 = arith.constant 0 : i32
      %dma_start3A_185 = tpu.memref_slice %arg6[%add3A_86, %dma_start3A_184] : memref<10008x128xf32, #tpu.memory_space<vmem_shared>> -> memref<80x128xf32, #tpu.memory_space<vmem_shared>>
      %dma_start3A_186 = arith.constant 0 : i32
      %dma_start3A_187 = tpu.memref_slice %arg6[%add3A_86, %dma_start3A_186] : memref<10008x128xf32, #tpu.memory_space<vmem_shared>> -> memref<80x128xf32, #tpu.memory_space<vmem_shared>>
      %dma_start3A_188 = arith.constant 0 : i32
      %dma_start3A_189 = arith.constant 0 : i32
      %dma_start3A_190 = tpu.memref_slice %arg11[%dma_start3A_188, %dma_start3A_189] : memref<80x128xf32, #tpu.memory_space<vmem>> -> memref<80x128xf32, #tpu.memory_space<vmem>>
      tpu.enqueue_dma source(%dma_start3A_190 : memref<80x128xf32, #tpu.memory_space<vmem>>) target(%dma_start3A_187 : memref<80x128xf32, #tpu.memory_space<vmem_shared>>) target_semaphore(%run_scoped3A : memref<!tpu.dma_semaphore, #tpu.memory_space<semaphore_mem>>)
      %dma_wait3A_191 = arith.constant 0 : i32
      %dma_wait3A_192 = arith.constant 0 : i32
      %dma_wait3A_193 = tpu.memref_slice %arg11[%dma_wait3A_191, %dma_wait3A_192] : memref<80x128xf32, #tpu.memory_space<vmem>> -> memref<80x128xf32, #tpu.memory_space<vmem>>
      %dma_wait3A_194 = arith.constant 0 : i32
      %dma_wait3A_195 = tpu.memref_slice %arg6[%add3A_86, %dma_wait3A_194] : memref<10008x128xf32, #tpu.memory_space<vmem_shared>> -> memref<80x128xf32, #tpu.memory_space<vmem_shared>>
      %dma_wait3A_196 = arith.constant 0 : i32
      %dma_wait3A_197 = tpu.memref_slice %arg6[%add3A_86, %dma_wait3A_196] : memref<10008x128xf32, #tpu.memory_space<vmem_shared>> -> memref<80x128xf32, #tpu.memory_space<vmem_shared>>
      %dma_wait3A_198 = arith.constant 0 : i32
      %dma_wait3A_199 = arith.constant 0 : i32
      %dma_wait3A_200 = tpu.memref_slice %arg11[%dma_wait3A_198, %dma_wait3A_199] : memref<80x128xf32, #tpu.memory_space<vmem>> -> memref<80x128xf32, #tpu.memory_space<vmem>>
      tpu.wait_dma2 semaphore(%run_scoped3A : memref<!tpu.dma_semaphore, #tpu.memory_space<semaphore_mem>>) src(%dma_wait3A_200 : memref<80x128xf32, #tpu.memory_space<vmem>>) dst(%dma_wait3A_197 : memref<80x128xf32, #tpu.memory_space<vmem_shared>>)
      tpu.yield
    }) : () -> ()
    %mul3A_87 = arith.constant 640 : i32
    %mul3A_88 = arith.muli %arg1, %mul3A_87 : i32
    %add3A_89 = arith.constant 240 : i32
    %add3A_90 = arith.addi %mul3A_88, %add3A_89 : i32
    "tpu.region"() ({
      %run_scoped3A = tpu.sem_alloc : memref<!tpu.dma_semaphore, #tpu.memory_space<semaphore_mem>>
      %dma_start3A_181 = arith.constant 0 : i32
      %dma_start3A_182 = arith.constant 0 : i32
      %dma_start3A_183 = tpu.memref_slice %arg9[%dma_start3A_181, %dma_start3A_182] : memref<80x128xf32, #tpu.memory_space<vmem>> -> memref<80x128xf32, #tpu.memory_space<vmem>>
      %dma_start3A_184 = arith.constant 0 : i32
      %dma_start3A_185 = tpu.memref_slice %arg6[%add3A_90, %dma_start3A_184] : memref<10008x128xf32, #tpu.memory_space<vmem_shared>> -> memref<80x128xf32, #tpu.memory_space<vmem_shared>>
      %dma_start3A_186 = arith.constant 0 : i32
      %dma_start3A_187 = tpu.memref_slice %arg6[%add3A_90, %dma_start3A_186] : memref<10008x128xf32, #tpu.memory_space<vmem_shared>> -> memref<80x128xf32, #tpu.memory_space<vmem_shared>>
      %dma_start3A_188 = arith.constant 0 : i32
      %dma_start3A_189 = arith.constant 0 : i32
      %dma_start3A_190 = tpu.memref_slice %arg9[%dma_start3A_188, %dma_start3A_189] : memref<80x128xf32, #tpu.memory_space<vmem>> -> memref<80x128xf32, #tpu.memory_space<vmem>>
      tpu.enqueue_dma source(%dma_start3A_190 : memref<80x128xf32, #tpu.memory_space<vmem>>) target(%dma_start3A_187 : memref<80x128xf32, #tpu.memory_space<vmem_shared>>) target_semaphore(%run_scoped3A : memref<!tpu.dma_semaphore, #tpu.memory_space<semaphore_mem>>)
      %dma_wait3A_191 = arith.constant 0 : i32
      %dma_wait3A_192 = arith.constant 0 : i32
      %dma_wait3A_193 = tpu.memref_slice %arg9[%dma_wait3A_191, %dma_wait3A_192] : memref<80x128xf32, #tpu.memory_space<vmem>> -> memref<80x128xf32, #tpu.memory_space<vmem>>
      %dma_wait3A_194 = arith.constant 0 : i32
      %dma_wait3A_195 = tpu.memref_slice %arg6[%add3A_90, %dma_wait3A_194] : memref<10008x128xf32, #tpu.memory_space<vmem_shared>> -> memref<80x128xf32, #tpu.memory_space<vmem_shared>>
      %dma_wait3A_196 = arith.constant 0 : i32
      %dma_wait3A_197 = tpu.memref_slice %arg6[%add3A_90, %dma_wait3A_196] : memref<10008x128xf32, #tpu.memory_space<vmem_shared>> -> memref<80x128xf32, #tpu.memory_space<vmem_shared>>
      %dma_wait3A_198 = arith.constant 0 : i32
      %dma_wait3A_199 = arith.constant 0 : i32
      %dma_wait3A_200 = tpu.memref_slice %arg9[%dma_wait3A_198, %dma_wait3A_199] : memref<80x128xf32, #tpu.memory_space<vmem>> -> memref<80x128xf32, #tpu.memory_space<vmem>>
      tpu.wait_dma2 semaphore(%run_scoped3A : memref<!tpu.dma_semaphore, #tpu.memory_space<semaphore_mem>>) src(%dma_wait3A_200 : memref<80x128xf32, #tpu.memory_space<vmem>>) dst(%dma_wait3A_197 : memref<80x128xf32, #tpu.memory_space<vmem_shared>>)
      tpu.yield
    }) : () -> ()
    %mul3A_91 = arith.constant 640 : i32
    %mul3A_92 = arith.muli %arg1, %mul3A_91 : i32
    %add3A_93 = arith.constant 320 : i32
    %add3A_94 = arith.addi %mul3A_92, %add3A_93 : i32
    "tpu.region"() ({
      %run_scoped3A = tpu.sem_alloc : memref<!tpu.dma_semaphore, #tpu.memory_space<semaphore_mem>>
      %dma_start3A_181 = arith.constant 0 : i32
      %dma_start3A_182 = arith.constant 0 : i32
      %dma_start3A_183 = tpu.memref_slice %arg10[%dma_start3A_181, %dma_start3A_182] : memref<80x128xf32, #tpu.memory_space<vmem>> -> memref<80x128xf32, #tpu.memory_space<vmem>>
      %dma_start3A_184 = arith.constant 0 : i32
      %dma_start3A_185 = tpu.memref_slice %arg6[%add3A_94, %dma_start3A_184] : memref<10008x128xf32, #tpu.memory_space<vmem_shared>> -> memref<80x128xf32, #tpu.memory_space<vmem_shared>>
      %dma_start3A_186 = arith.constant 0 : i32
      %dma_start3A_187 = tpu.memref_slice %arg6[%add3A_94, %dma_start3A_186] : memref<10008x128xf32, #tpu.memory_space<vmem_shared>> -> memref<80x128xf32, #tpu.memory_space<vmem_shared>>
      %dma_start3A_188 = arith.constant 0 : i32
      %dma_start3A_189 = arith.constant 0 : i32
      %dma_start3A_190 = tpu.memref_slice %arg10[%dma_start3A_188, %dma_start3A_189] : memref<80x128xf32, #tpu.memory_space<vmem>> -> memref<80x128xf32, #tpu.memory_space<vmem>>
      tpu.enqueue_dma source(%dma_start3A_190 : memref<80x128xf32, #tpu.memory_space<vmem>>) target(%dma_start3A_187 : memref<80x128xf32, #tpu.memory_space<vmem_shared>>) target_semaphore(%run_scoped3A : memref<!tpu.dma_semaphore, #tpu.memory_space<semaphore_mem>>)
      %dma_wait3A_191 = arith.constant 0 : i32
      %dma_wait3A_192 = arith.constant 0 : i32
      %dma_wait3A_193 = tpu.memref_slice %arg10[%dma_wait3A_191, %dma_wait3A_192] : memref<80x128xf32, #tpu.memory_space<vmem>> -> memref<80x128xf32, #tpu.memory_space<vmem>>
      %dma_wait3A_194 = arith.constant 0 : i32
      %dma_wait3A_195 = tpu.memref_slice %arg6[%add3A_94, %dma_wait3A_194] : memref<10008x128xf32, #tpu.memory_space<vmem_shared>> -> memref<80x128xf32, #tpu.memory_space<vmem_shared>>
      %dma_wait3A_196 = arith.constant 0 : i32
      %dma_wait3A_197 = tpu.memref_slice %arg6[%add3A_94, %dma_wait3A_196] : memref<10008x128xf32, #tpu.memory_space<vmem_shared>> -> memref<80x128xf32, #tpu.memory_space<vmem_shared>>
      %dma_wait3A_198 = arith.constant 0 : i32
      %dma_wait3A_199 = arith.constant 0 : i32
      %dma_wait3A_200 = tpu.memref_slice %arg10[%dma_wait3A_198, %dma_wait3A_199] : memref<80x128xf32, #tpu.memory_space<vmem>> -> memref<80x128xf32, #tpu.memory_space<vmem>>
      tpu.wait_dma2 semaphore(%run_scoped3A : memref<!tpu.dma_semaphore, #tpu.memory_space<semaphore_mem>>) src(%dma_wait3A_200 : memref<80x128xf32, #tpu.memory_space<vmem>>) dst(%dma_wait3A_197 : memref<80x128xf32, #tpu.memory_space<vmem_shared>>)
      tpu.yield
    }) : () -> ()
    %lt3A = arith.constant 15 : i32
    %lt3A_95 = arith.cmpi slt, %arg1, %lt3A : i32
    %convert_element_type3A = arith.extui %lt3A_95 : i1 to i32
    %cond3A = arith.constant 0 : i32
    %cond3A_96 = arith.cmpi ne, %convert_element_type3A, %cond3A : i32
    scf.if %cond3A_96 {
      %mul3A_181 = arith.constant 640 : i32
      %mul3A_182 = arith.muli %arg1, %mul3A_181 : i32
      %add3A_183 = arith.constant 400 : i32
      %add3A_184 = arith.addi %mul3A_182, %add3A_183 : i32
      "tpu.region"() ({
        %run_scoped3A = tpu.sem_alloc : memref<!tpu.dma_semaphore, #tpu.memory_space<semaphore_mem>>
        %dma_start3A_185 = arith.constant 0 : i32
        %dma_start3A_186 = arith.constant 0 : i32
        %dma_start3A_187 = tpu.memref_slice %arg11[%dma_start3A_185, %dma_start3A_186] : memref<80x128xf32, #tpu.memory_space<vmem>> -> memref<80x128xf32, #tpu.memory_space<vmem>>
        %dma_start3A_188 = arith.constant 0 : i32
        %dma_start3A_189 = tpu.memref_slice %arg6[%add3A_184, %dma_start3A_188] : memref<10008x128xf32, #tpu.memory_space<vmem_shared>> -> memref<80x128xf32, #tpu.memory_space<vmem_shared>>
        %dma_start3A_190 = arith.constant 0 : i32
        %dma_start3A_191 = tpu.memref_slice %arg6[%add3A_184, %dma_start3A_190] : memref<10008x128xf32, #tpu.memory_space<vmem_shared>> -> memref<80x128xf32, #tpu.memory_space<vmem_shared>>
        %dma_start3A_192 = arith.constant 0 : i32
        %dma_start3A_193 = arith.constant 0 : i32
        %dma_start3A_194 = tpu.memref_slice %arg11[%dma_start3A_192, %dma_start3A_193] : memref<80x128xf32, #tpu.memory_space<vmem>> -> memref<80x128xf32, #tpu.memory_space<vmem>>
        tpu.enqueue_dma source(%dma_start3A_194 : memref<80x128xf32, #tpu.memory_space<vmem>>) target(%dma_start3A_191 : memref<80x128xf32, #tpu.memory_space<vmem_shared>>) target_semaphore(%run_scoped3A : memref<!tpu.dma_semaphore, #tpu.memory_space<semaphore_mem>>)
        %dma_wait3A_195 = arith.constant 0 : i32
        %dma_wait3A_196 = arith.constant 0 : i32
        %dma_wait3A_197 = tpu.memref_slice %arg11[%dma_wait3A_195, %dma_wait3A_196] : memref<80x128xf32, #tpu.memory_space<vmem>> -> memref<80x128xf32, #tpu.memory_space<vmem>>
        %dma_wait3A_198 = arith.constant 0 : i32
        %dma_wait3A_199 = tpu.memref_slice %arg6[%add3A_184, %dma_wait3A_198] : memref<10008x128xf32, #tpu.memory_space<vmem_shared>> -> memref<80x128xf32, #tpu.memory_space<vmem_shared>>
        %dma_wait3A_200 = arith.constant 0 : i32
        %dma_wait3A_201 = tpu.memref_slice %arg6[%add3A_184, %dma_wait3A_200] : memref<10008x128xf32, #tpu.memory_space<vmem_shared>> -> memref<80x128xf32, #tpu.memory_space<vmem_shared>>
        %dma_wait3A_202 = arith.constant 0 : i32
        %dma_wait3A_203 = arith.constant 0 : i32
        %dma_wait3A_204 = tpu.memref_slice %arg11[%dma_wait3A_202, %dma_wait3A_203] : memref<80x128xf32, #tpu.memory_space<vmem>> -> memref<80x128xf32, #tpu.memory_space<vmem>>
        tpu.wait_dma2 semaphore(%run_scoped3A : memref<!tpu.dma_semaphore, #tpu.memory_space<semaphore_mem>>) src(%dma_wait3A_204 : memref<80x128xf32, #tpu.memory_space<vmem>>) dst(%dma_wait3A_201 : memref<80x128xf32, #tpu.memory_space<vmem_shared>>)
        tpu.yield
      }) : () -> ()
    } else {
    }
    %lt3A_97 = arith.constant 15 : i32
    %lt3A_98 = arith.cmpi slt, %arg1, %lt3A_97 : i32
    %convert_element_type3A_99 = arith.extui %lt3A_98 : i1 to i32
    %cond3A_100 = arith.constant 0 : i32
    %cond3A_101 = arith.cmpi ne, %convert_element_type3A_99, %cond3A_100 : i32
    scf.if %cond3A_101 {
      %mul3A_181 = arith.constant 640 : i32
      %mul3A_182 = arith.muli %arg1, %mul3A_181 : i32
      %add3A_183 = arith.constant 480 : i32
      %add3A_184 = arith.addi %mul3A_182, %add3A_183 : i32
      "tpu.region"() ({
        %run_scoped3A = tpu.sem_alloc : memref<!tpu.dma_semaphore, #tpu.memory_space<semaphore_mem>>
        %dma_start3A_185 = arith.constant 0 : i32
        %dma_start3A_186 = arith.constant 0 : i32
        %dma_start3A_187 = tpu.memref_slice %arg9[%dma_start3A_185, %dma_start3A_186] : memref<80x128xf32, #tpu.memory_space<vmem>> -> memref<80x128xf32, #tpu.memory_space<vmem>>
        %dma_start3A_188 = arith.constant 0 : i32
        %dma_start3A_189 = tpu.memref_slice %arg6[%add3A_184, %dma_start3A_188] : memref<10008x128xf32, #tpu.memory_space<vmem_shared>> -> memref<80x128xf32, #tpu.memory_space<vmem_shared>>
        %dma_start3A_190 = arith.constant 0 : i32
        %dma_start3A_191 = tpu.memref_slice %arg6[%add3A_184, %dma_start3A_190] : memref<10008x128xf32, #tpu.memory_space<vmem_shared>> -> memref<80x128xf32, #tpu.memory_space<vmem_shared>>
        %dma_start3A_192 = arith.constant 0 : i32
        %dma_start3A_193 = arith.constant 0 : i32
        %dma_start3A_194 = tpu.memref_slice %arg9[%dma_start3A_192, %dma_start3A_193] : memref<80x128xf32, #tpu.memory_space<vmem>> -> memref<80x128xf32, #tpu.memory_space<vmem>>
        tpu.enqueue_dma source(%dma_start3A_194 : memref<80x128xf32, #tpu.memory_space<vmem>>) target(%dma_start3A_191 : memref<80x128xf32, #tpu.memory_space<vmem_shared>>) target_semaphore(%run_scoped3A : memref<!tpu.dma_semaphore, #tpu.memory_space<semaphore_mem>>)
        %dma_wait3A_195 = arith.constant 0 : i32
        %dma_wait3A_196 = arith.constant 0 : i32
        %dma_wait3A_197 = tpu.memref_slice %arg9[%dma_wait3A_195, %dma_wait3A_196] : memref<80x128xf32, #tpu.memory_space<vmem>> -> memref<80x128xf32, #tpu.memory_space<vmem>>
        %dma_wait3A_198 = arith.constant 0 : i32
        %dma_wait3A_199 = tpu.memref_slice %arg6[%add3A_184, %dma_wait3A_198] : memref<10008x128xf32, #tpu.memory_space<vmem_shared>> -> memref<80x128xf32, #tpu.memory_space<vmem_shared>>
        %dma_wait3A_200 = arith.constant 0 : i32
        %dma_wait3A_201 = tpu.memref_slice %arg6[%add3A_184, %dma_wait3A_200] : memref<10008x128xf32, #tpu.memory_space<vmem_shared>> -> memref<80x128xf32, #tpu.memory_space<vmem_shared>>
        %dma_wait3A_202 = arith.constant 0 : i32
        %dma_wait3A_203 = arith.constant 0 : i32
        %dma_wait3A_204 = tpu.memref_slice %arg9[%dma_wait3A_202, %dma_wait3A_203] : memref<80x128xf32, #tpu.memory_space<vmem>> -> memref<80x128xf32, #tpu.memory_space<vmem>>
        tpu.wait_dma2 semaphore(%run_scoped3A : memref<!tpu.dma_semaphore, #tpu.memory_space<semaphore_mem>>) src(%dma_wait3A_204 : memref<80x128xf32, #tpu.memory_space<vmem>>) dst(%dma_wait3A_201 : memref<80x128xf32, #tpu.memory_space<vmem_shared>>)
        tpu.yield
      }) : () -> ()
    } else {
    }
    %lt3A_102 = arith.constant 15 : i32
    %lt3A_103 = arith.cmpi slt, %arg1, %lt3A_102 : i32
    %convert_element_type3A_104 = arith.extui %lt3A_103 : i1 to i32
    %cond3A_105 = arith.constant 0 : i32
    %cond3A_106 = arith.cmpi ne, %convert_element_type3A_104, %cond3A_105 : i32
    scf.if %cond3A_106 {
      %mul3A_181 = arith.constant 640 : i32
      %mul3A_182 = arith.muli %arg1, %mul3A_181 : i32
      %add3A_183 = arith.constant 560 : i32
      %add3A_184 = arith.addi %mul3A_182, %add3A_183 : i32
      "tpu.region"() ({
        %run_scoped3A = tpu.sem_alloc : memref<!tpu.dma_semaphore, #tpu.memory_space<semaphore_mem>>
        %dma_start3A_185 = arith.constant 0 : i32
        %dma_start3A_186 = arith.constant 0 : i32
        %dma_start3A_187 = tpu.memref_slice %arg10[%dma_start3A_185, %dma_start3A_186] : memref<80x128xf32, #tpu.memory_space<vmem>> -> memref<80x128xf32, #tpu.memory_space<vmem>>
        %dma_start3A_188 = arith.constant 0 : i32
        %dma_start3A_189 = tpu.memref_slice %arg6[%add3A_184, %dma_start3A_188] : memref<10008x128xf32, #tpu.memory_space<vmem_shared>> -> memref<80x128xf32, #tpu.memory_space<vmem_shared>>
        %dma_start3A_190 = arith.constant 0 : i32
        %dma_start3A_191 = tpu.memref_slice %arg6[%add3A_184, %dma_start3A_190] : memref<10008x128xf32, #tpu.memory_space<vmem_shared>> -> memref<80x128xf32, #tpu.memory_space<vmem_shared>>
        %dma_start3A_192 = arith.constant 0 : i32
        %dma_start3A_193 = arith.constant 0 : i32
        %dma_start3A_194 = tpu.memref_slice %arg10[%dma_start3A_192, %dma_start3A_193] : memref<80x128xf32, #tpu.memory_space<vmem>> -> memref<80x128xf32, #tpu.memory_space<vmem>>
        tpu.enqueue_dma source(%dma_start3A_194 : memref<80x128xf32, #tpu.memory_space<vmem>>) target(%dma_start3A_191 : memref<80x128xf32, #tpu.memory_space<vmem_shared>>) target_semaphore(%run_scoped3A : memref<!tpu.dma_semaphore, #tpu.memory_space<semaphore_mem>>)
        %dma_wait3A_195 = arith.constant 0 : i32
        %dma_wait3A_196 = arith.constant 0 : i32
        %dma_wait3A_197 = tpu.memref_slice %arg10[%dma_wait3A_195, %dma_wait3A_196] : memref<80x128xf32, #tpu.memory_space<vmem>> -> memref<80x128xf32, #tpu.memory_space<vmem>>
        %dma_wait3A_198 = arith.constant 0 : i32
        %dma_wait3A_199 = tpu.memref_slice %arg6[%add3A_184, %dma_wait3A_198] : memref<10008x128xf32, #tpu.memory_space<vmem_shared>> -> memref<80x128xf32, #tpu.memory_space<vmem_shared>>
        %dma_wait3A_200 = arith.constant 0 : i32
        %dma_wait3A_201 = tpu.memref_slice %arg6[%add3A_184, %dma_wait3A_200] : memref<10008x128xf32, #tpu.memory_space<vmem_shared>> -> memref<80x128xf32, #tpu.memory_space<vmem_shared>>
        %dma_wait3A_202 = arith.constant 0 : i32
        %dma_wait3A_203 = arith.constant 0 : i32
        %dma_wait3A_204 = tpu.memref_slice %arg10[%dma_wait3A_202, %dma_wait3A_203] : memref<80x128xf32, #tpu.memory_space<vmem>> -> memref<80x128xf32, #tpu.memory_space<vmem>>
        tpu.wait_dma2 semaphore(%run_scoped3A : memref<!tpu.dma_semaphore, #tpu.memory_space<semaphore_mem>>) src(%dma_wait3A_204 : memref<80x128xf32, #tpu.memory_space<vmem>>) dst(%dma_wait3A_201 : memref<80x128xf32, #tpu.memory_space<vmem_shared>>)
        tpu.yield
      }) : () -> ()
    } else {
    }
    %barrier3A = arith.constant 0 : index
    tpu.barrier barrier_id(%barrier3A)
    %add3A_107 = arith.constant 0 : i32
    %add3A_108 = arith.addi %mul3A_2, %add3A_107 : i32
    %multiple_of3A_109 = tpu.assume_multiple %add3A_108, 8 : i32
    %dma_wait3A = arith.constant 0 : i32
    %dma_wait3A_110 = arith.constant 0 : i32
    %dma_wait3A_111 = arith.constant 0 : i32
    %dma_wait3A_112 = tpu.memref_slice %arg7[%dma_wait3A, %dma_wait3A_111] : memref<4x80xi32, #tpu.memory_space<vmem>> -> memref<1x80xi32, #tpu.memory_space<vmem>>
    %dma_wait3A_113 = tpu.memref_squeeze %dma_wait3A_112 : memref<1x80xi32, #tpu.memory_space<vmem>> -> memref<80xi32, #tpu.memory_space<vmem>>
    %dma_wait3A_114 = tpu.memref_slice %arg3[%multiple_of3A_109] : memref<320000xi32, #tpu.memory_space<hbm>> -> memref<80xi32, #tpu.memory_space<hbm>>
    %dma_wait3A_115 = tpu.memref_slice %arg18[%dma_wait3A_110] : memref<4x!tpu.dma_semaphore, #tpu.memory_space<semaphore_mem>> -> memref<1x!tpu.dma_semaphore, #tpu.memory_space<semaphore_mem>>
    %dma_wait3A_116 = tpu.memref_squeeze %dma_wait3A_115 : memref<1x!tpu.dma_semaphore, #tpu.memory_space<semaphore_mem>> -> memref<!tpu.dma_semaphore, #tpu.memory_space<semaphore_mem>>
    %dma_wait3A_117 = arith.constant 0 : i32
    %dma_wait3A_118 = tpu.memref_slice %arg7[%dma_wait3A, %dma_wait3A_117] : memref<4x80xi32, #tpu.memory_space<vmem>> -> memref<1x80xi32, #tpu.memory_space<vmem>>
    %dma_wait3A_119 = tpu.memref_squeeze %dma_wait3A_118 : memref<1x80xi32, #tpu.memory_space<vmem>> -> memref<80xi32, #tpu.memory_space<vmem>>
    %dma_wait3A_120 = tpu.memref_slice %arg3[%multiple_of3A_109] : memref<320000xi32, #tpu.memory_space<hbm>> -> memref<80xi32, #tpu.memory_space<hbm>>
    tpu.wait_dma2 semaphore(%dma_wait3A_116 : memref<!tpu.dma_semaphore, #tpu.memory_space<semaphore_mem>>) src(%dma_wait3A_120 : memref<80xi32, #tpu.memory_space<hbm>>) dst(%dma_wait3A_119 : memref<80xi32, #tpu.memory_space<vmem>>)
    %dma_start3A_121 = arith.constant 0 : i32
    %dma_start3A_122 = arith.constant 0 : i32
    %dma_start3A_123 = tpu.memref_slice %arg7[%dma_start3A_121, %dma_start3A_122] : memref<4x80xi32, #tpu.memory_space<vmem>> -> memref<1x80xi32, #tpu.memory_space<vmem>>
    %dma_start3A_124 = tpu.memref_squeeze %dma_start3A_123 : memref<1x80xi32, #tpu.memory_space<vmem>> -> memref<80xi32, #tpu.memory_space<vmem>>
    %dma_start3A_125 = arith.constant 0 : i32
    %dma_start3A_126 = arith.constant 0 : i32
    %dma_start3A_127 = tpu.memref_slice %arg2[%dma_start3A_125, %dma_start3A_126] : memref<10000x128xf32, #tpu.memory_space<hbm>> -> memref<10000x128xf32, #tpu.memory_space<hbm>>
    tpu.enqueue_indirect_dma source(%dma_start3A_127 : memref<10000x128xf32, #tpu.memory_space<hbm>>) target(%arg9 : memref<80x128xf32, #tpu.memory_space<vmem>>) offsets(%dma_start3A_124 : memref<80xi32, #tpu.memory_space<vmem>>) semaphore(%arg12 : memref<!tpu.dma_semaphore, #tpu.memory_space<semaphore_mem>>)
    %add3A_128 = arith.constant 80 : i32
    %add3A_129 = arith.addi %mul3A_2, %add3A_128 : i32
    %multiple_of3A_130 = tpu.assume_multiple %add3A_129, 8 : i32
    %dma_wait3A_131 = arith.constant 1 : i32
    %dma_wait3A_132 = arith.constant 1 : i32
    %dma_wait3A_133 = arith.constant 0 : i32
    %dma_wait3A_134 = tpu.memref_slice %arg7[%dma_wait3A_131, %dma_wait3A_133] : memref<4x80xi32, #tpu.memory_space<vmem>> -> memref<1x80xi32, #tpu.memory_space<vmem>>
    %dma_wait3A_135 = tpu.memref_squeeze %dma_wait3A_134 : memref<1x80xi32, #tpu.memory_space<vmem>> -> memref<80xi32, #tpu.memory_space<vmem>>
    %dma_wait3A_136 = tpu.memref_slice %arg3[%multiple_of3A_130] : memref<320000xi32, #tpu.memory_space<hbm>> -> memref<80xi32, #tpu.memory_space<hbm>>
    %dma_wait3A_137 = tpu.memref_slice %arg18[%dma_wait3A_132] : memref<4x!tpu.dma_semaphore, #tpu.memory_space<semaphore_mem>> -> memref<1x!tpu.dma_semaphore, #tpu.memory_space<semaphore_mem>>
    %dma_wait3A_138 = tpu.memref_squeeze %dma_wait3A_137 : memref<1x!tpu.dma_semaphore, #tpu.memory_space<semaphore_mem>> -> memref<!tpu.dma_semaphore, #tpu.memory_space<semaphore_mem>>
    %dma_wait3A_139 = arith.constant 0 : i32
    %dma_wait3A_140 = tpu.memref_slice %arg7[%dma_wait3A_131, %dma_wait3A_139] : memref<4x80xi32, #tpu.memory_space<vmem>> -> memref<1x80xi32, #tpu.memory_space<vmem>>
    %dma_wait3A_141 = tpu.memref_squeeze %dma_wait3A_140 : memref<1x80xi32, #tpu.memory_space<vmem>> -> memref<80xi32, #tpu.memory_space<vmem>>
    %dma_wait3A_142 = tpu.memref_slice %arg3[%multiple_of3A_130] : memref<320000xi32, #tpu.memory_space<hbm>> -> memref<80xi32, #tpu.memory_space<hbm>>
    tpu.wait_dma2 semaphore(%dma_wait3A_138 : memref<!tpu.dma_semaphore, #tpu.memory_space<semaphore_mem>>) src(%dma_wait3A_142 : memref<80xi32, #tpu.memory_space<hbm>>) dst(%dma_wait3A_141 : memref<80xi32, #tpu.memory_space<vmem>>)
    %dma_start3A_143 = arith.constant 1 : i32
    %dma_start3A_144 = arith.constant 0 : i32
    %dma_start3A_145 = tpu.memref_slice %arg7[%dma_start3A_143, %dma_start3A_144] : memref<4x80xi32, #tpu.memory_space<vmem>> -> memref<1x80xi32, #tpu.memory_space<vmem>>
    %dma_start3A_146 = tpu.memref_squeeze %dma_start3A_145 : memref<1x80xi32, #tpu.memory_space<vmem>> -> memref<80xi32, #tpu.memory_space<vmem>>
    %dma_start3A_147 = arith.constant 0 : i32
    %dma_start3A_148 = arith.constant 0 : i32
    %dma_start3A_149 = tpu.memref_slice %arg2[%dma_start3A_147, %dma_start3A_148] : memref<10000x128xf32, #tpu.memory_space<hbm>> -> memref<10000x128xf32, #tpu.memory_space<hbm>>
    tpu.enqueue_indirect_dma source(%dma_start3A_149 : memref<10000x128xf32, #tpu.memory_space<hbm>>) target(%arg10 : memref<80x128xf32, #tpu.memory_space<vmem>>) offsets(%dma_start3A_146 : memref<80xi32, #tpu.memory_space<vmem>>) semaphore(%arg13 : memref<!tpu.dma_semaphore, #tpu.memory_space<semaphore_mem>>)
    %dma_wait3A_150 = arith.constant 0 : i32
    %dma_wait3A_151 = arith.constant 0 : i32
    %dma_wait3A_152 = tpu.memref_slice %arg4[%add3A, %dma_wait3A_150, %dma_wait3A_151] : memref<32x125x80xi32, #tpu.memory_space<hbm>> -> memref<1x125x80xi32, #tpu.memory_space<hbm>>
    %dma_wait3A_153 = tpu.memref_squeeze %dma_wait3A_152 : memref<1x125x80xi32, #tpu.memory_space<hbm>> -> memref<125x80xi32, #tpu.memory_space<hbm>>
    %dma_wait3A_154 = arith.constant 0 : i32
    %dma_wait3A_155 = arith.constant 0 : i32
    %dma_wait3A_156 = tpu.memref_slice %arg4[%add3A, %dma_wait3A_154, %dma_wait3A_155] : memref<32x125x80xi32, #tpu.memory_space<hbm>> -> memref<1x125x80xi32, #tpu.memory_space<hbm>>
    %dma_wait3A_157 = tpu.memref_squeeze %dma_wait3A_156 : memref<1x125x80xi32, #tpu.memory_space<hbm>> -> memref<125x80xi32, #tpu.memory_space<hbm>>
    tpu.wait_dma2 semaphore(%arg19 : memref<!tpu.dma_semaphore, #tpu.memory_space<semaphore_mem>>) src(%dma_wait3A_157 : memref<125x80xi32, #tpu.memory_space<hbm>>) dst(%arg8 : memref<125x80xi32, #tpu.memory_space<vmem>>)
    %scan3A_158 = arith.constant 0 : i32
    %scan3A_159 = arith.constant 0 : i32
    %scan3A_160 = arith.constant 42 : i32
    %scan3A_161 = arith.addi %scan3A_159, %scan3A_160 : i32
    %scan3A_162 = arith.constant 1 : i32
    scf.for %scan3A_181 = %scan3A_159 to %scan3A_161 step %scan3A_162  : i32 {
      %mul3A_182 = arith.constant 3 : i32
      %mul3A_183 = arith.muli %scan3A_181, %mul3A_182 : i32
      %add3A_184 = arith.constant 0 : i32
      %add3A_185 = arith.addi %mul3A_183, %add3A_184 : i32
      %lt3A_186 = arith.constant 125 : i32
      %lt3A_187 = arith.cmpi slt, %add3A_185, %lt3A_186 : i32
      %convert_element_type3A_188 = arith.extui %lt3A_187 : i1 to i32
      %cond3A_189 = arith.constant 0 : i32
      %cond3A_190 = arith.cmpi ne, %convert_element_type3A_188, %cond3A_189 : i32
      scf.if %cond3A_190 {
        %add3A_205 = arith.constant 0 : i32
        %add3A_206 = arith.addi %mul3A_183, %add3A_205 : i32
        %rem3A = arith.constant 4 : i32
        %rem3A_207 = arith.remsi %add3A_206, %rem3A : i32
        %dma_wait3A_208 = arith.constant 0 : i32
        %dma_wait3A_209 = tpu.memref_slice %arg7[%rem3A_207, %dma_wait3A_208] : memref<4x80xi32, #tpu.memory_space<vmem>> -> memref<1x80xi32, #tpu.memory_space<vmem>>
        %dma_wait3A_210 = tpu.memref_squeeze %dma_wait3A_209 : memref<1x80xi32, #tpu.memory_space<vmem>> -> memref<80xi32, #tpu.memory_space<vmem>>
        %dma_wait3A_211 = arith.constant 0 : i32
        %dma_wait3A_212 = arith.constant 0 : i32
        %dma_wait3A_213 = tpu.memref_slice %arg2[%dma_wait3A_211, %dma_wait3A_212] : memref<10000x128xf32, #tpu.memory_space<hbm>> -> memref<10000x128xf32, #tpu.memory_space<hbm>>
        tpu.wait_indirect_dma semaphore(%arg12 : memref<!tpu.dma_semaphore, #tpu.memory_space<semaphore_mem>>) src(%dma_wait3A_213 : memref<10000x128xf32, #tpu.memory_space<hbm>>) dst(%arg9 : memref<80x128xf32, #tpu.memory_space<vmem>>)
        %ge3A = arith.constant 1 : i32
        %ge3A_214 = arith.cmpi sge, %add3A_206, %ge3A : i32
        %convert_element_type3A_215 = arith.extui %ge3A_214 : i1 to i32
        %cond3A_216 = arith.constant 0 : i32
        %cond3A_217 = arith.cmpi ne, %convert_element_type3A_215, %cond3A_216 : i32
        scf.if %cond3A_217 {
          %sub3A = arith.constant 1 : i32
          %sub3A_238 = arith.subi %add3A_206, %sub3A : i32
          %dma_wait3A_239 = arith.constant 0 : i32
          %dma_wait3A_240 = tpu.memref_slice %arg8[%sub3A_238, %dma_wait3A_239] : memref<125x80xi32, #tpu.memory_space<vmem>> -> memref<1x80xi32, #tpu.memory_space<vmem>>
          %dma_wait3A_241 = tpu.memref_squeeze %dma_wait3A_240 : memref<1x80xi32, #tpu.memory_space<vmem>> -> memref<80xi32, #tpu.memory_space<vmem>>
          %dma_wait3A_242 = arith.constant 0 : i32
          %dma_wait3A_243 = arith.constant 0 : i32
          %dma_wait3A_244 = tpu.memref_slice %arg6[%dma_wait3A_242, %dma_wait3A_243] : memref<10008x128xf32, #tpu.memory_space<vmem_shared>> -> memref<10008x128xf32, #tpu.memory_space<vmem_shared>>
          tpu.wait_indirect_dma semaphore(%arg17 : memref<!tpu.dma_semaphore, #tpu.memory_space<semaphore_mem>>) src(%arg11 : memref<80x128xf32, #tpu.memory_space<vmem>>) dst(%dma_wait3A_244 : memref<10008x128xf32, #tpu.memory_space<vmem_shared>>)
        } else {
        }
        %add3A_218 = arith.constant 2 : i32
        %add3A_219 = arith.addi %add3A_206, %add3A_218 : i32
        %lt3A_220 = arith.constant 125 : i32
        %lt3A_221 = arith.cmpi slt, %add3A_219, %lt3A_220 : i32
        %convert_element_type3A_222 = arith.extui %lt3A_221 : i1 to i32
        %cond3A_223 = arith.constant 0 : i32
        %cond3A_224 = arith.cmpi ne, %convert_element_type3A_222, %cond3A_223 : i32
        scf.if %cond3A_224 {
          %add3A_238 = arith.constant 2 : i32
          %add3A_239 = arith.addi %add3A_206, %add3A_238 : i32
          %add3A_240 = arith.constant 2 : i32
          %add3A_241 = arith.addi %add3A_206, %add3A_240 : i32
          %rem3A_242 = arith.constant 4 : i32
          %rem3A_243 = arith.remsi %add3A_241, %rem3A_242 : i32
          %mul3A_244 = arith.constant 80 : i32
          %mul3A_245 = arith.muli %add3A_239, %mul3A_244 : i32
          %add3A_246 = arith.addi %mul3A_2, %mul3A_245 : i32
          %multiple_of3A_247 = tpu.assume_multiple %add3A_246, 8 : i32
          %dma_wait3A_248 = arith.constant 0 : i32
          %dma_wait3A_249 = tpu.memref_slice %arg7[%rem3A_243, %dma_wait3A_248] : memref<4x80xi32, #tpu.memory_space<vmem>> -> memref<1x80xi32, #tpu.memory_space<vmem>>
          %dma_wait3A_250 = tpu.memref_squeeze %dma_wait3A_249 : memref<1x80xi32, #tpu.memory_space<vmem>> -> memref<80xi32, #tpu.memory_space<vmem>>
          %dma_wait3A_251 = tpu.memref_slice %arg3[%multiple_of3A_247] : memref<320000xi32, #tpu.memory_space<hbm>> -> memref<80xi32, #tpu.memory_space<hbm>>
          %dma_wait3A_252 = tpu.memref_slice %arg18[%rem3A_243] : memref<4x!tpu.dma_semaphore, #tpu.memory_space<semaphore_mem>> -> memref<1x!tpu.dma_semaphore, #tpu.memory_space<semaphore_mem>>
          %dma_wait3A_253 = tpu.memref_squeeze %dma_wait3A_252 : memref<1x!tpu.dma_semaphore, #tpu.memory_space<semaphore_mem>> -> memref<!tpu.dma_semaphore, #tpu.memory_space<semaphore_mem>>
          %dma_wait3A_254 = arith.constant 0 : i32
          %dma_wait3A_255 = tpu.memref_slice %arg7[%rem3A_243, %dma_wait3A_254] : memref<4x80xi32, #tpu.memory_space<vmem>> -> memref<1x80xi32, #tpu.memory_space<vmem>>
          %dma_wait3A_256 = tpu.memref_squeeze %dma_wait3A_255 : memref<1x80xi32, #tpu.memory_space<vmem>> -> memref<80xi32, #tpu.memory_space<vmem>>
          %dma_wait3A_257 = tpu.memref_slice %arg3[%multiple_of3A_247] : memref<320000xi32, #tpu.memory_space<hbm>> -> memref<80xi32, #tpu.memory_space<hbm>>
          tpu.wait_dma2 semaphore(%dma_wait3A_253 : memref<!tpu.dma_semaphore, #tpu.memory_space<semaphore_mem>>) src(%dma_wait3A_257 : memref<80xi32, #tpu.memory_space<hbm>>) dst(%dma_wait3A_256 : memref<80xi32, #tpu.memory_space<vmem>>)
          %add3A_258 = arith.constant 2 : i32
          %add3A_259 = arith.addi %add3A_206, %add3A_258 : i32
          %rem3A_260 = arith.constant 4 : i32
          %rem3A_261 = arith.remsi %add3A_259, %rem3A_260 : i32
          %dma_start3A_262 = arith.constant 0 : i32
          %dma_start3A_263 = tpu.memref_slice %arg7[%rem3A_261, %dma_start3A_262] : memref<4x80xi32, #tpu.memory_space<vmem>> -> memref<1x80xi32, #tpu.memory_space<vmem>>
          %dma_start3A_264 = tpu.memref_squeeze %dma_start3A_263 : memref<1x80xi32, #tpu.memory_space<vmem>> -> memref<80xi32, #tpu.memory_space<vmem>>
          %dma_start3A_265 = arith.constant 0 : i32
          %dma_start3A_266 = arith.constant 0 : i32
          %dma_start3A_267 = tpu.memref_slice %arg2[%dma_start3A_265, %dma_start3A_266] : memref<10000x128xf32, #tpu.memory_space<hbm>> -> memref<10000x128xf32, #tpu.memory_space<hbm>>
          tpu.enqueue_indirect_dma source(%dma_start3A_267 : memref<10000x128xf32, #tpu.memory_space<hbm>>) target(%arg11 : memref<80x128xf32, #tpu.memory_space<vmem>>) offsets(%dma_start3A_264 : memref<80xi32, #tpu.memory_space<vmem>>) semaphore(%arg14 : memref<!tpu.dma_semaphore, #tpu.memory_space<semaphore_mem>>)
        } else {
        }
        %dma_start3A_225 = arith.constant 0 : i32
        %dma_start3A_226 = tpu.memref_slice %arg8[%add3A_206, %dma_start3A_225] : memref<125x80xi32, #tpu.memory_space<vmem>> -> memref<1x80xi32, #tpu.memory_space<vmem>>
        %dma_start3A_227 = tpu.memref_squeeze %dma_start3A_226 : memref<1x80xi32, #tpu.memory_space<vmem>> -> memref<80xi32, #tpu.memory_space<vmem>>
        %dma_start3A_228 = arith.constant 0 : i32
        %dma_start3A_229 = arith.constant 0 : i32
        %dma_start3A_230 = tpu.memref_slice %arg6[%dma_start3A_228, %dma_start3A_229] : memref<10008x128xf32, #tpu.memory_space<vmem_shared>> -> memref<10008x128xf32, #tpu.memory_space<vmem_shared>>
        tpu.enqueue_indirect_dma source(%arg9 : memref<80x128xf32, #tpu.memory_space<vmem>>) target(%dma_start3A_230 : memref<10008x128xf32, #tpu.memory_space<vmem_shared>>) offsets(%dma_start3A_227 : memref<80xi32, #tpu.memory_space<vmem>>) semaphore(%arg15 : memref<!tpu.dma_semaphore, #tpu.memory_space<semaphore_mem>>) {add = true}
        %add3A_231 = arith.constant 4 : i32
        %add3A_232 = arith.addi %add3A_206, %add3A_231 : i32
        %lt3A_233 = arith.constant 125 : i32
        %lt3A_234 = arith.cmpi slt, %add3A_232, %lt3A_233 : i32
        %convert_element_type3A_235 = arith.extui %lt3A_234 : i1 to i32
        %cond3A_236 = arith.constant 0 : i32
        %cond3A_237 = arith.cmpi ne, %convert_element_type3A_235, %cond3A_236 : i32
        scf.if %cond3A_237 {
          %add3A_238 = arith.constant 4 : i32
          %add3A_239 = arith.addi %add3A_206, %add3A_238 : i32
          %rem3A_240 = arith.constant 4 : i32
          %rem3A_241 = arith.remsi %add3A_206, %rem3A_240 : i32
          %mul3A_242 = arith.constant 80 : i32
          %mul3A_243 = arith.muli %add3A_239, %mul3A_242 : i32
          %add3A_244 = arith.addi %mul3A_2, %mul3A_243 : i32
          %multiple_of3A_245 = tpu.assume_multiple %add3A_244, 8 : i32
          %dma_start3A_246 = arith.constant 0 : i32
          %dma_start3A_247 = tpu.memref_slice %arg7[%rem3A_241, %dma_start3A_246] : memref<4x80xi32, #tpu.memory_space<vmem>> -> memref<1x80xi32, #tpu.memory_space<vmem>>
          %dma_start3A_248 = tpu.memref_squeeze %dma_start3A_247 : memref<1x80xi32, #tpu.memory_space<vmem>> -> memref<80xi32, #tpu.memory_space<vmem>>
          %dma_start3A_249 = tpu.memref_slice %arg3[%multiple_of3A_245] : memref<320000xi32, #tpu.memory_space<hbm>> -> memref<80xi32, #tpu.memory_space<hbm>>
          %dma_start3A_250 = tpu.memref_slice %arg18[%rem3A_241] : memref<4x!tpu.dma_semaphore, #tpu.memory_space<semaphore_mem>> -> memref<1x!tpu.dma_semaphore, #tpu.memory_space<semaphore_mem>>
          %dma_start3A_251 = tpu.memref_squeeze %dma_start3A_250 : memref<1x!tpu.dma_semaphore, #tpu.memory_space<semaphore_mem>> -> memref<!tpu.dma_semaphore, #tpu.memory_space<semaphore_mem>>
          %dma_start3A_252 = arith.constant 0 : i32
          %dma_start3A_253 = tpu.memref_slice %arg7[%rem3A_241, %dma_start3A_252] : memref<4x80xi32, #tpu.memory_space<vmem>> -> memref<1x80xi32, #tpu.memory_space<vmem>>
          %dma_start3A_254 = tpu.memref_squeeze %dma_start3A_253 : memref<1x80xi32, #tpu.memory_space<vmem>> -> memref<80xi32, #tpu.memory_space<vmem>>
          %dma_start3A_255 = tpu.memref_slice %arg3[%multiple_of3A_245] : memref<320000xi32, #tpu.memory_space<hbm>> -> memref<80xi32, #tpu.memory_space<hbm>>
          tpu.enqueue_dma source(%dma_start3A_255 : memref<80xi32, #tpu.memory_space<hbm>>) target(%dma_start3A_254 : memref<80xi32, #tpu.memory_space<vmem>>) target_semaphore(%dma_start3A_251 : memref<!tpu.dma_semaphore, #tpu.memory_space<semaphore_mem>>)
        } else {
        }
      } else {
      }
      %add3A_191 = arith.constant 1 : i32
      %add3A_192 = arith.addi %mul3A_183, %add3A_191 : i32
      %lt3A_193 = arith.constant 125 : i32
      %lt3A_194 = arith.cmpi slt, %add3A_192, %lt3A_193 : i32
      %convert_element_type3A_195 = arith.extui %lt3A_194 : i1 to i32
      %cond3A_196 = arith.constant 0 : i32
      %cond3A_197 = arith.cmpi ne, %convert_element_type3A_195, %cond3A_196 : i32
      scf.if %cond3A_197 {
        %add3A_205 = arith.constant 1 : i32
        %add3A_206 = arith.addi %mul3A_183, %add3A_205 : i32
        %rem3A = arith.constant 4 : i32
        %rem3A_207 = arith.remsi %add3A_206, %rem3A : i32
        %dma_wait3A_208 = arith.constant 0 : i32
        %dma_wait3A_209 = tpu.memref_slice %arg7[%rem3A_207, %dma_wait3A_208] : memref<4x80xi32, #tpu.memory_space<vmem>> -> memref<1x80xi32, #tpu.memory_space<vmem>>
        %dma_wait3A_210 = tpu.memref_squeeze %dma_wait3A_209 : memref<1x80xi32, #tpu.memory_space<vmem>> -> memref<80xi32, #tpu.memory_space<vmem>>
        %dma_wait3A_211 = arith.constant 0 : i32
        %dma_wait3A_212 = arith.constant 0 : i32
        %dma_wait3A_213 = tpu.memref_slice %arg2[%dma_wait3A_211, %dma_wait3A_212] : memref<10000x128xf32, #tpu.memory_space<hbm>> -> memref<10000x128xf32, #tpu.memory_space<hbm>>
        tpu.wait_indirect_dma semaphore(%arg13 : memref<!tpu.dma_semaphore, #tpu.memory_space<semaphore_mem>>) src(%dma_wait3A_213 : memref<10000x128xf32, #tpu.memory_space<hbm>>) dst(%arg10 : memref<80x128xf32, #tpu.memory_space<vmem>>)
        %ge3A = arith.constant 1 : i32
        %ge3A_214 = arith.cmpi sge, %add3A_206, %ge3A : i32
        %convert_element_type3A_215 = arith.extui %ge3A_214 : i1 to i32
        %cond3A_216 = arith.constant 0 : i32
        %cond3A_217 = arith.cmpi ne, %convert_element_type3A_215, %cond3A_216 : i32
        scf.if %cond3A_217 {
          %sub3A = arith.constant 1 : i32
          %sub3A_238 = arith.subi %add3A_206, %sub3A : i32
          %dma_wait3A_239 = arith.constant 0 : i32
          %dma_wait3A_240 = tpu.memref_slice %arg8[%sub3A_238, %dma_wait3A_239] : memref<125x80xi32, #tpu.memory_space<vmem>> -> memref<1x80xi32, #tpu.memory_space<vmem>>
          %dma_wait3A_241 = tpu.memref_squeeze %dma_wait3A_240 : memref<1x80xi32, #tpu.memory_space<vmem>> -> memref<80xi32, #tpu.memory_space<vmem>>
          %dma_wait3A_242 = arith.constant 0 : i32
          %dma_wait3A_243 = arith.constant 0 : i32
          %dma_wait3A_244 = tpu.memref_slice %arg6[%dma_wait3A_242, %dma_wait3A_243] : memref<10008x128xf32, #tpu.memory_space<vmem_shared>> -> memref<10008x128xf32, #tpu.memory_space<vmem_shared>>
          tpu.wait_indirect_dma semaphore(%arg15 : memref<!tpu.dma_semaphore, #tpu.memory_space<semaphore_mem>>) src(%arg9 : memref<80x128xf32, #tpu.memory_space<vmem>>) dst(%dma_wait3A_244 : memref<10008x128xf32, #tpu.memory_space<vmem_shared>>)
        } else {
        }
        %add3A_218 = arith.constant 2 : i32
        %add3A_219 = arith.addi %add3A_206, %add3A_218 : i32
        %lt3A_220 = arith.constant 125 : i32
        %lt3A_221 = arith.cmpi slt, %add3A_219, %lt3A_220 : i32
        %convert_element_type3A_222 = arith.extui %lt3A_221 : i1 to i32
        %cond3A_223 = arith.constant 0 : i32
        %cond3A_224 = arith.cmpi ne, %convert_element_type3A_222, %cond3A_223 : i32
        scf.if %cond3A_224 {
          %add3A_238 = arith.constant 2 : i32
          %add3A_239 = arith.addi %add3A_206, %add3A_238 : i32
          %add3A_240 = arith.constant 2 : i32
          %add3A_241 = arith.addi %add3A_206, %add3A_240 : i32
          %rem3A_242 = arith.constant 4 : i32
          %rem3A_243 = arith.remsi %add3A_241, %rem3A_242 : i32
          %mul3A_244 = arith.constant 80 : i32
          %mul3A_245 = arith.muli %add3A_239, %mul3A_244 : i32
          %add3A_246 = arith.addi %mul3A_2, %mul3A_245 : i32
          %multiple_of3A_247 = tpu.assume_multiple %add3A_246, 8 : i32
          %dma_wait3A_248 = arith.constant 0 : i32
          %dma_wait3A_249 = tpu.memref_slice %arg7[%rem3A_243, %dma_wait3A_248] : memref<4x80xi32, #tpu.memory_space<vmem>> -> memref<1x80xi32, #tpu.memory_space<vmem>>
          %dma_wait3A_250 = tpu.memref_squeeze %dma_wait3A_249 : memref<1x80xi32, #tpu.memory_space<vmem>> -> memref<80xi32, #tpu.memory_space<vmem>>
          %dma_wait3A_251 = tpu.memref_slice %arg3[%multiple_of3A_247] : memref<320000xi32, #tpu.memory_space<hbm>> -> memref<80xi32, #tpu.memory_space<hbm>>
          %dma_wait3A_252 = tpu.memref_slice %arg18[%rem3A_243] : memref<4x!tpu.dma_semaphore, #tpu.memory_space<semaphore_mem>> -> memref<1x!tpu.dma_semaphore, #tpu.memory_space<semaphore_mem>>
          %dma_wait3A_253 = tpu.memref_squeeze %dma_wait3A_252 : memref<1x!tpu.dma_semaphore, #tpu.memory_space<semaphore_mem>> -> memref<!tpu.dma_semaphore, #tpu.memory_space<semaphore_mem>>
          %dma_wait3A_254 = arith.constant 0 : i32
          %dma_wait3A_255 = tpu.memref_slice %arg7[%rem3A_243, %dma_wait3A_254] : memref<4x80xi32, #tpu.memory_space<vmem>> -> memref<1x80xi32, #tpu.memory_space<vmem>>
          %dma_wait3A_256 = tpu.memref_squeeze %dma_wait3A_255 : memref<1x80xi32, #tpu.memory_space<vmem>> -> memref<80xi32, #tpu.memory_space<vmem>>
          %dma_wait3A_257 = tpu.memref_slice %arg3[%multiple_of3A_247] : memref<320000xi32, #tpu.memory_space<hbm>> -> memref<80xi32, #tpu.memory_space<hbm>>
          tpu.wait_dma2 semaphore(%dma_wait3A_253 : memref<!tpu.dma_semaphore, #tpu.memory_space<semaphore_mem>>) src(%dma_wait3A_257 : memref<80xi32, #tpu.memory_space<hbm>>) dst(%dma_wait3A_256 : memref<80xi32, #tpu.memory_space<vmem>>)
          %add3A_258 = arith.constant 2 : i32
          %add3A_259 = arith.addi %add3A_206, %add3A_258 : i32
          %rem3A_260 = arith.constant 4 : i32
          %rem3A_261 = arith.remsi %add3A_259, %rem3A_260 : i32
          %dma_start3A_262 = arith.constant 0 : i32
          %dma_start3A_263 = tpu.memref_slice %arg7[%rem3A_261, %dma_start3A_262] : memref<4x80xi32, #tpu.memory_space<vmem>> -> memref<1x80xi32, #tpu.memory_space<vmem>>
          %dma_start3A_264 = tpu.memref_squeeze %dma_start3A_263 : memref<1x80xi32, #tpu.memory_space<vmem>> -> memref<80xi32, #tpu.memory_space<vmem>>
          %dma_start3A_265 = arith.constant 0 : i32
          %dma_start3A_266 = arith.constant 0 : i32
          %dma_start3A_267 = tpu.memref_slice %arg2[%dma_start3A_265, %dma_start3A_266] : memref<10000x128xf32, #tpu.memory_space<hbm>> -> memref<10000x128xf32, #tpu.memory_space<hbm>>
          tpu.enqueue_indirect_dma source(%dma_start3A_267 : memref<10000x128xf32, #tpu.memory_space<hbm>>) target(%arg9 : memref<80x128xf32, #tpu.memory_space<vmem>>) offsets(%dma_start3A_264 : memref<80xi32, #tpu.memory_space<vmem>>) semaphore(%arg12 : memref<!tpu.dma_semaphore, #tpu.memory_space<semaphore_mem>>)
        } else {
        }
        %dma_start3A_225 = arith.constant 0 : i32
        %dma_start3A_226 = tpu.memref_slice %arg8[%add3A_206, %dma_start3A_225] : memref<125x80xi32, #tpu.memory_space<vmem>> -> memref<1x80xi32, #tpu.memory_space<vmem>>
        %dma_start3A_227 = tpu.memref_squeeze %dma_start3A_226 : memref<1x80xi32, #tpu.memory_space<vmem>> -> memref<80xi32, #tpu.memory_space<vmem>>
        %dma_start3A_228 = arith.constant 0 : i32
        %dma_start3A_229 = arith.constant 0 : i32
        %dma_start3A_230 = tpu.memref_slice %arg6[%dma_start3A_228, %dma_start3A_229] : memref<10008x128xf32, #tpu.memory_space<vmem_shared>> -> memref<10008x128xf32, #tpu.memory_space<vmem_shared>>
        tpu.enqueue_indirect_dma source(%arg10 : memref<80x128xf32, #tpu.memory_space<vmem>>) target(%dma_start3A_230 : memref<10008x128xf32, #tpu.memory_space<vmem_shared>>) offsets(%dma_start3A_227 : memref<80xi32, #tpu.memory_space<vmem>>) semaphore(%arg16 : memref<!tpu.dma_semaphore, #tpu.memory_space<semaphore_mem>>) {add = true}
        %add3A_231 = arith.constant 4 : i32
        %add3A_232 = arith.addi %add3A_206, %add3A_231 : i32
        %lt3A_233 = arith.constant 125 : i32
        %lt3A_234 = arith.cmpi slt, %add3A_232, %lt3A_233 : i32
        %convert_element_type3A_235 = arith.extui %lt3A_234 : i1 to i32
        %cond3A_236 = arith.constant 0 : i32
        %cond3A_237 = arith.cmpi ne, %convert_element_type3A_235, %cond3A_236 : i32
        scf.if %cond3A_237 {
          %add3A_238 = arith.constant 4 : i32
          %add3A_239 = arith.addi %add3A_206, %add3A_238 : i32
          %rem3A_240 = arith.constant 4 : i32
          %rem3A_241 = arith.remsi %add3A_206, %rem3A_240 : i32
          %mul3A_242 = arith.constant 80 : i32
          %mul3A_243 = arith.muli %add3A_239, %mul3A_242 : i32
          %add3A_244 = arith.addi %mul3A_2, %mul3A_243 : i32
          %multiple_of3A_245 = tpu.assume_multiple %add3A_244, 8 : i32
          %dma_start3A_246 = arith.constant 0 : i32
          %dma_start3A_247 = tpu.memref_slice %arg7[%rem3A_241, %dma_start3A_246] : memref<4x80xi32, #tpu.memory_space<vmem>> -> memref<1x80xi32, #tpu.memory_space<vmem>>
          %dma_start3A_248 = tpu.memref_squeeze %dma_start3A_247 : memref<1x80xi32, #tpu.memory_space<vmem>> -> memref<80xi32, #tpu.memory_space<vmem>>
          %dma_start3A_249 = tpu.memref_slice %arg3[%multiple_of3A_245] : memref<320000xi32, #tpu.memory_space<hbm>> -> memref<80xi32, #tpu.memory_space<hbm>>
          %dma_start3A_250 = tpu.memref_slice %arg18[%rem3A_241] : memref<4x!tpu.dma_semaphore, #tpu.memory_space<semaphore_mem>> -> memref<1x!tpu.dma_semaphore, #tpu.memory_space<semaphore_mem>>
          %dma_start3A_251 = tpu.memref_squeeze %dma_start3A_250 : memref<1x!tpu.dma_semaphore, #tpu.memory_space<semaphore_mem>> -> memref<!tpu.dma_semaphore, #tpu.memory_space<semaphore_mem>>
          %dma_start3A_252 = arith.constant 0 : i32
          %dma_start3A_253 = tpu.memref_slice %arg7[%rem3A_241, %dma_start3A_252] : memref<4x80xi32, #tpu.memory_space<vmem>> -> memref<1x80xi32, #tpu.memory_space<vmem>>
          %dma_start3A_254 = tpu.memref_squeeze %dma_start3A_253 : memref<1x80xi32, #tpu.memory_space<vmem>> -> memref<80xi32, #tpu.memory_space<vmem>>
          %dma_start3A_255 = tpu.memref_slice %arg3[%multiple_of3A_245] : memref<320000xi32, #tpu.memory_space<hbm>> -> memref<80xi32, #tpu.memory_space<hbm>>
          tpu.enqueue_dma source(%dma_start3A_255 : memref<80xi32, #tpu.memory_space<hbm>>) target(%dma_start3A_254 : memref<80xi32, #tpu.memory_space<vmem>>) target_semaphore(%dma_start3A_251 : memref<!tpu.dma_semaphore, #tpu.memory_space<semaphore_mem>>)
        } else {
        }
      } else {
      }
      %add3A_198 = arith.constant 2 : i32
      %add3A_199 = arith.addi %mul3A_183, %add3A_198 : i32
      %lt3A_200 = arith.constant 125 : i32
      %lt3A_201 = arith.cmpi slt, %add3A_199, %lt3A_200 : i32
      %convert_element_type3A_202 = arith.extui %lt3A_201 : i1 to i32
      %cond3A_203 = arith.constant 0 : i32
      %cond3A_204 = arith.cmpi ne, %convert_element_type3A_202, %cond3A_203 : i32
      scf.if %cond3A_204 {
        %add3A_205 = arith.constant 2 : i32
        %add3A_206 = arith.addi %mul3A_183, %add3A_205 : i32
        %rem3A = arith.constant 4 : i32
        %rem3A_207 = arith.remsi %add3A_206, %rem3A : i32
        %dma_wait3A_208 = arith.constant 0 : i32
        %dma_wait3A_209 = tpu.memref_slice %arg7[%rem3A_207, %dma_wait3A_208] : memref<4x80xi32, #tpu.memory_space<vmem>> -> memref<1x80xi32, #tpu.memory_space<vmem>>
        %dma_wait3A_210 = tpu.memref_squeeze %dma_wait3A_209 : memref<1x80xi32, #tpu.memory_space<vmem>> -> memref<80xi32, #tpu.memory_space<vmem>>
        %dma_wait3A_211 = arith.constant 0 : i32
        %dma_wait3A_212 = arith.constant 0 : i32
        %dma_wait3A_213 = tpu.memref_slice %arg2[%dma_wait3A_211, %dma_wait3A_212] : memref<10000x128xf32, #tpu.memory_space<hbm>> -> memref<10000x128xf32, #tpu.memory_space<hbm>>
        tpu.wait_indirect_dma semaphore(%arg14 : memref<!tpu.dma_semaphore, #tpu.memory_space<semaphore_mem>>) src(%dma_wait3A_213 : memref<10000x128xf32, #tpu.memory_space<hbm>>) dst(%arg11 : memref<80x128xf32, #tpu.memory_space<vmem>>)
        %ge3A = arith.constant 1 : i32
        %ge3A_214 = arith.cmpi sge, %add3A_206, %ge3A : i32
        %convert_element_type3A_215 = arith.extui %ge3A_214 : i1 to i32
        %cond3A_216 = arith.constant 0 : i32
        %cond3A_217 = arith.cmpi ne, %convert_element_type3A_215, %cond3A_216 : i32
        scf.if %cond3A_217 {
          %sub3A = arith.constant 1 : i32
          %sub3A_238 = arith.subi %add3A_206, %sub3A : i32
          %dma_wait3A_239 = arith.constant 0 : i32
          %dma_wait3A_240 = tpu.memref_slice %arg8[%sub3A_238, %dma_wait3A_239] : memref<125x80xi32, #tpu.memory_space<vmem>> -> memref<1x80xi32, #tpu.memory_space<vmem>>
          %dma_wait3A_241 = tpu.memref_squeeze %dma_wait3A_240 : memref<1x80xi32, #tpu.memory_space<vmem>> -> memref<80xi32, #tpu.memory_space<vmem>>
          %dma_wait3A_242 = arith.constant 0 : i32
          %dma_wait3A_243 = arith.constant 0 : i32
          %dma_wait3A_244 = tpu.memref_slice %arg6[%dma_wait3A_242, %dma_wait3A_243] : memref<10008x128xf32, #tpu.memory_space<vmem_shared>> -> memref<10008x128xf32, #tpu.memory_space<vmem_shared>>
          tpu.wait_indirect_dma semaphore(%arg16 : memref<!tpu.dma_semaphore, #tpu.memory_space<semaphore_mem>>) src(%arg10 : memref<80x128xf32, #tpu.memory_space<vmem>>) dst(%dma_wait3A_244 : memref<10008x128xf32, #tpu.memory_space<vmem_shared>>)
        } else {
        }
        %add3A_218 = arith.constant 2 : i32
        %add3A_219 = arith.addi %add3A_206, %add3A_218 : i32
        %lt3A_220 = arith.constant 125 : i32
        %lt3A_221 = arith.cmpi slt, %add3A_219, %lt3A_220 : i32
        %convert_element_type3A_222 = arith.extui %lt3A_221 : i1 to i32
        %cond3A_223 = arith.constant 0 : i32
        %cond3A_224 = arith.cmpi ne, %convert_element_type3A_222, %cond3A_223 : i32
        scf.if %cond3A_224 {
          %add3A_238 = arith.constant 2 : i32
          %add3A_239 = arith.addi %add3A_206, %add3A_238 : i32
          %add3A_240 = arith.constant 2 : i32
          %add3A_241 = arith.addi %add3A_206, %add3A_240 : i32
          %rem3A_242 = arith.constant 4 : i32
          %rem3A_243 = arith.remsi %add3A_241, %rem3A_242 : i32
          %mul3A_244 = arith.constant 80 : i32
          %mul3A_245 = arith.muli %add3A_239, %mul3A_244 : i32
          %add3A_246 = arith.addi %mul3A_2, %mul3A_245 : i32
          %multiple_of3A_247 = tpu.assume_multiple %add3A_246, 8 : i32
          %dma_wait3A_248 = arith.constant 0 : i32
          %dma_wait3A_249 = tpu.memref_slice %arg7[%rem3A_243, %dma_wait3A_248] : memref<4x80xi32, #tpu.memory_space<vmem>> -> memref<1x80xi32, #tpu.memory_space<vmem>>
          %dma_wait3A_250 = tpu.memref_squeeze %dma_wait3A_249 : memref<1x80xi32, #tpu.memory_space<vmem>> -> memref<80xi32, #tpu.memory_space<vmem>>
          %dma_wait3A_251 = tpu.memref_slice %arg3[%multiple_of3A_247] : memref<320000xi32, #tpu.memory_space<hbm>> -> memref<80xi32, #tpu.memory_space<hbm>>
          %dma_wait3A_252 = tpu.memref_slice %arg18[%rem3A_243] : memref<4x!tpu.dma_semaphore, #tpu.memory_space<semaphore_mem>> -> memref<1x!tpu.dma_semaphore, #tpu.memory_space<semaphore_mem>>
          %dma_wait3A_253 = tpu.memref_squeeze %dma_wait3A_252 : memref<1x!tpu.dma_semaphore, #tpu.memory_space<semaphore_mem>> -> memref<!tpu.dma_semaphore, #tpu.memory_space<semaphore_mem>>
          %dma_wait3A_254 = arith.constant 0 : i32
          %dma_wait3A_255 = tpu.memref_slice %arg7[%rem3A_243, %dma_wait3A_254] : memref<4x80xi32, #tpu.memory_space<vmem>> -> memref<1x80xi32, #tpu.memory_space<vmem>>
          %dma_wait3A_256 = tpu.memref_squeeze %dma_wait3A_255 : memref<1x80xi32, #tpu.memory_space<vmem>> -> memref<80xi32, #tpu.memory_space<vmem>>
          %dma_wait3A_257 = tpu.memref_slice %arg3[%multiple_of3A_247] : memref<320000xi32, #tpu.memory_space<hbm>> -> memref<80xi32, #tpu.memory_space<hbm>>
          tpu.wait_dma2 semaphore(%dma_wait3A_253 : memref<!tpu.dma_semaphore, #tpu.memory_space<semaphore_mem>>) src(%dma_wait3A_257 : memref<80xi32, #tpu.memory_space<hbm>>) dst(%dma_wait3A_256 : memref<80xi32, #tpu.memory_space<vmem>>)
          %add3A_258 = arith.constant 2 : i32
          %add3A_259 = arith.addi %add3A_206, %add3A_258 : i32
          %rem3A_260 = arith.constant 4 : i32
          %rem3A_261 = arith.remsi %add3A_259, %rem3A_260 : i32
          %dma_start3A_262 = arith.constant 0 : i32
          %dma_start3A_263 = tpu.memref_slice %arg7[%rem3A_261, %dma_start3A_262] : memref<4x80xi32, #tpu.memory_space<vmem>> -> memref<1x80xi32, #tpu.memory_space<vmem>>
          %dma_start3A_264 = tpu.memref_squeeze %dma_start3A_263 : memref<1x80xi32, #tpu.memory_space<vmem>> -> memref<80xi32, #tpu.memory_space<vmem>>
          %dma_start3A_265 = arith.constant 0 : i32
          %dma_start3A_266 = arith.constant 0 : i32
          %dma_start3A_267 = tpu.memref_slice %arg2[%dma_start3A_265, %dma_start3A_266] : memref<10000x128xf32, #tpu.memory_space<hbm>> -> memref<10000x128xf32, #tpu.memory_space<hbm>>
          tpu.enqueue_indirect_dma source(%dma_start3A_267 : memref<10000x128xf32, #tpu.memory_space<hbm>>) target(%arg10 : memref<80x128xf32, #tpu.memory_space<vmem>>) offsets(%dma_start3A_264 : memref<80xi32, #tpu.memory_space<vmem>>) semaphore(%arg13 : memref<!tpu.dma_semaphore, #tpu.memory_space<semaphore_mem>>)
        } else {
        }
        %dma_start3A_225 = arith.constant 0 : i32
        %dma_start3A_226 = tpu.memref_slice %arg8[%add3A_206, %dma_start3A_225] : memref<125x80xi32, #tpu.memory_space<vmem>> -> memref<1x80xi32, #tpu.memory_space<vmem>>
        %dma_start3A_227 = tpu.memref_squeeze %dma_start3A_226 : memref<1x80xi32, #tpu.memory_space<vmem>> -> memref<80xi32, #tpu.memory_space<vmem>>
        %dma_start3A_228 = arith.constant 0 : i32
        %dma_start3A_229 = arith.constant 0 : i32
        %dma_start3A_230 = tpu.memref_slice %arg6[%dma_start3A_228, %dma_start3A_229] : memref<10008x128xf32, #tpu.memory_space<vmem_shared>> -> memref<10008x128xf32, #tpu.memory_space<vmem_shared>>
        tpu.enqueue_indirect_dma source(%arg11 : memref<80x128xf32, #tpu.memory_space<vmem>>) target(%dma_start3A_230 : memref<10008x128xf32, #tpu.memory_space<vmem_shared>>) offsets(%dma_start3A_227 : memref<80xi32, #tpu.memory_space<vmem>>) semaphore(%arg17 : memref<!tpu.dma_semaphore, #tpu.memory_space<semaphore_mem>>) {add = true}
        %add3A_231 = arith.constant 4 : i32
        %add3A_232 = arith.addi %add3A_206, %add3A_231 : i32
        %lt3A_233 = arith.constant 125 : i32
        %lt3A_234 = arith.cmpi slt, %add3A_232, %lt3A_233 : i32
        %convert_element_type3A_235 = arith.extui %lt3A_234 : i1 to i32
        %cond3A_236 = arith.constant 0 : i32
        %cond3A_237 = arith.cmpi ne, %convert_element_type3A_235, %cond3A_236 : i32
        scf.if %cond3A_237 {
          %add3A_238 = arith.constant 4 : i32
          %add3A_239 = arith.addi %add3A_206, %add3A_238 : i32
          %rem3A_240 = arith.constant 4 : i32
          %rem3A_241 = arith.remsi %add3A_206, %rem3A_240 : i32
          %mul3A_242 = arith.constant 80 : i32
          %mul3A_243 = arith.muli %add3A_239, %mul3A_242 : i32
          %add3A_244 = arith.addi %mul3A_2, %mul3A_243 : i32
          %multiple_of3A_245 = tpu.assume_multiple %add3A_244, 8 : i32
          %dma_start3A_246 = arith.constant 0 : i32
          %dma_start3A_247 = tpu.memref_slice %arg7[%rem3A_241, %dma_start3A_246] : memref<4x80xi32, #tpu.memory_space<vmem>> -> memref<1x80xi32, #tpu.memory_space<vmem>>
          %dma_start3A_248 = tpu.memref_squeeze %dma_start3A_247 : memref<1x80xi32, #tpu.memory_space<vmem>> -> memref<80xi32, #tpu.memory_space<vmem>>
          %dma_start3A_249 = tpu.memref_slice %arg3[%multiple_of3A_245] : memref<320000xi32, #tpu.memory_space<hbm>> -> memref<80xi32, #tpu.memory_space<hbm>>
          %dma_start3A_250 = tpu.memref_slice %arg18[%rem3A_241] : memref<4x!tpu.dma_semaphore, #tpu.memory_space<semaphore_mem>> -> memref<1x!tpu.dma_semaphore, #tpu.memory_space<semaphore_mem>>
          %dma_start3A_251 = tpu.memref_squeeze %dma_start3A_250 : memref<1x!tpu.dma_semaphore, #tpu.memory_space<semaphore_mem>> -> memref<!tpu.dma_semaphore, #tpu.memory_space<semaphore_mem>>
          %dma_start3A_252 = arith.constant 0 : i32
          %dma_start3A_253 = tpu.memref_slice %arg7[%rem3A_241, %dma_start3A_252] : memref<4x80xi32, #tpu.memory_space<vmem>> -> memref<1x80xi32, #tpu.memory_space<vmem>>
          %dma_start3A_254 = tpu.memref_squeeze %dma_start3A_253 : memref<1x80xi32, #tpu.memory_space<vmem>> -> memref<80xi32, #tpu.memory_space<vmem>>
          %dma_start3A_255 = tpu.memref_slice %arg3[%multiple_of3A_245] : memref<320000xi32, #tpu.memory_space<hbm>> -> memref<80xi32, #tpu.memory_space<hbm>>
          tpu.enqueue_dma source(%dma_start3A_255 : memref<80xi32, #tpu.memory_space<hbm>>) target(%dma_start3A_254 : memref<80xi32, #tpu.memory_space<vmem>>) target_semaphore(%dma_start3A_251 : memref<!tpu.dma_semaphore, #tpu.memory_space<semaphore_mem>>)
        } else {
        }
      } else {
      }
    }
    %scan3A_163 = arith.constant 42 : i32
    %dma_wait3A_164 = arith.constant 124 : i32
    %dma_wait3A_165 = arith.constant 0 : i32
    %dma_wait3A_166 = tpu.memref_slice %arg8[%dma_wait3A_164, %dma_wait3A_165] : memref<125x80xi32, #tpu.memory_space<vmem>> -> memref<1x80xi32, #tpu.memory_space<vmem>>
    %dma_wait3A_167 = tpu.memref_squeeze %dma_wait3A_166 : memref<1x80xi32, #tpu.memory_space<vmem>> -> memref<80xi32, #tpu.memory_space<vmem>>
    %dma_wait3A_168 = arith.constant 0 : i32
    %dma_wait3A_169 = arith.constant 0 : i32
    %dma_wait3A_170 = tpu.memref_slice %arg6[%dma_wait3A_168, %dma_wait3A_169] : memref<10008x128xf32, #tpu.memory_space<vmem_shared>> -> memref<10008x128xf32, #tpu.memory_space<vmem_shared>>
    tpu.wait_indirect_dma semaphore(%arg16 : memref<!tpu.dma_semaphore, #tpu.memory_space<semaphore_mem>>) src(%arg10 : memref<80x128xf32, #tpu.memory_space<vmem>>) dst(%dma_wait3A_170 : memref<10008x128xf32, #tpu.memory_space<vmem_shared>>)
    %barrier3A_171 = arith.constant 0 : index
    tpu.barrier barrier_id(%barrier3A_171)
    %lt3A_172 = arith.constant 15 : i32
    %lt3A_173 = arith.cmpi slt, %arg1, %lt3A_172 : i32
    %convert_element_type3A_174 = arith.extui %lt3A_173 : i1 to i32
    %cond3A_175 = arith.constant 0 : i32
    %cond3A_176 = arith.cmpi ne, %convert_element_type3A_174, %cond3A_175 : i32
    scf.if %cond3A_176 {
      %mul3A_181 = arith.constant 640 : i32
      %mul3A_182 = arith.muli %arg1, %mul3A_181 : i32
      %mul3A_183 = arith.constant 640 : i32
      %mul3A_184 = arith.muli %arg1, %mul3A_183 : i32
      "tpu.region"() ({
        %run_scoped3A = tpu.sem_alloc : memref<!tpu.dma_semaphore, #tpu.memory_space<semaphore_mem>>
        %dma_start3A_185 = arith.constant 0 : i32
        %dma_start3A_186 = tpu.memref_slice %arg5[%arg0, %mul3A_184, %dma_start3A_185] : memref<2x10000x128xf32, #tpu.memory_space<hbm>> -> memref<1x640x128xf32, #tpu.memory_space<hbm>>
        %dma_start3A_187 = tpu.memref_squeeze %dma_start3A_186 : memref<1x640x128xf32, #tpu.memory_space<hbm>> -> memref<640x128xf32, #tpu.memory_space<hbm>>
        %dma_start3A_188 = arith.constant 0 : i32
        %dma_start3A_189 = tpu.memref_slice %arg6[%mul3A_182, %dma_start3A_188] : memref<10008x128xf32, #tpu.memory_space<vmem_shared>> -> memref<640x128xf32, #tpu.memory_space<vmem_shared>>
        tpu.enqueue_dma source(%dma_start3A_189 : memref<640x128xf32, #tpu.memory_space<vmem_shared>>) target(%dma_start3A_187 : memref<640x128xf32, #tpu.memory_space<hbm>>) target_semaphore(%run_scoped3A : memref<!tpu.dma_semaphore, #tpu.memory_space<semaphore_mem>>)
        %dma_wait3A_190 = arith.constant 0 : i32
        %dma_wait3A_191 = tpu.memref_slice %arg5[%arg0, %mul3A_184, %dma_wait3A_190] : memref<2x10000x128xf32, #tpu.memory_space<hbm>> -> memref<1x640x128xf32, #tpu.memory_space<hbm>>
        %dma_wait3A_192 = tpu.memref_squeeze %dma_wait3A_191 : memref<1x640x128xf32, #tpu.memory_space<hbm>> -> memref<640x128xf32, #tpu.memory_space<hbm>>
        %dma_wait3A_193 = arith.constant 0 : i32
        %dma_wait3A_194 = tpu.memref_slice %arg6[%mul3A_182, %dma_wait3A_193] : memref<10008x128xf32, #tpu.memory_space<vmem_shared>> -> memref<640x128xf32, #tpu.memory_space<vmem_shared>>
        tpu.wait_dma2 semaphore(%run_scoped3A : memref<!tpu.dma_semaphore, #tpu.memory_space<semaphore_mem>>) src(%dma_wait3A_194 : memref<640x128xf32, #tpu.memory_space<vmem_shared>>) dst(%dma_wait3A_192 : memref<640x128xf32, #tpu.memory_space<hbm>>)
        tpu.yield
      }) : () -> ()
    } else {
    }
    %eq3A = arith.constant 15 : i32
    %eq3A_177 = arith.cmpi eq, %arg1, %eq3A : i32
    %convert_element_type3A_178 = arith.extui %eq3A_177 : i1 to i32
    %cond3A_179 = arith.constant 0 : i32
    %cond3A_180 = arith.cmpi ne, %convert_element_type3A_178, %cond3A_179 : i32
    scf.if %cond3A_180 {
      %mul3A_181 = arith.constant 640 : i32
      %mul3A_182 = arith.muli %arg1, %mul3A_181 : i32
      %mul3A_183 = arith.constant 640 : i32
      %mul3A_184 = arith.muli %arg1, %mul3A_183 : i32
      "tpu.region"() ({
        %run_scoped3A = tpu.sem_alloc : memref<!tpu.dma_semaphore, #tpu.memory_space<semaphore_mem>>
        %dma_start3A_185 = arith.constant 0 : i32
        %dma_start3A_186 = tpu.memref_slice %arg5[%arg0, %mul3A_184, %dma_start3A_185] : memref<2x10000x128xf32, #tpu.memory_space<hbm>> -> memref<1x400x128xf32, #tpu.memory_space<hbm>>
        %dma_start3A_187 = tpu.memref_squeeze %dma_start3A_186 : memref<1x400x128xf32, #tpu.memory_space<hbm>> -> memref<400x128xf32, #tpu.memory_space<hbm>>
        %dma_start3A_188 = arith.constant 0 : i32
        %dma_start3A_189 = tpu.memref_slice %arg6[%mul3A_182, %dma_start3A_188] : memref<10008x128xf32, #tpu.memory_space<vmem_shared>> -> memref<400x128xf32, #tpu.memory_space<vmem_shared>>
        tpu.enqueue_dma source(%dma_start3A_189 : memref<400x128xf32, #tpu.memory_space<vmem_shared>>) target(%dma_start3A_187 : memref<400x128xf32, #tpu.memory_space<hbm>>) target_semaphore(%run_scoped3A : memref<!tpu.dma_semaphore, #tpu.memory_space<semaphore_mem>>)
        %dma_wait3A_190 = arith.constant 0 : i32
        %dma_wait3A_191 = tpu.memref_slice %arg5[%arg0, %mul3A_184, %dma_wait3A_190] : memref<2x10000x128xf32, #tpu.memory_space<hbm>> -> memref<1x400x128xf32, #tpu.memory_space<hbm>>
        %dma_wait3A_192 = tpu.memref_squeeze %dma_wait3A_191 : memref<1x400x128xf32, #tpu.memory_space<hbm>> -> memref<400x128xf32, #tpu.memory_space<hbm>>
        %dma_wait3A_193 = arith.constant 0 : i32
        %dma_wait3A_194 = tpu.memref_slice %arg6[%mul3A_182, %dma_wait3A_193] : memref<10008x128xf32, #tpu.memory_space<vmem_shared>> -> memref<400x128xf32, #tpu.memory_space<vmem_shared>>
        tpu.wait_dma2 semaphore(%run_scoped3A : memref<!tpu.dma_semaphore, #tpu.memory_space<semaphore_mem>>) src(%dma_wait3A_194 : memref<400x128xf32, #tpu.memory_space<vmem_shared>>) dst(%dma_wait3A_192 : memref<400x128xf32, #tpu.memory_space<hbm>>)
        tpu.yield
      }) : () -> ()
    } else {
    }
    return
  }
}

#map = affine_map<(d0, d1) -> (0, 0)>
#map1 = affine_map<(d0, d1) -> (0)>
#map2 = affine_map<(d0, d1) -> (0, 0, 0)>
module attributes {stable_mosaic.version = 14 : i64} {
  func.func @agg(%arg0: i32, %arg1: i32, %arg2: memref<10000x128xf32, #tpu.memory_space<hbm>>, %arg3: memref<320000xi32, #tpu.memory_space<hbm>>, %arg4: memref<32x125x80xi32, #tpu.memory_space<hbm>>, %arg5: memref<2x10000x128xf32, #tpu.memory_space<hbm>>, %arg6: memref<10008x128xf32, #tpu.memory_space<vmem_shared>>, %arg7: memref<4x80xi32, #tpu.memory_space<vmem>>, %arg8: memref<125x80xi32, #tpu.memory_space<vmem>>, %arg9: memref<80x128xf32, #tpu.memory_space<vmem>>, %arg10: memref<80x128xf32, #tpu.memory_space<vmem>>, %arg11: memref<80x128xf32, #tpu.memory_space<vmem>>, %arg12: memref<!tpu.dma_semaphore, #tpu.memory_space<semaphore_mem>>, %arg13: memref<!tpu.dma_semaphore, #tpu.memory_space<semaphore_mem>>, %arg14: memref<!tpu.dma_semaphore, #tpu.memory_space<semaphore_mem>>, %arg15: memref<!tpu.dma_semaphore, #tpu.memory_space<semaphore_mem>>, %arg16: memref<!tpu.dma_semaphore, #tpu.memory_space<semaphore_mem>>, %arg17: memref<!tpu.dma_semaphore, #tpu.memory_space<semaphore_mem>>, %arg18: memref<4x!tpu.dma_semaphore, #tpu.memory_space<semaphore_mem>>, %arg19: memref<!tpu.dma_semaphore, #tpu.memory_space<semaphore_mem>>) attributes {dimension_semantics = [#tpu.dimension_semantics<core_parallel>, #tpu.dimension_semantics<subcore_parallel>], iteration_bounds = array<i64: 2, 16>, scalar_prefetch = 0 : i64, scratch_operands = 14 : i64, tpu.core_type = #tpu.core_type<sc_vector_subcore>, window_params = [{transform_indices = #map}, {transform_indices = #map1}, {transform_indices = #map2}, {transform_indices = #map2}]} {
    %mul3A = arith.constant 2 : i32
    %mul3A_0 = arith.muli %arg1, %mul3A : i32
    %add3A = arith.addi %mul3A_0, %arg0 : i32
    %mul3A_1 = arith.constant 10000 : i32
    %mul3A_2 = arith.muli %add3A, %mul3A_1 : i32
    %broadcast_in_dim3A = arith.constant 0.000000e+00 : f32
    %broadcast_in_dim3A_3 = vector.broadcast %broadcast_in_dim3A : f32 to vector<16xf32>
    %add3A_4 = arith.constant 0 : i32
    %add3A_5 = arith.addi %mul3A_2, %add3A_4 : i32
    %multiple_of3A = tpu.assume_multiple %add3A_5, 8 : i32
    %dma_start3A = arith.constant 0 : i32
    %dma_start3A_6 = arith.constant 0 : i32
    %dma_start3A_7 = arith.constant 0 : i32
    %dma_start3A_8 = tpu.memref_slice %arg7[%dma_start3A, %dma_start3A_7] : memref<4x80xi32, #tpu.memory_space<vmem>> -> memref<1x80xi32, #tpu.memory_space<vmem>>
    %dma_start3A_9 = tpu.memref_squeeze %dma_start3A_8 : memref<1x80xi32, #tpu.memory_space<vmem>> -> memref<80xi32, #tpu.memory_space<vmem>>
    %dma_start3A_10 = tpu.memref_slice %arg3[%multiple_of3A] : memref<320000xi32, #tpu.memory_space<hbm>> -> memref<80xi32, #tpu.memory_space<hbm>>
    %dma_start3A_11 = tpu.memref_slice %arg18[%dma_start3A_6] : memref<4x!tpu.dma_semaphore, #tpu.memory_space<semaphore_mem>> -> memref<1x!tpu.dma_semaphore, #tpu.memory_space<semaphore_mem>>
    %dma_start3A_12 = tpu.memref_squeeze %dma_start3A_11 : memref<1x!tpu.dma_semaphore, #tpu.memory_space<semaphore_mem>> -> memref<!tpu.dma_semaphore, #tpu.memory_space<semaphore_mem>>
    %dma_start3A_13 = arith.constant 0 : i32
    %dma_start3A_14 = tpu.memref_slice %arg7[%dma_start3A, %dma_start3A_13] : memref<4x80xi32, #tpu.memory_space<vmem>> -> memref<1x80xi32, #tpu.memory_space<vmem>>
    %dma_start3A_15 = tpu.memref_squeeze %dma_start3A_14 : memref<1x80xi32, #tpu.memory_space<vmem>> -> memref<80xi32, #tpu.memory_space<vmem>>
    %dma_start3A_16 = tpu.memref_slice %arg3[%multiple_of3A] : memref<320000xi32, #tpu.memory_space<hbm>> -> memref<80xi32, #tpu.memory_space<hbm>>
    tpu.enqueue_dma source(%dma_start3A_16 : memref<80xi32, #tpu.memory_space<hbm>>) target(%dma_start3A_15 : memref<80xi32, #tpu.memory_space<vmem>>) target_semaphore(%dma_start3A_12 : memref<!tpu.dma_semaphore, #tpu.memory_space<semaphore_mem>>)
    %add3A_17 = arith.constant 80 : i32
    %add3A_18 = arith.addi %mul3A_2, %add3A_17 : i32
    %multiple_of3A_19 = tpu.assume_multiple %add3A_18, 8 : i32
    %dma_start3A_20 = arith.constant 1 : i32
    %dma_start3A_21 = arith.constant 1 : i32
    %dma_start3A_22 = arith.constant 0 : i32
    %dma_start3A_23 = tpu.memref_slice %arg7[%dma_start3A_20, %dma_start3A_22] : memref<4x80xi32, #tpu.memory_space<vmem>> -> memref<1x80xi32, #tpu.memory_space<vmem>>
    %dma_start3A_24 = tpu.memref_squeeze %dma_start3A_23 : memref<1x80xi32, #tpu.memory_space<vmem>> -> memref<80xi32, #tpu.memory_space<vmem>>
    %dma_start3A_25 = tpu.memref_slice %arg3[%multiple_of3A_19] : memref<320000xi32, #tpu.memory_space<hbm>> -> memref<80xi32, #tpu.memory_space<hbm>>
    %dma_start3A_26 = tpu.memref_slice %arg18[%dma_start3A_21] : memref<4x!tpu.dma_semaphore, #tpu.memory_space<semaphore_mem>> -> memref<1x!tpu.dma_semaphore, #tpu.memory_space<semaphore_mem>>
    %dma_start3A_27 = tpu.memref_squeeze %dma_start3A_26 : memref<1x!tpu.dma_semaphore, #tpu.memory_space<semaphore_mem>> -> memref<!tpu.dma_semaphore, #tpu.memory_space<semaphore_mem>>
    %dma_start3A_28 = arith.constant 0 : i32
    %dma_start3A_29 = tpu.memref_slice %arg7[%dma_start3A_20, %dma_start3A_28] : memref<4x80xi32, #tpu.memory_space<vmem>> -> memref<1x80xi32, #tpu.memory_space<vmem>>
    %dma_start3A_30 = tpu.memref_squeeze %dma_start3A_29 : memref<1x80xi32, #tpu.memory_space<vmem>> -> memref<80xi32, #tpu.memory_space<vmem>>
    %dma_start3A_31 = tpu.memref_slice %arg3[%multiple_of3A_19] : memref<320000xi32, #tpu.memory_space<hbm>> -> memref<80xi32, #tpu.memory_space<hbm>>
    tpu.enqueue_dma source(%dma_start3A_31 : memref<80xi32, #tpu.memory_space<hbm>>) target(%dma_start3A_30 : memref<80xi32, #tpu.memory_space<vmem>>) target_semaphore(%dma_start3A_27 : memref<!tpu.dma_semaphore, #tpu.memory_space<semaphore_mem>>)
    %add3A_32 = arith.constant 160 : i32
    %add3A_33 = arith.addi %mul3A_2, %add3A_32 : i32
    %multiple_of3A_34 = tpu.assume_multiple %add3A_33, 8 : i32
    %dma_start3A_35 = arith.constant 2 : i32
    %dma_start3A_36 = arith.constant 2 : i32
    %dma_start3A_37 = arith.constant 0 : i32
    %dma_start3A_38 = tpu.memref_slice %arg7[%dma_start3A_35, %dma_start3A_37] : memref<4x80xi32, #tpu.memory_space<vmem>> -> memref<1x80xi32, #tpu.memory_space<vmem>>
    %dma_start3A_39 = tpu.memref_squeeze %dma_start3A_38 : memref<1x80xi32, #tpu.memory_space<vmem>> -> memref<80xi32, #tpu.memory_space<vmem>>
    %dma_start3A_40 = tpu.memref_slice %arg3[%multiple_of3A_34] : memref<320000xi32, #tpu.memory_space<hbm>> -> memref<80xi32, #tpu.memory_space<hbm>>
    %dma_start3A_41 = tpu.memref_slice %arg18[%dma_start3A_36] : memref<4x!tpu.dma_semaphore, #tpu.memory_space<semaphore_mem>> -> memref<1x!tpu.dma_semaphore, #tpu.memory_space<semaphore_mem>>
    %dma_start3A_42 = tpu.memref_squeeze %dma_start3A_41 : memref<1x!tpu.dma_semaphore, #tpu.memory_space<semaphore_mem>> -> memref<!tpu.dma_semaphore, #tpu.memory_space<semaphore_mem>>
    %dma_start3A_43 = arith.constant 0 : i32
    %dma_start3A_44 = tpu.memref_slice %arg7[%dma_start3A_35, %dma_start3A_43] : memref<4x80xi32, #tpu.memory_space<vmem>> -> memref<1x80xi32, #tpu.memory_space<vmem>>
    %dma_start3A_45 = tpu.memref_squeeze %dma_start3A_44 : memref<1x80xi32, #tpu.memory_space<vmem>> -> memref<80xi32, #tpu.memory_space<vmem>>
    %dma_start3A_46 = tpu.memref_slice %arg3[%multiple_of3A_34] : memref<320000xi32, #tpu.memory_space<hbm>> -> memref<80xi32, #tpu.memory_space<hbm>>
    tpu.enqueue_dma source(%dma_start3A_46 : memref<80xi32, #tpu.memory_space<hbm>>) target(%dma_start3A_45 : memref<80xi32, #tpu.memory_space<vmem>>) target_semaphore(%dma_start3A_42 : memref<!tpu.dma_semaphore, #tpu.memory_space<semaphore_mem>>)
    %add3A_47 = arith.constant 240 : i32
    %add3A_48 = arith.addi %mul3A_2, %add3A_47 : i32
    %multiple_of3A_49 = tpu.assume_multiple %add3A_48, 8 : i32
    %dma_start3A_50 = arith.constant 3 : i32
    %dma_start3A_51 = arith.constant 3 : i32
    %dma_start3A_52 = arith.constant 0 : i32
    %dma_start3A_53 = tpu.memref_slice %arg7[%dma_start3A_50, %dma_start3A_52] : memref<4x80xi32, #tpu.memory_space<vmem>> -> memref<1x80xi32, #tpu.memory_space<vmem>>
    %dma_start3A_54 = tpu.memref_squeeze %dma_start3A_53 : memref<1x80xi32, #tpu.memory_space<vmem>> -> memref<80xi32, #tpu.memory_space<vmem>>
    %dma_start3A_55 = tpu.memref_slice %arg3[%multiple_of3A_49] : memref<320000xi32, #tpu.memory_space<hbm>> -> memref<80xi32, #tpu.memory_space<hbm>>
    %dma_start3A_56 = tpu.memref_slice %arg18[%dma_start3A_51] : memref<4x!tpu.dma_semaphore, #tpu.memory_space<semaphore_mem>> -> memref<1x!tpu.dma_semaphore, #tpu.memory_space<semaphore_mem>>
    %dma_start3A_57 = tpu.memref_squeeze %dma_start3A_56 : memref<1x!tpu.dma_semaphore, #tpu.memory_space<semaphore_mem>> -> memref<!tpu.dma_semaphore, #tpu.memory_space<semaphore_mem>>
    %dma_start3A_58 = arith.constant 0 : i32
    %dma_start3A_59 = tpu.memref_slice %arg7[%dma_start3A_50, %dma_start3A_58] : memref<4x80xi32, #tpu.memory_space<vmem>> -> memref<1x80xi32, #tpu.memory_space<vmem>>
    %dma_start3A_60 = tpu.memref_squeeze %dma_start3A_59 : memref<1x80xi32, #tpu.memory_space<vmem>> -> memref<80xi32, #tpu.memory_space<vmem>>
    %dma_start3A_61 = tpu.memref_slice %arg3[%multiple_of3A_49] : memref<320000xi32, #tpu.memory_space<hbm>> -> memref<80xi32, #tpu.memory_space<hbm>>
    tpu.enqueue_dma source(%dma_start3A_61 : memref<80xi32, #tpu.memory_space<hbm>>) target(%dma_start3A_60 : memref<80xi32, #tpu.memory_space<vmem>>) target_semaphore(%dma_start3A_57 : memref<!tpu.dma_semaphore, #tpu.memory_space<semaphore_mem>>)
    %dma_start3A_62 = arith.constant 0 : i32
    %dma_start3A_63 = arith.constant 0 : i32
    %dma_start3A_64 = tpu.memref_slice %arg4[%add3A, %dma_start3A_62, %dma_start3A_63] : memref<32x125x80xi32, #tpu.memory_space<hbm>> -> memref<1x125x80xi32, #tpu.memory_space<hbm>>
    %dma_start3A_65 = tpu.memref_squeeze %dma_start3A_64 : memref<1x125x80xi32, #tpu.memory_space<hbm>> -> memref<125x80xi32, #tpu.memory_space<hbm>>
    %dma_start3A_66 = arith.constant 0 : i32
    %dma_start3A_67 = arith.constant 0 : i32
    %dma_start3A_68 = tpu.memref_slice %arg4[%add3A, %dma_start3A_66, %dma_start3A_67] : memref<32x125x80xi32, #tpu.memory_space<hbm>> -> memref<1x125x80xi32, #tpu.memory_space<hbm>>
    %dma_start3A_69 = tpu.memref_squeeze %dma_start3A_68 : memref<1x125x80xi32, #tpu.memory_space<hbm>> -> memref<125x80xi32, #tpu.memory_space<hbm>>
    tpu.enqueue_dma source(%dma_start3A_69 : memref<125x80xi32, #tpu.memory_space<hbm>>) target(%arg8 : memref<125x80xi32, #tpu.memory_space<vmem>>) target_semaphore(%arg19 : memref<!tpu.dma_semaphore, #tpu.memory_space<semaphore_mem>>)
    %scan3A = arith.constant 0 : i32
    %scan3A_70 = arith.constant 0 : i32
    %scan3A_71 = arith.constant 80 : i32
    %scan3A_72 = arith.addi %scan3A_70, %scan3A_71 : i32
    %scan3A_73 = arith.constant 1 : i32
    scf.for %scan3A_181 = %scan3A_70 to %scan3A_72 step %scan3A_73  : i32 {
      %swap3A = arith.index_cast %scan3A_181 : i32 to index
      %swap3A_182 = arith.constant 0 : index
      %swap3A_183 = tpu.vector_load %arg9[%swap3A, %swap3A_182] {strides = array<i32>} : memref<80x128xf32, #tpu.memory_space<vmem>>, vector<1x16xf32>,
      %swap3A_184 = vector.shape_cast %swap3A_183 : vector<1x16xf32> to vector<16xf32>
      %swap3A_185 = vector.shape_cast %broadcast_in_dim3A_3 : vector<16xf32> to vector<1x16xf32>
      tpu.vector_store %arg9[%swap3A, %swap3A_182], %swap3A_185 {strides = array<i32>} : memref<80x128xf32, #tpu.memory_space<vmem>>, vector<1x16xf32>,
      %swap3A_186 = arith.index_cast %scan3A_181 : i32 to index
      %swap3A_187 = arith.constant 16 : index
      %swap3A_188 = tpu.vector_load %arg9[%swap3A_186, %swap3A_187] {strides = array<i32>} : memref<80x128xf32, #tpu.memory_space<vmem>>, vector<1x16xf32>,
      %swap3A_189 = vector.shape_cast %swap3A_188 : vector<1x16xf32> to vector<16xf32>
      %swap3A_190 = vector.shape_cast %broadcast_in_dim3A_3 : vector<16xf32> to vector<1x16xf32>
      tpu.vector_store %arg9[%swap3A_186, %swap3A_187], %swap3A_190 {strides = array<i32>} : memref<80x128xf32, #tpu.memory_space<vmem>>, vector<1x16xf32>,
      %swap3A_191 = arith.index_cast %scan3A_181 : i32 to index
      %swap3A_192 = arith.constant 32 : index
      %swap3A_193 = tpu.vector_load %arg9[%swap3A_191, %swap3A_192] {strides = array<i32>} : memref<80x128xf32, #tpu.memory_space<vmem>>, vector<1x16xf32>,
      %swap3A_194 = vector.shape_cast %swap3A_193 : vector<1x16xf32> to vector<16xf32>
      %swap3A_195 = vector.shape_cast %broadcast_in_dim3A_3 : vector<16xf32> to vector<1x16xf32>
      tpu.vector_store %arg9[%swap3A_191, %swap3A_192], %swap3A_195 {strides = array<i32>} : memref<80x128xf32, #tpu.memory_space<vmem>>, vector<1x16xf32>,
      %swap3A_196 = arith.index_cast %scan3A_181 : i32 to index
      %swap3A_197 = arith.constant 48 : index
      %swap3A_198 = tpu.vector_load %arg9[%swap3A_196, %swap3A_197] {strides = array<i32>} : memref<80x128xf32, #tpu.memory_space<vmem>>, vector<1x16xf32>,
      %swap3A_199 = vector.shape_cast %swap3A_198 : vector<1x16xf32> to vector<16xf32>
      %swap3A_200 = vector.shape_cast %broadcast_in_dim3A_3 : vector<16xf32> to vector<1x16xf32>
      tpu.vector_store %arg9[%swap3A_196, %swap3A_197], %swap3A_200 {strides = array<i32>} : memref<80x128xf32, #tpu.memory_space<vmem>>, vector<1x16xf32>,
      %swap3A_201 = arith.index_cast %scan3A_181 : i32 to index
      %swap3A_202 = arith.constant 64 : index
      %swap3A_203 = tpu.vector_load %arg9[%swap3A_201, %swap3A_202] {strides = array<i32>} : memref<80x128xf32, #tpu.memory_space<vmem>>, vector<1x16xf32>,
      %swap3A_204 = vector.shape_cast %swap3A_203 : vector<1x16xf32> to vector<16xf32>
      %swap3A_205 = vector.shape_cast %broadcast_in_dim3A_3 : vector<16xf32> to vector<1x16xf32>
      tpu.vector_store %arg9[%swap3A_201, %swap3A_202], %swap3A_205 {strides = array<i32>} : memref<80x128xf32, #tpu.memory_space<vmem>>, vector<1x16xf32>,
      %swap3A_206 = arith.index_cast %scan3A_181 : i32 to index
      %swap3A_207 = arith.constant 80 : index
      %swap3A_208 = tpu.vector_load %arg9[%swap3A_206, %swap3A_207] {strides = array<i32>} : memref<80x128xf32, #tpu.memory_space<vmem>>, vector<1x16xf32>,
      %swap3A_209 = vector.shape_cast %swap3A_208 : vector<1x16xf32> to vector<16xf32>
      %swap3A_210 = vector.shape_cast %broadcast_in_dim3A_3 : vector<16xf32> to vector<1x16xf32>
      tpu.vector_store %arg9[%swap3A_206, %swap3A_207], %swap3A_210 {strides = array<i32>} : memref<80x128xf32, #tpu.memory_space<vmem>>, vector<1x16xf32>,
      %swap3A_211 = arith.index_cast %scan3A_181 : i32 to index
      %swap3A_212 = arith.constant 96 : index
      %swap3A_213 = tpu.vector_load %arg9[%swap3A_211, %swap3A_212] {strides = array<i32>} : memref<80x128xf32, #tpu.memory_space<vmem>>, vector<1x16xf32>,
      %swap3A_214 = vector.shape_cast %swap3A_213 : vector<1x16xf32> to vector<16xf32>
      %swap3A_215 = vector.shape_cast %broadcast_in_dim3A_3 : vector<16xf32> to vector<1x16xf32>
      tpu.vector_store %arg9[%swap3A_211, %swap3A_212], %swap3A_215 {strides = array<i32>} : memref<80x128xf32, #tpu.memory_space<vmem>>, vector<1x16xf32>,
      %swap3A_216 = arith.index_cast %scan3A_181 : i32 to index
      %swap3A_217 = arith.constant 112 : index
      %swap3A_218 = tpu.vector_load %arg9[%swap3A_216, %swap3A_217] {strides = array<i32>} : memref<80x128xf32, #tpu.memory_space<vmem>>, vector<1x16xf32>,
      %swap3A_219 = vector.shape_cast %swap3A_218 : vector<1x16xf32> to vector<16xf32>
      %swap3A_220 = vector.shape_cast %broadcast_in_dim3A_3 : vector<16xf32> to vector<1x16xf32>
      tpu.vector_store %arg9[%swap3A_216, %swap3A_217], %swap3A_220 {strides = array<i32>} : memref<80x128xf32, #tpu.memory_space<vmem>>, vector<1x16xf32>,
      %swap3A_221 = arith.index_cast %scan3A_181 : i32 to index
      %swap3A_222 = arith.constant 0 : index
      %swap3A_223 = tpu.vector_load %arg10[%swap3A_221, %swap3A_222] {strides = array<i32>} : memref<80x128xf32, #tpu.memory_space<vmem>>, vector<1x16xf32>,
      %swap3A_224 = vector.shape_cast %swap3A_223 : vector<1x16xf32> to vector<16xf32>
      %swap3A_225 = vector.shape_cast %broadcast_in_dim3A_3 : vector<16xf32> to vector<1x16xf32>
      tpu.vector_store %arg10[%swap3A_221, %swap3A_222], %swap3A_225 {strides = array<i32>} : memref<80x128xf32, #tpu.memory_space<vmem>>, vector<1x16xf32>,
      %swap3A_226 = arith.index_cast %scan3A_181 : i32 to index
      %swap3A_227 = arith.constant 16 : index
      %swap3A_228 = tpu.vector_load %arg10[%swap3A_226, %swap3A_227] {strides = array<i32>} : memref<80x128xf32, #tpu.memory_space<vmem>>, vector<1x16xf32>,
      %swap3A_229 = vector.shape_cast %swap3A_228 : vector<1x16xf32> to vector<16xf32>
      %swap3A_230 = vector.shape_cast %broadcast_in_dim3A_3 : vector<16xf32> to vector<1x16xf32>
      tpu.vector_store %arg10[%swap3A_226, %swap3A_227], %swap3A_230 {strides = array<i32>} : memref<80x128xf32, #tpu.memory_space<vmem>>, vector<1x16xf32>,
      %swap3A_231 = arith.index_cast %scan3A_181 : i32 to index
      %swap3A_232 = arith.constant 32 : index
      %swap3A_233 = tpu.vector_load %arg10[%swap3A_231, %swap3A_232] {strides = array<i32>} : memref<80x128xf32, #tpu.memory_space<vmem>>, vector<1x16xf32>,
      %swap3A_234 = vector.shape_cast %swap3A_233 : vector<1x16xf32> to vector<16xf32>
      %swap3A_235 = vector.shape_cast %broadcast_in_dim3A_3 : vector<16xf32> to vector<1x16xf32>
      tpu.vector_store %arg10[%swap3A_231, %swap3A_232], %swap3A_235 {strides = array<i32>} : memref<80x128xf32, #tpu.memory_space<vmem>>, vector<1x16xf32>,
      %swap3A_236 = arith.index_cast %scan3A_181 : i32 to index
      %swap3A_237 = arith.constant 48 : index
      %swap3A_238 = tpu.vector_load %arg10[%swap3A_236, %swap3A_237] {strides = array<i32>} : memref<80x128xf32, #tpu.memory_space<vmem>>, vector<1x16xf32>,
      %swap3A_239 = vector.shape_cast %swap3A_238 : vector<1x16xf32> to vector<16xf32>
      %swap3A_240 = vector.shape_cast %broadcast_in_dim3A_3 : vector<16xf32> to vector<1x16xf32>
      tpu.vector_store %arg10[%swap3A_236, %swap3A_237], %swap3A_240 {strides = array<i32>} : memref<80x128xf32, #tpu.memory_space<vmem>>, vector<1x16xf32>,
      %swap3A_241 = arith.index_cast %scan3A_181 : i32 to index
      %swap3A_242 = arith.constant 64 : index
      %swap3A_243 = tpu.vector_load %arg10[%swap3A_241, %swap3A_242] {strides = array<i32>} : memref<80x128xf32, #tpu.memory_space<vmem>>, vector<1x16xf32>,
      %swap3A_244 = vector.shape_cast %swap3A_243 : vector<1x16xf32> to vector<16xf32>
      %swap3A_245 = vector.shape_cast %broadcast_in_dim3A_3 : vector<16xf32> to vector<1x16xf32>
      tpu.vector_store %arg10[%swap3A_241, %swap3A_242], %swap3A_245 {strides = array<i32>} : memref<80x128xf32, #tpu.memory_space<vmem>>, vector<1x16xf32>,
      %swap3A_246 = arith.index_cast %scan3A_181 : i32 to index
      %swap3A_247 = arith.constant 80 : index
      %swap3A_248 = tpu.vector_load %arg10[%swap3A_246, %swap3A_247] {strides = array<i32>} : memref<80x128xf32, #tpu.memory_space<vmem>>, vector<1x16xf32>,
      %swap3A_249 = vector.shape_cast %swap3A_248 : vector<1x16xf32> to vector<16xf32>
      %swap3A_250 = vector.shape_cast %broadcast_in_dim3A_3 : vector<16xf32> to vector<1x16xf32>
      tpu.vector_store %arg10[%swap3A_246, %swap3A_247], %swap3A_250 {strides = array<i32>} : memref<80x128xf32, #tpu.memory_space<vmem>>, vector<1x16xf32>,
      %swap3A_251 = arith.index_cast %scan3A_181 : i32 to index
      %swap3A_252 = arith.constant 96 : index
      %swap3A_253 = tpu.vector_load %arg10[%swap3A_251, %swap3A_252] {strides = array<i32>} : memref<80x128xf32, #tpu.memory_space<vmem>>, vector<1x16xf32>,
      %swap3A_254 = vector.shape_cast %swap3A_253 : vector<1x16xf32> to vector<16xf32>
      %swap3A_255 = vector.shape_cast %broadcast_in_dim3A_3 : vector<16xf32> to vector<1x16xf32>
      tpu.vector_store %arg10[%swap3A_251, %swap3A_252], %swap3A_255 {strides = array<i32>} : memref<80x128xf32, #tpu.memory_space<vmem>>, vector<1x16xf32>,
      %swap3A_256 = arith.index_cast %scan3A_181 : i32 to index
      %swap3A_257 = arith.constant 112 : index
      %swap3A_258 = tpu.vector_load %arg10[%swap3A_256, %swap3A_257] {strides = array<i32>} : memref<80x128xf32, #tpu.memory_space<vmem>>, vector<1x16xf32>,
      %swap3A_259 = vector.shape_cast %swap3A_258 : vector<1x16xf32> to vector<16xf32>
      %swap3A_260 = vector.shape_cast %broadcast_in_dim3A_3 : vector<16xf32> to vector<1x16xf32>
      tpu.vector_store %arg10[%swap3A_256, %swap3A_257], %swap3A_260 {strides = array<i32>} : memref<80x128xf32, #tpu.memory_space<vmem>>, vector<1x16xf32>,
      %swap3A_261 = arith.index_cast %scan3A_181 : i32 to index
      %swap3A_262 = arith.constant 0 : index
      %swap3A_263 = tpu.vector_load %arg11[%swap3A_261, %swap3A_262] {strides = array<i32>} : memref<80x128xf32, #tpu.memory_space<vmem>>, vector<1x16xf32>,
      %swap3A_264 = vector.shape_cast %swap3A_263 : vector<1x16xf32> to vector<16xf32>
      %swap3A_265 = vector.shape_cast %broadcast_in_dim3A_3 : vector<16xf32> to vector<1x16xf32>
      tpu.vector_store %arg11[%swap3A_261, %swap3A_262], %swap3A_265 {strides = array<i32>} : memref<80x128xf32, #tpu.memory_space<vmem>>, vector<1x16xf32>,
      %swap3A_266 = arith.index_cast %scan3A_181 : i32 to index
      %swap3A_267 = arith.constant 16 : index
      %swap3A_268 = tpu.vector_load %arg11[%swap3A_266, %swap3A_267] {strides = array<i32>} : memref<80x128xf32, #tpu.memory_space<vmem>>, vector<1x16xf32>,
      %swap3A_269 = vector.shape_cast %swap3A_268 : vector<1x16xf32> to vector<16xf32>
      %swap3A_270 = vector.shape_cast %broadcast_in_dim3A_3 : vector<16xf32> to vector<1x16xf32>
      tpu.vector_store %arg11[%swap3A_266, %swap3A_267], %swap3A_270 {strides = array<i32>} : memref<80x128xf32, #tpu.memory_space<vmem>>, vector<1x16xf32>,
      %swap3A_271 = arith.index_cast %scan3A_181 : i32 to index
      %swap3A_272 = arith.constant 32 : index
      %swap3A_273 = tpu.vector_load %arg11[%swap3A_271, %swap3A_272] {strides = array<i32>} : memref<80x128xf32, #tpu.memory_space<vmem>>, vector<1x16xf32>,
      %swap3A_274 = vector.shape_cast %swap3A_273 : vector<1x16xf32> to vector<16xf32>
      %swap3A_275 = vector.shape_cast %broadcast_in_dim3A_3 : vector<16xf32> to vector<1x16xf32>
      tpu.vector_store %arg11[%swap3A_271, %swap3A_272], %swap3A_275 {strides = array<i32>} : memref<80x128xf32, #tpu.memory_space<vmem>>, vector<1x16xf32>,
      %swap3A_276 = arith.index_cast %scan3A_181 : i32 to index
      %swap3A_277 = arith.constant 48 : index
      %swap3A_278 = tpu.vector_load %arg11[%swap3A_276, %swap3A_277] {strides = array<i32>} : memref<80x128xf32, #tpu.memory_space<vmem>>, vector<1x16xf32>,
      %swap3A_279 = vector.shape_cast %swap3A_278 : vector<1x16xf32> to vector<16xf32>
      %swap3A_280 = vector.shape_cast %broadcast_in_dim3A_3 : vector<16xf32> to vector<1x16xf32>
      tpu.vector_store %arg11[%swap3A_276, %swap3A_277], %swap3A_280 {strides = array<i32>} : memref<80x128xf32, #tpu.memory_space<vmem>>, vector<1x16xf32>,
      %swap3A_281 = arith.index_cast %scan3A_181 : i32 to index
      %swap3A_282 = arith.constant 64 : index
      %swap3A_283 = tpu.vector_load %arg11[%swap3A_281, %swap3A_282] {strides = array<i32>} : memref<80x128xf32, #tpu.memory_space<vmem>>, vector<1x16xf32>,
      %swap3A_284 = vector.shape_cast %swap3A_283 : vector<1x16xf32> to vector<16xf32>
      %swap3A_285 = vector.shape_cast %broadcast_in_dim3A_3 : vector<16xf32> to vector<1x16xf32>
      tpu.vector_store %arg11[%swap3A_281, %swap3A_282], %swap3A_285 {strides = array<i32>} : memref<80x128xf32, #tpu.memory_space<vmem>>, vector<1x16xf32>,
      %swap3A_286 = arith.index_cast %scan3A_181 : i32 to index
      %swap3A_287 = arith.constant 80 : index
      %swap3A_288 = tpu.vector_load %arg11[%swap3A_286, %swap3A_287] {strides = array<i32>} : memref<80x128xf32, #tpu.memory_space<vmem>>, vector<1x16xf32>,
      %swap3A_289 = vector.shape_cast %swap3A_288 : vector<1x16xf32> to vector<16xf32>
      %swap3A_290 = vector.shape_cast %broadcast_in_dim3A_3 : vector<16xf32> to vector<1x16xf32>
      tpu.vector_store %arg11[%swap3A_286, %swap3A_287], %swap3A_290 {strides = array<i32>} : memref<80x128xf32, #tpu.memory_space<vmem>>, vector<1x16xf32>,
      %swap3A_291 = arith.index_cast %scan3A_181 : i32 to index
      %swap3A_292 = arith.constant 96 : index
      %swap3A_293 = tpu.vector_load %arg11[%swap3A_291, %swap3A_292] {strides = array<i32>} : memref<80x128xf32, #tpu.memory_space<vmem>>, vector<1x16xf32>,
      %swap3A_294 = vector.shape_cast %swap3A_293 : vector<1x16xf32> to vector<16xf32>
      %swap3A_295 = vector.shape_cast %broadcast_in_dim3A_3 : vector<16xf32> to vector<1x16xf32>
      tpu.vector_store %arg11[%swap3A_291, %swap3A_292], %swap3A_295 {strides = array<i32>} : memref<80x128xf32, #tpu.memory_space<vmem>>, vector<1x16xf32>,
      %swap3A_296 = arith.index_cast %scan3A_181 : i32 to index
      %swap3A_297 = arith.constant 112 : index
      %swap3A_298 = tpu.vector_load %arg11[%swap3A_296, %swap3A_297] {strides = array<i32>} : memref<80x128xf32, #tpu.memory_space<vmem>>, vector<1x16xf32>,
      %swap3A_299 = vector.shape_cast %swap3A_298 : vector<1x16xf32> to vector<16xf32>
      %swap3A_300 = vector.shape_cast %broadcast_in_dim3A_3 : vector<16xf32> to vector<1x16xf32>
      tpu.vector_store %arg11[%swap3A_296, %swap3A_297], %swap3A_300 {strides = array<i32>} : memref<80x128xf32, #tpu.memory_space<vmem>>, vector<1x16xf32>,
    }
    %scan3A_74 = arith.constant 80 : i32
    %mul3A_75 = arith.constant 640 : i32
    %mul3A_76 = arith.muli %arg1, %mul3A_75 : i32
    %add3A_77 = arith.constant 0 : i32
    %add3A_78 = arith.addi %mul3A_76, %add3A_77 : i32
    "tpu.region"() ({
      %run_scoped3A = tpu.sem_alloc : memref<!tpu.dma_semaphore, #tpu.memory_space<semaphore_mem>>
      %dma_start3A_181 = arith.constant 0 : i32
      %dma_start3A_182 = arith.constant 0 : i32
      %dma_start3A_183 = tpu.memref_slice %arg9[%dma_start3A_181, %dma_start3A_182] : memref<80x128xf32, #tpu.memory_space<vmem>> -> memref<80x128xf32, #tpu.memory_space<vmem>>
      %dma_start3A_184 = arith.constant 0 : i32
      %dma_start3A_185 = tpu.memref_slice %arg6[%add3A_78, %dma_start3A_184] : memref<10008x128xf32, #tpu.memory_space<vmem_shared>> -> memref<80x128xf32, #tpu.memory_space<vmem_shared>>
      %dma_start3A_186 = arith.constant 0 : i32
      %dma_start3A_187 = tpu.memref_slice %arg6[%add3A_78, %dma_start3A_186] : memref<10008x128xf32, #tpu.memory_space<vmem_shared>> -> memref<80x128xf32, #tpu.memory_space<vmem_shared>>
      %dma_start3A_188 = arith.constant 0 : i32
      %dma_start3A_189 = arith.constant 0 : i32
      %dma_start3A_190 = tpu.memref_slice %arg9[%dma_start3A_188, %dma_start3A_189] : memref<80x128xf32, #tpu.memory_space<vmem>> -> memref<80x128xf32, #tpu.memory_space<vmem>>
      tpu.enqueue_dma source(%dma_start3A_190 : memref<80x128xf32, #tpu.memory_space<vmem>>) target(%dma_start3A_187 : memref<80x128xf32, #tpu.memory_space<vmem_shared>>) target_semaphore(%run_scoped3A : memref<!tpu.dma_semaphore, #tpu.memory_space<semaphore_mem>>)
      %dma_wait3A_191 = arith.constant 0 : i32
      %dma_wait3A_192 = arith.constant 0 : i32
      %dma_wait3A_193 = tpu.memref_slice %arg9[%dma_wait3A_191, %dma_wait3A_192] : memref<80x128xf32, #tpu.memory_space<vmem>> -> memref<80x128xf32, #tpu.memory_space<vmem>>
      %dma_wait3A_194 = arith.constant 0 : i32
      %dma_wait3A_195 = tpu.memref_slice %arg6[%add3A_78, %dma_wait3A_194] : memref<10008x128xf32, #tpu.memory_space<vmem_shared>> -> memref<80x128xf32, #tpu.memory_space<vmem_shared>>
      %dma_wait3A_196 = arith.constant 0 : i32
      %dma_wait3A_197 = tpu.memref_slice %arg6[%add3A_78, %dma_wait3A_196] : memref<10008x128xf32, #tpu.memory_space<vmem_shared>> -> memref<80x128xf32, #tpu.memory_space<vmem_shared>>
      %dma_wait3A_198 = arith.constant 0 : i32
      %dma_wait3A_199 = arith.constant 0 : i32
      %dma_wait3A_200 = tpu.memref_slice %arg9[%dma_wait3A_198, %dma_wait3A_199] : memref<80x128xf32, #tpu.memory_space<vmem>> -> memref<80x128xf32, #tpu.memory_space<vmem>>
      tpu.wait_dma2 semaphore(%run_scoped3A : memref<!tpu.dma_semaphore, #tpu.memory_space<semaphore_mem>>) src(%dma_wait3A_200 : memref<80x128xf32, #tpu.memory_space<vmem>>) dst(%dma_wait3A_197 : memref<80x128xf32, #tpu.memory_space<vmem_shared>>)
      tpu.yield
    }) : () -> ()
    %mul3A_79 = arith.constant 640 : i32
    %mul3A_80 = arith.muli %arg1, %mul3A_79 : i32
    %add3A_81 = arith.constant 80 : i32
    %add3A_82 = arith.addi %mul3A_80, %add3A_81 : i32
    "tpu.region"() ({
      %run_scoped3A = tpu.sem_alloc : memref<!tpu.dma_semaphore, #tpu.memory_space<semaphore_mem>>
      %dma_start3A_181 = arith.constant 0 : i32
      %dma_start3A_182 = arith.constant 0 : i32
      %dma_start3A_183 = tpu.memref_slice %arg10[%dma_start3A_181, %dma_start3A_182] : memref<80x128xf32, #tpu.memory_space<vmem>> -> memref<80x128xf32, #tpu.memory_space<vmem>>
      %dma_start3A_184 = arith.constant 0 : i32
      %dma_start3A_185 = tpu.memref_slice %arg6[%add3A_82, %dma_start3A_184] : memref<10008x128xf32, #tpu.memory_space<vmem_shared>> -> memref<80x128xf32, #tpu.memory_space<vmem_shared>>
      %dma_start3A_186 = arith.constant 0 : i32
      %dma_start3A_187 = tpu.memref_slice %arg6[%add3A_82, %dma_start3A_186] : memref<10008x128xf32, #tpu.memory_space<vmem_shared>> -> memref<80x128xf32, #tpu.memory_space<vmem_shared>>
      %dma_start3A_188 = arith.constant 0 : i32
      %dma_start3A_189 = arith.constant 0 : i32
      %dma_start3A_190 = tpu.memref_slice %arg10[%dma_start3A_188, %dma_start3A_189] : memref<80x128xf32, #tpu.memory_space<vmem>> -> memref<80x128xf32, #tpu.memory_space<vmem>>
      tpu.enqueue_dma source(%dma_start3A_190 : memref<80x128xf32, #tpu.memory_space<vmem>>) target(%dma_start3A_187 : memref<80x128xf32, #tpu.memory_space<vmem_shared>>) target_semaphore(%run_scoped3A : memref<!tpu.dma_semaphore, #tpu.memory_space<semaphore_mem>>)
      %dma_wait3A_191 = arith.constant 0 : i32
      %dma_wait3A_192 = arith.constant 0 : i32
      %dma_wait3A_193 = tpu.memref_slice %arg10[%dma_wait3A_191, %dma_wait3A_192] : memref<80x128xf32, #tpu.memory_space<vmem>> -> memref<80x128xf32, #tpu.memory_space<vmem>>
      %dma_wait3A_194 = arith.constant 0 : i32
      %dma_wait3A_195 = tpu.memref_slice %arg6[%add3A_82, %dma_wait3A_194] : memref<10008x128xf32, #tpu.memory_space<vmem_shared>> -> memref<80x128xf32, #tpu.memory_space<vmem_shared>>
      %dma_wait3A_196 = arith.constant 0 : i32
      %dma_wait3A_197 = tpu.memref_slice %arg6[%add3A_82, %dma_wait3A_196] : memref<10008x128xf32, #tpu.memory_space<vmem_shared>> -> memref<80x128xf32, #tpu.memory_space<vmem_shared>>
      %dma_wait3A_198 = arith.constant 0 : i32
      %dma_wait3A_199 = arith.constant 0 : i32
      %dma_wait3A_200 = tpu.memref_slice %arg10[%dma_wait3A_198, %dma_wait3A_199] : memref<80x128xf32, #tpu.memory_space<vmem>> -> memref<80x128xf32, #tpu.memory_space<vmem>>
      tpu.wait_dma2 semaphore(%run_scoped3A : memref<!tpu.dma_semaphore, #tpu.memory_space<semaphore_mem>>) src(%dma_wait3A_200 : memref<80x128xf32, #tpu.memory_space<vmem>>) dst(%dma_wait3A_197 : memref<80x128xf32, #tpu.memory_space<vmem_shared>>)
      tpu.yield
    }) : () -> ()
    %mul3A_83 = arith.constant 640 : i32
    %mul3A_84 = arith.muli %arg1, %mul3A_83 : i32
    %add3A_85 = arith.constant 160 : i32
    %add3A_86 = arith.addi %mul3A_84, %add3A_85 : i32
    "tpu.region"() ({
      %run_scoped3A = tpu.sem_alloc : memref<!tpu.dma_semaphore, #tpu.memory_space<semaphore_mem>>
      %dma_start3A_181 = arith.constant 0 : i32
      %dma_start3A_182 = arith.constant 0 : i32
      %dma_start3A_183 = tpu.memref_slice %arg11[%dma_start3A_181, %dma_start3A_182] : memref<80x128xf32, #tpu.memory_space<vmem>> -> memref<80x128xf32, #tpu.memory_space<vmem>>
      %dma_start3A_184 = arith.constant 0 : i32
      %dma_start3A_185 = tpu.memref_slice %arg6[%add3A_86, %dma_start3A_184] : memref<10008x128xf32, #tpu.memory_space<vmem_shared>> -> memref<80x128xf32, #tpu.memory_space<vmem_shared>>
      %dma_start3A_186 = arith.constant 0 : i32
      %dma_start3A_187 = tpu.memref_slice %arg6[%add3A_86, %dma_start3A_186] : memref<10008x128xf32, #tpu.memory_space<vmem_shared>> -> memref<80x128xf32, #tpu.memory_space<vmem_shared>>
      %dma_start3A_188 = arith.constant 0 : i32
      %dma_start3A_189 = arith.constant 0 : i32
      %dma_start3A_190 = tpu.memref_slice %arg11[%dma_start3A_188, %dma_start3A_189] : memref<80x128xf32, #tpu.memory_space<vmem>> -> memref<80x128xf32, #tpu.memory_space<vmem>>
      tpu.enqueue_dma source(%dma_start3A_190 : memref<80x128xf32, #tpu.memory_space<vmem>>) target(%dma_start3A_187 : memref<80x128xf32, #tpu.memory_space<vmem_shared>>) target_semaphore(%run_scoped3A : memref<!tpu.dma_semaphore, #tpu.memory_space<semaphore_mem>>)
      %dma_wait3A_191 = arith.constant 0 : i32
      %dma_wait3A_192 = arith.constant 0 : i32
      %dma_wait3A_193 = tpu.memref_slice %arg11[%dma_wait3A_191, %dma_wait3A_192] : memref<80x128xf32, #tpu.memory_space<vmem>> -> memref<80x128xf32, #tpu.memory_space<vmem>>
      %dma_wait3A_194 = arith.constant 0 : i32
      %dma_wait3A_195 = tpu.memref_slice %arg6[%add3A_86, %dma_wait3A_194] : memref<10008x128xf32, #tpu.memory_space<vmem_shared>> -> memref<80x128xf32, #tpu.memory_space<vmem_shared>>
      %dma_wait3A_196 = arith.constant 0 : i32
      %dma_wait3A_197 = tpu.memref_slice %arg6[%add3A_86, %dma_wait3A_196] : memref<10008x128xf32, #tpu.memory_space<vmem_shared>> -> memref<80x128xf32, #tpu.memory_space<vmem_shared>>
      %dma_wait3A_198 = arith.constant 0 : i32
      %dma_wait3A_199 = arith.constant 0 : i32
      %dma_wait3A_200 = tpu.memref_slice %arg11[%dma_wait3A_198, %dma_wait3A_199] : memref<80x128xf32, #tpu.memory_space<vmem>> -> memref<80x128xf32, #tpu.memory_space<vmem>>
      tpu.wait_dma2 semaphore(%run_scoped3A : memref<!tpu.dma_semaphore, #tpu.memory_space<semaphore_mem>>) src(%dma_wait3A_200 : memref<80x128xf32, #tpu.memory_space<vmem>>) dst(%dma_wait3A_197 : memref<80x128xf32, #tpu.memory_space<vmem_shared>>)
      tpu.yield
    }) : () -> ()
    %mul3A_87 = arith.constant 640 : i32
    %mul3A_88 = arith.muli %arg1, %mul3A_87 : i32
    %add3A_89 = arith.constant 240 : i32
    %add3A_90 = arith.addi %mul3A_88, %add3A_89 : i32
    "tpu.region"() ({
      %run_scoped3A = tpu.sem_alloc : memref<!tpu.dma_semaphore, #tpu.memory_space<semaphore_mem>>
      %dma_start3A_181 = arith.constant 0 : i32
      %dma_start3A_182 = arith.constant 0 : i32
      %dma_start3A_183 = tpu.memref_slice %arg9[%dma_start3A_181, %dma_start3A_182] : memref<80x128xf32, #tpu.memory_space<vmem>> -> memref<80x128xf32, #tpu.memory_space<vmem>>
      %dma_start3A_184 = arith.constant 0 : i32
      %dma_start3A_185 = tpu.memref_slice %arg6[%add3A_90, %dma_start3A_184] : memref<10008x128xf32, #tpu.memory_space<vmem_shared>> -> memref<80x128xf32, #tpu.memory_space<vmem_shared>>
      %dma_start3A_186 = arith.constant 0 : i32
      %dma_start3A_187 = tpu.memref_slice %arg6[%add3A_90, %dma_start3A_186] : memref<10008x128xf32, #tpu.memory_space<vmem_shared>> -> memref<80x128xf32, #tpu.memory_space<vmem_shared>>
      %dma_start3A_188 = arith.constant 0 : i32
      %dma_start3A_189 = arith.constant 0 : i32
      %dma_start3A_190 = tpu.memref_slice %arg9[%dma_start3A_188, %dma_start3A_189] : memref<80x128xf32, #tpu.memory_space<vmem>> -> memref<80x128xf32, #tpu.memory_space<vmem>>
      tpu.enqueue_dma source(%dma_start3A_190 : memref<80x128xf32, #tpu.memory_space<vmem>>) target(%dma_start3A_187 : memref<80x128xf32, #tpu.memory_space<vmem_shared>>) target_semaphore(%run_scoped3A : memref<!tpu.dma_semaphore, #tpu.memory_space<semaphore_mem>>)
      %dma_wait3A_191 = arith.constant 0 : i32
      %dma_wait3A_192 = arith.constant 0 : i32
      %dma_wait3A_193 = tpu.memref_slice %arg9[%dma_wait3A_191, %dma_wait3A_192] : memref<80x128xf32, #tpu.memory_space<vmem>> -> memref<80x128xf32, #tpu.memory_space<vmem>>
      %dma_wait3A_194 = arith.constant 0 : i32
      %dma_wait3A_195 = tpu.memref_slice %arg6[%add3A_90, %dma_wait3A_194] : memref<10008x128xf32, #tpu.memory_space<vmem_shared>> -> memref<80x128xf32, #tpu.memory_space<vmem_shared>>
      %dma_wait3A_196 = arith.constant 0 : i32
      %dma_wait3A_197 = tpu.memref_slice %arg6[%add3A_90, %dma_wait3A_196] : memref<10008x128xf32, #tpu.memory_space<vmem_shared>> -> memref<80x128xf32, #tpu.memory_space<vmem_shared>>
      %dma_wait3A_198 = arith.constant 0 : i32
      %dma_wait3A_199 = arith.constant 0 : i32
      %dma_wait3A_200 = tpu.memref_slice %arg9[%dma_wait3A_198, %dma_wait3A_199] : memref<80x128xf32, #tpu.memory_space<vmem>> -> memref<80x128xf32, #tpu.memory_space<vmem>>
      tpu.wait_dma2 semaphore(%run_scoped3A : memref<!tpu.dma_semaphore, #tpu.memory_space<semaphore_mem>>) src(%dma_wait3A_200 : memref<80x128xf32, #tpu.memory_space<vmem>>) dst(%dma_wait3A_197 : memref<80x128xf32, #tpu.memory_space<vmem_shared>>)
      tpu.yield
    }) : () -> ()
    %mul3A_91 = arith.constant 640 : i32
    %mul3A_92 = arith.muli %arg1, %mul3A_91 : i32
    %add3A_93 = arith.constant 320 : i32
    %add3A_94 = arith.addi %mul3A_92, %add3A_93 : i32
    "tpu.region"() ({
      %run_scoped3A = tpu.sem_alloc : memref<!tpu.dma_semaphore, #tpu.memory_space<semaphore_mem>>
      %dma_start3A_181 = arith.constant 0 : i32
      %dma_start3A_182 = arith.constant 0 : i32
      %dma_start3A_183 = tpu.memref_slice %arg10[%dma_start3A_181, %dma_start3A_182] : memref<80x128xf32, #tpu.memory_space<vmem>> -> memref<80x128xf32, #tpu.memory_space<vmem>>
      %dma_start3A_184 = arith.constant 0 : i32
      %dma_start3A_185 = tpu.memref_slice %arg6[%add3A_94, %dma_start3A_184] : memref<10008x128xf32, #tpu.memory_space<vmem_shared>> -> memref<80x128xf32, #tpu.memory_space<vmem_shared>>
      %dma_start3A_186 = arith.constant 0 : i32
      %dma_start3A_187 = tpu.memref_slice %arg6[%add3A_94, %dma_start3A_186] : memref<10008x128xf32, #tpu.memory_space<vmem_shared>> -> memref<80x128xf32, #tpu.memory_space<vmem_shared>>
      %dma_start3A_188 = arith.constant 0 : i32
      %dma_start3A_189 = arith.constant 0 : i32
      %dma_start3A_190 = tpu.memref_slice %arg10[%dma_start3A_188, %dma_start3A_189] : memref<80x128xf32, #tpu.memory_space<vmem>> -> memref<80x128xf32, #tpu.memory_space<vmem>>
      tpu.enqueue_dma source(%dma_start3A_190 : memref<80x128xf32, #tpu.memory_space<vmem>>) target(%dma_start3A_187 : memref<80x128xf32, #tpu.memory_space<vmem_shared>>) target_semaphore(%run_scoped3A : memref<!tpu.dma_semaphore, #tpu.memory_space<semaphore_mem>>)
      %dma_wait3A_191 = arith.constant 0 : i32
      %dma_wait3A_192 = arith.constant 0 : i32
      %dma_wait3A_193 = tpu.memref_slice %arg10[%dma_wait3A_191, %dma_wait3A_192] : memref<80x128xf32, #tpu.memory_space<vmem>> -> memref<80x128xf32, #tpu.memory_space<vmem>>
      %dma_wait3A_194 = arith.constant 0 : i32
      %dma_wait3A_195 = tpu.memref_slice %arg6[%add3A_94, %dma_wait3A_194] : memref<10008x128xf32, #tpu.memory_space<vmem_shared>> -> memref<80x128xf32, #tpu.memory_space<vmem_shared>>
      %dma_wait3A_196 = arith.constant 0 : i32
      %dma_wait3A_197 = tpu.memref_slice %arg6[%add3A_94, %dma_wait3A_196] : memref<10008x128xf32, #tpu.memory_space<vmem_shared>> -> memref<80x128xf32, #tpu.memory_space<vmem_shared>>
      %dma_wait3A_198 = arith.constant 0 : i32
      %dma_wait3A_199 = arith.constant 0 : i32
      %dma_wait3A_200 = tpu.memref_slice %arg10[%dma_wait3A_198, %dma_wait3A_199] : memref<80x128xf32, #tpu.memory_space<vmem>> -> memref<80x128xf32, #tpu.memory_space<vmem>>
      tpu.wait_dma2 semaphore(%run_scoped3A : memref<!tpu.dma_semaphore, #tpu.memory_space<semaphore_mem>>) src(%dma_wait3A_200 : memref<80x128xf32, #tpu.memory_space<vmem>>) dst(%dma_wait3A_197 : memref<80x128xf32, #tpu.memory_space<vmem_shared>>)
      tpu.yield
    }) : () -> ()
    %lt3A = arith.constant 15 : i32
    %lt3A_95 = arith.cmpi slt, %arg1, %lt3A : i32
    %convert_element_type3A = arith.extui %lt3A_95 : i1 to i32
    %cond3A = arith.constant 0 : i32
    %cond3A_96 = arith.cmpi ne, %convert_element_type3A, %cond3A : i32
    scf.if %cond3A_96 {
      %mul3A_181 = arith.constant 640 : i32
      %mul3A_182 = arith.muli %arg1, %mul3A_181 : i32
      %add3A_183 = arith.constant 400 : i32
      %add3A_184 = arith.addi %mul3A_182, %add3A_183 : i32
      "tpu.region"() ({
        %run_scoped3A = tpu.sem_alloc : memref<!tpu.dma_semaphore, #tpu.memory_space<semaphore_mem>>
        %dma_start3A_185 = arith.constant 0 : i32
        %dma_start3A_186 = arith.constant 0 : i32
        %dma_start3A_187 = tpu.memref_slice %arg11[%dma_start3A_185, %dma_start3A_186] : memref<80x128xf32, #tpu.memory_space<vmem>> -> memref<80x128xf32, #tpu.memory_space<vmem>>
        %dma_start3A_188 = arith.constant 0 : i32
        %dma_start3A_189 = tpu.memref_slice %arg6[%add3A_184, %dma_start3A_188] : memref<10008x128xf32, #tpu.memory_space<vmem_shared>> -> memref<80x128xf32, #tpu.memory_space<vmem_shared>>
        %dma_start3A_190 = arith.constant 0 : i32
        %dma_start3A_191 = tpu.memref_slice %arg6[%add3A_184, %dma_start3A_190] : memref<10008x128xf32, #tpu.memory_space<vmem_shared>> -> memref<80x128xf32, #tpu.memory_space<vmem_shared>>
        %dma_start3A_192 = arith.constant 0 : i32
        %dma_start3A_193 = arith.constant 0 : i32
        %dma_start3A_194 = tpu.memref_slice %arg11[%dma_start3A_192, %dma_start3A_193] : memref<80x128xf32, #tpu.memory_space<vmem>> -> memref<80x128xf32, #tpu.memory_space<vmem>>
        tpu.enqueue_dma source(%dma_start3A_194 : memref<80x128xf32, #tpu.memory_space<vmem>>) target(%dma_start3A_191 : memref<80x128xf32, #tpu.memory_space<vmem_shared>>) target_semaphore(%run_scoped3A : memref<!tpu.dma_semaphore, #tpu.memory_space<semaphore_mem>>)
        %dma_wait3A_195 = arith.constant 0 : i32
        %dma_wait3A_196 = arith.constant 0 : i32
        %dma_wait3A_197 = tpu.memref_slice %arg11[%dma_wait3A_195, %dma_wait3A_196] : memref<80x128xf32, #tpu.memory_space<vmem>> -> memref<80x128xf32, #tpu.memory_space<vmem>>
        %dma_wait3A_198 = arith.constant 0 : i32
        %dma_wait3A_199 = tpu.memref_slice %arg6[%add3A_184, %dma_wait3A_198] : memref<10008x128xf32, #tpu.memory_space<vmem_shared>> -> memref<80x128xf32, #tpu.memory_space<vmem_shared>>
        %dma_wait3A_200 = arith.constant 0 : i32
        %dma_wait3A_201 = tpu.memref_slice %arg6[%add3A_184, %dma_wait3A_200] : memref<10008x128xf32, #tpu.memory_space<vmem_shared>> -> memref<80x128xf32, #tpu.memory_space<vmem_shared>>
        %dma_wait3A_202 = arith.constant 0 : i32
        %dma_wait3A_203 = arith.constant 0 : i32
        %dma_wait3A_204 = tpu.memref_slice %arg11[%dma_wait3A_202, %dma_wait3A_203] : memref<80x128xf32, #tpu.memory_space<vmem>> -> memref<80x128xf32, #tpu.memory_space<vmem>>
        tpu.wait_dma2 semaphore(%run_scoped3A : memref<!tpu.dma_semaphore, #tpu.memory_space<semaphore_mem>>) src(%dma_wait3A_204 : memref<80x128xf32, #tpu.memory_space<vmem>>) dst(%dma_wait3A_201 : memref<80x128xf32, #tpu.memory_space<vmem_shared>>)
        tpu.yield
      }) : () -> ()
    } else {
    }
    %lt3A_97 = arith.constant 15 : i32
    %lt3A_98 = arith.cmpi slt, %arg1, %lt3A_97 : i32
    %convert_element_type3A_99 = arith.extui %lt3A_98 : i1 to i32
    %cond3A_100 = arith.constant 0 : i32
    %cond3A_101 = arith.cmpi ne, %convert_element_type3A_99, %cond3A_100 : i32
    scf.if %cond3A_101 {
      %mul3A_181 = arith.constant 640 : i32
      %mul3A_182 = arith.muli %arg1, %mul3A_181 : i32
      %add3A_183 = arith.constant 480 : i32
      %add3A_184 = arith.addi %mul3A_182, %add3A_183 : i32
      "tpu.region"() ({
        %run_scoped3A = tpu.sem_alloc : memref<!tpu.dma_semaphore, #tpu.memory_space<semaphore_mem>>
        %dma_start3A_185 = arith.constant 0 : i32
        %dma_start3A_186 = arith.constant 0 : i32
        %dma_start3A_187 = tpu.memref_slice %arg9[%dma_start3A_185, %dma_start3A_186] : memref<80x128xf32, #tpu.memory_space<vmem>> -> memref<80x128xf32, #tpu.memory_space<vmem>>
        %dma_start3A_188 = arith.constant 0 : i32
        %dma_start3A_189 = tpu.memref_slice %arg6[%add3A_184, %dma_start3A_188] : memref<10008x128xf32, #tpu.memory_space<vmem_shared>> -> memref<80x128xf32, #tpu.memory_space<vmem_shared>>
        %dma_start3A_190 = arith.constant 0 : i32
        %dma_start3A_191 = tpu.memref_slice %arg6[%add3A_184, %dma_start3A_190] : memref<10008x128xf32, #tpu.memory_space<vmem_shared>> -> memref<80x128xf32, #tpu.memory_space<vmem_shared>>
        %dma_start3A_192 = arith.constant 0 : i32
        %dma_start3A_193 = arith.constant 0 : i32
        %dma_start3A_194 = tpu.memref_slice %arg9[%dma_start3A_192, %dma_start3A_193] : memref<80x128xf32, #tpu.memory_space<vmem>> -> memref<80x128xf32, #tpu.memory_space<vmem>>
        tpu.enqueue_dma source(%dma_start3A_194 : memref<80x128xf32, #tpu.memory_space<vmem>>) target(%dma_start3A_191 : memref<80x128xf32, #tpu.memory_space<vmem_shared>>) target_semaphore(%run_scoped3A : memref<!tpu.dma_semaphore, #tpu.memory_space<semaphore_mem>>)
        %dma_wait3A_195 = arith.constant 0 : i32
        %dma_wait3A_196 = arith.constant 0 : i32
        %dma_wait3A_197 = tpu.memref_slice %arg9[%dma_wait3A_195, %dma_wait3A_196] : memref<80x128xf32, #tpu.memory_space<vmem>> -> memref<80x128xf32, #tpu.memory_space<vmem>>
        %dma_wait3A_198 = arith.constant 0 : i32
        %dma_wait3A_199 = tpu.memref_slice %arg6[%add3A_184, %dma_wait3A_198] : memref<10008x128xf32, #tpu.memory_space<vmem_shared>> -> memref<80x128xf32, #tpu.memory_space<vmem_shared>>
        %dma_wait3A_200 = arith.constant 0 : i32
        %dma_wait3A_201 = tpu.memref_slice %arg6[%add3A_184, %dma_wait3A_200] : memref<10008x128xf32, #tpu.memory_space<vmem_shared>> -> memref<80x128xf32, #tpu.memory_space<vmem_shared>>
        %dma_wait3A_202 = arith.constant 0 : i32
        %dma_wait3A_203 = arith.constant 0 : i32
        %dma_wait3A_204 = tpu.memref_slice %arg9[%dma_wait3A_202, %dma_wait3A_203] : memref<80x128xf32, #tpu.memory_space<vmem>> -> memref<80x128xf32, #tpu.memory_space<vmem>>
        tpu.wait_dma2 semaphore(%run_scoped3A : memref<!tpu.dma_semaphore, #tpu.memory_space<semaphore_mem>>) src(%dma_wait3A_204 : memref<80x128xf32, #tpu.memory_space<vmem>>) dst(%dma_wait3A_201 : memref<80x128xf32, #tpu.memory_space<vmem_shared>>)
        tpu.yield
      }) : () -> ()
    } else {
    }
    %lt3A_102 = arith.constant 15 : i32
    %lt3A_103 = arith.cmpi slt, %arg1, %lt3A_102 : i32
    %convert_element_type3A_104 = arith.extui %lt3A_103 : i1 to i32
    %cond3A_105 = arith.constant 0 : i32
    %cond3A_106 = arith.cmpi ne, %convert_element_type3A_104, %cond3A_105 : i32
    scf.if %cond3A_106 {
      %mul3A_181 = arith.constant 640 : i32
      %mul3A_182 = arith.muli %arg1, %mul3A_181 : i32
      %add3A_183 = arith.constant 560 : i32
      %add3A_184 = arith.addi %mul3A_182, %add3A_183 : i32
      "tpu.region"() ({
        %run_scoped3A = tpu.sem_alloc : memref<!tpu.dma_semaphore, #tpu.memory_space<semaphore_mem>>
        %dma_start3A_185 = arith.constant 0 : i32
        %dma_start3A_186 = arith.constant 0 : i32
        %dma_start3A_187 = tpu.memref_slice %arg10[%dma_start3A_185, %dma_start3A_186] : memref<80x128xf32, #tpu.memory_space<vmem>> -> memref<80x128xf32, #tpu.memory_space<vmem>>
        %dma_start3A_188 = arith.constant 0 : i32
        %dma_start3A_189 = tpu.memref_slice %arg6[%add3A_184, %dma_start3A_188] : memref<10008x128xf32, #tpu.memory_space<vmem_shared>> -> memref<80x128xf32, #tpu.memory_space<vmem_shared>>
        %dma_start3A_190 = arith.constant 0 : i32
        %dma_start3A_191 = tpu.memref_slice %arg6[%add3A_184, %dma_start3A_190] : memref<10008x128xf32, #tpu.memory_space<vmem_shared>> -> memref<80x128xf32, #tpu.memory_space<vmem_shared>>
        %dma_start3A_192 = arith.constant 0 : i32
        %dma_start3A_193 = arith.constant 0 : i32
        %dma_start3A_194 = tpu.memref_slice %arg10[%dma_start3A_192, %dma_start3A_193] : memref<80x128xf32, #tpu.memory_space<vmem>> -> memref<80x128xf32, #tpu.memory_space<vmem>>
        tpu.enqueue_dma source(%dma_start3A_194 : memref<80x128xf32, #tpu.memory_space<vmem>>) target(%dma_start3A_191 : memref<80x128xf32, #tpu.memory_space<vmem_shared>>) target_semaphore(%run_scoped3A : memref<!tpu.dma_semaphore, #tpu.memory_space<semaphore_mem>>)
        %dma_wait3A_195 = arith.constant 0 : i32
        %dma_wait3A_196 = arith.constant 0 : i32
        %dma_wait3A_197 = tpu.memref_slice %arg10[%dma_wait3A_195, %dma_wait3A_196] : memref<80x128xf32, #tpu.memory_space<vmem>> -> memref<80x128xf32, #tpu.memory_space<vmem>>
        %dma_wait3A_198 = arith.constant 0 : i32
        %dma_wait3A_199 = tpu.memref_slice %arg6[%add3A_184, %dma_wait3A_198] : memref<10008x128xf32, #tpu.memory_space<vmem_shared>> -> memref<80x128xf32, #tpu.memory_space<vmem_shared>>
        %dma_wait3A_200 = arith.constant 0 : i32
        %dma_wait3A_201 = tpu.memref_slice %arg6[%add3A_184, %dma_wait3A_200] : memref<10008x128xf32, #tpu.memory_space<vmem_shared>> -> memref<80x128xf32, #tpu.memory_space<vmem_shared>>
        %dma_wait3A_202 = arith.constant 0 : i32
        %dma_wait3A_203 = arith.constant 0 : i32
        %dma_wait3A_204 = tpu.memref_slice %arg10[%dma_wait3A_202, %dma_wait3A_203] : memref<80x128xf32, #tpu.memory_space<vmem>> -> memref<80x128xf32, #tpu.memory_space<vmem>>
        tpu.wait_dma2 semaphore(%run_scoped3A : memref<!tpu.dma_semaphore, #tpu.memory_space<semaphore_mem>>) src(%dma_wait3A_204 : memref<80x128xf32, #tpu.memory_space<vmem>>) dst(%dma_wait3A_201 : memref<80x128xf32, #tpu.memory_space<vmem_shared>>)
        tpu.yield
      }) : () -> ()
    } else {
    }
    %barrier3A = arith.constant 0 : index
    tpu.barrier barrier_id(%barrier3A)
    %add3A_107 = arith.constant 0 : i32
    %add3A_108 = arith.addi %mul3A_2, %add3A_107 : i32
    %multiple_of3A_109 = tpu.assume_multiple %add3A_108, 8 : i32
    %dma_wait3A = arith.constant 0 : i32
    %dma_wait3A_110 = arith.constant 0 : i32
    %dma_wait3A_111 = arith.constant 0 : i32
    %dma_wait3A_112 = tpu.memref_slice %arg7[%dma_wait3A, %dma_wait3A_111] : memref<4x80xi32, #tpu.memory_space<vmem>> -> memref<1x80xi32, #tpu.memory_space<vmem>>
    %dma_wait3A_113 = tpu.memref_squeeze %dma_wait3A_112 : memref<1x80xi32, #tpu.memory_space<vmem>> -> memref<80xi32, #tpu.memory_space<vmem>>
    %dma_wait3A_114 = tpu.memref_slice %arg3[%multiple_of3A_109] : memref<320000xi32, #tpu.memory_space<hbm>> -> memref<80xi32, #tpu.memory_space<hbm>>
    %dma_wait3A_115 = tpu.memref_slice %arg18[%dma_wait3A_110] : memref<4x!tpu.dma_semaphore, #tpu.memory_space<semaphore_mem>> -> memref<1x!tpu.dma_semaphore, #tpu.memory_space<semaphore_mem>>
    %dma_wait3A_116 = tpu.memref_squeeze %dma_wait3A_115 : memref<1x!tpu.dma_semaphore, #tpu.memory_space<semaphore_mem>> -> memref<!tpu.dma_semaphore, #tpu.memory_space<semaphore_mem>>
    %dma_wait3A_117 = arith.constant 0 : i32
    %dma_wait3A_118 = tpu.memref_slice %arg7[%dma_wait3A, %dma_wait3A_117] : memref<4x80xi32, #tpu.memory_space<vmem>> -> memref<1x80xi32, #tpu.memory_space<vmem>>
    %dma_wait3A_119 = tpu.memref_squeeze %dma_wait3A_118 : memref<1x80xi32, #tpu.memory_space<vmem>> -> memref<80xi32, #tpu.memory_space<vmem>>
    %dma_wait3A_120 = tpu.memref_slice %arg3[%multiple_of3A_109] : memref<320000xi32, #tpu.memory_space<hbm>> -> memref<80xi32, #tpu.memory_space<hbm>>
    tpu.wait_dma2 semaphore(%dma_wait3A_116 : memref<!tpu.dma_semaphore, #tpu.memory_space<semaphore_mem>>) src(%dma_wait3A_120 : memref<80xi32, #tpu.memory_space<hbm>>) dst(%dma_wait3A_119 : memref<80xi32, #tpu.memory_space<vmem>>)
    %dma_start3A_121 = arith.constant 0 : i32
    %dma_start3A_122 = arith.constant 0 : i32
    %dma_start3A_123 = tpu.memref_slice %arg7[%dma_start3A_121, %dma_start3A_122] : memref<4x80xi32, #tpu.memory_space<vmem>> -> memref<1x80xi32, #tpu.memory_space<vmem>>
    %dma_start3A_124 = tpu.memref_squeeze %dma_start3A_123 : memref<1x80xi32, #tpu.memory_space<vmem>> -> memref<80xi32, #tpu.memory_space<vmem>>
    %dma_start3A_125 = arith.constant 0 : i32
    %dma_start3A_126 = arith.constant 0 : i32
    %dma_start3A_127 = tpu.memref_slice %arg2[%dma_start3A_125, %dma_start3A_126] : memref<10000x128xf32, #tpu.memory_space<hbm>> -> memref<10000x128xf32, #tpu.memory_space<hbm>>
    tpu.enqueue_indirect_dma source(%dma_start3A_127 : memref<10000x128xf32, #tpu.memory_space<hbm>>) target(%arg9 : memref<80x128xf32, #tpu.memory_space<vmem>>) offsets(%dma_start3A_124 : memref<80xi32, #tpu.memory_space<vmem>>) semaphore(%arg12 : memref<!tpu.dma_semaphore, #tpu.memory_space<semaphore_mem>>)
    %add3A_128 = arith.constant 80 : i32
    %add3A_129 = arith.addi %mul3A_2, %add3A_128 : i32
    %multiple_of3A_130 = tpu.assume_multiple %add3A_129, 8 : i32
    %dma_wait3A_131 = arith.constant 1 : i32
    %dma_wait3A_132 = arith.constant 1 : i32
    %dma_wait3A_133 = arith.constant 0 : i32
    %dma_wait3A_134 = tpu.memref_slice %arg7[%dma_wait3A_131, %dma_wait3A_133] : memref<4x80xi32, #tpu.memory_space<vmem>> -> memref<1x80xi32, #tpu.memory_space<vmem>>
    %dma_wait3A_135 = tpu.memref_squeeze %dma_wait3A_134 : memref<1x80xi32, #tpu.memory_space<vmem>> -> memref<80xi32, #tpu.memory_space<vmem>>
    %dma_wait3A_136 = tpu.memref_slice %arg3[%multiple_of3A_130] : memref<320000xi32, #tpu.memory_space<hbm>> -> memref<80xi32, #tpu.memory_space<hbm>>
    %dma_wait3A_137 = tpu.memref_slice %arg18[%dma_wait3A_132] : memref<4x!tpu.dma_semaphore, #tpu.memory_space<semaphore_mem>> -> memref<1x!tpu.dma_semaphore, #tpu.memory_space<semaphore_mem>>
    %dma_wait3A_138 = tpu.memref_squeeze %dma_wait3A_137 : memref<1x!tpu.dma_semaphore, #tpu.memory_space<semaphore_mem>> -> memref<!tpu.dma_semaphore, #tpu.memory_space<semaphore_mem>>
    %dma_wait3A_139 = arith.constant 0 : i32
    %dma_wait3A_140 = tpu.memref_slice %arg7[%dma_wait3A_131, %dma_wait3A_139] : memref<4x80xi32, #tpu.memory_space<vmem>> -> memref<1x80xi32, #tpu.memory_space<vmem>>
    %dma_wait3A_141 = tpu.memref_squeeze %dma_wait3A_140 : memref<1x80xi32, #tpu.memory_space<vmem>> -> memref<80xi32, #tpu.memory_space<vmem>>
    %dma_wait3A_142 = tpu.memref_slice %arg3[%multiple_of3A_130] : memref<320000xi32, #tpu.memory_space<hbm>> -> memref<80xi32, #tpu.memory_space<hbm>>
    tpu.wait_dma2 semaphore(%dma_wait3A_138 : memref<!tpu.dma_semaphore, #tpu.memory_space<semaphore_mem>>) src(%dma_wait3A_142 : memref<80xi32, #tpu.memory_space<hbm>>) dst(%dma_wait3A_141 : memref<80xi32, #tpu.memory_space<vmem>>)
    %dma_start3A_143 = arith.constant 1 : i32
    %dma_start3A_144 = arith.constant 0 : i32
    %dma_start3A_145 = tpu.memref_slice %arg7[%dma_start3A_143, %dma_start3A_144] : memref<4x80xi32, #tpu.memory_space<vmem>> -> memref<1x80xi32, #tpu.memory_space<vmem>>
    %dma_start3A_146 = tpu.memref_squeeze %dma_start3A_145 : memref<1x80xi32, #tpu.memory_space<vmem>> -> memref<80xi32, #tpu.memory_space<vmem>>
    %dma_start3A_147 = arith.constant 0 : i32
    %dma_start3A_148 = arith.constant 0 : i32
    %dma_start3A_149 = tpu.memref_slice %arg2[%dma_start3A_147, %dma_start3A_148] : memref<10000x128xf32, #tpu.memory_space<hbm>> -> memref<10000x128xf32, #tpu.memory_space<hbm>>
    tpu.enqueue_indirect_dma source(%dma_start3A_149 : memref<10000x128xf32, #tpu.memory_space<hbm>>) target(%arg10 : memref<80x128xf32, #tpu.memory_space<vmem>>) offsets(%dma_start3A_146 : memref<80xi32, #tpu.memory_space<vmem>>) semaphore(%arg13 : memref<!tpu.dma_semaphore, #tpu.memory_space<semaphore_mem>>)
    %dma_wait3A_150 = arith.constant 0 : i32
    %dma_wait3A_151 = arith.constant 0 : i32
    %dma_wait3A_152 = tpu.memref_slice %arg4[%add3A, %dma_wait3A_150, %dma_wait3A_151] : memref<32x125x80xi32, #tpu.memory_space<hbm>> -> memref<1x125x80xi32, #tpu.memory_space<hbm>>
    %dma_wait3A_153 = tpu.memref_squeeze %dma_wait3A_152 : memref<1x125x80xi32, #tpu.memory_space<hbm>> -> memref<125x80xi32, #tpu.memory_space<hbm>>
    %dma_wait3A_154 = arith.constant 0 : i32
    %dma_wait3A_155 = arith.constant 0 : i32
    %dma_wait3A_156 = tpu.memref_slice %arg4[%add3A, %dma_wait3A_154, %dma_wait3A_155] : memref<32x125x80xi32, #tpu.memory_space<hbm>> -> memref<1x125x80xi32, #tpu.memory_space<hbm>>
    %dma_wait3A_157 = tpu.memref_squeeze %dma_wait3A_156 : memref<1x125x80xi32, #tpu.memory_space<hbm>> -> memref<125x80xi32, #tpu.memory_space<hbm>>
    tpu.wait_dma2 semaphore(%arg19 : memref<!tpu.dma_semaphore, #tpu.memory_space<semaphore_mem>>) src(%dma_wait3A_157 : memref<125x80xi32, #tpu.memory_space<hbm>>) dst(%arg8 : memref<125x80xi32, #tpu.memory_space<vmem>>)
    %scan3A_158 = arith.constant 0 : i32
    %scan3A_159 = arith.constant 0 : i32
    %scan3A_160 = arith.constant 42 : i32
    %scan3A_161 = arith.addi %scan3A_159, %scan3A_160 : i32
    %scan3A_162 = arith.constant 1 : i32
    scf.for %scan3A_181 = %scan3A_159 to %scan3A_161 step %scan3A_162  : i32 {
      %mul3A_182 = arith.constant 3 : i32
      %mul3A_183 = arith.muli %scan3A_181, %mul3A_182 : i32
      %add3A_184 = arith.constant 0 : i32
      %add3A_185 = arith.addi %mul3A_183, %add3A_184 : i32
      %lt3A_186 = arith.constant 125 : i32
      %lt3A_187 = arith.cmpi slt, %add3A_185, %lt3A_186 : i32
      %convert_element_type3A_188 = arith.extui %lt3A_187 : i1 to i32
      %cond3A_189 = arith.constant 0 : i32
      %cond3A_190 = arith.cmpi ne, %convert_element_type3A_188, %cond3A_189 : i32
      scf.if %cond3A_190 {
        %add3A_205 = arith.constant 0 : i32
        %add3A_206 = arith.addi %mul3A_183, %add3A_205 : i32
        %rem3A = arith.constant 4 : i32
        %rem3A_207 = arith.remsi %add3A_206, %rem3A : i32
        %dma_wait3A_208 = arith.constant 0 : i32
        %dma_wait3A_209 = tpu.memref_slice %arg7[%rem3A_207, %dma_wait3A_208] : memref<4x80xi32, #tpu.memory_space<vmem>> -> memref<1x80xi32, #tpu.memory_space<vmem>>
        %dma_wait3A_210 = tpu.memref_squeeze %dma_wait3A_209 : memref<1x80xi32, #tpu.memory_space<vmem>> -> memref<80xi32, #tpu.memory_space<vmem>>
        %dma_wait3A_211 = arith.constant 0 : i32
        %dma_wait3A_212 = arith.constant 0 : i32
        %dma_wait3A_213 = tpu.memref_slice %arg2[%dma_wait3A_211, %dma_wait3A_212] : memref<10000x128xf32, #tpu.memory_space<hbm>> -> memref<10000x128xf32, #tpu.memory_space<hbm>>
        tpu.wait_indirect_dma semaphore(%arg12 : memref<!tpu.dma_semaphore, #tpu.memory_space<semaphore_mem>>) src(%dma_wait3A_213 : memref<10000x128xf32, #tpu.memory_space<hbm>>) dst(%arg9 : memref<80x128xf32, #tpu.memory_space<vmem>>)
        %ge3A = arith.constant 1 : i32
        %ge3A_214 = arith.cmpi sge, %add3A_206, %ge3A : i32
        %convert_element_type3A_215 = arith.extui %ge3A_214 : i1 to i32
        %cond3A_216 = arith.constant 0 : i32
        %cond3A_217 = arith.cmpi ne, %convert_element_type3A_215, %cond3A_216 : i32
        scf.if %cond3A_217 {
          %sub3A = arith.constant 1 : i32
          %sub3A_238 = arith.subi %add3A_206, %sub3A : i32
          %dma_wait3A_239 = arith.constant 0 : i32
          %dma_wait3A_240 = tpu.memref_slice %arg8[%sub3A_238, %dma_wait3A_239] : memref<125x80xi32, #tpu.memory_space<vmem>> -> memref<1x80xi32, #tpu.memory_space<vmem>>
          %dma_wait3A_241 = tpu.memref_squeeze %dma_wait3A_240 : memref<1x80xi32, #tpu.memory_space<vmem>> -> memref<80xi32, #tpu.memory_space<vmem>>
          %dma_wait3A_242 = arith.constant 0 : i32
          %dma_wait3A_243 = arith.constant 0 : i32
          %dma_wait3A_244 = tpu.memref_slice %arg6[%dma_wait3A_242, %dma_wait3A_243] : memref<10008x128xf32, #tpu.memory_space<vmem_shared>> -> memref<10008x128xf32, #tpu.memory_space<vmem_shared>>
          tpu.wait_indirect_dma semaphore(%arg17 : memref<!tpu.dma_semaphore, #tpu.memory_space<semaphore_mem>>) src(%arg11 : memref<80x128xf32, #tpu.memory_space<vmem>>) dst(%dma_wait3A_244 : memref<10008x128xf32, #tpu.memory_space<vmem_shared>>)
        } else {
        }
        %add3A_218 = arith.constant 2 : i32
        %add3A_219 = arith.addi %add3A_206, %add3A_218 : i32
        %lt3A_220 = arith.constant 125 : i32
        %lt3A_221 = arith.cmpi slt, %add3A_219, %lt3A_220 : i32
        %convert_element_type3A_222 = arith.extui %lt3A_221 : i1 to i32
        %cond3A_223 = arith.constant 0 : i32
        %cond3A_224 = arith.cmpi ne, %convert_element_type3A_222, %cond3A_223 : i32
        scf.if %cond3A_224 {
          %add3A_238 = arith.constant 2 : i32
          %add3A_239 = arith.addi %add3A_206, %add3A_238 : i32
          %add3A_240 = arith.constant 2 : i32
          %add3A_241 = arith.addi %add3A_206, %add3A_240 : i32
          %rem3A_242 = arith.constant 4 : i32
          %rem3A_243 = arith.remsi %add3A_241, %rem3A_242 : i32
          %mul3A_244 = arith.constant 80 : i32
          %mul3A_245 = arith.muli %add3A_239, %mul3A_244 : i32
          %add3A_246 = arith.addi %mul3A_2, %mul3A_245 : i32
          %multiple_of3A_247 = tpu.assume_multiple %add3A_246, 8 : i32
          %dma_wait3A_248 = arith.constant 0 : i32
          %dma_wait3A_249 = tpu.memref_slice %arg7[%rem3A_243, %dma_wait3A_248] : memref<4x80xi32, #tpu.memory_space<vmem>> -> memref<1x80xi32, #tpu.memory_space<vmem>>
          %dma_wait3A_250 = tpu.memref_squeeze %dma_wait3A_249 : memref<1x80xi32, #tpu.memory_space<vmem>> -> memref<80xi32, #tpu.memory_space<vmem>>
          %dma_wait3A_251 = tpu.memref_slice %arg3[%multiple_of3A_247] : memref<320000xi32, #tpu.memory_space<hbm>> -> memref<80xi32, #tpu.memory_space<hbm>>
          %dma_wait3A_252 = tpu.memref_slice %arg18[%rem3A_243] : memref<4x!tpu.dma_semaphore, #tpu.memory_space<semaphore_mem>> -> memref<1x!tpu.dma_semaphore, #tpu.memory_space<semaphore_mem>>
          %dma_wait3A_253 = tpu.memref_squeeze %dma_wait3A_252 : memref<1x!tpu.dma_semaphore, #tpu.memory_space<semaphore_mem>> -> memref<!tpu.dma_semaphore, #tpu.memory_space<semaphore_mem>>
          %dma_wait3A_254 = arith.constant 0 : i32
          %dma_wait3A_255 = tpu.memref_slice %arg7[%rem3A_243, %dma_wait3A_254] : memref<4x80xi32, #tpu.memory_space<vmem>> -> memref<1x80xi32, #tpu.memory_space<vmem>>
          %dma_wait3A_256 = tpu.memref_squeeze %dma_wait3A_255 : memref<1x80xi32, #tpu.memory_space<vmem>> -> memref<80xi32, #tpu.memory_space<vmem>>
          %dma_wait3A_257 = tpu.memref_slice %arg3[%multiple_of3A_247] : memref<320000xi32, #tpu.memory_space<hbm>> -> memref<80xi32, #tpu.memory_space<hbm>>
          tpu.wait_dma2 semaphore(%dma_wait3A_253 : memref<!tpu.dma_semaphore, #tpu.memory_space<semaphore_mem>>) src(%dma_wait3A_257 : memref<80xi32, #tpu.memory_space<hbm>>) dst(%dma_wait3A_256 : memref<80xi32, #tpu.memory_space<vmem>>)
          %add3A_258 = arith.constant 2 : i32
          %add3A_259 = arith.addi %add3A_206, %add3A_258 : i32
          %rem3A_260 = arith.constant 4 : i32
          %rem3A_261 = arith.remsi %add3A_259, %rem3A_260 : i32
          %dma_start3A_262 = arith.constant 0 : i32
          %dma_start3A_263 = tpu.memref_slice %arg7[%rem3A_261, %dma_start3A_262] : memref<4x80xi32, #tpu.memory_space<vmem>> -> memref<1x80xi32, #tpu.memory_space<vmem>>
          %dma_start3A_264 = tpu.memref_squeeze %dma_start3A_263 : memref<1x80xi32, #tpu.memory_space<vmem>> -> memref<80xi32, #tpu.memory_space<vmem>>
          %dma_start3A_265 = arith.constant 0 : i32
          %dma_start3A_266 = arith.constant 0 : i32
          %dma_start3A_267 = tpu.memref_slice %arg2[%dma_start3A_265, %dma_start3A_266] : memref<10000x128xf32, #tpu.memory_space<hbm>> -> memref<10000x128xf32, #tpu.memory_space<hbm>>
          tpu.enqueue_indirect_dma source(%dma_start3A_267 : memref<10000x128xf32, #tpu.memory_space<hbm>>) target(%arg11 : memref<80x128xf32, #tpu.memory_space<vmem>>) offsets(%dma_start3A_264 : memref<80xi32, #tpu.memory_space<vmem>>) semaphore(%arg14 : memref<!tpu.dma_semaphore, #tpu.memory_space<semaphore_mem>>)
        } else {
        }
        %dma_start3A_225 = arith.constant 0 : i32
        %dma_start3A_226 = tpu.memref_slice %arg8[%add3A_206, %dma_start3A_225] : memref<125x80xi32, #tpu.memory_space<vmem>> -> memref<1x80xi32, #tpu.memory_space<vmem>>
        %dma_start3A_227 = tpu.memref_squeeze %dma_start3A_226 : memref<1x80xi32, #tpu.memory_space<vmem>> -> memref<80xi32, #tpu.memory_space<vmem>>
        %dma_start3A_228 = arith.constant 0 : i32
        %dma_start3A_229 = arith.constant 0 : i32
        %dma_start3A_230 = tpu.memref_slice %arg6[%dma_start3A_228, %dma_start3A_229] : memref<10008x128xf32, #tpu.memory_space<vmem_shared>> -> memref<10008x128xf32, #tpu.memory_space<vmem_shared>>
        tpu.enqueue_indirect_dma source(%arg9 : memref<80x128xf32, #tpu.memory_space<vmem>>) target(%dma_start3A_230 : memref<10008x128xf32, #tpu.memory_space<vmem_shared>>) offsets(%dma_start3A_227 : memref<80xi32, #tpu.memory_space<vmem>>) semaphore(%arg15 : memref<!tpu.dma_semaphore, #tpu.memory_space<semaphore_mem>>) {add = true}
        %add3A_231 = arith.constant 4 : i32
        %add3A_232 = arith.addi %add3A_206, %add3A_231 : i32
        %lt3A_233 = arith.constant 125 : i32
        %lt3A_234 = arith.cmpi slt, %add3A_232, %lt3A_233 : i32
        %convert_element_type3A_235 = arith.extui %lt3A_234 : i1 to i32
        %cond3A_236 = arith.constant 0 : i32
        %cond3A_237 = arith.cmpi ne, %convert_element_type3A_235, %cond3A_236 : i32
        scf.if %cond3A_237 {
          %add3A_238 = arith.constant 4 : i32
          %add3A_239 = arith.addi %add3A_206, %add3A_238 : i32
          %rem3A_240 = arith.constant 4 : i32
          %rem3A_241 = arith.remsi %add3A_206, %rem3A_240 : i32
          %mul3A_242 = arith.constant 80 : i32
          %mul3A_243 = arith.muli %add3A_239, %mul3A_242 : i32
          %add3A_244 = arith.addi %mul3A_2, %mul3A_243 : i32
          %multiple_of3A_245 = tpu.assume_multiple %add3A_244, 8 : i32
          %dma_start3A_246 = arith.constant 0 : i32
          %dma_start3A_247 = tpu.memref_slice %arg7[%rem3A_241, %dma_start3A_246] : memref<4x80xi32, #tpu.memory_space<vmem>> -> memref<1x80xi32, #tpu.memory_space<vmem>>
          %dma_start3A_248 = tpu.memref_squeeze %dma_start3A_247 : memref<1x80xi32, #tpu.memory_space<vmem>> -> memref<80xi32, #tpu.memory_space<vmem>>
          %dma_start3A_249 = tpu.memref_slice %arg3[%multiple_of3A_245] : memref<320000xi32, #tpu.memory_space<hbm>> -> memref<80xi32, #tpu.memory_space<hbm>>
          %dma_start3A_250 = tpu.memref_slice %arg18[%rem3A_241] : memref<4x!tpu.dma_semaphore, #tpu.memory_space<semaphore_mem>> -> memref<1x!tpu.dma_semaphore, #tpu.memory_space<semaphore_mem>>
          %dma_start3A_251 = tpu.memref_squeeze %dma_start3A_250 : memref<1x!tpu.dma_semaphore, #tpu.memory_space<semaphore_mem>> -> memref<!tpu.dma_semaphore, #tpu.memory_space<semaphore_mem>>
          %dma_start3A_252 = arith.constant 0 : i32
          %dma_start3A_253 = tpu.memref_slice %arg7[%rem3A_241, %dma_start3A_252] : memref<4x80xi32, #tpu.memory_space<vmem>> -> memref<1x80xi32, #tpu.memory_space<vmem>>
          %dma_start3A_254 = tpu.memref_squeeze %dma_start3A_253 : memref<1x80xi32, #tpu.memory_space<vmem>> -> memref<80xi32, #tpu.memory_space<vmem>>
          %dma_start3A_255 = tpu.memref_slice %arg3[%multiple_of3A_245] : memref<320000xi32, #tpu.memory_space<hbm>> -> memref<80xi32, #tpu.memory_space<hbm>>
          tpu.enqueue_dma source(%dma_start3A_255 : memref<80xi32, #tpu.memory_space<hbm>>) target(%dma_start3A_254 : memref<80xi32, #tpu.memory_space<vmem>>) target_semaphore(%dma_start3A_251 : memref<!tpu.dma_semaphore, #tpu.memory_space<semaphore_mem>>)
        } else {
        }
      } else {
      }
      %add3A_191 = arith.constant 1 : i32
      %add3A_192 = arith.addi %mul3A_183, %add3A_191 : i32
      %lt3A_193 = arith.constant 125 : i32
      %lt3A_194 = arith.cmpi slt, %add3A_192, %lt3A_193 : i32
      %convert_element_type3A_195 = arith.extui %lt3A_194 : i1 to i32
      %cond3A_196 = arith.constant 0 : i32
      %cond3A_197 = arith.cmpi ne, %convert_element_type3A_195, %cond3A_196 : i32
      scf.if %cond3A_197 {
        %add3A_205 = arith.constant 1 : i32
        %add3A_206 = arith.addi %mul3A_183, %add3A_205 : i32
        %rem3A = arith.constant 4 : i32
        %rem3A_207 = arith.remsi %add3A_206, %rem3A : i32
        %dma_wait3A_208 = arith.constant 0 : i32
        %dma_wait3A_209 = tpu.memref_slice %arg7[%rem3A_207, %dma_wait3A_208] : memref<4x80xi32, #tpu.memory_space<vmem>> -> memref<1x80xi32, #tpu.memory_space<vmem>>
        %dma_wait3A_210 = tpu.memref_squeeze %dma_wait3A_209 : memref<1x80xi32, #tpu.memory_space<vmem>> -> memref<80xi32, #tpu.memory_space<vmem>>
        %dma_wait3A_211 = arith.constant 0 : i32
        %dma_wait3A_212 = arith.constant 0 : i32
        %dma_wait3A_213 = tpu.memref_slice %arg2[%dma_wait3A_211, %dma_wait3A_212] : memref<10000x128xf32, #tpu.memory_space<hbm>> -> memref<10000x128xf32, #tpu.memory_space<hbm>>
        tpu.wait_indirect_dma semaphore(%arg13 : memref<!tpu.dma_semaphore, #tpu.memory_space<semaphore_mem>>) src(%dma_wait3A_213 : memref<10000x128xf32, #tpu.memory_space<hbm>>) dst(%arg10 : memref<80x128xf32, #tpu.memory_space<vmem>>)
        %ge3A = arith.constant 1 : i32
        %ge3A_214 = arith.cmpi sge, %add3A_206, %ge3A : i32
        %convert_element_type3A_215 = arith.extui %ge3A_214 : i1 to i32
        %cond3A_216 = arith.constant 0 : i32
        %cond3A_217 = arith.cmpi ne, %convert_element_type3A_215, %cond3A_216 : i32
        scf.if %cond3A_217 {
          %sub3A = arith.constant 1 : i32
          %sub3A_238 = arith.subi %add3A_206, %sub3A : i32
          %dma_wait3A_239 = arith.constant 0 : i32
          %dma_wait3A_240 = tpu.memref_slice %arg8[%sub3A_238, %dma_wait3A_239] : memref<125x80xi32, #tpu.memory_space<vmem>> -> memref<1x80xi32, #tpu.memory_space<vmem>>
          %dma_wait3A_241 = tpu.memref_squeeze %dma_wait3A_240 : memref<1x80xi32, #tpu.memory_space<vmem>> -> memref<80xi32, #tpu.memory_space<vmem>>
          %dma_wait3A_242 = arith.constant 0 : i32
          %dma_wait3A_243 = arith.constant 0 : i32
          %dma_wait3A_244 = tpu.memref_slice %arg6[%dma_wait3A_242, %dma_wait3A_243] : memref<10008x128xf32, #tpu.memory_space<vmem_shared>> -> memref<10008x128xf32, #tpu.memory_space<vmem_shared>>
          tpu.wait_indirect_dma semaphore(%arg15 : memref<!tpu.dma_semaphore, #tpu.memory_space<semaphore_mem>>) src(%arg9 : memref<80x128xf32, #tpu.memory_space<vmem>>) dst(%dma_wait3A_244 : memref<10008x128xf32, #tpu.memory_space<vmem_shared>>)
        } else {
        }
        %add3A_218 = arith.constant 2 : i32
        %add3A_219 = arith.addi %add3A_206, %add3A_218 : i32
        %lt3A_220 = arith.constant 125 : i32
        %lt3A_221 = arith.cmpi slt, %add3A_219, %lt3A_220 : i32
        %convert_element_type3A_222 = arith.extui %lt3A_221 : i1 to i32
        %cond3A_223 = arith.constant 0 : i32
        %cond3A_224 = arith.cmpi ne, %convert_element_type3A_222, %cond3A_223 : i32
        scf.if %cond3A_224 {
          %add3A_238 = arith.constant 2 : i32
          %add3A_239 = arith.addi %add3A_206, %add3A_238 : i32
          %add3A_240 = arith.constant 2 : i32
          %add3A_241 = arith.addi %add3A_206, %add3A_240 : i32
          %rem3A_242 = arith.constant 4 : i32
          %rem3A_243 = arith.remsi %add3A_241, %rem3A_242 : i32
          %mul3A_244 = arith.constant 80 : i32
          %mul3A_245 = arith.muli %add3A_239, %mul3A_244 : i32
          %add3A_246 = arith.addi %mul3A_2, %mul3A_245 : i32
          %multiple_of3A_247 = tpu.assume_multiple %add3A_246, 8 : i32
          %dma_wait3A_248 = arith.constant 0 : i32
          %dma_wait3A_249 = tpu.memref_slice %arg7[%rem3A_243, %dma_wait3A_248] : memref<4x80xi32, #tpu.memory_space<vmem>> -> memref<1x80xi32, #tpu.memory_space<vmem>>
          %dma_wait3A_250 = tpu.memref_squeeze %dma_wait3A_249 : memref<1x80xi32, #tpu.memory_space<vmem>> -> memref<80xi32, #tpu.memory_space<vmem>>
          %dma_wait3A_251 = tpu.memref_slice %arg3[%multiple_of3A_247] : memref<320000xi32, #tpu.memory_space<hbm>> -> memref<80xi32, #tpu.memory_space<hbm>>
          %dma_wait3A_252 = tpu.memref_slice %arg18[%rem3A_243] : memref<4x!tpu.dma_semaphore, #tpu.memory_space<semaphore_mem>> -> memref<1x!tpu.dma_semaphore, #tpu.memory_space<semaphore_mem>>
          %dma_wait3A_253 = tpu.memref_squeeze %dma_wait3A_252 : memref<1x!tpu.dma_semaphore, #tpu.memory_space<semaphore_mem>> -> memref<!tpu.dma_semaphore, #tpu.memory_space<semaphore_mem>>
          %dma_wait3A_254 = arith.constant 0 : i32
          %dma_wait3A_255 = tpu.memref_slice %arg7[%rem3A_243, %dma_wait3A_254] : memref<4x80xi32, #tpu.memory_space<vmem>> -> memref<1x80xi32, #tpu.memory_space<vmem>>
          %dma_wait3A_256 = tpu.memref_squeeze %dma_wait3A_255 : memref<1x80xi32, #tpu.memory_space<vmem>> -> memref<80xi32, #tpu.memory_space<vmem>>
          %dma_wait3A_257 = tpu.memref_slice %arg3[%multiple_of3A_247] : memref<320000xi32, #tpu.memory_space<hbm>> -> memref<80xi32, #tpu.memory_space<hbm>>
          tpu.wait_dma2 semaphore(%dma_wait3A_253 : memref<!tpu.dma_semaphore, #tpu.memory_space<semaphore_mem>>) src(%dma_wait3A_257 : memref<80xi32, #tpu.memory_space<hbm>>) dst(%dma_wait3A_256 : memref<80xi32, #tpu.memory_space<vmem>>)
          %add3A_258 = arith.constant 2 : i32
          %add3A_259 = arith.addi %add3A_206, %add3A_258 : i32
          %rem3A_260 = arith.constant 4 : i32
          %rem3A_261 = arith.remsi %add3A_259, %rem3A_260 : i32
          %dma_start3A_262 = arith.constant 0 : i32
          %dma_start3A_263 = tpu.memref_slice %arg7[%rem3A_261, %dma_start3A_262] : memref<4x80xi32, #tpu.memory_space<vmem>> -> memref<1x80xi32, #tpu.memory_space<vmem>>
          %dma_start3A_264 = tpu.memref_squeeze %dma_start3A_263 : memref<1x80xi32, #tpu.memory_space<vmem>> -> memref<80xi32, #tpu.memory_space<vmem>>
          %dma_start3A_265 = arith.constant 0 : i32
          %dma_start3A_266 = arith.constant 0 : i32
          %dma_start3A_267 = tpu.memref_slice %arg2[%dma_start3A_265, %dma_start3A_266] : memref<10000x128xf32, #tpu.memory_space<hbm>> -> memref<10000x128xf32, #tpu.memory_space<hbm>>
          tpu.enqueue_indirect_dma source(%dma_start3A_267 : memref<10000x128xf32, #tpu.memory_space<hbm>>) target(%arg9 : memref<80x128xf32, #tpu.memory_space<vmem>>) offsets(%dma_start3A_264 : memref<80xi32, #tpu.memory_space<vmem>>) semaphore(%arg12 : memref<!tpu.dma_semaphore, #tpu.memory_space<semaphore_mem>>)
        } else {
        }
        %dma_start3A_225 = arith.constant 0 : i32
        %dma_start3A_226 = tpu.memref_slice %arg8[%add3A_206, %dma_start3A_225] : memref<125x80xi32, #tpu.memory_space<vmem>> -> memref<1x80xi32, #tpu.memory_space<vmem>>
        %dma_start3A_227 = tpu.memref_squeeze %dma_start3A_226 : memref<1x80xi32, #tpu.memory_space<vmem>> -> memref<80xi32, #tpu.memory_space<vmem>>
        %dma_start3A_228 = arith.constant 0 : i32
        %dma_start3A_229 = arith.constant 0 : i32
        %dma_start3A_230 = tpu.memref_slice %arg6[%dma_start3A_228, %dma_start3A_229] : memref<10008x128xf32, #tpu.memory_space<vmem_shared>> -> memref<10008x128xf32, #tpu.memory_space<vmem_shared>>
        tpu.enqueue_indirect_dma source(%arg10 : memref<80x128xf32, #tpu.memory_space<vmem>>) target(%dma_start3A_230 : memref<10008x128xf32, #tpu.memory_space<vmem_shared>>) offsets(%dma_start3A_227 : memref<80xi32, #tpu.memory_space<vmem>>) semaphore(%arg16 : memref<!tpu.dma_semaphore, #tpu.memory_space<semaphore_mem>>) {add = true}
        %add3A_231 = arith.constant 4 : i32
        %add3A_232 = arith.addi %add3A_206, %add3A_231 : i32
        %lt3A_233 = arith.constant 125 : i32
        %lt3A_234 = arith.cmpi slt, %add3A_232, %lt3A_233 : i32
        %convert_element_type3A_235 = arith.extui %lt3A_234 : i1 to i32
        %cond3A_236 = arith.constant 0 : i32
        %cond3A_237 = arith.cmpi ne, %convert_element_type3A_235, %cond3A_236 : i32
        scf.if %cond3A_237 {
          %add3A_238 = arith.constant 4 : i32
          %add3A_239 = arith.addi %add3A_206, %add3A_238 : i32
          %rem3A_240 = arith.constant 4 : i32
          %rem3A_241 = arith.remsi %add3A_206, %rem3A_240 : i32
          %mul3A_242 = arith.constant 80 : i32
          %mul3A_243 = arith.muli %add3A_239, %mul3A_242 : i32
          %add3A_244 = arith.addi %mul3A_2, %mul3A_243 : i32
          %multiple_of3A_245 = tpu.assume_multiple %add3A_244, 8 : i32
          %dma_start3A_246 = arith.constant 0 : i32
          %dma_start3A_247 = tpu.memref_slice %arg7[%rem3A_241, %dma_start3A_246] : memref<4x80xi32, #tpu.memory_space<vmem>> -> memref<1x80xi32, #tpu.memory_space<vmem>>
          %dma_start3A_248 = tpu.memref_squeeze %dma_start3A_247 : memref<1x80xi32, #tpu.memory_space<vmem>> -> memref<80xi32, #tpu.memory_space<vmem>>
          %dma_start3A_249 = tpu.memref_slice %arg3[%multiple_of3A_245] : memref<320000xi32, #tpu.memory_space<hbm>> -> memref<80xi32, #tpu.memory_space<hbm>>
          %dma_start3A_250 = tpu.memref_slice %arg18[%rem3A_241] : memref<4x!tpu.dma_semaphore, #tpu.memory_space<semaphore_mem>> -> memref<1x!tpu.dma_semaphore, #tpu.memory_space<semaphore_mem>>
          %dma_start3A_251 = tpu.memref_squeeze %dma_start3A_250 : memref<1x!tpu.dma_semaphore, #tpu.memory_space<semaphore_mem>> -> memref<!tpu.dma_semaphore, #tpu.memory_space<semaphore_mem>>
          %dma_start3A_252 = arith.constant 0 : i32
          %dma_start3A_253 = tpu.memref_slice %arg7[%rem3A_241, %dma_start3A_252] : memref<4x80xi32, #tpu.memory_space<vmem>> -> memref<1x80xi32, #tpu.memory_space<vmem>>
          %dma_start3A_254 = tpu.memref_squeeze %dma_start3A_253 : memref<1x80xi32, #tpu.memory_space<vmem>> -> memref<80xi32, #tpu.memory_space<vmem>>
          %dma_start3A_255 = tpu.memref_slice %arg3[%multiple_of3A_245] : memref<320000xi32, #tpu.memory_space<hbm>> -> memref<80xi32, #tpu.memory_space<hbm>>
          tpu.enqueue_dma source(%dma_start3A_255 : memref<80xi32, #tpu.memory_space<hbm>>) target(%dma_start3A_254 : memref<80xi32, #tpu.memory_space<vmem>>) target_semaphore(%dma_start3A_251 : memref<!tpu.dma_semaphore, #tpu.memory_space<semaphore_mem>>)
        } else {
        }
      } else {
      }
      %add3A_198 = arith.constant 2 : i32
      %add3A_199 = arith.addi %mul3A_183, %add3A_198 : i32
      %lt3A_200 = arith.constant 125 : i32
      %lt3A_201 = arith.cmpi slt, %add3A_199, %lt3A_200 : i32
      %convert_element_type3A_202 = arith.extui %lt3A_201 : i1 to i32
      %cond3A_203 = arith.constant 0 : i32
      %cond3A_204 = arith.cmpi ne, %convert_element_type3A_202, %cond3A_203 : i32
      scf.if %cond3A_204 {
        %add3A_205 = arith.constant 2 : i32
        %add3A_206 = arith.addi %mul3A_183, %add3A_205 : i32
        %rem3A = arith.constant 4 : i32
        %rem3A_207 = arith.remsi %add3A_206, %rem3A : i32
        %dma_wait3A_208 = arith.constant 0 : i32
        %dma_wait3A_209 = tpu.memref_slice %arg7[%rem3A_207, %dma_wait3A_208] : memref<4x80xi32, #tpu.memory_space<vmem>> -> memref<1x80xi32, #tpu.memory_space<vmem>>
        %dma_wait3A_210 = tpu.memref_squeeze %dma_wait3A_209 : memref<1x80xi32, #tpu.memory_space<vmem>> -> memref<80xi32, #tpu.memory_space<vmem>>
        %dma_wait3A_211 = arith.constant 0 : i32
        %dma_wait3A_212 = arith.constant 0 : i32
        %dma_wait3A_213 = tpu.memref_slice %arg2[%dma_wait3A_211, %dma_wait3A_212] : memref<10000x128xf32, #tpu.memory_space<hbm>> -> memref<10000x128xf32, #tpu.memory_space<hbm>>
        tpu.wait_indirect_dma semaphore(%arg14 : memref<!tpu.dma_semaphore, #tpu.memory_space<semaphore_mem>>) src(%dma_wait3A_213 : memref<10000x128xf32, #tpu.memory_space<hbm>>) dst(%arg11 : memref<80x128xf32, #tpu.memory_space<vmem>>)
        %ge3A = arith.constant 1 : i32
        %ge3A_214 = arith.cmpi sge, %add3A_206, %ge3A : i32
        %convert_element_type3A_215 = arith.extui %ge3A_214 : i1 to i32
        %cond3A_216 = arith.constant 0 : i32
        %cond3A_217 = arith.cmpi ne, %convert_element_type3A_215, %cond3A_216 : i32
        scf.if %cond3A_217 {
          %sub3A = arith.constant 1 : i32
          %sub3A_238 = arith.subi %add3A_206, %sub3A : i32
          %dma_wait3A_239 = arith.constant 0 : i32
          %dma_wait3A_240 = tpu.memref_slice %arg8[%sub3A_238, %dma_wait3A_239] : memref<125x80xi32, #tpu.memory_space<vmem>> -> memref<1x80xi32, #tpu.memory_space<vmem>>
          %dma_wait3A_241 = tpu.memref_squeeze %dma_wait3A_240 : memref<1x80xi32, #tpu.memory_space<vmem>> -> memref<80xi32, #tpu.memory_space<vmem>>
          %dma_wait3A_242 = arith.constant 0 : i32
          %dma_wait3A_243 = arith.constant 0 : i32
          %dma_wait3A_244 = tpu.memref_slice %arg6[%dma_wait3A_242, %dma_wait3A_243] : memref<10008x128xf32, #tpu.memory_space<vmem_shared>> -> memref<10008x128xf32, #tpu.memory_space<vmem_shared>>
          tpu.wait_indirect_dma semaphore(%arg16 : memref<!tpu.dma_semaphore, #tpu.memory_space<semaphore_mem>>) src(%arg10 : memref<80x128xf32, #tpu.memory_space<vmem>>) dst(%dma_wait3A_244 : memref<10008x128xf32, #tpu.memory_space<vmem_shared>>)
        } else {
        }
        %add3A_218 = arith.constant 2 : i32
        %add3A_219 = arith.addi %add3A_206, %add3A_218 : i32
        %lt3A_220 = arith.constant 125 : i32
        %lt3A_221 = arith.cmpi slt, %add3A_219, %lt3A_220 : i32
        %convert_element_type3A_222 = arith.extui %lt3A_221 : i1 to i32
        %cond3A_223 = arith.constant 0 : i32
        %cond3A_224 = arith.cmpi ne, %convert_element_type3A_222, %cond3A_223 : i32
        scf.if %cond3A_224 {
          %add3A_238 = arith.constant 2 : i32
          %add3A_239 = arith.addi %add3A_206, %add3A_238 : i32
          %add3A_240 = arith.constant 2 : i32
          %add3A_241 = arith.addi %add3A_206, %add3A_240 : i32
          %rem3A_242 = arith.constant 4 : i32
          %rem3A_243 = arith.remsi %add3A_241, %rem3A_242 : i32
          %mul3A_244 = arith.constant 80 : i32
          %mul3A_245 = arith.muli %add3A_239, %mul3A_244 : i32
          %add3A_246 = arith.addi %mul3A_2, %mul3A_245 : i32
          %multiple_of3A_247 = tpu.assume_multiple %add3A_246, 8 : i32
          %dma_wait3A_248 = arith.constant 0 : i32
          %dma_wait3A_249 = tpu.memref_slice %arg7[%rem3A_243, %dma_wait3A_248] : memref<4x80xi32, #tpu.memory_space<vmem>> -> memref<1x80xi32, #tpu.memory_space<vmem>>
          %dma_wait3A_250 = tpu.memref_squeeze %dma_wait3A_249 : memref<1x80xi32, #tpu.memory_space<vmem>> -> memref<80xi32, #tpu.memory_space<vmem>>
          %dma_wait3A_251 = tpu.memref_slice %arg3[%multiple_of3A_247] : memref<320000xi32, #tpu.memory_space<hbm>> -> memref<80xi32, #tpu.memory_space<hbm>>
          %dma_wait3A_252 = tpu.memref_slice %arg18[%rem3A_243] : memref<4x!tpu.dma_semaphore, #tpu.memory_space<semaphore_mem>> -> memref<1x!tpu.dma_semaphore, #tpu.memory_space<semaphore_mem>>
          %dma_wait3A_253 = tpu.memref_squeeze %dma_wait3A_252 : memref<1x!tpu.dma_semaphore, #tpu.memory_space<semaphore_mem>> -> memref<!tpu.dma_semaphore, #tpu.memory_space<semaphore_mem>>
          %dma_wait3A_254 = arith.constant 0 : i32
          %dma_wait3A_255 = tpu.memref_slice %arg7[%rem3A_243, %dma_wait3A_254] : memref<4x80xi32, #tpu.memory_space<vmem>> -> memref<1x80xi32, #tpu.memory_space<vmem>>
          %dma_wait3A_256 = tpu.memref_squeeze %dma_wait3A_255 : memref<1x80xi32, #tpu.memory_space<vmem>> -> memref<80xi32, #tpu.memory_space<vmem>>
          %dma_wait3A_257 = tpu.memref_slice %arg3[%multiple_of3A_247] : memref<320000xi32, #tpu.memory_space<hbm>> -> memref<80xi32, #tpu.memory_space<hbm>>
          tpu.wait_dma2 semaphore(%dma_wait3A_253 : memref<!tpu.dma_semaphore, #tpu.memory_space<semaphore_mem>>) src(%dma_wait3A_257 : memref<80xi32, #tpu.memory_space<hbm>>) dst(%dma_wait3A_256 : memref<80xi32, #tpu.memory_space<vmem>>)
          %add3A_258 = arith.constant 2 : i32
          %add3A_259 = arith.addi %add3A_206, %add3A_258 : i32
          %rem3A_260 = arith.constant 4 : i32
          %rem3A_261 = arith.remsi %add3A_259, %rem3A_260 : i32
          %dma_start3A_262 = arith.constant 0 : i32
          %dma_start3A_263 = tpu.memref_slice %arg7[%rem3A_261, %dma_start3A_262] : memref<4x80xi32, #tpu.memory_space<vmem>> -> memref<1x80xi32, #tpu.memory_space<vmem>>
          %dma_start3A_264 = tpu.memref_squeeze %dma_start3A_263 : memref<1x80xi32, #tpu.memory_space<vmem>> -> memref<80xi32, #tpu.memory_space<vmem>>
          %dma_start3A_265 = arith.constant 0 : i32
          %dma_start3A_266 = arith.constant 0 : i32
          %dma_start3A_267 = tpu.memref_slice %arg2[%dma_start3A_265, %dma_start3A_266] : memref<10000x128xf32, #tpu.memory_space<hbm>> -> memref<10000x128xf32, #tpu.memory_space<hbm>>
          tpu.enqueue_indirect_dma source(%dma_start3A_267 : memref<10000x128xf32, #tpu.memory_space<hbm>>) target(%arg10 : memref<80x128xf32, #tpu.memory_space<vmem>>) offsets(%dma_start3A_264 : memref<80xi32, #tpu.memory_space<vmem>>) semaphore(%arg13 : memref<!tpu.dma_semaphore, #tpu.memory_space<semaphore_mem>>)
        } else {
        }
        %dma_start3A_225 = arith.constant 0 : i32
        %dma_start3A_226 = tpu.memref_slice %arg8[%add3A_206, %dma_start3A_225] : memref<125x80xi32, #tpu.memory_space<vmem>> -> memref<1x80xi32, #tpu.memory_space<vmem>>
        %dma_start3A_227 = tpu.memref_squeeze %dma_start3A_226 : memref<1x80xi32, #tpu.memory_space<vmem>> -> memref<80xi32, #tpu.memory_space<vmem>>
        %dma_start3A_228 = arith.constant 0 : i32
        %dma_start3A_229 = arith.constant 0 : i32
        %dma_start3A_230 = tpu.memref_slice %arg6[%dma_start3A_228, %dma_start3A_229] : memref<10008x128xf32, #tpu.memory_space<vmem_shared>> -> memref<10008x128xf32, #tpu.memory_space<vmem_shared>>
        tpu.enqueue_indirect_dma source(%arg11 : memref<80x128xf32, #tpu.memory_space<vmem>>) target(%dma_start3A_230 : memref<10008x128xf32, #tpu.memory_space<vmem_shared>>) offsets(%dma_start3A_227 : memref<80xi32, #tpu.memory_space<vmem>>) semaphore(%arg17 : memref<!tpu.dma_semaphore, #tpu.memory_space<semaphore_mem>>) {add = true}
        %add3A_231 = arith.constant 4 : i32
        %add3A_232 = arith.addi %add3A_206, %add3A_231 : i32
        %lt3A_233 = arith.constant 125 : i32
        %lt3A_234 = arith.cmpi slt, %add3A_232, %lt3A_233 : i32
        %convert_element_type3A_235 = arith.extui %lt3A_234 : i1 to i32
        %cond3A_236 = arith.constant 0 : i32
        %cond3A_237 = arith.cmpi ne, %convert_element_type3A_235, %cond3A_236 : i32
        scf.if %cond3A_237 {
          %add3A_238 = arith.constant 4 : i32
          %add3A_239 = arith.addi %add3A_206, %add3A_238 : i32
          %rem3A_240 = arith.constant 4 : i32
          %rem3A_241 = arith.remsi %add3A_206, %rem3A_240 : i32
          %mul3A_242 = arith.constant 80 : i32
          %mul3A_243 = arith.muli %add3A_239, %mul3A_242 : i32
          %add3A_244 = arith.addi %mul3A_2, %mul3A_243 : i32
          %multiple_of3A_245 = tpu.assume_multiple %add3A_244, 8 : i32
          %dma_start3A_246 = arith.constant 0 : i32
          %dma_start3A_247 = tpu.memref_slice %arg7[%rem3A_241, %dma_start3A_246] : memref<4x80xi32, #tpu.memory_space<vmem>> -> memref<1x80xi32, #tpu.memory_space<vmem>>
          %dma_start3A_248 = tpu.memref_squeeze %dma_start3A_247 : memref<1x80xi32, #tpu.memory_space<vmem>> -> memref<80xi32, #tpu.memory_space<vmem>>
          %dma_start3A_249 = tpu.memref_slice %arg3[%multiple_of3A_245] : memref<320000xi32, #tpu.memory_space<hbm>> -> memref<80xi32, #tpu.memory_space<hbm>>
          %dma_start3A_250 = tpu.memref_slice %arg18[%rem3A_241] : memref<4x!tpu.dma_semaphore, #tpu.memory_space<semaphore_mem>> -> memref<1x!tpu.dma_semaphore, #tpu.memory_space<semaphore_mem>>
          %dma_start3A_251 = tpu.memref_squeeze %dma_start3A_250 : memref<1x!tpu.dma_semaphore, #tpu.memory_space<semaphore_mem>> -> memref<!tpu.dma_semaphore, #tpu.memory_space<semaphore_mem>>
          %dma_start3A_252 = arith.constant 0 : i32
          %dma_start3A_253 = tpu.memref_slice %arg7[%rem3A_241, %dma_start3A_252] : memref<4x80xi32, #tpu.memory_space<vmem>> -> memref<1x80xi32, #tpu.memory_space<vmem>>
          %dma_start3A_254 = tpu.memref_squeeze %dma_start3A_253 : memref<1x80xi32, #tpu.memory_space<vmem>> -> memref<80xi32, #tpu.memory_space<vmem>>
          %dma_start3A_255 = tpu.memref_slice %arg3[%multiple_of3A_245] : memref<320000xi32, #tpu.memory_space<hbm>> -> memref<80xi32, #tpu.memory_space<hbm>>
          tpu.enqueue_dma source(%dma_start3A_255 : memref<80xi32, #tpu.memory_space<hbm>>) target(%dma_start3A_254 : memref<80xi32, #tpu.memory_space<vmem>>) target_semaphore(%dma_start3A_251 : memref<!tpu.dma_semaphore, #tpu.memory_space<semaphore_mem>>)
        } else {
        }
      } else {
      }
    }
    %scan3A_163 = arith.constant 42 : i32
    %dma_wait3A_164 = arith.constant 124 : i32
    %dma_wait3A_165 = arith.constant 0 : i32
    %dma_wait3A_166 = tpu.memref_slice %arg8[%dma_wait3A_164, %dma_wait3A_165] : memref<125x80xi32, #tpu.memory_space<vmem>> -> memref<1x80xi32, #tpu.memory_space<vmem>>
    %dma_wait3A_167 = tpu.memref_squeeze %dma_wait3A_166 : memref<1x80xi32, #tpu.memory_space<vmem>> -> memref<80xi32, #tpu.memory_space<vmem>>
    %dma_wait3A_168 = arith.constant 0 : i32
    %dma_wait3A_169 = arith.constant 0 : i32
    %dma_wait3A_170 = tpu.memref_slice %arg6[%dma_wait3A_168, %dma_wait3A_169] : memref<10008x128xf32, #tpu.memory_space<vmem_shared>> -> memref<10008x128xf32, #tpu.memory_space<vmem_shared>>
    tpu.wait_indirect_dma semaphore(%arg16 : memref<!tpu.dma_semaphore, #tpu.memory_space<semaphore_mem>>) src(%arg10 : memref<80x128xf32, #tpu.memory_space<vmem>>) dst(%dma_wait3A_170 : memref<10008x128xf32, #tpu.memory_space<vmem_shared>>)
    %barrier3A_171 = arith.constant 0 : index
    tpu.barrier barrier_id(%barrier3A_171)
    %lt3A_172 = arith.constant 15 : i32
    %lt3A_173 = arith.cmpi slt, %arg1, %lt3A_172 : i32
    %convert_element_type3A_174 = arith.extui %lt3A_173 : i1 to i32
    %cond3A_175 = arith.constant 0 : i32
    %cond3A_176 = arith.cmpi ne, %convert_element_type3A_174, %cond3A_175 : i32
    scf.if %cond3A_176 {
      %mul3A_181 = arith.constant 640 : i32
      %mul3A_182 = arith.muli %arg1, %mul3A_181 : i32
      %mul3A_183 = arith.constant 640 : i32
      %mul3A_184 = arith.muli %arg1, %mul3A_183 : i32
      "tpu.region"() ({
        %run_scoped3A = tpu.sem_alloc : memref<!tpu.dma_semaphore, #tpu.memory_space<semaphore_mem>>
        %dma_start3A_185 = arith.constant 0 : i32
        %dma_start3A_186 = tpu.memref_slice %arg5[%arg0, %mul3A_184, %dma_start3A_185] : memref<2x10000x128xf32, #tpu.memory_space<hbm>> -> memref<1x640x128xf32, #tpu.memory_space<hbm>>
        %dma_start3A_187 = tpu.memref_squeeze %dma_start3A_186 : memref<1x640x128xf32, #tpu.memory_space<hbm>> -> memref<640x128xf32, #tpu.memory_space<hbm>>
        %dma_start3A_188 = arith.constant 0 : i32
        %dma_start3A_189 = tpu.memref_slice %arg6[%mul3A_182, %dma_start3A_188] : memref<10008x128xf32, #tpu.memory_space<vmem_shared>> -> memref<640x128xf32, #tpu.memory_space<vmem_shared>>
        tpu.enqueue_dma source(%dma_start3A_189 : memref<640x128xf32, #tpu.memory_space<vmem_shared>>) target(%dma_start3A_187 : memref<640x128xf32, #tpu.memory_space<hbm>>) target_semaphore(%run_scoped3A : memref<!tpu.dma_semaphore, #tpu.memory_space<semaphore_mem>>)
        %dma_wait3A_190 = arith.constant 0 : i32
        %dma_wait3A_191 = tpu.memref_slice %arg5[%arg0, %mul3A_184, %dma_wait3A_190] : memref<2x10000x128xf32, #tpu.memory_space<hbm>> -> memref<1x640x128xf32, #tpu.memory_space<hbm>>
        %dma_wait3A_192 = tpu.memref_squeeze %dma_wait3A_191 : memref<1x640x128xf32, #tpu.memory_space<hbm>> -> memref<640x128xf32, #tpu.memory_space<hbm>>
        %dma_wait3A_193 = arith.constant 0 : i32
        %dma_wait3A_194 = tpu.memref_slice %arg6[%mul3A_182, %dma_wait3A_193] : memref<10008x128xf32, #tpu.memory_space<vmem_shared>> -> memref<640x128xf32, #tpu.memory_space<vmem_shared>>
        tpu.wait_dma2 semaphore(%run_scoped3A : memref<!tpu.dma_semaphore, #tpu.memory_space<semaphore_mem>>) src(%dma_wait3A_194 : memref<640x128xf32, #tpu.memory_space<vmem_shared>>) dst(%dma_wait3A_192 : memref<640x128xf32, #tpu.memory_space<hbm>>)
        tpu.yield
      }) : () -> ()
    } else {
    }
    %eq3A = arith.constant 15 : i32
    %eq3A_177 = arith.cmpi eq, %arg1, %eq3A : i32
    %convert_element_type3A_178 = arith.extui %eq3A_177 : i1 to i32
    %cond3A_179 = arith.constant 0 : i32
    %cond3A_180 = arith.cmpi ne, %convert_element_type3A_178, %cond3A_179 : i32
    scf.if %cond3A_180 {
      %mul3A_181 = arith.constant 640 : i32
      %mul3A_182 = arith.muli %arg1, %mul3A_181 : i32
      %mul3A_183 = arith.constant 640 : i32
      %mul3A_184 = arith.muli %arg1, %mul3A_183 : i32
      "tpu.region"() ({
        %run_scoped3A = tpu.sem_alloc : memref<!tpu.dma_semaphore, #tpu.memory_space<semaphore_mem>>
        %dma_start3A_185 = arith.constant 0 : i32
        %dma_start3A_186 = tpu.memref_slice %arg5[%arg0, %mul3A_184, %dma_start3A_185] : memref<2x10000x128xf32, #tpu.memory_space<hbm>> -> memref<1x400x128xf32, #tpu.memory_space<hbm>>
        %dma_start3A_187 = tpu.memref_squeeze %dma_start3A_186 : memref<1x400x128xf32, #tpu.memory_space<hbm>> -> memref<400x128xf32, #tpu.memory_space<hbm>>
        %dma_start3A_188 = arith.constant 0 : i32
        %dma_start3A_189 = tpu.memref_slice %arg6[%mul3A_182, %dma_start3A_188] : memref<10008x128xf32, #tpu.memory_space<vmem_shared>> -> memref<400x128xf32, #tpu.memory_space<vmem_shared>>
        tpu.enqueue_dma source(%dma_start3A_189 : memref<400x128xf32, #tpu.memory_space<vmem_shared>>) target(%dma_start3A_187 : memref<400x128xf32, #tpu.memory_space<hbm>>) target_semaphore(%run_scoped3A : memref<!tpu.dma_semaphore, #tpu.memory_space<semaphore_mem>>)
        %dma_wait3A_190 = arith.constant 0 : i32
        %dma_wait3A_191 = tpu.memref_slice %arg5[%arg0, %mul3A_184, %dma_wait3A_190] : memref<2x10000x128xf32, #tpu.memory_space<hbm>> -> memref<1x400x128xf32, #tpu.memory_space<hbm>>
        %dma_wait3A_192 = tpu.memref_squeeze %dma_wait3A_191 : memref<1x400x128xf32, #tpu.memory_space<hbm>> -> memref<400x128xf32, #tpu.memory_space<hbm>>
        %dma_wait3A_193 = arith.constant 0 : i32
        %dma_wait3A_194 = tpu.memref_slice %arg6[%mul3A_182, %dma_wait3A_193] : memref<10008x128xf32, #tpu.memory_space<vmem_shared>> -> memref<400x128xf32, #tpu.memory_space<vmem_shared>>
        tpu.wait_dma2 semaphore(%run_scoped3A : memref<!tpu.dma_semaphore, #tpu.memory_space<semaphore_mem>>) src(%dma_wait3A_194 : memref<400x128xf32, #tpu.memory_space<vmem_shared>>) dst(%dma_wait3A_192 : memref<400x128xf32, #tpu.memory_space<hbm>>)
        tpu.yield
      }) : () -> ()
    } else {
    }
    return
  }
}

module attributes {stable_mosaic.version = 14 : i64} {
  func.func @body(%arg0: i32, %arg1: memref<2000x128xf32, #tpu.memory_space<vmem>>, %arg2: memref<128x128xf32, #tpu.memory_space<vmem>>, %arg3: memref<128x128xf32, #tpu.memory_space<vmem>>, %arg4: memref<1x128xf32, #tpu.memory_space<vmem>>, %arg5: memref<2000x128xf32, #tpu.memory_space<vmem>>, %arg6: memref<2000x128xf32, #tpu.memory_space<vmem>>) attributes {dimension_semantics = [#tpu.dimension_semantics<arbitrary>], iteration_bounds = array<i64: 5>, scalar_prefetch = 0 : i64, scratch_operands = 0 : i64, tpu.core_type = #tpu.core_type<tc>, window_params = [{transform_indices = @transform_0, window_bounds = array<i64: 2000, 128>}, {pipeline_mode = #tpu.pipeline_mode<synchronous>, transform_indices = @transform_1, window_bounds = array<i64: 128, 128>}, {pipeline_mode = #tpu.pipeline_mode<synchronous>, transform_indices = @transform_2, window_bounds = array<i64: 128, 128>}, {pipeline_mode = #tpu.pipeline_mode<synchronous>, transform_indices = @transform_3, window_bounds = array<i64: 1, 128>}, {transform_indices = @transform_4, window_bounds = array<i64: 2000, 128>}, {transform_indices = @transform_5, window_bounds = array<i64: 2000, 128>}]} {
    %get3A = arith.constant 0 : index
    %get3A_0 = arith.constant 0 : index
    %get3A_1 = vector.load %arg1[%get3A, %get3A_0] : memref<2000x128xf32, #tpu.memory_space<vmem>>, vector<2000x128xf32>
    %get3A_2 = arith.constant 0 : index
    %get3A_3 = arith.constant 0 : index
    %get3A_4 = vector.load %arg2[%get3A_2, %get3A_3] : memref<128x128xf32, #tpu.memory_space<vmem>>, vector<128x128xf32>
    %dot_general3A = arith.constant dense<0.000000e+00> : vector<2000x128xf32>
    %dot_general3A_5 = tpu.matmul %get3A_1, %get3A_4, %dot_general3A {dimension_numbers = #tpu.dot_dimension_numbers<[1], [0], [0], [1], [0, 0, 1, 1], [], []>, transpose_lhs_hint = false} : vector<2000x128xf32>, vector<128x128xf32>, vector<2000x128xf32> -> vector<2000x128xf32>
    %swap3A = arith.constant 0 : index
    %swap3A_6 = arith.constant 0 : index
    %swap3A_7 = vector.load %arg5[%swap3A, %swap3A_6] : memref<2000x128xf32, #tpu.memory_space<vmem>>, vector<2000x128xf32>
    tpu.vector_store %arg5[%swap3A, %swap3A_6], %dot_general3A_5 {strides = array<i32>} : memref<2000x128xf32, #tpu.memory_space<vmem>>, vector<2000x128xf32>,
    %get3A_8 = arith.constant 0 : index
    %get3A_9 = arith.constant 0 : index
    %get3A_10 = vector.load %arg3[%get3A_8, %get3A_9] : memref<128x128xf32, #tpu.memory_space<vmem>>, vector<128x128xf32>
    %dot_general3A_11 = arith.constant dense<0.000000e+00> : vector<2000x128xf32>
    %dot_general3A_12 = tpu.matmul %get3A_1, %get3A_10, %dot_general3A_11 {dimension_numbers = #tpu.dot_dimension_numbers<[1], [0], [0], [1], [0, 0, 1, 1], [], []>, transpose_lhs_hint = false} : vector<2000x128xf32>, vector<128x128xf32>, vector<2000x128xf32> -> vector<2000x128xf32>
    %get3A_13 = arith.constant 0 : index
    %get3A_14 = arith.constant 0 : index
    %get3A_15 = vector.load %arg4[%get3A_13, %get3A_14] : memref<1x128xf32, #tpu.memory_space<vmem>>, vector<1x128xf32>
    %add3A = vector.broadcast %get3A_15 : vector<1x128xf32> to vector<2000x128xf32>
    %add3A_16 = arith.addf %dot_general3A_12, %add3A : vector<2000x128xf32>
    %swap3A_17 = arith.constant 0 : index
    %swap3A_18 = arith.constant 0 : index
    %swap3A_19 = vector.load %arg6[%swap3A_17, %swap3A_18] : memref<2000x128xf32, #tpu.memory_space<vmem>>, vector<2000x128xf32>
    tpu.vector_store %arg6[%swap3A_17, %swap3A_18], %add3A_16 {strides = array<i32>} : memref<2000x128xf32, #tpu.memory_space<vmem>>, vector<2000x128xf32>,
    return
  }
  func.func @transform_0(%arg0: i32) -> (i32, i32) {
    %c0_i32 = arith.constant 0 : i32
    %c0_i32_0 = arith.constant 0 : i32
    return %arg0, %c0_i32 : i32, i32
  }
  func.func @transform_1(%arg0: i32) -> (i32, i32) {
    %c0_i32 = arith.constant 0 : i32
    %c0_i32_0 = arith.constant 0 : i32
    %c0_i32_1 = arith.constant 0 : i32
    return %c0_i32, %c0_i32_0 : i32, i32
  }
  func.func @transform_2(%arg0: i32) -> (i32, i32) {
    %c0_i32 = arith.constant 0 : i32
    %c0_i32_0 = arith.constant 0 : i32
    %c0_i32_1 = arith.constant 0 : i32
    return %c0_i32, %c0_i32_0 : i32, i32
  }
  func.func @transform_3(%arg0: i32) -> (i32, i32) {
    %c0_i32 = arith.constant 0 : i32
    %c0_i32_0 = arith.constant 0 : i32
    %c0_i32_1 = arith.constant 0 : i32
    return %c0_i32, %c0_i32_0 : i32, i32
  }
  func.func @transform_4(%arg0: i32) -> (i32, i32) {
    %c0_i32 = arith.constant 0 : i32
    %c0_i32_0 = arith.constant 0 : i32
    return %arg0, %c0_i32 : i32, i32
  }
  func.func @transform_5(%arg0: i32) -> (i32, i32) {
    %c0_i32 = arith.constant 0 : i32
    %c0_i32_0 = arith.constant 0 : i32
    return %arg0, %c0_i32 : i32, i32
  }
}

module attributes {stable_mosaic.version = 14 : i64} {
  func.func @body(%arg0: i32, %arg1: memref<2000x128xf32, #tpu.memory_space<vmem>>, %arg2: memref<2000x128xf32, #tpu.memory_space<vmem>>, %arg3: memref<2000x128xf32, #tpu.memory_space<vmem>>, %arg4: memref<2000x1xf32, #tpu.memory_space<vmem>>, %arg5: memref<2000x1xf32, #tpu.memory_space<vmem>>, %arg6: memref<128x128xf32, #tpu.memory_space<vmem>>, %arg7: memref<128x128xf32, #tpu.memory_space<vmem>>, %arg8: memref<1x128xf32, #tpu.memory_space<vmem>>, %arg9: memref<2000x128xf32, #tpu.memory_space<vmem>>, %arg10: memref<2000x128xf32, #tpu.memory_space<vmem>>) attributes {dimension_semantics = [#tpu.dimension_semantics<arbitrary>], iteration_bounds = array<i64: 5>, scalar_prefetch = 0 : i64, scratch_operands = 0 : i64, tpu.core_type = #tpu.core_type<tc>, window_params = [{transform_indices = @transform_0, window_bounds = array<i64: 2000, 128>}, {transform_indices = @transform_1, window_bounds = array<i64: 2000, 128>}, {transform_indices = @transform_2, window_bounds = array<i64: 2000, 128>}, {transform_indices = @transform_3, window_bounds = array<i64: 2000, 1>}, {transform_indices = @transform_4, window_bounds = array<i64: 2000, 1>}, {pipeline_mode = #tpu.pipeline_mode<synchronous>, transform_indices = @transform_5, window_bounds = array<i64: 128, 128>}, {pipeline_mode = #tpu.pipeline_mode<synchronous>, transform_indices = @transform_6, window_bounds = array<i64: 128, 128>}, {pipeline_mode = #tpu.pipeline_mode<synchronous>, transform_indices = @transform_7, window_bounds = array<i64: 1, 128>}, {transform_indices = @transform_8, window_bounds = array<i64: 2000, 128>}, {transform_indices = @transform_9, window_bounds = array<i64: 2000, 128>}]} {
    %get3A = arith.constant 0 : index
    %get3A_0 = arith.constant 0 : index
    %get3A_1 = vector.load %arg4[%get3A, %get3A_0] : memref<2000x1xf32, #tpu.memory_space<vmem>>, vector<2000x1xf32>
    %get3A_2 = arith.constant 0 : index
    %get3A_3 = arith.constant 0 : index
    %get3A_4 = vector.load %arg5[%get3A_2, %get3A_3] : memref<2000x1xf32, #tpu.memory_space<vmem>>, vector<2000x1xf32>
    %add3A = arith.addf %get3A_1, %get3A_4 : vector<2000x1xf32>
    %max3A = arith.constant 1.000000e+00 : f32
    %max3A_5 = vector.broadcast %max3A : f32 to vector<2000x1xf32>
    %max3A_6 = arith.maximumf %add3A, %max3A_5 : vector<2000x1xf32>
    %get3A_7 = arith.constant 0 : index
    %get3A_8 = arith.constant 0 : index
    %get3A_9 = vector.load %arg1[%get3A_7, %get3A_8] : memref<2000x128xf32, #tpu.memory_space<vmem>>, vector<2000x128xf32>
    %get3A_10 = arith.constant 0 : index
    %get3A_11 = arith.constant 0 : index
    %get3A_12 = vector.load %arg2[%get3A_10, %get3A_11] : memref<2000x128xf32, #tpu.memory_space<vmem>>, vector<2000x128xf32>
    %add3A_13 = arith.addf %get3A_9, %get3A_12 : vector<2000x128xf32>
    %div3A = vector.broadcast %max3A_6 : vector<2000x1xf32> to vector<2000x128xf32>
    %div3A_14 = arith.divf %add3A_13, %div3A : vector<2000x128xf32>
    %get3A_15 = arith.constant 0 : index
    %get3A_16 = arith.constant 0 : index
    %get3A_17 = vector.load %arg3[%get3A_15, %get3A_16] : memref<2000x128xf32, #tpu.memory_space<vmem>>, vector<2000x128xf32>
    %add3A_18 = arith.addf %div3A_14, %get3A_17 : vector<2000x128xf32>
    %max3A_19 = arith.constant 0.000000e+00 : f32
    %max3A_20 = vector.broadcast %max3A_19 : f32 to vector<2000x128xf32>
    %max3A_21 = arith.maximumf %add3A_18, %max3A_20 : vector<2000x128xf32>
    %get3A_22 = arith.constant 0 : index
    %get3A_23 = arith.constant 0 : index
    %get3A_24 = vector.load %arg6[%get3A_22, %get3A_23] : memref<128x128xf32, #tpu.memory_space<vmem>>, vector<128x128xf32>
    %dot_general3A = arith.constant dense<0.000000e+00> : vector<2000x128xf32>
    %dot_general3A_25 = tpu.matmul %max3A_21, %get3A_24, %dot_general3A {dimension_numbers = #tpu.dot_dimension_numbers<[1], [0], [0], [1], [0, 0, 1, 1], [], []>, transpose_lhs_hint = false} : vector<2000x128xf32>, vector<128x128xf32>, vector<2000x128xf32> -> vector<2000x128xf32>
    %swap3A = arith.constant 0 : index
    %swap3A_26 = arith.constant 0 : index
    %swap3A_27 = vector.load %arg9[%swap3A, %swap3A_26] : memref<2000x128xf32, #tpu.memory_space<vmem>>, vector<2000x128xf32>
    tpu.vector_store %arg9[%swap3A, %swap3A_26], %dot_general3A_25 {strides = array<i32>} : memref<2000x128xf32, #tpu.memory_space<vmem>>, vector<2000x128xf32>,
    %get3A_28 = arith.constant 0 : index
    %get3A_29 = arith.constant 0 : index
    %get3A_30 = vector.load %arg7[%get3A_28, %get3A_29] : memref<128x128xf32, #tpu.memory_space<vmem>>, vector<128x128xf32>
    %dot_general3A_31 = arith.constant dense<0.000000e+00> : vector<2000x128xf32>
    %dot_general3A_32 = tpu.matmul %max3A_21, %get3A_30, %dot_general3A_31 {dimension_numbers = #tpu.dot_dimension_numbers<[1], [0], [0], [1], [0, 0, 1, 1], [], []>, transpose_lhs_hint = false} : vector<2000x128xf32>, vector<128x128xf32>, vector<2000x128xf32> -> vector<2000x128xf32>
    %get3A_33 = arith.constant 0 : index
    %get3A_34 = arith.constant 0 : index
    %get3A_35 = vector.load %arg8[%get3A_33, %get3A_34] : memref<1x128xf32, #tpu.memory_space<vmem>>, vector<1x128xf32>
    %add3A_36 = vector.broadcast %get3A_35 : vector<1x128xf32> to vector<2000x128xf32>
    %add3A_37 = arith.addf %dot_general3A_32, %add3A_36 : vector<2000x128xf32>
    %swap3A_38 = arith.constant 0 : index
    %swap3A_39 = arith.constant 0 : index
    %swap3A_40 = vector.load %arg10[%swap3A_38, %swap3A_39] : memref<2000x128xf32, #tpu.memory_space<vmem>>, vector<2000x128xf32>
    tpu.vector_store %arg10[%swap3A_38, %swap3A_39], %add3A_37 {strides = array<i32>} : memref<2000x128xf32, #tpu.memory_space<vmem>>, vector<2000x128xf32>,
    return
  }
  func.func @transform_0(%arg0: i32) -> (i32, i32) {
    %c0_i32 = arith.constant 0 : i32
    %c0_i32_0 = arith.constant 0 : i32
    return %arg0, %c0_i32 : i32, i32
  }
  func.func @transform_1(%arg0: i32) -> (i32, i32) {
    %c0_i32 = arith.constant 0 : i32
    %c0_i32_0 = arith.constant 0 : i32
    return %arg0, %c0_i32 : i32, i32
  }
  func.func @transform_2(%arg0: i32) -> (i32, i32) {
    %c0_i32 = arith.constant 0 : i32
    %c0_i32_0 = arith.constant 0 : i32
    return %arg0, %c0_i32 : i32, i32
  }
  func.func @transform_3(%arg0: i32) -> (i32, i32) {
    %c0_i32 = arith.constant 0 : i32
    %c0_i32_0 = arith.constant 0 : i32
    return %arg0, %c0_i32 : i32, i32
  }
  func.func @transform_4(%arg0: i32) -> (i32, i32) {
    %c0_i32 = arith.constant 0 : i32
    %c0_i32_0 = arith.constant 0 : i32
    return %arg0, %c0_i32 : i32, i32
  }
  func.func @transform_5(%arg0: i32) -> (i32, i32) {
    %c0_i32 = arith.constant 0 : i32
    %c0_i32_0 = arith.constant 0 : i32
    %c0_i32_1 = arith.constant 0 : i32
    return %c0_i32, %c0_i32_0 : i32, i32
  }
  func.func @transform_6(%arg0: i32) -> (i32, i32) {
    %c0_i32 = arith.constant 0 : i32
    %c0_i32_0 = arith.constant 0 : i32
    %c0_i32_1 = arith.constant 0 : i32
    return %c0_i32, %c0_i32_0 : i32, i32
  }
  func.func @transform_7(%arg0: i32) -> (i32, i32) {
    %c0_i32 = arith.constant 0 : i32
    %c0_i32_0 = arith.constant 0 : i32
    %c0_i32_1 = arith.constant 0 : i32
    return %c0_i32, %c0_i32_0 : i32, i32
  }
  func.func @transform_8(%arg0: i32) -> (i32, i32) {
    %c0_i32 = arith.constant 0 : i32
    %c0_i32_0 = arith.constant 0 : i32
    return %arg0, %c0_i32 : i32, i32
  }
  func.func @transform_9(%arg0: i32) -> (i32, i32) {
    %c0_i32 = arith.constant 0 : i32
    %c0_i32_0 = arith.constant 0 : i32
    return %arg0, %c0_i32 : i32, i32
  }
}

module attributes {stable_mosaic.version = 14 : i64} {
  func.func @body(%arg0: i32, %arg1: memref<2000x128xf32, #tpu.memory_space<vmem>>, %arg2: memref<2000x128xf32, #tpu.memory_space<vmem>>, %arg3: memref<2000x128xf32, #tpu.memory_space<vmem>>, %arg4: memref<2000x1xf32, #tpu.memory_space<vmem>>, %arg5: memref<2000x1xf32, #tpu.memory_space<vmem>>, %arg6: memref<128x64xf32, #tpu.memory_space<vmem>>, %arg7: memref<128x64xf32, #tpu.memory_space<vmem>>, %arg8: memref<1x64xf32, #tpu.memory_space<vmem>>, %arg9: memref<2000x128xf32, #tpu.memory_space<vmem>>, %arg10: memref<2000x64xf32, #tpu.memory_space<vmem>>) attributes {dimension_semantics = [#tpu.dimension_semantics<arbitrary>], iteration_bounds = array<i64: 5>, scalar_prefetch = 0 : i64, scratch_operands = 0 : i64, tpu.core_type = #tpu.core_type<tc>, window_params = [{transform_indices = @transform_0, window_bounds = array<i64: 2000, 128>}, {transform_indices = @transform_1, window_bounds = array<i64: 2000, 128>}, {transform_indices = @transform_2, window_bounds = array<i64: 2000, 128>}, {transform_indices = @transform_3, window_bounds = array<i64: 2000, 1>}, {transform_indices = @transform_4, window_bounds = array<i64: 2000, 1>}, {pipeline_mode = #tpu.pipeline_mode<synchronous>, transform_indices = @transform_5, window_bounds = array<i64: 128, 64>}, {pipeline_mode = #tpu.pipeline_mode<synchronous>, transform_indices = @transform_6, window_bounds = array<i64: 128, 64>}, {pipeline_mode = #tpu.pipeline_mode<synchronous>, transform_indices = @transform_7, window_bounds = array<i64: 1, 64>}, {transform_indices = @transform_8, window_bounds = array<i64: 2000, 128>}, {transform_indices = @transform_9, window_bounds = array<i64: 2000, 64>}]} {
    %get3A = arith.constant 0 : index
    %get3A_0 = arith.constant 0 : index
    %get3A_1 = vector.load %arg4[%get3A, %get3A_0] : memref<2000x1xf32, #tpu.memory_space<vmem>>, vector<2000x1xf32>
    %get3A_2 = arith.constant 0 : index
    %get3A_3 = arith.constant 0 : index
    %get3A_4 = vector.load %arg5[%get3A_2, %get3A_3] : memref<2000x1xf32, #tpu.memory_space<vmem>>, vector<2000x1xf32>
    %add3A = arith.addf %get3A_1, %get3A_4 : vector<2000x1xf32>
    %max3A = arith.constant 1.000000e+00 : f32
    %max3A_5 = vector.broadcast %max3A : f32 to vector<2000x1xf32>
    %max3A_6 = arith.maximumf %add3A, %max3A_5 : vector<2000x1xf32>
    %get3A_7 = arith.constant 0 : index
    %get3A_8 = arith.constant 0 : index
    %get3A_9 = vector.load %arg1[%get3A_7, %get3A_8] : memref<2000x128xf32, #tpu.memory_space<vmem>>, vector<2000x128xf32>
    %get3A_10 = arith.constant 0 : index
    %get3A_11 = arith.constant 0 : index
    %get3A_12 = vector.load %arg2[%get3A_10, %get3A_11] : memref<2000x128xf32, #tpu.memory_space<vmem>>, vector<2000x128xf32>
    %add3A_13 = arith.addf %get3A_9, %get3A_12 : vector<2000x128xf32>
    %div3A = vector.broadcast %max3A_6 : vector<2000x1xf32> to vector<2000x128xf32>
    %div3A_14 = arith.divf %add3A_13, %div3A : vector<2000x128xf32>
    %get3A_15 = arith.constant 0 : index
    %get3A_16 = arith.constant 0 : index
    %get3A_17 = vector.load %arg3[%get3A_15, %get3A_16] : memref<2000x128xf32, #tpu.memory_space<vmem>>, vector<2000x128xf32>
    %add3A_18 = arith.addf %div3A_14, %get3A_17 : vector<2000x128xf32>
    %max3A_19 = arith.constant 0.000000e+00 : f32
    %max3A_20 = vector.broadcast %max3A_19 : f32 to vector<2000x128xf32>
    %max3A_21 = arith.maximumf %add3A_18, %max3A_20 : vector<2000x128xf32>
    %swap3A = arith.constant 0 : index
    %swap3A_22 = arith.constant 0 : index
    %swap3A_23 = vector.load %arg9[%swap3A, %swap3A_22] : memref<2000x128xf32, #tpu.memory_space<vmem>>, vector<2000x128xf32>
    tpu.vector_store %arg9[%swap3A, %swap3A_22], %max3A_21 {strides = array<i32>} : memref<2000x128xf32, #tpu.memory_space<vmem>>, vector<2000x128xf32>,
    %get3A_24 = arith.constant 0 : index
    %get3A_25 = arith.constant 0 : index
    %get3A_26 = vector.load %arg7[%get3A_24, %get3A_25] : memref<128x64xf32, #tpu.memory_space<vmem>>, vector<128x64xf32>
    %dot_general3A = arith.constant dense<0.000000e+00> : vector<2000x64xf32>
    %dot_general3A_27 = tpu.matmul %max3A_21, %get3A_26, %dot_general3A {dimension_numbers = #tpu.dot_dimension_numbers<[1], [0], [0], [1], [0, 0, 1, 1], [], []>, transpose_lhs_hint = false} : vector<2000x128xf32>, vector<128x64xf32>, vector<2000x64xf32> -> vector<2000x64xf32>
    %get3A_28 = arith.constant 0 : index
    %get3A_29 = arith.constant 0 : index
    %get3A_30 = vector.load %arg8[%get3A_28, %get3A_29] : memref<1x64xf32, #tpu.memory_space<vmem>>, vector<1x64xf32>
    %add3A_31 = vector.broadcast %get3A_30 : vector<1x64xf32> to vector<2000x64xf32>
    %add3A_32 = arith.addf %dot_general3A_27, %add3A_31 : vector<2000x64xf32>
    %swap3A_33 = arith.constant 0 : index
    %swap3A_34 = arith.constant 0 : index
    %swap3A_35 = vector.load %arg10[%swap3A_33, %swap3A_34] : memref<2000x64xf32, #tpu.memory_space<vmem>>, vector<2000x64xf32>
    tpu.vector_store %arg10[%swap3A_33, %swap3A_34], %add3A_32 {strides = array<i32>} : memref<2000x64xf32, #tpu.memory_space<vmem>>, vector<2000x64xf32>,
    return
  }
  func.func @transform_0(%arg0: i32) -> (i32, i32) {
    %c0_i32 = arith.constant 0 : i32
    %c0_i32_0 = arith.constant 0 : i32
    return %arg0, %c0_i32 : i32, i32
  }
  func.func @transform_1(%arg0: i32) -> (i32, i32) {
    %c0_i32 = arith.constant 0 : i32
    %c0_i32_0 = arith.constant 0 : i32
    return %arg0, %c0_i32 : i32, i32
  }
  func.func @transform_2(%arg0: i32) -> (i32, i32) {
    %c0_i32 = arith.constant 0 : i32
    %c0_i32_0 = arith.constant 0 : i32
    return %arg0, %c0_i32 : i32, i32
  }
  func.func @transform_3(%arg0: i32) -> (i32, i32) {
    %c0_i32 = arith.constant 0 : i32
    %c0_i32_0 = arith.constant 0 : i32
    return %arg0, %c0_i32 : i32, i32
  }
  func.func @transform_4(%arg0: i32) -> (i32, i32) {
    %c0_i32 = arith.constant 0 : i32
    %c0_i32_0 = arith.constant 0 : i32
    return %arg0, %c0_i32 : i32, i32
  }
  func.func @transform_5(%arg0: i32) -> (i32, i32) {
    %c0_i32 = arith.constant 0 : i32
    %c0_i32_0 = arith.constant 0 : i32
    %c0_i32_1 = arith.constant 0 : i32
    return %c0_i32, %c0_i32_0 : i32, i32
  }
  func.func @transform_6(%arg0: i32) -> (i32, i32) {
    %c0_i32 = arith.constant 0 : i32
    %c0_i32_0 = arith.constant 0 : i32
    %c0_i32_1 = arith.constant 0 : i32
    return %c0_i32, %c0_i32_0 : i32, i32
  }
  func.func @transform_7(%arg0: i32) -> (i32, i32) {
    %c0_i32 = arith.constant 0 : i32
    %c0_i32_0 = arith.constant 0 : i32
    %c0_i32_1 = arith.constant 0 : i32
    return %c0_i32, %c0_i32_0 : i32, i32
  }
  func.func @transform_8(%arg0: i32) -> (i32, i32) {
    %c0_i32 = arith.constant 0 : i32
    %c0_i32_0 = arith.constant 0 : i32
    return %arg0, %c0_i32 : i32, i32
  }
  func.func @transform_9(%arg0: i32) -> (i32, i32) {
    %c0_i32 = arith.constant 0 : i32
    %c0_i32_0 = arith.constant 0 : i32
    return %arg0, %c0_i32 : i32, i32
  }
}

module attributes {stable_mosaic.version = 14 : i64} {
  func.func @body(%arg0: i32, %arg1: memref<2000x128xf32, #tpu.memory_space<vmem>>, %arg2: memref<2000x128xf32, #tpu.memory_space<vmem>>, %arg3: memref<2000x64xf32, #tpu.memory_space<vmem>>, %arg4: memref<2000x1xf32, #tpu.memory_space<vmem>>, %arg5: memref<2000x1xf32, #tpu.memory_space<vmem>>, %arg6: memref<128x64xf32, #tpu.memory_space<vmem>>, %arg7: memref<2000x64xf32, #tpu.memory_space<vmem>>) attributes {dimension_semantics = [#tpu.dimension_semantics<arbitrary>], iteration_bounds = array<i64: 5>, scalar_prefetch = 0 : i64, scratch_operands = 0 : i64, tpu.core_type = #tpu.core_type<tc>, window_params = [{transform_indices = @transform_0, window_bounds = array<i64: 2000, 128>}, {transform_indices = @transform_1, window_bounds = array<i64: 2000, 128>}, {transform_indices = @transform_2, window_bounds = array<i64: 2000, 64>}, {transform_indices = @transform_3, window_bounds = array<i64: 2000, 1>}, {transform_indices = @transform_4, window_bounds = array<i64: 2000, 1>}, {pipeline_mode = #tpu.pipeline_mode<synchronous>, transform_indices = @transform_5, window_bounds = array<i64: 128, 64>}, {transform_indices = @transform_6, window_bounds = array<i64: 2000, 64>}]} {
    %get3A = arith.constant 0 : index
    %get3A_0 = arith.constant 0 : index
    %get3A_1 = vector.load %arg4[%get3A, %get3A_0] : memref<2000x1xf32, #tpu.memory_space<vmem>>, vector<2000x1xf32>
    %get3A_2 = arith.constant 0 : index
    %get3A_3 = arith.constant 0 : index
    %get3A_4 = vector.load %arg5[%get3A_2, %get3A_3] : memref<2000x1xf32, #tpu.memory_space<vmem>>, vector<2000x1xf32>
    %add3A = arith.addf %get3A_1, %get3A_4 : vector<2000x1xf32>
    %max3A = arith.constant 1.000000e+00 : f32
    %max3A_5 = vector.broadcast %max3A : f32 to vector<2000x1xf32>
    %max3A_6 = arith.maximumf %add3A, %max3A_5 : vector<2000x1xf32>
    %get3A_7 = arith.constant 0 : index
    %get3A_8 = arith.constant 0 : index
    %get3A_9 = vector.load %arg1[%get3A_7, %get3A_8] : memref<2000x128xf32, #tpu.memory_space<vmem>>, vector<2000x128xf32>
    %get3A_10 = arith.constant 0 : index
    %get3A_11 = arith.constant 0 : index
    %get3A_12 = vector.load %arg2[%get3A_10, %get3A_11] : memref<2000x128xf32, #tpu.memory_space<vmem>>, vector<2000x128xf32>
    %add3A_13 = arith.addf %get3A_9, %get3A_12 : vector<2000x128xf32>
    %div3A = vector.broadcast %max3A_6 : vector<2000x1xf32> to vector<2000x128xf32>
    %div3A_14 = arith.divf %add3A_13, %div3A : vector<2000x128xf32>
    %get3A_15 = arith.constant 0 : index
    %get3A_16 = arith.constant 0 : index
    %get3A_17 = vector.load %arg6[%get3A_15, %get3A_16] : memref<128x64xf32, #tpu.memory_space<vmem>>, vector<128x64xf32>
    %dot_general3A = arith.constant dense<0.000000e+00> : vector<2000x64xf32>
    %dot_general3A_18 = tpu.matmul %div3A_14, %get3A_17, %dot_general3A {dimension_numbers = #tpu.dot_dimension_numbers<[1], [0], [0], [1], [0, 0, 1, 1], [], []>, transpose_lhs_hint = false} : vector<2000x128xf32>, vector<128x64xf32>, vector<2000x64xf32> -> vector<2000x64xf32>
    %get3A_19 = arith.constant 0 : index
    %get3A_20 = arith.constant 0 : index
    %get3A_21 = vector.load %arg3[%get3A_19, %get3A_20] : memref<2000x64xf32, #tpu.memory_space<vmem>>, vector<2000x64xf32>
    %add3A_22 = arith.addf %dot_general3A_18, %get3A_21 : vector<2000x64xf32>
    %reduce_max3A = arith.constant dense<0xFF800000> : vector<2000xf32>
    %reduce_max3A_23 = vector.multi_reduction <maximumf>, %add3A_22, %reduce_max3A [1] : vector<2000x64xf32> to vector<2000xf32>
    %broadcast_in_dim3A = vector.shape_cast %reduce_max3A_23 : vector<2000xf32> to vector<2000x1xf32>
    %sub3A = vector.broadcast %broadcast_in_dim3A : vector<2000x1xf32> to vector<2000x64xf32>
    %sub3A_24 = arith.subf %add3A_22, %sub3A : vector<2000x64xf32>
    %exp3A = math.exp %sub3A_24 : vector<2000x64xf32>
    %reduce_sum3A = arith.constant dense<0.000000e+00> : vector<2000xf32>
    %reduce_sum3A_25 = vector.multi_reduction <add>, %exp3A, %reduce_sum3A [1] : vector<2000x64xf32> to vector<2000xf32>
    %broadcast_in_dim3A_26 = vector.shape_cast %reduce_sum3A_25 : vector<2000xf32> to vector<2000x1xf32>
    %log3A = math.log %broadcast_in_dim3A_26 : vector<2000x1xf32>
    %sub3A_27 = vector.broadcast %log3A : vector<2000x1xf32> to vector<2000x64xf32>
    %sub3A_28 = arith.subf %sub3A_24, %sub3A_27 : vector<2000x64xf32>
    %swap3A = arith.constant 0 : index
    %swap3A_29 = arith.constant 0 : index
    %swap3A_30 = vector.load %arg7[%swap3A, %swap3A_29] : memref<2000x64xf32, #tpu.memory_space<vmem>>, vector<2000x64xf32>
    tpu.vector_store %arg7[%swap3A, %swap3A_29], %sub3A_28 {strides = array<i32>} : memref<2000x64xf32, #tpu.memory_space<vmem>>, vector<2000x64xf32>,
    return
  }
  func.func @transform_0(%arg0: i32) -> (i32, i32) {
    %c0_i32 = arith.constant 0 : i32
    %c0_i32_0 = arith.constant 0 : i32
    return %arg0, %c0_i32 : i32, i32
  }
  func.func @transform_1(%arg0: i32) -> (i32, i32) {
    %c0_i32 = arith.constant 0 : i32
    %c0_i32_0 = arith.constant 0 : i32
    return %arg0, %c0_i32 : i32, i32
  }
  func.func @transform_2(%arg0: i32) -> (i32, i32) {
    %c0_i32 = arith.constant 0 : i32
    %c0_i32_0 = arith.constant 0 : i32
    return %arg0, %c0_i32 : i32, i32
  }
  func.func @transform_3(%arg0: i32) -> (i32, i32) {
    %c0_i32 = arith.constant 0 : i32
    %c0_i32_0 = arith.constant 0 : i32
    return %arg0, %c0_i32 : i32, i32
  }
  func.func @transform_4(%arg0: i32) -> (i32, i32) {
    %c0_i32 = arith.constant 0 : i32
    %c0_i32_0 = arith.constant 0 : i32
    return %arg0, %c0_i32 : i32, i32
  }
  func.func @transform_5(%arg0: i32) -> (i32, i32) {
    %c0_i32 = arith.constant 0 : i32
    %c0_i32_0 = arith.constant 0 : i32
    %c0_i32_1 = arith.constant 0 : i32
    return %c0_i32, %c0_i32_0 : i32, i32
  }
  func.func @transform_6(%arg0: i32) -> (i32, i32) {
    %c0_i32 = arith.constant 0 : i32
    %c0_i32_0 = arith.constant 0 : i32
    return %arg0, %c0_i32 : i32, i32
  }
}

</mosaic_0001>

<sc_bundles>
// kernel: kernel.10.cloned.1.call-start
scs
__scs_entry_jumppad:
0x0: {  	(pc) =	sbr.rel $0x88, $3  }
0x1: {  	(tag) =	ssettag $0x0;
	lr =	simm.s32 $0x1  }
0x2: {  	[smem:$0x3F96] =	sst lr;
	_ =	strace $0xD0000000  }
0x3: {  	_ = 	snop  }
0x4: {  	_ = 	snop  }
0x5: {  	_ = 	snop  }
0x6: {  	_ = 	snop  }
0x7: {  	_ = 	snop  }
__scs_overlays_trampoline_lowered:
0x8: {  	[smem:$0x3FA5] =	sst s0  }
0x9: {  	[smem:$0x3FA6] =	sst s1  }
0xa: {  	[smem:$0x3FA7] =	sst s2  }
0xb: {  	[smem:$0x3FA8] =	sst s3  }
0xc: {  	[smem:$0x3FA9] =	sst s4  }
0xd: {  	[smem:$0x3FAA] =	sst s5  }
0xe: {  	[smem:$0x3FAB] =	sst s6  }
0xf: {  	[smem:$0x3FAC] =	sst s7  }
0x10: {  	[smem:$0x3FAD] =	sst s8  }
0x11: {  	[smem:$0x3FAE] =	sst s9;
	s0 =	simm.s32 @!p0 $0x0  }
0x12: {  	s1 =	sld [smem:$0x3F94];
	s0 =	simm.s32 @p0 $0x1  }
0x13: {  	[smem:$0x3FAF] =	sst s0;
	s0 =	simm.s32 @!p1 $0x0  }
0x14: {  	s2 =	sld [smem:$0x3F93];
	s0 =	simm.s32 @p1 $0x1  }
0x15: {  	[smem:$0x3FB0] =	sst s0;
	s0 =	simm.s32 @!p2 $0x0  }
0x16: {  	s3 =	sld [smem:$0x3FDB];
	s0 =	simm.s32 @p2 $0x1  }
0x17: {  	s4 =	simm.s32 $0x1BF5;
	[smem:$0x3FB2] =	sst s0  }
0x18: {  	s0 =	sld [smem:$0x3F95];
	_ =	swait.ge [sflag:s4], $0x0  }
0x19: {  	s7 =	sld [smem:$0x3F96]  }
0x1a: {  	s8 =	sadd.s32 $0xFFFFE003, lr  }
0x1b: {  	s9 =	sadd.s32 $0xFFFFFEF7, lr;
	s5 =	simm.s32 $0xFFFFFFFF;
	p2 =	slt.u32 s8, $0xFFFFF086  }
0x1c: {  	p1 =	slt.u32 s9, $0xF7A;
	s5 =	simm.s32 @!p2 $0x0  }
0x1d: {  	s5 =	simm.s32 @p1 $0x1;
	p0 =	seq.s32 s7, s2  }
0x1e: {  	s7 =	smul.u32 @!p0 $0xF7A, s2;
	p2 =	seq.s32 @!p0 s5, $0x0  }
0x1f: {  	s9 =	smul.u32 $0xF7A, s1;
	s8 =	simm.s32 @!p0 $0x1BF5;
	p2 =	por !p2, p0  }
0x20: {  	[sflag:s8] =	ssyncset.s32 @!p0 $0xFFFFF086;
	s6 =	sadd.s32 @!p0 s3, s7;
	s7 =	simm.s32 @!p0 $0x108  }
0x21: {  	s3 =	sadd.s32 s3, s9;
	s6 =	sadd.s32 @!p0 $0x88, s6;
	s7 =	simm.s32 @p2 $0x1082  }
0x22: {  	[simem:s7], [sflag:s8] =	dma.local @!p0 [hbm:s6], $0xF7A  }
0x23: {  	s9 =	sor.u32 $0xD0000000, s2;
	s6 =	simm.s32 $0x108;
	_ =	swait.ge @!p0 [sflag:s8], $0x0  }
0x24: {  	s3 =	sadd.s32 $0x88, s3;
	s6 =	simm.s32 @!p1 $0x1082;
	[sflag:s4] =	ssyncset.s32 $0xFFFFF086  }
0x25: {  	[simem:s6], [sflag:s4] =	dma.local [hbm:s3], $0xF7A  }
0x26: {  	[smem:$0x3F96] =	sst s1;
	(tag) =	ssettag s2;
	_ =	strace s9  }
0x27: {  	s1 =	sld [smem:$0x3FA6]  }
0x28: {  	s2 =	sld [smem:$0x3FA7]  }
0x29: {  	s4 =	sld [smem:$0x3FA9]  }
0x2a: {  	p0 =	seq.s32 s5, $0x0;
	s5 =	sld [smem:$0x3FAA]  }
0x2b: {  	s6 =	sld [smem:$0x3FAB]  }
0x2c: {  	s7 =	sld [smem:$0x3FAC]  }
0x2d: {  	s3 =	simm.s32 $0x108;
	s8 =	sld [smem:$0x3FAD]  }
0x2e: {  	s3 =	simm.s32 @!p0 $0x1082;
	s9 =	sld [smem:$0x3FAE]  }
0x2f: {  	lr =	sadd.s32 s0, s3;
	s0 =	sld [smem:$0x3FA5]  }
0x30: {  	s3 =	sld [smem:$0x3FA8]  }
0x31: {  	[smem:$0x3FB1] =	sst s10  }
0x32: {  	s10 =	sld [smem:$0x3FAF];
	_ =	sdelay $0x3  }
0x33: {  	p0 =	seq.s32 s10, $0x1;
	s10 =	sld [smem:$0x3FB1];
	_ =	sdelay $0x3  }
0x34: {  	[smem:$0x3FB1] =	sst s10  }
0x35: {  	s10 =	sld [smem:$0x3FB0];
	_ =	sdelay $0x3  }
0x36: {  	p1 =	seq.s32 s10, $0x1;
	s10 =	sld [smem:$0x3FB1];
	_ =	sdelay $0x3  }
0x37: {  	[smem:$0x3FB1] =	sst s10  }
0x38: {  	s10 =	sld [smem:$0x3FB2]  }
0x39: {  	_ = 	snop;
	(pc) =	sbr.ind lr, $3  }
0x3a: {  	_ = 	snop  }
0x3b: {  	_ = 	snop  }
0x3c: {  	p2 =	seq.s32 s10, $0x1;
	s10 =	sld [smem:$0x3FB1]  }
0x3d: {  	_ =	shalt  }
0x3e: {  	_ =	shalt  }
0x3f: {  	_ =	shalt  }
0x40: {  	_ =	shalt  }
0x41: {  	_ =	shalt  }
0x42: {  	_ =	shalt  }
0x43: {  	_ =	shalt  }
0x44: {  	_ =	shalt  }
0x45: {  	_ =	shalt  }
0x46: {  	_ =	shalt  }
0x47: {  	_ =	shalt  }
0x48: {  	_ =	shalt  }
0x49: {  	_ =	shalt  }
0x4a: {  	_ =	shalt  }
0x4b: {  	_ =	shalt  }
0x4c: {  	_ =	shalt  }
0x4d: {  	_ =	shalt  }
0x4e: {  	_ =	shalt  }
0x4f: {  	_ =	shalt  }
0x50: {  	_ =	shalt  }
0x51: {  	_ =	shalt  }
0x52: {  	_ =	shalt  }
0x53: {  	_ =	shalt  }
0x54: {  	_ =	shalt  }
0x55: {  	_ =	shalt  }
0x56: {  	_ =	shalt  }
0x57: {  	_ =	shalt  }
0x58: {  	_ =	shalt  }
0x59: {  	_ =	shalt  }
0x5a: {  	_ =	shalt  }
0x5b: {  	_ =	shalt  }
0x5c: {  	_ =	shalt  }
0x5d: {  	_ =	shalt  }
0x5e: {  	_ =	shalt  }
0x5f: {  	_ =	shalt  }
0x60: {  	_ =	shalt  }
0x61: {  	_ =	shalt  }
0x62: {  	_ =	shalt  }
0x63: {  	_ =	shalt  }
0x64: {  	_ =	shalt  }
0x65: {  	_ =	shalt  }
0x66: {  	_ =	shalt  }
0x67: {  	_ =	shalt  }
0x68: {  	_ =	shalt  }
0x69: {  	_ =	shalt  }
0x6a: {  	_ =	shalt  }
0x6b: {  	_ =	shalt  }
0x6c: {  	_ =	shalt  }
0x6d: {  	_ =	shalt  }
0x6e: {  	_ =	shalt  }
0x6f: {  	_ =	shalt  }
0x70: {  	_ =	shalt  }
0x71: {  	_ =	shalt  }
0x72: {  	_ =	shalt  }
0x73: {  	_ =	shalt  }
0x74: {  	_ =	shalt  }
0x75: {  	_ =	shalt  }
0x76: {  	_ =	shalt  }
0x77: {  	_ =	shalt  }
0x78: {  	_ =	shalt  }
0x79: {  	_ =	shalt  }
0x7a: {  	_ =	shalt  }
0x7b: {  	_ =	shalt  }
0x7c: {  	_ =	shalt  }
0x7d: {  	_ =	shalt  }
0x7e: {  	_ =	shalt  }
0x7f: {  	_ =	shalt  }
0x80: {  	_ =	shalt  }
0x81: {  	_ =	shalt  }
0x82: {  	_ =	shalt  }
0x83: {  	_ =	shalt  }
0x84: {  	_ =	shalt  }
0x85: {  	_ =	shalt  }
0x86: {  	_ =	shalt  }
0x87: {  	_ =	shalt  }
.Lfunc_end0:
.L_simem_size_0:
called_computation_lowered:
.L_overlay_start_0:
0x88: {  	s2 =	sld [smem:$0x3FD9]  }
0x89: {  	s3 =	sld [smem:$0x3FFE];
	_ =	sdelay $0x1  }
0x8a: {  	s1 =	srdreg.scid  }
0x8b: {  	s0 =	sand.u32 $0x1, s1  }
0x8c: {  	s17 =	sshll.u32 s0, $0xA;
	s2 =	sadd.s32 s3, s2  }
0x8d: {  	s2 =	sadd.s32 s2, s17  }
0x8e: {  	[smem:$0x3FBD] =	sst s2  }
0x8f: {  	_ = 	snop  }
0x90: {  	s2 =	sld [smem:$0x3FD0];
	(tm) =	ssettm $0x1  }
0x91: {  	s18 =	sld [smem:$0x3FFB];
	_ =	sdelay $0x3  }
0x92: {  	_ =	strace s18  }
0x93: {  	s3 =	sld [smem:$0x3FFC];
	_ =	sdelay $0x3  }
0x94: {  	_ =	strace s3  }
0x95: {  	s3 =	sld [smem:$0x3FFD];
	_ =	sdelay $0x3  }
0x96: {  	_ =	strace s3  }
0x97: {  	_ =	strace $0x8FFFFFFF  }
0x98: {  	s19 =	sld [smem:$0x3FDB];
	_ =	sdelay $0x1  }
0x99: {  	s4 =	simm.s32 $_scs_section_size  }
0x9a: {  	s5 =	simm.s32 $_size__tile_overlayer_lowered;
	s6 =	simm.s32 $_tile_overlayer_lowered  }
0x9b: {  	s22 =	simm.s32 $0x1BFF;
	s21 =	sshll.u32 s6, $0x1;
	s3 =	sadd.s32 s4, s19  }
0x9c: {  	s7 =	simm.s32 $0x0;
	s20 =	sshll.u32 s5, $0x1;
	s5 =	sadd.s32 s21, s3  }
0x9d: {  	[timem:s7], [sflag:s22] =	dma.local [hbm:s5], s20  }
0x9e: {  	_ =	swait.ge [sflag:s22], s20  }
0x9f: {  	s4 =	ssub.s32 $0x0, s20;
	[sflag:s22] =	ssyncset.done $0x0  }
0xa0: {  	[sflag:s22] =	ssyncadd.s32 s4;
	_ =	sdelay $0x1  }
0xa1: {  	s23 =	simm.s32 $0x1B8B  }
0xa2: {  	_ =	swait.ge [sflag:s23], $0x1  }
0xa3: {  	[sflag:s23] =	ssyncset.done $0x0  }
0xa4: {  	s25 =	simm.s32 $0x1B8E;
	s24 =	sld [smem:$0x3FFE];
	[sflag:s23] =	ssyncadd.s32 $0xFFFFFFFF  }
0xa5: {  	s26 =	simm.s32 $execute0_lowered;
	[smem:$0x3FD2] =	sst s25  }
0xa6: {  	s5 =	sshll.u32 s26, $0x1;
	_ =	strace $0x80000046;
	[dreg:$0x1] =	wrdreg $0xFFFFFFFF  }
0xa7: {  	s28 =	simm.s32 $_size_execute0_lowered;
	s3 =	sadd.s32 s3, s5;
	[dreg:$0x0] =	wrdreg $0x0  }
0xa8: {  	s5 =	sshll.u32 s28, $0x1;
	[dreg:$0x2] =	wrdreg s3  }
0xa9: {  	[dreg:$0x3] =	wrdreg s5  }
0xaa: {  	[dreg:$0x4] =	wrdreg $0xC0  }
0xab: {  	_ =	task [dreg:s7], $0x5FFFF  }
0xac: {  	[dreg:$0x1] =	wrdreg $0xFFFFFFFF  }
0xad: {  	[dreg:$0x0] =	wrdreg $0x60  }
0xae: {  	[dreg:$0x2] =	wrdreg s2  }
0xaf: {  	[dreg:$0x3] =	wrdreg s24  }
0xb0: {  	[dreg:$0x4] =	wrdreg $0x0  }
0xb1: {  	[dreg:$0x5] =	wrdreg $0x9  }
0xb2: {  	_ =	task.clear_ibuf [dreg:s7], $0x6FFFF;
	_ =	strace $0x90000046  }
0xb3: {  	s29 =	simm.s32 $0x9;
	_ =	strace $0x80000048  }
0xb4: {  	_ =	swait.ge [sflag:s29], $0x1  }
0xb5: {  	[sflag:s29] =	ssyncadd.s32 $0xFFFFFFFF  }
0xb6: {  	_ =	strace $0x90000048  }
0xb7: {  	_ =	sfence  }
0xb8: {  	s30 =	sld [smem:$0x0];
	_ =	sdelay $0x2  }
0xb9: {  	s31 =	sshll.u32 s1, $0xD;
	s1 =	sshrl.u32 s1, $0x2  }
0xba: {  	s3 =	sand.u32 $0x4000, s31;
	s1 =	sadd.s32 s1, s30  }
0xbb: {  	s0 =	sor.u32 s3, s0;
	s1 =	sshll.u32 s1, $0x11  }
0xbc: {  	s0 =	sor.u32 s1, s0  }
0xbd: {  	s0 =	sadd.s32 $0x8F2B, s0  }
0xbe: {  	[sflag:s0] =	ssyncadd.remote.s32 $0x1  }
0xbf: {  	_ =	sfence.sel $0xFFFF  }
0xc0: {  	[dreg:$0x0] =	wrdreg $0xFFFFFFFF;
	(pc) =	sbr.abs _section_cstart, $3  }
0xc1: {  	[dreg:$0x1] =	wrdreg $0xFFFFFFFF  }
0xc2: {  	_ =	task.clear_ibuf [dreg:s7], $0x2FFFF;
	_ =	strace $0x9FFFFFFF  }
0xc3: {  	(tm) =	ssettm $0x7FFFFFFF  }
tec
execute0_lowered:
.L_overlay_start_1:
0x0: {  	(tag) =	ssettag $0x1  }
0x1: {  	s4 =	rddreg [dreg:$0x0]  }
0x2: {  	s5 =	rddreg [dreg:$0x1]  }
0x3: {  	s1 =	rddreg [dreg:$0x2]  }
0x4: {  	s0 =	rddreg [dreg:$0x3];
	s3 =	simm.s32 $0x0;
	s6 =	srdreg.scid  }
0x5: {  	s2 =	stileid.u32;
	s13 =	simm.s32 $0x50;
	s14 =	simm.s32 $0x4278  }
0x6: {  	s15 =	simm.s32 $0x2;
	s16 =	simm.s32 $0x0;
	[smem:$0x7FF] =	sst s3  }
0x7: {  	s6 =	sand.u32 $0x1, s6;
	s8 =	smul.u32 $0xA00, s2;
	s9 =	sadd.s32 $0xD800, s5  }
0x8: {  	s10 =	smul.u32 $0x280, s2;
	s29 =	sshll.u32 s2, $0xC;
	p0 =	seq.s32 s2, $0xF  }
0x9: {  	_ =	strace $0x80000047;
	s7 =	ssub.s32 $0x2, s6;
	s26 =	sshll.u32 s6, $0xB  }
0xa: {  	s28 =	smul.u32 $0x2710, s6;
	s6 =	sadd.s32 $0x2580, s1;
	s25 =	sshrl.u32 s7, $0x1  }
0xb: {  	s4 =	sadd.s32 s4, s26;
	s30 =	sshrl.u32 s8, $0x2;
	s11 =	ssub.s32 s7, s25  }
0xc: {  	s4 =	sadd.s32 s29, s4;
	s5 =	sadd.s32 s30, s1;
	s31 =	sadd.s32 s10, s28  }
0xd: {  	s12 =	sshrl.u32 s28, $0x3;
	s7 =	sadd.s32 s10, s1;
	s8 =	sshrl.u32 s31, $0x3  }
0xe: {  	s10 =	smax.u32 s11, $0x1;
	s8 =	sadd.s32 s9, s8;
	s9 =	sadd.s32 s9, s12  }
0xf: {  	v0 =	vimm.f32 $1.000000000e+00;
	v1 =	vimm.f32 $0.0e+00;
	s11 =	simm.s32 $0x278;
	s12 =	simm.s32 $0x1;
	s9 =	sadd.s32 $0x4B0, s9  }
.LBB2_1:
0x10: {  	[tilespmem:s11], [sflag:$0x1] =	stream.linear.gather [hbm4b:s4+s3], $0x3E80, $0x38;
	[tilespmem:$0x4578] =	vst v63  }
0x11: {  	[tilespmem:$0x4278] =	vst v0  }
0x12: {  	[tilespmem:$0x4288] =	vst v0  }
0x13: {  	[tilespmem:$0x4298] =	vst v0  }
0x14: {  	[tilespmem:$0x42A8] =	vst v0  }
0x15: {  	[tilespmem:$0x42B8] =	vst v0  }
0x16: {  	[tilespmem:$0x42F8] =	vst v1  }
0x17: {  	[tilespmem:$0x4308] =	vst v1  }
0x18: {  	[tilespmem:$0x4318] =	vst v1  }
0x19: {  	[tilespmem:$0x4328] =	vst v1  }
0x1a: {  	[tilespmem:$0x4338] =	vst v1  }
0x1b: {  	[tilespmem:$0x4348] =	vst v1  }
0x1c: {  	[tilespmem:$0x4358] =	vst v1  }
0x1d: {  	[tilespmem:$0x4368] =	vst v1  }
0x1e: {  	[tilespmem:$0x4378] =	vst v1  }
0x1f: {  	[tilespmem:$0x4388] =	vst v1  }
0x20: {  	[tilespmem:$0x4398] =	vst v1  }
0x21: {  	[tilespmem:$0x43A8] =	vst v1  }
0x22: {  	[tilespmem:$0x43B8] =	vst v1  }
0x23: {  	[tilespmem:$0x43C8] =	vst v1  }
0x24: {  	[tilespmem:$0x43D8] =	vst v1  }
0x25: {  	[tilespmem:$0x43E8] =	vst v1  }
0x26: {  	[tilespmem:$0x43F8] =	vst v1  }
0x27: {  	[tilespmem:$0x4408] =	vst v1  }
0x28: {  	[tilespmem:$0x4418] =	vst v1  }
0x29: {  	[tilespmem:$0x4428] =	vst v1  }
0x2a: {  	[tilespmem:$0x4438] =	vst v1  }
0x2b: {  	[tilespmem:$0x4448] =	vst v1  }
0x2c: {  	[tilespmem:$0x4458] =	vst v1  }
0x2d: {  	[tilespmem:$0x4468] =	vst v1  }
0x2e: {  	[tilespmem:$0x4478] =	vst v1  }
0x2f: {  	[tilespmem:$0x4488] =	vst v1  }
0x30: {  	[tilespmem:$0x4498] =	vst v1  }
0x31: {  	[tilespmem:$0x44A8] =	vst v1  }
0x32: {  	[tilespmem:$0x44B8] =	vst v1  }
0x33: {  	[tilespmem:$0x44C8] =	vst v1  }
0x34: {  	[tilespmem:$0x44D8] =	vst v1  }
0x35: {  	[tilespmem:$0x44E8] =	vst v1  }
0x36: {  	[tilespmem:$0x44F8] =	vst v1  }
0x37: {  	[tilespmem:$0x4508] =	vst v1  }
0x38: {  	[tilespmem:$0x4518] =	vst v1  }
0x39: {  	[tilespmem:$0x4528] =	vst v1  }
0x3a: {  	[tilespmem:$0x4538] =	vst v1  }
0x3b: {  	[tilespmem:$0x4548] =	vst v1  }
0x3c: {  	[tilespmem:$0x4558] =	vst v1  }
0x3d: {  	s17 =	simm.s32 @p0 $0x42F8;
	[tilespmem:$0x4568] =	vst v1  }
0x3e: {  	[spmem:s6] =	stream.linear.scatter @p0 [tilespmem:s17], [sflag:$0x3], $0x190, $0x38;
	[tilespmem:$0x4578] =	vst v63  }
0x3f: {  	s17 =	simm.s32 @p0 $0x3  }
0x40: {  	_ =	swait.ge @p0 [sflag:s17], $0x190  }
0x41: {  	[sflag:s17] =	ssyncset.done @p0 $0x0  }
0x42: {  	[sflag:s17] =	ssyncadd.s32 @p0 $0xFFFFFE70;
	s17 =	simm.s32 @!p0 $0x42F8  }
0x43: {  	[spmem:s5] =	stream.linear.scatter @!p0 [tilespmem:s17], [sflag:$0x3], $0x280, $0x38;
	[tilespmem:$0x4578] =	vst v63  }
0x44: {  	s17 =	simm.s32 @!p0 $0x3  }
0x45: {  	_ =	swait.ge @!p0 [sflag:s17], $0x280  }
0x46: {  	[sflag:s17] =	ssyncset.done @!p0 $0x0  }
0x47: {  	[sflag:s17] =	ssyncadd.s32 @!p0 $0xFFFFFD80  }
0x48: {  	_ =	swait.ge [sflag:s12], $0x3E80  }
0x49: {  	[sflag:s12] =	ssyncset.done $0x0  }
0x4a: {  	[sflag:s12] =	ssyncadd.s32 $0xFFFFC180  }
0x4b: {  	s26 =	simm.s32 $0x278;
	[bflag:$0x0] =	sbarrier.arrive $0xFFFF  }
0x4c: {  	[spmem:s1] =	stream.indirect.scatter.add.f32 [tilespmem:s14], [sflag:$0x2], $0x1, s26, s13, $0xb8;
	[tilespmem:$0x4578] =	vst v63  }
0x4d: {  	s28 =	simm.s32 $0x2F8  }
0x4e: {  	[spmem:s1] =	stream.indirect.scatter.add.f32 [tilespmem:s14], [sflag:$0x2], $0x1, s28, s13, $0xb8;
	[tilespmem:$0x4578] =	vst v63  }
0x4f: {  	s29 =	simm.s32 $0x378  }
0x50: {  	[spmem:s1] =	stream.indirect.scatter.add.f32 [tilespmem:s14], [sflag:$0x2], $0x1, s29, s13, $0xb8;
	[tilespmem:$0x4578] =	vst v63  }
0x51: {  	s30 =	simm.s32 $0x3F8  }
0x52: {  	[spmem:s1] =	stream.indirect.scatter.add.f32 [tilespmem:s14], [sflag:$0x2], $0x1, s30, s13, $0xb8;
	[tilespmem:$0x4578] =	vst v63  }
0x53: {  	s31 =	simm.s32 $0x478  }
0x54: {  	[spmem:s1] =	stream.indirect.scatter.add.f32 [tilespmem:s14], [sflag:$0x2], $0x1, s31, s13, $0xb8;
	[tilespmem:$0x4578] =	vst v63  }
0x55: {  	_ =	swait.ge [sflag:s15], $0x50  }
0x56: {  	[sflag:s15] =	ssyncset.done $0x0  }
0x57: {  	[sflag:s15] =	ssyncadd.s32 $0xFFFFFFB0  }
0x58: {  	_ =	swait.ge [sflag:s15], $0x50  }
0x59: {  	[sflag:s15] =	ssyncset.done $0x0  }
0x5a: {  	[sflag:s15] =	ssyncadd.s32 $0xFFFFFFB0  }
0x5b: {  	_ =	swait.ge [sflag:s15], $0x50  }
0x5c: {  	[sflag:s15] =	ssyncset.done $0x0  }
0x5d: {  	[sflag:s15] =	ssyncadd.s32 $0xFFFFFFB0  }
0x5e: {  	_ =	swait.ge [sflag:s15], $0x50  }
0x5f: {  	[sflag:s15] =	ssyncset.done $0x0  }
0x60: {  	[sflag:s15] =	ssyncadd.s32 $0xFFFFFFB0  }
0x61: {  	_ =	swait.ge [sflag:s15], $0x50  }
0x62: {  	s18 =	simm.s32 $0x1400;
	s17 =	simm.s32 $0x280;
	[sflag:s15] =	ssyncset.done $0x0  }
.LBB2_2:
0x63: {  	s19 =	sadd.s32 $0x278, s17  }
0x64: {  	[sflag:s15] =	ssyncadd.s32 $0xFFFFFFB0;
	s20 =	smov.u32 s18;
	s21 =	sadd.s32 $0xA00, s18  }
0x65: {  	[spmem:s1] =	stream.indirect.scatter.add.f32 [tilespmem:s14], [sflag:$0x2], $0x1, s19, s13, $0xb8;
	[tilespmem:$0x4578] =	vst v63  }
0x66: {  	p1 =	sne.s32 s18, $0xF000;
	s18 =	sadd.s32 $0x2F8, s17  }
0x67: {  	[spmem:s1] =	stream.indirect.scatter.add.f32 [tilespmem:s14], [sflag:$0x2], $0x1, s18, s13, $0xb8;
	[tilespmem:$0x4578] =	vst v63  }
0x68: {  	s18 =	sadd.s32 $0x378, s17  }
0x69: {  	[spmem:s1] =	stream.indirect.scatter.add.f32 [tilespmem:s14], [sflag:$0x2], $0x1, s18, s13, $0xb8;
	[tilespmem:$0x4578] =	vst v63  }
0x6a: {  	s18 =	sadd.s32 $0x3F8, s17  }
0x6b: {  	[spmem:s1] =	stream.indirect.scatter.add.f32 [tilespmem:s14], [sflag:$0x2], $0x1, s18, s13, $0xb8;
	[tilespmem:$0x4578] =	vst v63  }
0x6c: {  	s17 =	sadd.s32 $0x478, s17  }
0x6d: {  	[spmem:s1] =	stream.indirect.scatter.add.f32 [tilespmem:s14], [sflag:$0x2], $0x1, s17, s13, $0xb8;
	[tilespmem:$0x4578] =	vst v63  }
0x6e: {  	_ =	swait.ge [sflag:s15], $0x50  }
0x6f: {  	[sflag:s15] =	ssyncset.done $0x0  }
0x70: {  	[sflag:s15] =	ssyncadd.s32 $0xFFFFFFB0  }
0x71: {  	_ =	swait.ge [sflag:s15], $0x50  }
0x72: {  	[sflag:s15] =	ssyncset.done $0x0  }
0x73: {  	[sflag:s15] =	ssyncadd.s32 $0xFFFFFFB0  }
0x74: {  	_ =	swait.ge [sflag:s15], $0x50  }
0x75: {  	[sflag:s15] =	ssyncset.done $0x0  }
0x76: {  	[sflag:s15] =	ssyncadd.s32 $0xFFFFFFB0  }
.Ltmp0:
0x77: {  	_ =	swait.ge [sflag:s15], $0x50;
	(pc) =	sbr.rel @p1 .LBB2_2-.Ltmp0, $4  }
0x78: {  	[sflag:s15] =	ssyncset.done $0x0  }
0x79: {  	[sflag:s15] =	ssyncadd.s32 $0xFFFFFFB0  }
0x7a: {  	_ =	swait.ge [sflag:s15], $0x50  }
0x7b: {  	s18 =	smov.u32 s21;
	s17 =	sshra.s32 s20, $0x2;
	[sflag:s15] =	ssyncset.done $0x0  }
0x7c: {  	s18 =	sadd.s32 $0x278, s17;
	[sflag:s15] =	ssyncadd.s32 $0xFFFFFFB0  }
0x7d: {  	[spmem:s1] =	stream.indirect.scatter.add.f32 [tilespmem:s14], [sflag:$0x2], $0x1, s18, s13, $0xb8;
	[tilespmem:$0x4578] =	vst v63  }
0x7e: {  	s28 =	sadd.s32 $0x2F8, s17  }
0x7f: {  	[spmem:s1] =	stream.indirect.scatter.add.f32 [tilespmem:s14], [sflag:$0x2], $0x1, s28, s13, $0xb8;
	[tilespmem:$0x4578] =	vst v63  }
0x80: {  	s29 =	sadd.s32 $0x378, s17  }
0x81: {  	[spmem:s1] =	stream.indirect.scatter.add.f32 [tilespmem:s14], [sflag:$0x2], $0x1, s29, s13, $0xb8;
	[tilespmem:$0x4578] =	vst v63  }
0x82: {  	s30 =	sadd.s32 $0x3F8, s17  }
0x83: {  	[spmem:s1] =	stream.indirect.scatter.add.f32 [tilespmem:s14], [sflag:$0x2], $0x1, s30, s13, $0xb8;
	[tilespmem:$0x4578] =	vst v63  }
0x84: {  	s31 =	sadd.s32 $0x478, s17  }
0x85: {  	[spmem:s1] =	stream.indirect.scatter.add.f32 [tilespmem:s14], [sflag:$0x2], $0x1, s31, s13, $0xb8;
	[tilespmem:$0x4578] =	vst v63  }
0x86: {  	_ =	swait.ge [sflag:s15], $0x50  }
0x87: {  	[sflag:s15] =	ssyncset.done $0x0  }
0x88: {  	[sflag:s15] =	ssyncadd.s32 $0xFFFFFFB0  }
0x89: {  	_ =	swait.ge [sflag:s15], $0x50  }
0x8a: {  	[sflag:s15] =	ssyncset.done $0x0  }
0x8b: {  	[sflag:s15] =	ssyncadd.s32 $0xFFFFFFB0  }
0x8c: {  	_ =	swait.ge [sflag:s15], $0x50  }
0x8d: {  	[sflag:s15] =	ssyncset.done $0x0  }
0x8e: {  	[sflag:s15] =	ssyncadd.s32 $0xFFFFFFB0  }
0x8f: {  	_ =	swait.ge [sflag:s15], $0x50  }
0x90: {  	[sflag:s15] =	ssyncset.done $0x0  }
0x91: {  	[sflag:s15] =	ssyncadd.s32 $0xFFFFFFB0  }
0x92: {  	_ =	swait.ge [sflag:s15], $0x50  }
0x93: {  	[sflag:s15] =	ssyncset.done $0x0  }
0x94: {  	[sflag:s15] =	ssyncadd.s32 $0xFFFFFFB0  }
0x95: {  	s17 =	simm.s32 @p0 $0x42F8;
	s18 =	simm.s32 @p0 $0x3;
	[bflag:$0x0] =	sbarrier.arrive $0xFFFF  }
0x96: {  	[tilespmem:s17], [sflag:$0x3] =	stream.linear.gather @p0 [spmem:s6], $0x190, $0x38;
	[tilespmem:$0x4578] =	vst v63  }
0x97: {  	_ =	swait.ge @p0 [sflag:s18], $0x190  }
0x98: {  	[sflag:s18] =	ssyncset.done @p0 $0x0  }
0x99: {  	s19 =	simm.s32 @p0 $0x0;
	[sflag:s18] =	ssyncadd.s32 @p0 $0xFFFFFE70  }
0x9a: {  	[hbm4b:s9+s19] =	stream.linear.scatter @p0 [tilespmem:s17], [sflag:$0x3], $0x190, $0x38;
	[tilespmem:$0x4578] =	vst v63  }
0x9b: {  	_ =	swait.ge @p0 [sflag:s18], $0x190  }
0x9c: {  	[sflag:s18] =	ssyncset.done @p0 $0x0  }
0x9d: {  	s17 =	simm.s32 @!p0 $0x42F8;
	[sflag:s18] =	ssyncadd.s32 @p0 $0xFFFFFE70;
	s18 =	simm.s32 @!p0 $0x3  }
0x9e: {  	[tilespmem:s17], [sflag:$0x3] =	stream.linear.gather @!p0 [spmem:s7], $0x280, $0x38;
	[tilespmem:$0x4578] =	vst v63  }
0x9f: {  	s16 =	sadd.s32 $0x1, s16;
	_ =	swait.ge @!p0 [sflag:s18], $0x280  }
0xa0: {  	p1 =	sne.s32 s16, s10;
	[sflag:s18] =	ssyncset.done @!p0 $0x0  }
.Ltmp1:
0xa1: {  	s19 =	simm.s32 @!p0 $0x0;
	[sflag:s18] =	ssyncadd.s32 @!p0 $0xFFFFFD80;
	(pc) =	sbr.rel @p1 .LBB2_1-.Ltmp1, $4  }
0xa2: {  	[hbm4b:s8+s19] =	stream.linear.scatter @!p0 [tilespmem:s17], [sflag:$0x3], $0x280, $0x38;
	[tilespmem:$0x4578] =	vst v63  }
0xa3: {  	_ =	swait.ge @!p0 [sflag:s18], $0x280  }
0xa4: {  	[sflag:s18] =	ssyncset.done @!p0 $0x0  }
0xa5: {  	[sflag:s18] =	ssyncadd.s32 @!p0 $0xFFFFFD80  }
0xa6: {  	_ =	sfence.sel $0x180000  }
0xa7: {  	[bflag:$0x0] =	sbarrier.arrive $0xFFFF  }
0xa8: {  	p0 =	sne.s32 s2, $0x0;
	_ =	strace $0x90000047  }
0xa9: {  	s0 =	sadd.s32 @!p0 $0x100000, s0;
	[bflag:$0x2] =	sbarrier.arrive $0xFFFF  }
0xaa: {  	[sflag:s0] =	ssyncadd.tile.s32 @!p0 $0x1;
	_ =	shalt  }
.Lfunc_end2:
_tile_overlayer_lowered:
.L_overlay_start_2:
0xab: {  	(tag) =	ssettag $0x2  }
0xac: {  	s0 =	rddreg [dreg:$0x0];
	s2 =	stileid.u32  }
0xad: {  	s1 =	rddreg [dreg:$0x1];
	p0 =	sne.s32 s2, $0x0  }
0xae: {  	s3 =	rddreg [dreg:$0x2];
	[bflag:$0x3] =	sbarrier.arrive $0xFFFF;
	s2 =	simm.s32 @!p0 $0x1C03  }
0xaf: {  	[timem:s3], [sflag:s2] =	dma.local @!p0 [hbm:s0], s1  }
0xb0: {  	s0 =	simm.s32 @!p0 $0x3  }
0xb1: {  	_ =	swait.ge @!p0 [sflag:s0], s1  }
0xb2: {  	s1 =	ssub.s32 @!p0 $0x0, s1;
	[sflag:s0] =	ssyncset.done @!p0 $0x0  }
0xb3: {  	[sflag:s0] =	ssyncadd.s32 @!p0 s1  }
0xb4: {  	[bflag:$0x3] =	sbarrier.arrive $0xFFFF  }
0xb5: {  	_ =	shalt  }

// kernel: kernel.13.cloned.1.call-start
scs
__scs_entry_jumppad:
0x0: {  	(pc) =	sbr.rel $0x88, $3  }
0x1: {  	(tag) =	ssettag $0x0;
	lr =	simm.s32 $0x1  }
0x2: {  	[smem:$0x3F96] =	sst lr;
	_ =	strace $0xD0000000  }
0x3: {  	_ = 	snop  }
0x4: {  	_ = 	snop  }
0x5: {  	_ = 	snop  }
0x6: {  	_ = 	snop  }
0x7: {  	_ = 	snop  }
__scs_overlays_trampoline_lowered:
0x8: {  	[smem:$0x3FA5] =	sst s0  }
0x9: {  	[smem:$0x3FA6] =	sst s1  }
0xa: {  	[smem:$0x3FA7] =	sst s2  }
0xb: {  	[smem:$0x3FA8] =	sst s3  }
0xc: {  	[smem:$0x3FA9] =	sst s4  }
0xd: {  	[smem:$0x3FAA] =	sst s5  }
0xe: {  	[smem:$0x3FAB] =	sst s6  }
0xf: {  	[smem:$0x3FAC] =	sst s7  }
0x10: {  	[smem:$0x3FAD] =	sst s8  }
0x11: {  	[smem:$0x3FAE] =	sst s9;
	s0 =	simm.s32 @!p0 $0x0  }
0x12: {  	s1 =	sld [smem:$0x3F94];
	s0 =	simm.s32 @p0 $0x1  }
0x13: {  	[smem:$0x3FAF] =	sst s0;
	s0 =	simm.s32 @!p1 $0x0  }
0x14: {  	s2 =	sld [smem:$0x3F93];
	s0 =	simm.s32 @p1 $0x1  }
0x15: {  	[smem:$0x3FB0] =	sst s0;
	s0 =	simm.s32 @!p2 $0x0  }
0x16: {  	s3 =	sld [smem:$0x3FDB];
	s0 =	simm.s32 @p2 $0x1  }
0x17: {  	s4 =	simm.s32 $0x1BF5;
	[smem:$0x3FB2] =	sst s0  }
0x18: {  	s0 =	sld [smem:$0x3F95];
	_ =	swait.ge [sflag:s4], $0x0  }
0x19: {  	s7 =	sld [smem:$0x3F96]  }
0x1a: {  	s8 =	sadd.s32 $0xFFFFE003, lr  }
0x1b: {  	s9 =	sadd.s32 $0xFFFFFEF7, lr;
	s5 =	simm.s32 $0xFFFFFFFF;
	p2 =	slt.u32 s8, $0xFFFFF086  }
0x1c: {  	p1 =	slt.u32 s9, $0xF7A;
	s5 =	simm.s32 @!p2 $0x0  }
0x1d: {  	s5 =	simm.s32 @p1 $0x1;
	p0 =	seq.s32 s7, s2  }
0x1e: {  	s7 =	smul.u32 @!p0 $0xF7A, s2;
	p2 =	seq.s32 @!p0 s5, $0x0  }
0x1f: {  	s9 =	smul.u32 $0xF7A, s1;
	s8 =	simm.s32 @!p0 $0x1BF5;
	p2 =	por !p2, p0  }
0x20: {  	[sflag:s8] =	ssyncset.s32 @!p0 $0xFFFFF086;
	s6 =	sadd.s32 @!p0 s3, s7;
	s7 =	simm.s32 @!p0 $0x108  }
0x21: {  	s3 =	sadd.s32 s3, s9;
	s6 =	sadd.s32 @!p0 $0x88, s6;
	s7 =	simm.s32 @p2 $0x1082  }
0x22: {  	[simem:s7], [sflag:s8] =	dma.local @!p0 [hbm:s6], $0xF7A  }
0x23: {  	s9 =	sor.u32 $0xD0000000, s2;
	s6 =	simm.s32 $0x108;
	_ =	swait.ge @!p0 [sflag:s8], $0x0  }
0x24: {  	s3 =	sadd.s32 $0x88, s3;
	s6 =	simm.s32 @!p1 $0x1082;
	[sflag:s4] =	ssyncset.s32 $0xFFFFF086  }
0x25: {  	[simem:s6], [sflag:s4] =	dma.local [hbm:s3], $0xF7A  }
0x26: {  	[smem:$0x3F96] =	sst s1;
	(tag) =	ssettag s2;
	_ =	strace s9  }
0x27: {  	s1 =	sld [smem:$0x3FA6]  }
0x28: {  	s2 =	sld [smem:$0x3FA7]  }
0x29: {  	s4 =	sld [smem:$0x3FA9]  }
0x2a: {  	p0 =	seq.s32 s5, $0x0;
	s5 =	sld [smem:$0x3FAA]  }
0x2b: {  	s6 =	sld [smem:$0x3FAB]  }
0x2c: {  	s7 =	sld [smem:$0x3FAC]  }
0x2d: {  	s3 =	simm.s32 $0x108;
	s8 =	sld [smem:$0x3FAD]  }
0x2e: {  	s3 =	simm.s32 @!p0 $0x1082;
	s9 =	sld [smem:$0x3FAE]  }
0x2f: {  	lr =	sadd.s32 s0, s3;
	s0 =	sld [smem:$0x3FA5]  }
0x30: {  	s3 =	sld [smem:$0x3FA8]  }
0x31: {  	[smem:$0x3FB1] =	sst s10  }
0x32: {  	s10 =	sld [smem:$0x3FAF];
	_ =	sdelay $0x3  }
0x33: {  	p0 =	seq.s32 s10, $0x1;
	s10 =	sld [smem:$0x3FB1];
	_ =	sdelay $0x3  }
0x34: {  	[smem:$0x3FB1] =	sst s10  }
0x35: {  	s10 =	sld [smem:$0x3FB0];
	_ =	sdelay $0x3  }
0x36: {  	p1 =	seq.s32 s10, $0x1;
	s10 =	sld [smem:$0x3FB1];
	_ =	sdelay $0x3  }
0x37: {  	[smem:$0x3FB1] =	sst s10  }
0x38: {  	s10 =	sld [smem:$0x3FB2]  }
0x39: {  	_ = 	snop;
	(pc) =	sbr.ind lr, $3  }
0x3a: {  	_ = 	snop  }
0x3b: {  	_ = 	snop  }
0x3c: {  	p2 =	seq.s32 s10, $0x1;
	s10 =	sld [smem:$0x3FB1]  }
0x3d: {  	_ =	shalt  }
0x3e: {  	_ =	shalt  }
0x3f: {  	_ =	shalt  }
0x40: {  	_ =	shalt  }
0x41: {  	_ =	shalt  }
0x42: {  	_ =	shalt  }
0x43: {  	_ =	shalt  }
0x44: {  	_ =	shalt  }
0x45: {  	_ =	shalt  }
0x46: {  	_ =	shalt  }
0x47: {  	_ =	shalt  }
0x48: {  	_ =	shalt  }
0x49: {  	_ =	shalt  }
0x4a: {  	_ =	shalt  }
0x4b: {  	_ =	shalt  }
0x4c: {  	_ =	shalt  }
0x4d: {  	_ =	shalt  }
0x4e: {  	_ =	shalt  }
0x4f: {  	_ =	shalt  }
0x50: {  	_ =	shalt  }
0x51: {  	_ =	shalt  }
0x52: {  	_ =	shalt  }
0x53: {  	_ =	shalt  }
0x54: {  	_ =	shalt  }
0x55: {  	_ =	shalt  }
0x56: {  	_ =	shalt  }
0x57: {  	_ =	shalt  }
0x58: {  	_ =	shalt  }
0x59: {  	_ =	shalt  }
0x5a: {  	_ =	shalt  }
0x5b: {  	_ =	shalt  }
0x5c: {  	_ =	shalt  }
0x5d: {  	_ =	shalt  }
0x5e: {  	_ =	shalt  }
0x5f: {  	_ =	shalt  }
0x60: {  	_ =	shalt  }
0x61: {  	_ =	shalt  }
0x62: {  	_ =	shalt  }
0x63: {  	_ =	shalt  }
0x64: {  	_ =	shalt  }
0x65: {  	_ =	shalt  }
0x66: {  	_ =	shalt  }
0x67: {  	_ =	shalt  }
0x68: {  	_ =	shalt  }
0x69: {  	_ =	shalt  }
0x6a: {  	_ =	shalt  }
0x6b: {  	_ =	shalt  }
0x6c: {  	_ =	shalt  }
0x6d: {  	_ =	shalt  }
0x6e: {  	_ =	shalt  }
0x6f: {  	_ =	shalt  }
0x70: {  	_ =	shalt  }
0x71: {  	_ =	shalt  }
0x72: {  	_ =	shalt  }
0x73: {  	_ =	shalt  }
0x74: {  	_ =	shalt  }
0x75: {  	_ =	shalt  }
0x76: {  	_ =	shalt  }
0x77: {  	_ =	shalt  }
0x78: {  	_ =	shalt  }
0x79: {  	_ =	shalt  }
0x7a: {  	_ =	shalt  }
0x7b: {  	_ =	shalt  }
0x7c: {  	_ =	shalt  }
0x7d: {  	_ =	shalt  }
0x7e: {  	_ =	shalt  }
0x7f: {  	_ =	shalt  }
0x80: {  	_ =	shalt  }
0x81: {  	_ =	shalt  }
0x82: {  	_ =	shalt  }
0x83: {  	_ =	shalt  }
0x84: {  	_ =	shalt  }
0x85: {  	_ =	shalt  }
0x86: {  	_ =	shalt  }
0x87: {  	_ =	shalt  }
.Lfunc_end0:
.L_simem_size_0:
called_computation.1_lowered:
.L_overlay_start_0:
0x88: {  	s2 =	sld [smem:$0x3FD9]  }
0x89: {  	s3 =	sld [smem:$0x3FFE];
	_ =	sdelay $0x1  }
0x8a: {  	s1 =	srdreg.scid  }
0x8b: {  	s0 =	sand.u32 $0x1, s1  }
0x8c: {  	s17 =	sshll.u32 s0, $0xA;
	s2 =	sadd.s32 s3, s2  }
0x8d: {  	s2 =	sadd.s32 s2, s17  }
0x8e: {  	[smem:$0x3FBD] =	sst s2  }
0x8f: {  	_ = 	snop  }
0x90: {  	s18 =	sld [smem:$0x3FD0];
	(tm) =	ssettm $0x1  }
0x91: {  	s19 =	sld [smem:$0x3FFB];
	_ =	sdelay $0x3  }
0x92: {  	_ =	strace s19  }
0x93: {  	s2 =	sld [smem:$0x3FFC];
	_ =	sdelay $0x3  }
0x94: {  	_ =	strace s2  }
0x95: {  	s2 =	sld [smem:$0x3FFD];
	_ =	sdelay $0x3  }
0x96: {  	_ =	strace s2  }
0x97: {  	_ =	strace $0x8FFFFFFF  }
0x98: {  	s20 =	sld [smem:$0x3FDB];
	_ =	sdelay $0x1  }
0x99: {  	s4 =	simm.s32 $_scs_section_size  }
0x9a: {  	s5 =	simm.s32 $_size__tile_overlayer_lowered;
	s6 =	simm.s32 $_tile_overlayer_lowered  }
0x9b: {  	s7 =	simm.s32 $0x1BFF;
	s21 =	sshll.u32 s6, $0x1;
	s4 =	sadd.s32 s4, s20  }
0x9c: {  	s22 =	simm.s32 $0x0;
	s5 =	sshll.u32 s5, $0x1;
	s6 =	sadd.s32 s21, s4  }
0x9d: {  	[timem:s22], [sflag:s7] =	dma.local [hbm:s6], s5  }
0x9e: {  	_ =	swait.ge [sflag:s7], s5  }
0x9f: {  	s5 =	ssub.s32 $0x0, s5;
	[sflag:s7] =	ssyncset.done $0x0  }
0xa0: {  	[sflag:s7] =	ssyncadd.s32 s5;
	_ =	sdelay $0x1  }
0xa1: {  	s23 =	simm.s32 $0x1B8B  }
0xa2: {  	_ =	swait.ge [sflag:s23], $0x1  }
0xa3: {  	[sflag:s23] =	ssyncset.done $0x0  }
0xa4: {  	[sflag:s23] =	ssyncadd.s32 $0xFFFFFFFF  }
0xa5: {  	s5 =	sld [smem:$0x0]  }
0xa6: {  	s6 =	sand.u32 $0xFFFFFFFE, s1  }
0xa7: {  	p0 =	sne.s32 s1, s6  }
0xa8: {  	s6 =	sshll.u32 @p0 s6, $0xE  }
0xa9: {  	s6 =	sadd.s32 @p0 $0x11B8D, s6;
	s7 =	sshll.u32 @p0 s5, $0x11  }
0xaa: {  	s6 =	sor.u32 @p0 s7, s6  }
0xab: {  	[sflag:s6] =	ssyncadd.remote.s32 @p0 $0x1;
	_ =	sdelay $0x1  }
0xac: {  	s6 =	simm.s32 @p0 $0x1B8D  }
0xad: {  	_ =	swait.eq @p0 [sflag:s6], $0x1  }
0xae: {  	[sflag:s6] =	ssyncadd.s32 @p0 $0xFFFFFFFF  }
0xaf: {  	s7 =	sshll.u32 @!p0 s1, $0xE  }
0xb0: {  	s7 =	sor.u32 @!p0 $0x4000, s7;
	s6 =	simm.s32 @!p0 $0x1B8D  }
0xb1: {  	s5 =	sshll.u32 @!p0 s5, $0x11;
	s7 =	sadd.s32 @!p0 $0x11B8D, s7;
	_ =	swait.eq @!p0 [sflag:s6], $0x1  }
0xb2: {  	s5 =	sor.u32 @!p0 s5, s7;
	[sflag:s6] =	ssyncadd.s32 @!p0 $0xFFFFFFFF  }
0xb3: {  	s25 =	simm.s32 $0x1B8E;
	s24 =	sld [smem:$0x3FFE];
	[sflag:s5] =	ssyncadd.remote.s32 @!p0 $0x1  }
0xb4: {  	s26 =	simm.s32 $execute0_lowered;
	[smem:$0x3FD2] =	sst s25  }
0xb5: {  	s6 =	sshll.u32 s26, $0x1;
	_ =	strace $0x80000049;
	[dreg:$0x1] =	wrdreg $0xFFFFFFFF  }
0xb6: {  	s28 =	simm.s32 $_size_execute0_lowered;
	s4 =	sadd.s32 s4, s6;
	[dreg:$0x0] =	wrdreg $0x0  }
0xb7: {  	s6 =	sshll.u32 s28, $0x1;
	[dreg:$0x2] =	wrdreg s4  }
0xb8: {  	[dreg:$0x3] =	wrdreg s6  }
0xb9: {  	[dreg:$0x4] =	wrdreg $0xC0  }
0xba: {  	_ =	task [dreg:s22], $0x5FFFF  }
0xbb: {  	[dreg:$0x1] =	wrdreg $0xFFFFFFFF  }
0xbc: {  	[dreg:$0x0] =	wrdreg $0x60  }
0xbd: {  	[dreg:$0x2] =	wrdreg s24  }
0xbe: {  	[dreg:$0x3] =	wrdreg s18  }
0xbf: {  	[dreg:$0x4] =	wrdreg $0x0  }
0xc0: {  	[dreg:$0x5] =	wrdreg $0xA  }
0xc1: {  	_ =	task.clear_ibuf [dreg:s22], $0x6FFFF;
	_ =	strace $0x90000049  }
0xc2: {  	s29 =	simm.s32 $0xA;
	_ =	strace $0x8000004B  }
0xc3: {  	_ =	swait.ge [sflag:s29], $0x1  }
0xc4: {  	[sflag:s29] =	ssyncadd.s32 $0xFFFFFFFF  }
0xc5: {  	_ =	strace $0x9000004B  }
0xc6: {  	_ =	sfence  }
0xc7: {  	s30 =	sld [smem:$0x0];
	_ =	sdelay $0x2  }
0xc8: {  	s31 =	sshll.u32 s1, $0xD;
	s1 =	sshrl.u32 s1, $0x2  }
0xc9: {  	s4 =	sand.u32 $0x4000, s31;
	s1 =	sadd.s32 s1, s30  }
0xca: {  	s0 =	sor.u32 s4, s0;
	s1 =	sshll.u32 s1, $0x11  }
0xcb: {  	s0 =	sor.u32 s1, s0  }
0xcc: {  	s0 =	sadd.s32 $0x8F2B, s0  }
0xcd: {  	[sflag:s0] =	ssyncadd.remote.s32 $0x1  }
0xce: {  	_ =	sfence.sel $0xFFFF  }
0xcf: {  	[dreg:$0x0] =	wrdreg $0xFFFFFFFF;
	(pc) =	sbr.abs _section_cstart, $3  }
0xd0: {  	[dreg:$0x1] =	wrdreg $0xFFFFFFFF  }
0xd1: {  	_ =	task.clear_ibuf [dreg:s22], $0x2FFFF;
	_ =	strace $0x9FFFFFFF  }
0xd2: {  	(tm) =	ssettm $0x7FFFFFFF  }
0xd3: {  	_ =	shalt  }
tec
execute0_lowered:
.L_overlay_start_1:
0x0: {  	(tag) =	ssettag $0x1  }
0x1: {  	s0 =	rddreg [dreg:$0x0]  }
0x2: {  	s1 =	rddreg [dreg:$0x1];
	s3 =	srdreg.scid  }
0x3: {  	s12 =	stileid.u32;
	s2 =	rddreg [dreg:$0x2]  }
0x4: {  	s30 =	simm.s32 $0x17AC0;
	s31 =	simm.s32 $0xC;
	s28 =	simm.s32 $0x50  }
0x5: {  	s29 =	simm.s32 $0x8;
	s6 =	sand.u32 $0x1, s3;
	s11 =	smul.u32 $0x50000, s12  }
0x6: {  	s4 =	sshll.u32 s12, $0x1;
	s3 =	simm.s32 $0x0;
	s18 =	smul.u32 $0x14000, s12  }
0x7: {  	s8 =	sadd.s32 $0x3A00, s0;
	s21 =	smul.u32 $0x4E20, s12;
	p0 =	seq.s32 s12, $0xF  }
0x8: {  	s12 =	simm.s32 $0x5;
	s7 =	sor.u32 s6, s4;
	s15 =	smul.u32 $0x138800, s6  }
0x9: {  	[smem:$0x7FF] =	sst s3;
	s9 =	ssub.s32 $0x2, s6;
	s6 =	smul.u32 $0x2710, s6  }
0xa: {  	s4 =	sadd.s32 $0xE200, s0;
	s0 =	sadd.s32 $0x5C600, s0;
	s5 =	smul.u32 $0x2710, s7  }
0xb: {  	s10 =	sshrl.u32 s9, $0x1;
	s7 =	sshll.u32 s7, $0xB;
	s11 =	sshrl.u32 s11, $0x2  }
0xc: {  	s9 =	ssub.s32 s9, s10;
	s1 =	sadd.s32 s1, s7;
	s10 =	sadd.s32 s11, s2  }
0xd: {  	_ =	strace $0x8000004A;
	[dreg:$0x8] =	wrdreg s1;
	s13 =	sadd.s32 $0x2800, s10  }
0xe: {  	s7 =	sadd.s32 s18, s15;
	s14 =	sadd.s32 $0x5000, s10;
	[dreg:$0x9] =	wrdreg s13  }
0xf: {  	s24 =	sadd.s32 s6, s21;
	s16 =	sadd.s32 $0x7800, s10;
	[dreg:$0xa] =	wrdreg s14  }
0x10: {  	s11 =	simm.s32 $0x4;
	s17 =	sadd.s32 $0xA000, s10;
	[dreg:$0xb] =	wrdreg s16  }
0x11: {  	s5 =	sshrl.u32 s5, $0x3;
	s19 =	sadd.s32 $0xC800, s10;
	[dreg:$0xc] =	wrdreg s17  }
0x12: {  	s20 =	sadd.s32 $0xF000, s10;
	s1 =	sshrl.u32 s15, $0x3;
	[dreg:$0xd] =	wrdreg s19  }
0x13: {  	s22 =	sadd.s32 $0x11800, s10;
	s7 =	sshrl.u32 s7, $0x3;
	[dreg:$0xe] =	wrdreg s20  }
0x14: {  	s6 =	sadd.s32 $0x190, s24;
	s5 =	sadd.s32 s8, s5;
	[dreg:$0xf] =	wrdreg s22  }
0x15: {  	s1 =	sadd.s32 s0, s1;
	s0 =	sadd.s32 s0, s7;
	s6 =	sshrl.u32 s6, $0x3  }
0x16: {  	s19 =	simm.s32 $0x138C0;
	s20 =	simm.s32 $0x13940;
	[dreg:$0x4] =	wrdreg s5  }
0x17: {  	s7 =	simm.s32 $0x1;
	s25 =	sadd.s32 $0xA, s5;
	[dreg:$0x10] =	wrdreg s0  }
0x18: {  	s13 =	simm.s32 $0x0;
	s26 =	sadd.s32 $0x14, s5;
	[dreg:$0x5] =	wrdreg s25  }
0x19: {  	s5 =	sadd.s32 $0x1E, s5;
	s23 =	sadd.s32 $0x25800, s1;
	[dreg:$0x6] =	wrdreg s26  }
0x1a: {  	s0 =	sadd.s32 $0x140, s24;
	s17 =	sadd.s32 s6, s8;
	[dreg:$0x7] =	wrdreg s5  }
.Ltmp0:
0x1b: {  	s6 =	simm.s32 $0xB;
	[dreg:$0x11] =	wrdreg s23;
	(pc) =	sbr.rel .LBB2_1-.Ltmp0, $4  }
0x1c: {  	s25 =	smax.u32 s9, $0x1;
	s26 =	sadd.s32 $0x1E0, s24;
	s0 =	sshrl.u32 s0, $0x3  }
0x1d: {  	s9 =	simm.s32 $0x2;
	[dreg:$0x12] =	wrdreg s25;
	s1 =	sshrl.u32 s26, $0x3  }
0x1e: {  	s16 =	sadd.s32 s0, s8;
	s0 =	simm.s32 $0x1CAC0;
	s26 =	simm.s32 $0x7  }
0x1f: {  	v0 =	vimm.f32 $0.0e+00;
	s18 =	sadd.s32 s1, s8;
	s1 =	simm.s32 $0x1A2C0;
	s8 =	simm.s32 $0x17840  }
.LBB2_8:
0x20: {  	_ =	swait.ge [sflag:s12], $0x2800  }
0x21: {  	[sflag:s12] =	ssyncset.done $0x0  }
0x22: {  	[sflag:s12] =	ssyncadd.s32 $0xFFFFD800  }
0x23: {  	[bflag:$0x0] =	sbarrier.arrive $0xFFFF  }
0x24: {  	s5 =	sshrl.u32 @p0 s10, $0x3;
	s14 =	simm.s32 @p0 $0x1FCC;
	s15 =	rddreg [dreg:$0x11]  }
0x25: {  	[hbm:s15], [sflag:s14] =	dma.local @p0 [spmem:s5], $0x1900  }
0x26: {  	s5 =	simm.s32 @p0 $0xC  }
0x27: {  	s14 =	stileid.u32;
	_ =	swait.ge @p0 [sflag:s5], $0x1900  }
0x28: {  	s14 =	sshll.u32 @!p0 s14, $0x6;
	[sflag:s5] =	ssyncset.done @p0 $0x0;
	s15 =	rddreg [dreg:$0x10]  }
0x29: {  	[sflag:s5] =	ssyncadd.s32 @p0 $0xFFFFE700;
	s5 =	sor.u32 @!p0 $0x1C0C, s14;
	s14 =	sshrl.u32 @!p0 s10, $0x3  }
0x2a: {  	[hbm:s15], [sflag:s5] =	dma.local @!p0 [spmem:s14], $0x2800  }
0x2b: {  	s5 =	simm.s32 @!p0 $0xC  }
0x2c: {  	_ =	swait.ge @!p0 [sflag:s5], $0x2800  }
0x2d: {  	s13 =	sadd.s32 $0x1, s13;
	s25 =	rddreg [dreg:$0x12]  }
0x2e: {  	p1 =	sne.s32 s13, s25  }
.Ltmp1:
0x2f: {  	_ = 	snop;
	(pc) =	sbr.rel @!p1 .LBB2_9-.Ltmp1, $3  }
0x30: {  	_ =	sdelay $0x1  }
0x31: {  	[sflag:s5] =	ssyncset.done @!p0 $0x0  }
0x32: {  	s19 =	simm.s32 $0x138C0;
	s20 =	simm.s32 $0x13940;
	[sflag:s5] =	ssyncadd.s32 @!p0 $0xFFFFD800  }
.LBB2_1:
0x33: {  	s5 =	rddreg [dreg:$0x4]  }
0x34: {  	s15 =	rddreg [dreg:$0x5]  }
0x35: {  	[tilespmem:s19], [sflag:$0x7] =	stream.linear.gather [hbm4b:s5+s3], $0x50, $0x38;
	[tilespmem:$0x1F2C0] =	vst v63  }
0x36: {  	s21 =	rddreg [dreg:$0x6]  }
0x37: {  	[tilespmem:s20], [sflag:$0x8] =	stream.linear.gather [hbm4b:s15+s3], $0x50, $0x38;
	[tilespmem:$0x1F2C0] =	vst v63  }
0x38: {  	s14 =	simm.s32 $0x139C0;
	s22 =	rddreg [dreg:$0x7]  }
0x39: {  	[tilespmem:s14], [sflag:$0x9] =	stream.linear.gather [hbm4b:s21+s3], $0x50, $0x38;
	[tilespmem:$0x1F2C0] =	vst v63  }
0x3a: {  	s23 =	simm.s32 $0x13A40;
	s24 =	rddreg [dreg:$0x8]  }
0x3b: {  	[tilespmem:s23], [sflag:$0xA] =	stream.linear.gather [hbm4b:s22+s3], $0x50, $0x38;
	[tilespmem:$0x1F2C0] =	vst v63  }
0x3c: {  	s25 =	simm.s32 $0x13AC0;
	s15 =	simm.s32 $0x200;
	s14 =	simm.s32 $0x0  }
0x3d: {  	[tilespmem:s25], [sflag:$0xB] =	stream.linear.gather [hbm4b:s24+s3], $0x3E80, $0x38;
	[tilespmem:$0x1F2C0] =	vst v63  }
.LBB2_2:
0x3e: {  	p1 =	sne.s32 s15, $0x9E00;
	[tilespmem:s14+$0x1CB30] =	vst v0  }
0x3f: {  	[tilespmem:s14+$0x17AC0] =	vst v0  }
0x40: {  	[tilespmem:s14+$0x17AD0] =	vst v0  }
0x41: {  	[tilespmem:s14+$0x17AE0] =	vst v0  }
0x42: {  	[tilespmem:s14+$0x17AF0] =	vst v0  }
0x43: {  	[tilespmem:s14+$0x17B00] =	vst v0  }
0x44: {  	[tilespmem:s14+$0x17B10] =	vst v0  }
0x45: {  	[tilespmem:s14+$0x17B20] =	vst v0  }
0x46: {  	[tilespmem:s14+$0x17B30] =	vst v0  }
0x47: {  	[tilespmem:s14+$0x1A2C0] =	vst v0  }
0x48: {  	[tilespmem:s14+$0x1A2D0] =	vst v0  }
0x49: {  	[tilespmem:s14+$0x1A2E0] =	vst v0  }
0x4a: {  	[tilespmem:s14+$0x1A2F0] =	vst v0  }
0x4b: {  	[tilespmem:s14+$0x1A300] =	vst v0  }
0x4c: {  	[tilespmem:s14+$0x1A310] =	vst v0  }
0x4d: {  	[tilespmem:s14+$0x1A320] =	vst v0  }
0x4e: {  	[tilespmem:s14+$0x1A330] =	vst v0  }
0x4f: {  	[tilespmem:s14+$0x1CAC0] =	vst v0  }
0x50: {  	[tilespmem:s14+$0x1CAD0] =	vst v0  }
.Ltmp2:
0x51: {  	[tilespmem:s14+$0x1CAE0] =	vst v0;
	(pc) =	sbr.rel @p1 .LBB2_2-.Ltmp2, $4  }
0x52: {  	[tilespmem:s14+$0x1CAF0] =	vst v0  }
0x53: {  	[tilespmem:s14+$0x1CB00] =	vst v0  }
0x54: {  	[tilespmem:s14+$0x1CB10] =	vst v0  }
0x55: {  	[tilespmem:s14+$0x1CB20] =	vst v0;
	s14 =	sshra.s32 s15, $0x2;
	s15 =	sadd.s32 $0x200, s15  }
0x56: {  	[tilespmem:s14+$0x1CB30] =	vst v0  }
0x57: {  	[tilespmem:s14+$0x17AC0] =	vst v0  }
0x58: {  	[tilespmem:s14+$0x17AD0] =	vst v0  }
0x59: {  	[tilespmem:s14+$0x17AE0] =	vst v0  }
0x5a: {  	[tilespmem:s14+$0x17AF0] =	vst v0  }
0x5b: {  	[tilespmem:s14+$0x17B00] =	vst v0  }
0x5c: {  	[tilespmem:s14+$0x17B10] =	vst v0  }
0x5d: {  	[tilespmem:s14+$0x17B20] =	vst v0  }
0x5e: {  	[tilespmem:s14+$0x17B30] =	vst v0  }
0x5f: {  	[tilespmem:s14+$0x1A2C0] =	vst v0  }
0x60: {  	[tilespmem:s14+$0x1A2D0] =	vst v0  }
0x61: {  	[tilespmem:s14+$0x1A2E0] =	vst v0  }
0x62: {  	[tilespmem:s14+$0x1A2F0] =	vst v0  }
0x63: {  	[tilespmem:s14+$0x1A300] =	vst v0  }
0x64: {  	[tilespmem:s14+$0x1A310] =	vst v0  }
0x65: {  	[tilespmem:s14+$0x1A320] =	vst v0  }
0x66: {  	[tilespmem:s14+$0x1A330] =	vst v0  }
0x67: {  	[tilespmem:s14+$0x1CAC0] =	vst v0  }
0x68: {  	[tilespmem:s14+$0x1CAD0] =	vst v0  }
0x69: {  	[tilespmem:s14+$0x1CAE0] =	vst v0  }
0x6a: {  	[tilespmem:s14+$0x1CAF0] =	vst v0  }
0x6b: {  	[tilespmem:s14+$0x1CB00] =	vst v0  }
0x6c: {  	[tilespmem:s14+$0x1CB10] =	vst v0  }
0x6d: {  	[tilespmem:s14+$0x1CB20] =	vst v0  }
0x6e: {  	[spmem:s10] =	stream.linear.scatter [tilespmem:s30], [sflag:$0xC], $0x2800, $0x38;
	[tilespmem:$0x1F2C0] =	vst v63  }
0x6f: {  	_ =	swait.ge [sflag:s31], $0x2800  }
0x70: {  	[sflag:s31] =	ssyncset.done $0x0  }
0x71: {  	s5 =	rddreg [dreg:$0x9];
	[sflag:s31] =	ssyncadd.s32 $0xFFFFD800  }
0x72: {  	[spmem:s5] =	stream.linear.scatter [tilespmem:s1], [sflag:$0xC], $0x2800, $0x38;
	[tilespmem:$0x1F2C0] =	vst v63  }
0x73: {  	_ =	swait.ge [sflag:s31], $0x2800  }
0x74: {  	[sflag:s31] =	ssyncset.done $0x0  }
0x75: {  	s23 =	rddreg [dreg:$0xa];
	[sflag:s31] =	ssyncadd.s32 $0xFFFFD800  }
0x76: {  	[spmem:s23] =	stream.linear.scatter [tilespmem:s0], [sflag:$0xC], $0x2800, $0x38;
	[tilespmem:$0x1F2C0] =	vst v63  }
0x77: {  	_ =	swait.ge [sflag:s31], $0x2800  }
0x78: {  	[sflag:s31] =	ssyncset.done $0x0  }
0x79: {  	s24 =	rddreg [dreg:$0xb];
	[sflag:s31] =	ssyncadd.s32 $0xFFFFD800  }
0x7a: {  	[spmem:s24] =	stream.linear.scatter [tilespmem:s30], [sflag:$0xC], $0x2800, $0x38;
	[tilespmem:$0x1F2C0] =	vst v63  }
0x7b: {  	_ =	swait.ge [sflag:s31], $0x2800  }
0x7c: {  	[sflag:s31] =	ssyncset.done $0x0  }
0x7d: {  	s25 =	rddreg [dreg:$0xc];
	[sflag:s31] =	ssyncadd.s32 $0xFFFFD800  }
0x7e: {  	[spmem:s25] =	stream.linear.scatter [tilespmem:s1], [sflag:$0xC], $0x2800, $0x38;
	[tilespmem:$0x1F2C0] =	vst v63  }
0x7f: {  	_ =	swait.ge [sflag:s31], $0x2800  }
0x80: {  	[sflag:s31] =	ssyncset.done $0x0  }
0x81: {  	s14 =	simm.s32 @!p0 $0x1CAC0;
	s5 =	rddreg [dreg:$0xd];
	[sflag:s31] =	ssyncadd.s32 $0xFFFFD800  }
0x82: {  	[spmem:s5] =	stream.linear.scatter @!p0 [tilespmem:s14], [sflag:$0xC], $0x2800, $0x38;
	[tilespmem:$0x1F2C0] =	vst v63  }
0x83: {  	s14 =	simm.s32 @!p0 $0xC  }
0x84: {  	_ =	swait.ge @!p0 [sflag:s14], $0x2800  }
0x85: {  	[sflag:s14] =	ssyncset.done @!p0 $0x0  }
0x86: {  	s15 =	simm.s32 @!p0 $0x17AC0;
	s5 =	rddreg [dreg:$0xe];
	[sflag:s14] =	ssyncadd.s32 @!p0 $0xFFFFD800  }
0x87: {  	[spmem:s5] =	stream.linear.scatter @!p0 [tilespmem:s15], [sflag:$0xC], $0x2800, $0x38;
	[tilespmem:$0x1F2C0] =	vst v63  }
0x88: {  	_ =	swait.ge @!p0 [sflag:s14], $0x2800  }
0x89: {  	[sflag:s14] =	ssyncset.done @!p0 $0x0  }
0x8a: {  	s15 =	simm.s32 @!p0 $0x1A2C0;
	s5 =	rddreg [dreg:$0xf];
	[sflag:s14] =	ssyncadd.s32 @!p0 $0xFFFFD800  }
0x8b: {  	[spmem:s5] =	stream.linear.scatter @!p0 [tilespmem:s15], [sflag:$0xC], $0x2800, $0x38;
	[tilespmem:$0x1F2C0] =	vst v63  }
0x8c: {  	_ =	swait.ge @!p0 [sflag:s14], $0x2800  }
0x8d: {  	[sflag:s14] =	ssyncset.done @!p0 $0x0  }
0x8e: {  	[sflag:s14] =	ssyncadd.s32 @!p0 $0xFFFFD800  }
0x8f: {  	[bflag:$0x0] =	sbarrier.arrive $0xFFFF  }
0x90: {  	_ =	swait.ge [sflag:s26], $0x50  }
0x91: {  	[sflag:s26] =	ssyncset.done $0x0  }
0x92: {  	[sflag:s26] =	ssyncadd.s32 $0xFFFFFFB0  }
0x93: {  	[tilespmem:s30], [sflag:$0x1] =	stream.indirect.gather [hbm4b:s4+s28], $0x80, s19, s28, $0xb8;
	[tilespmem:$0x1F2C0] =	vst v63  }
0x94: {  	_ =	swait.ge [sflag:s29], $0x50  }
0x95: {  	[sflag:s29] =	ssyncset.done $0x0  }
.Ltmp3:
0x96: {  	[sflag:s29] =	ssyncadd.s32 $0xFFFFFFB0;
	(pc) =	sbr.rel .LBB2_4-.Ltmp3, $4  }
0x97: {  	[tilespmem:s1], [sflag:$0x2] =	stream.indirect.gather [hbm4b:s4+s28], $0x80, s20, s28, $0xb8;
	[tilespmem:$0x1F2C0] =	vst v63  }
0x98: {  	s22 =	smov.u32 s17;
	s21 =	smov.u32 s18;
	_ =	swait.ge [sflag:s6], $0x3E80  }
0x99: {  	s23 =	smov.u32 s16;
	s15 =	simm.s32 $0x13AC0;
	[sflag:s6] =	ssyncset.done $0x0  }
0x9a: {  	s14 =	simm.s32 $0x0;
	s19 =	simm.s32 $0x0;
	[sflag:s6] =	ssyncadd.s32 $0xFFFFC180  }
.LBB2_6:
0x9b: {  	s20 =	sand.u32 $0x3, s14  }
0x9c: {  	s5 =	sxor.u32 $0x2, s20  }
0x9d: {  	s24 =	sadd.s32 $0x7, s5  }
0x9e: {  	_ =	swait.ge [sflag:s24], $0x50  }
0x9f: {  	s5 =	sshll.u32 s5, $0x7;
	[sflag:s24] =	ssyncset.done $0x0  }
0xa0: {  	s5 =	sadd.s32 $0x138C0, s5;
	[sflag:s24] =	ssyncadd.s32 $0xFFFFFFB0  }
0xa1: {  	[tilespmem:s0], [sflag:$0x3] =	stream.indirect.gather [hbm4b:s4+s28], $0x80, s5, s28, $0xb8;
	[tilespmem:$0x1F2C0] =	vst v63  }
0xa2: {  	s25 =	sshll.u32 s20, $0x7  }
0xa3: {  	[spmem:s2] =	stream.indirect.scatter.add.f32 [tilespmem:s30], [sflag:$0x4], $0x80, s15, s28, $0xb8;
	[tilespmem:$0x1F2C0] =	vst v63  }
0xa4: {  	p1 =	por $0x0, $0x0;
	s20 =	sadd.s32 $0x7, s20;
	s5 =	sadd.s32 $0x138C0, s25  }
0xa5: {  	[tilespmem:s5], [sflag:s20] =	stream.linear.gather [hbm4b:s23+s3], $0x50, $0x38;
	[tilespmem:$0x1F2C0] =	vst v63  }
.LBB2_7:
0xa6: {  	_ =	swait.ge [sflag:s9], $0x2800  }
0xa7: {  	[sflag:s9] =	ssyncset.done $0x0  }
0xa8: {  	[sflag:s9] =	ssyncadd.s32 $0xFFFFD800  }
0xa9: {  	s5 =	sadd.s32 @!p1 $0xFFFFFFFF, s14;
	_ =	swait.ge [sflag:s11], $0x2800  }
0xaa: {  	s5 =	sand.u32 @!p1 $0x3, s5;
	[sflag:s11] =	ssyncset.done $0x0  }
0xab: {  	s20 =	sadd.s32 @!p1 $0x7, s5;
	[sflag:s11] =	ssyncadd.s32 $0xFFFFD800  }
0xac: {  	_ =	swait.ge @!p1 [sflag:s20], $0x50  }
0xad: {  	s24 =	simm.s32 @!p1 $0x17AC0;
	s5 =	sshll.u32 @!p1 s5, $0x7;
	[sflag:s20] =	ssyncset.done @!p1 $0x0  }
0xae: {  	s5 =	sadd.s32 @!p1 $0x138C0, s5;
	[sflag:s20] =	ssyncadd.s32 @!p1 $0xFFFFFFB0;
	s20 =	simm.s32 @!p1 $0x50  }
0xaf: {  	[tilespmem:s24], [sflag:$0x1] =	stream.indirect.gather @!p1 [hbm4b:s4+s20], $0x80, s5, s20, $0xb8;
	[tilespmem:$0x1F2C0] =	vst v63  }
0xb0: {  	p2 =	sgt.u32 s19, $0x27;
	s5 =	sadd.s32 $0x1, s14  }
0xb1: {  	s25 =	sadd.s32 $0x80, s15;
	s5 =	sand.u32 @!p2 $0x3, s5  }
0xb2: {  	[spmem:s2] =	stream.indirect.scatter.add.f32 [tilespmem:s1], [sflag:$0x5], $0x80, s25, s28, $0xb8;
	[tilespmem:$0x1F2C0] =	vst v63  }
0xb3: {  	s24 =	sshll.u32 @!p2 s5, $0x7  }
0xb4: {  	s5 =	sadd.s32 @!p2 $0x7, s5;
	s25 =	simm.s32 @!p2 $0x0;
	s24 =	sadd.s32 @!p2 $0x138C0, s24  }
0xb5: {  	[tilespmem:s24], [sflag:s5] =	stream.linear.gather @!p2 [hbm4b:s22+s25], $0x50, $0x38;
	[tilespmem:$0x1F2C0] =	vst v63  }
0xb6: {  	s5 =	simm.s32 @!p1 $0x3  }
0xb7: {  	_ =	swait.ge @!p1 [sflag:s5], $0x2800  }
0xb8: {  	[sflag:s5] =	ssyncset.done @!p1 $0x0  }
0xb9: {  	[sflag:s5] =	ssyncadd.s32 @!p1 $0xFFFFD800;
	s5 =	simm.s32 @!p1 $0x5  }
0xba: {  	_ =	swait.ge @!p1 [sflag:s5], $0x2800  }
0xbb: {  	s24 =	sand.u32 @!p1 $0x3, s14;
	[sflag:s5] =	ssyncset.done @!p1 $0x0  }
0xbc: {  	[sflag:s5] =	ssyncadd.s32 @!p1 $0xFFFFD800;
	s5 =	sadd.s32 @!p1 $0x7, s24  }
0xbd: {  	_ =	swait.ge @!p1 [sflag:s5], $0x50  }
0xbe: {  	s24 =	sshll.u32 @!p1 s24, $0x7;
	[sflag:s5] =	ssyncset.done @!p1 $0x0  }
0xbf: {  	s24 =	sadd.s32 @!p1 $0x138C0, s24;
	[sflag:s5] =	ssyncadd.s32 @!p1 $0xFFFFFFB0;
	s5 =	simm.s32 @!p1 $0x1A2C0  }
0xc0: {  	[tilespmem:s5], [sflag:$0x2] =	stream.indirect.gather @!p1 [hbm4b:s4+s20], $0x80, s24, s20, $0xb8;
	[tilespmem:$0x1F2C0] =	vst v63  }
0xc1: {  	p2 =	sgt.u32 @!p1 s19, $0x27;
	s5 =	sadd.s32 @!p1 $0x100, s15;
	s24 =	simm.s32 @!p1 $0x1CAC0  }
0xc2: {  	[spmem:s2] =	stream.indirect.scatter.add.f32 @!p1 [tilespmem:s24], [sflag:$0x6], $0x80, s5, s20, $0xb8;
	[tilespmem:$0x1F2C0] =	vst v63  }
0xc3: {  	s5 =	sadd.s32 $0x2, s14;
	p1 =	por p2, p1  }
0xc4: {  	s5 =	sand.u32 @!p1 $0x3, s5  }
0xc5: {  	s14 =	sadd.s32 $0x3, s14;
	s20 =	sshll.u32 @!p1 s5, $0x7  }
0xc6: {  	s24 =	simm.s32 @!p1 $0x0;
	s5 =	sadd.s32 @!p1 $0x7, s5;
	s20 =	sadd.s32 @!p1 $0x138C0, s20  }
0xc7: {  	[tilespmem:s20], [sflag:s5] =	stream.linear.gather @!p1 [hbm4b:s21+s24], $0x50, $0x38;
	[tilespmem:$0x1F2C0] =	vst v63  }
0xc8: {  	p1 =	sne.s32 s14, $0x7E  }
.Ltmp4:
0xc9: {  	_ = 	snop;
	(pc) =	sbr.rel @!p1 .LBB2_8-.Ltmp4, $3  }
0xca: {  	_ =	sdelay $0x1  }
0xcb: {  	s23 =	sadd.s32 $0x1E, s23;
	s19 =	sadd.s32 $0x1, s19  }
0xcc: {  	s22 =	sadd.s32 $0x1E, s22;
	s15 =	sadd.s32 $0x180, s15;
	s21 =	sadd.s32 $0x1E, s21  }
.LBB2_4:
0xcd: {  	p1 =	seq.s32 s14, $0x0  }
0xce: {  	p2 =	sne.s32 @!p1 s14, $0x7B  }
0xcf: {  	_ =	swait.ge [sflag:s7], $0x2800;
	p2 =	por p1, p2  }
.Ltmp5:
0xd0: {  	[sflag:s7] =	ssyncset.done $0x0;
	(pc) =	sbr.rel @p2 .LBB2_6-.Ltmp5, $4  }
0xd1: {  	s20 =	simm.s32 @!p1 $0x6;
	[sflag:s7] =	ssyncadd.s32 $0xFFFFD800  }
0xd2: {  	_ =	swait.ge @!p1 [sflag:s20], $0x2800  }
0xd3: {  	[sflag:s20] =	ssyncset.done @!p1 $0x0  }
0xd4: {  	[sflag:s20] =	ssyncadd.s32 @!p1 $0xFFFFD800  }
.Ltmp6:
0xd5: {  	(pc) =	sbr.rel .LBB2_7-.Ltmp6, $3  }
0xd6: {  	_ =	sdelay $0x1  }
0xd7: {  	[spmem:s2] =	stream.indirect.scatter.add.f32 [tilespmem:s30], [sflag:$0x4], $0x80, s8, s28, $0xb8;
	[tilespmem:$0x1F2C0] =	vst v63  }
0xd8: {  	p1 =	por $0x1, $0x1  }
.LBB2_9:
0xd9: {  	_ =	sfence.sel $0x180000  }
0xda: {  	[bflag:$0x0] =	sbarrier.arrive $0xFFFF  }
0xdb: {  	_ =	strace $0x9000004A  }
0xdc: {  	s0 =	stileid.u32;
	[bflag:$0x2] =	sbarrier.arrive $0xFFFF  }
0xdd: {  	p0 =	sne.s32 s0, $0x0;
	s0 =	rddreg [dreg:$0x3]  }
0xde: {  	s0 =	sadd.s32 @!p0 $0x100000, s0  }
0xdf: {  	[sflag:s0] =	ssyncadd.tile.s32 @!p0 $0x1;
	_ =	shalt  }
.Lfunc_end2:
_tile_overlayer_lowered:
.L_overlay_start_2:
0xe0: {  	(tag) =	ssettag $0x2  }
0xe1: {  	s0 =	rddreg [dreg:$0x0];
	s2 =	stileid.u32  }
0xe2: {  	s1 =	rddreg [dreg:$0x1];
	p0 =	sne.s32 s2, $0x0  }
0xe3: {  	s3 =	rddreg [dreg:$0x2];
	[bflag:$0x3] =	sbarrier.arrive $0xFFFF;
	s2 =	simm.s32 @!p0 $0x1C0C  }
0xe4: {  	[timem:s3], [sflag:s2] =	dma.local @!p0 [hbm:s0], s1  }
0xe5: {  	s0 =	simm.s32 @!p0 $0xC  }
0xe6: {  	_ =	swait.ge @!p0 [sflag:s0], s1  }
0xe7: {  	s1 =	ssub.s32 @!p0 $0x0, s1;
	[sflag:s0] =	ssyncset.done @!p0 $0x0  }
0xe8: {  	[sflag:s0] =	ssyncadd.s32 @!p0 s1  }
0xe9: {  	[bflag:$0x3] =	sbarrier.arrive $0xFFFF  }
0xea: {  	_ =	shalt  }

// kernel: kernel.16.cloned.1.call-start
scs
__scs_entry_jumppad:
0x0: {  	(pc) =	sbr.rel $0x88, $3  }
0x1: {  	(tag) =	ssettag $0x0;
	lr =	simm.s32 $0x1  }
0x2: {  	[smem:$0x3F96] =	sst lr;
	_ =	strace $0xD0000000  }
0x3: {  	_ = 	snop  }
0x4: {  	_ = 	snop  }
0x5: {  	_ = 	snop  }
0x6: {  	_ = 	snop  }
0x7: {  	_ = 	snop  }
__scs_overlays_trampoline_lowered:
0x8: {  	[smem:$0x3FA5] =	sst s0  }
0x9: {  	[smem:$0x3FA6] =	sst s1  }
0xa: {  	[smem:$0x3FA7] =	sst s2  }
0xb: {  	[smem:$0x3FA8] =	sst s3  }
0xc: {  	[smem:$0x3FA9] =	sst s4  }
0xd: {  	[smem:$0x3FAA] =	sst s5  }
0xe: {  	[smem:$0x3FAB] =	sst s6  }
0xf: {  	[smem:$0x3FAC] =	sst s7  }
0x10: {  	[smem:$0x3FAD] =	sst s8  }
0x11: {  	[smem:$0x3FAE] =	sst s9;
	s0 =	simm.s32 @!p0 $0x0  }
0x12: {  	s1 =	sld [smem:$0x3F94];
	s0 =	simm.s32 @p0 $0x1  }
0x13: {  	[smem:$0x3FAF] =	sst s0;
	s0 =	simm.s32 @!p1 $0x0  }
0x14: {  	s2 =	sld [smem:$0x3F93];
	s0 =	simm.s32 @p1 $0x1  }
0x15: {  	[smem:$0x3FB0] =	sst s0;
	s0 =	simm.s32 @!p2 $0x0  }
0x16: {  	s3 =	sld [smem:$0x3FDB];
	s0 =	simm.s32 @p2 $0x1  }
0x17: {  	s4 =	simm.s32 $0x1BF5;
	[smem:$0x3FB2] =	sst s0  }
0x18: {  	s0 =	sld [smem:$0x3F95];
	_ =	swait.ge [sflag:s4], $0x0  }
0x19: {  	s7 =	sld [smem:$0x3F96]  }
0x1a: {  	s8 =	sadd.s32 $0xFFFFE003, lr  }
0x1b: {  	s9 =	sadd.s32 $0xFFFFFEF7, lr;
	s5 =	simm.s32 $0xFFFFFFFF;
	p2 =	slt.u32 s8, $0xFFFFF086  }
0x1c: {  	p1 =	slt.u32 s9, $0xF7A;
	s5 =	simm.s32 @!p2 $0x0  }
0x1d: {  	s5 =	simm.s32 @p1 $0x1;
	p0 =	seq.s32 s7, s2  }
0x1e: {  	s7 =	smul.u32 @!p0 $0xF7A, s2;
	p2 =	seq.s32 @!p0 s5, $0x0  }
0x1f: {  	s9 =	smul.u32 $0xF7A, s1;
	s8 =	simm.s32 @!p0 $0x1BF5;
	p2 =	por !p2, p0  }
0x20: {  	[sflag:s8] =	ssyncset.s32 @!p0 $0xFFFFF086;
	s6 =	sadd.s32 @!p0 s3, s7;
	s7 =	simm.s32 @!p0 $0x108  }
0x21: {  	s3 =	sadd.s32 s3, s9;
	s6 =	sadd.s32 @!p0 $0x88, s6;
	s7 =	simm.s32 @p2 $0x1082  }
0x22: {  	[simem:s7], [sflag:s8] =	dma.local @!p0 [hbm:s6], $0xF7A  }
0x23: {  	s9 =	sor.u32 $0xD0000000, s2;
	s6 =	simm.s32 $0x108;
	_ =	swait.ge @!p0 [sflag:s8], $0x0  }
0x24: {  	s3 =	sadd.s32 $0x88, s3;
	s6 =	simm.s32 @!p1 $0x1082;
	[sflag:s4] =	ssyncset.s32 $0xFFFFF086  }
0x25: {  	[simem:s6], [sflag:s4] =	dma.local [hbm:s3], $0xF7A  }
0x26: {  	[smem:$0x3F96] =	sst s1;
	(tag) =	ssettag s2;
	_ =	strace s9  }
0x27: {  	s1 =	sld [smem:$0x3FA6]  }
0x28: {  	s2 =	sld [smem:$0x3FA7]  }
0x29: {  	s4 =	sld [smem:$0x3FA9]  }
0x2a: {  	p0 =	seq.s32 s5, $0x0;
	s5 =	sld [smem:$0x3FAA]  }
0x2b: {  	s6 =	sld [smem:$0x3FAB]  }
0x2c: {  	s7 =	sld [smem:$0x3FAC]  }
0x2d: {  	s3 =	simm.s32 $0x108;
	s8 =	sld [smem:$0x3FAD]  }
0x2e: {  	s3 =	simm.s32 @!p0 $0x1082;
	s9 =	sld [smem:$0x3FAE]  }
0x2f: {  	lr =	sadd.s32 s0, s3;
	s0 =	sld [smem:$0x3FA5]  }
0x30: {  	s3 =	sld [smem:$0x3FA8]  }
0x31: {  	[smem:$0x3FB1] =	sst s10  }
0x32: {  	s10 =	sld [smem:$0x3FAF];
	_ =	sdelay $0x3  }
0x33: {  	p0 =	seq.s32 s10, $0x1;
	s10 =	sld [smem:$0x3FB1];
	_ =	sdelay $0x3  }
0x34: {  	[smem:$0x3FB1] =	sst s10  }
0x35: {  	s10 =	sld [smem:$0x3FB0];
	_ =	sdelay $0x3  }
0x36: {  	p1 =	seq.s32 s10, $0x1;
	s10 =	sld [smem:$0x3FB1];
	_ =	sdelay $0x3  }
0x37: {  	[smem:$0x3FB1] =	sst s10  }
0x38: {  	s10 =	sld [smem:$0x3FB2]  }
0x39: {  	_ = 	snop;
	(pc) =	sbr.ind lr, $3  }
0x3a: {  	_ = 	snop  }
0x3b: {  	_ = 	snop  }
0x3c: {  	p2 =	seq.s32 s10, $0x1;
	s10 =	sld [smem:$0x3FB1]  }
0x3d: {  	_ =	shalt  }
0x3e: {  	_ =	shalt  }
0x3f: {  	_ =	shalt  }
0x40: {  	_ =	shalt  }
0x41: {  	_ =	shalt  }
0x42: {  	_ =	shalt  }
0x43: {  	_ =	shalt  }
0x44: {  	_ =	shalt  }
0x45: {  	_ =	shalt  }
0x46: {  	_ =	shalt  }
0x47: {  	_ =	shalt  }
0x48: {  	_ =	shalt  }
0x49: {  	_ =	shalt  }
0x4a: {  	_ =	shalt  }
0x4b: {  	_ =	shalt  }
0x4c: {  	_ =	shalt  }
0x4d: {  	_ =	shalt  }
0x4e: {  	_ =	shalt  }
0x4f: {  	_ =	shalt  }
0x50: {  	_ =	shalt  }
0x51: {  	_ =	shalt  }
0x52: {  	_ =	shalt  }
0x53: {  	_ =	shalt  }
0x54: {  	_ =	shalt  }
0x55: {  	_ =	shalt  }
0x56: {  	_ =	shalt  }
0x57: {  	_ =	shalt  }
0x58: {  	_ =	shalt  }
0x59: {  	_ =	shalt  }
0x5a: {  	_ =	shalt  }
0x5b: {  	_ =	shalt  }
0x5c: {  	_ =	shalt  }
0x5d: {  	_ =	shalt  }
0x5e: {  	_ =	shalt  }
0x5f: {  	_ =	shalt  }
0x60: {  	_ =	shalt  }
0x61: {  	_ =	shalt  }
0x62: {  	_ =	shalt  }
0x63: {  	_ =	shalt  }
0x64: {  	_ =	shalt  }
0x65: {  	_ =	shalt  }
0x66: {  	_ =	shalt  }
0x67: {  	_ =	shalt  }
0x68: {  	_ =	shalt  }
0x69: {  	_ =	shalt  }
0x6a: {  	_ =	shalt  }
0x6b: {  	_ =	shalt  }
0x6c: {  	_ =	shalt  }
0x6d: {  	_ =	shalt  }
0x6e: {  	_ =	shalt  }
0x6f: {  	_ =	shalt  }
0x70: {  	_ =	shalt  }
0x71: {  	_ =	shalt  }
0x72: {  	_ =	shalt  }
0x73: {  	_ =	shalt  }
0x74: {  	_ =	shalt  }
0x75: {  	_ =	shalt  }
0x76: {  	_ =	shalt  }
0x77: {  	_ =	shalt  }
0x78: {  	_ =	shalt  }
0x79: {  	_ =	shalt  }
0x7a: {  	_ =	shalt  }
0x7b: {  	_ =	shalt  }
0x7c: {  	_ =	shalt  }
0x7d: {  	_ =	shalt  }
0x7e: {  	_ =	shalt  }
0x7f: {  	_ =	shalt  }
0x80: {  	_ =	shalt  }
0x81: {  	_ =	shalt  }
0x82: {  	_ =	shalt  }
0x83: {  	_ =	shalt  }
0x84: {  	_ =	shalt  }
0x85: {  	_ =	shalt  }
0x86: {  	_ =	shalt  }
0x87: {  	_ =	shalt  }
.Lfunc_end0:
.L_simem_size_0:
called_computation.2_lowered:
.L_overlay_start_0:
0x88: {  	s2 =	sld [smem:$0x3FD9]  }
0x89: {  	s3 =	sld [smem:$0x3FFE];
	_ =	sdelay $0x1  }
0x8a: {  	s1 =	srdreg.scid  }
0x8b: {  	s0 =	sand.u32 $0x1, s1  }
0x8c: {  	s17 =	sshll.u32 s0, $0xA;
	s2 =	sadd.s32 s3, s2  }
0x8d: {  	s2 =	sadd.s32 s2, s17  }
0x8e: {  	[smem:$0x3FBD] =	sst s2  }
0x8f: {  	_ = 	snop  }
0x90: {  	s2 =	sld [smem:$0x3FD0];
	(tm) =	ssettm $0x1  }
0x91: {  	s18 =	sld [smem:$0x3FFB];
	_ =	sdelay $0x3  }
0x92: {  	_ =	strace s18  }
0x93: {  	s3 =	sld [smem:$0x3FFC];
	_ =	sdelay $0x3  }
0x94: {  	_ =	strace s3  }
0x95: {  	s3 =	sld [smem:$0x3FFD];
	_ =	sdelay $0x3  }
0x96: {  	_ =	strace s3  }
0x97: {  	_ =	strace $0x8FFFFFFF  }
0x98: {  	s19 =	sld [smem:$0x3FDB];
	_ =	sdelay $0x1  }
0x99: {  	s4 =	simm.s32 $_scs_section_size  }
0x9a: {  	s5 =	simm.s32 $_size__tile_overlayer_lowered;
	s6 =	simm.s32 $_tile_overlayer_lowered  }
0x9b: {  	s22 =	simm.s32 $0x1BFF;
	s21 =	sshll.u32 s6, $0x1;
	s3 =	sadd.s32 s4, s19  }
0x9c: {  	s7 =	simm.s32 $0x0;
	s20 =	sshll.u32 s5, $0x1;
	s5 =	sadd.s32 s21, s3  }
0x9d: {  	[timem:s7], [sflag:s22] =	dma.local [hbm:s5], s20  }
0x9e: {  	_ =	swait.ge [sflag:s22], s20  }
0x9f: {  	s4 =	ssub.s32 $0x0, s20;
	[sflag:s22] =	ssyncset.done $0x0  }
0xa0: {  	[sflag:s22] =	ssyncadd.s32 s4;
	_ =	sdelay $0x1  }
0xa1: {  	s23 =	simm.s32 $0x1B8B  }
0xa2: {  	_ =	swait.ge [sflag:s23], $0x1  }
0xa3: {  	[sflag:s23] =	ssyncset.done $0x0  }
0xa4: {  	s25 =	simm.s32 $0x1B8E;
	s24 =	sld [smem:$0x3FFE];
	[sflag:s23] =	ssyncadd.s32 $0xFFFFFFFF  }
0xa5: {  	s26 =	simm.s32 $execute0_lowered;
	[smem:$0x3FD2] =	sst s25  }
0xa6: {  	s5 =	sshll.u32 s26, $0x1;
	_ =	strace $0x8000004C;
	[dreg:$0x1] =	wrdreg $0xFFFFFFFF  }
0xa7: {  	s28 =	simm.s32 $_size_execute0_lowered;
	s3 =	sadd.s32 s3, s5;
	[dreg:$0x0] =	wrdreg $0x0  }
0xa8: {  	s5 =	sshll.u32 s28, $0x1;
	[dreg:$0x2] =	wrdreg s3  }
0xa9: {  	[dreg:$0x3] =	wrdreg s5  }
0xaa: {  	[dreg:$0x4] =	wrdreg $0xC0  }
0xab: {  	_ =	task [dreg:s7], $0x5FFFF  }
0xac: {  	[dreg:$0x1] =	wrdreg $0xFFFFFFFF  }
0xad: {  	[dreg:$0x0] =	wrdreg $0x60  }
0xae: {  	[dreg:$0x2] =	wrdreg s24  }
0xaf: {  	[dreg:$0x3] =	wrdreg s2  }
0xb0: {  	[dreg:$0x4] =	wrdreg $0x0  }
0xb1: {  	[dreg:$0x5] =	wrdreg $0x9  }
0xb2: {  	_ =	task.clear_ibuf [dreg:s7], $0x6FFFF;
	_ =	strace $0x9000004C  }
0xb3: {  	s29 =	simm.s32 $0x9;
	_ =	strace $0x8000004E  }
0xb4: {  	_ =	swait.ge [sflag:s29], $0x1  }
0xb5: {  	[sflag:s29] =	ssyncadd.s32 $0xFFFFFFFF  }
0xb6: {  	_ =	strace $0x9000004E  }
0xb7: {  	_ =	sfence  }
0xb8: {  	s30 =	sld [smem:$0x0];
	_ =	sdelay $0x2  }
0xb9: {  	s31 =	sshll.u32 s1, $0xD;
	s1 =	sshrl.u32 s1, $0x2  }
0xba: {  	s3 =	sand.u32 $0x4000, s31;
	s1 =	sadd.s32 s1, s30  }
0xbb: {  	s0 =	sor.u32 s3, s0;
	s1 =	sshll.u32 s1, $0x11  }
0xbc: {  	s0 =	sor.u32 s1, s0  }
0xbd: {  	s0 =	sadd.s32 $0x8F2B, s0  }
0xbe: {  	[sflag:s0] =	ssyncadd.remote.s32 $0x1  }
0xbf: {  	_ =	sfence.sel $0xFFFF  }
0xc0: {  	[dreg:$0x0] =	wrdreg $0xFFFFFFFF;
	(pc) =	sbr.abs _section_cstart, $3  }
0xc1: {  	[dreg:$0x1] =	wrdreg $0xFFFFFFFF  }
0xc2: {  	_ =	task.clear_ibuf [dreg:s7], $0x2FFFF;
	_ =	strace $0x9FFFFFFF  }
0xc3: {  	(tm) =	ssettm $0x7FFFFFFF  }
tec
execute0_lowered:
.L_overlay_start_1:
0x0: {  	(tag) =	ssettag $0x1  }
0x1: {  	s0 =	rddreg [dreg:$0x0]  }
0x2: {  	s1 =	rddreg [dreg:$0x1];
	s3 =	srdreg.scid  }
0x3: {  	s12 =	stileid.u32;
	s2 =	rddreg [dreg:$0x2]  }
0x4: {  	s30 =	simm.s32 $0x17AC0;
	s31 =	simm.s32 $0xC;
	s28 =	simm.s32 $0x50  }
0x5: {  	s29 =	simm.s32 $0x8;
	s6 =	sand.u32 $0x1, s3;
	s11 =	smul.u32 $0x50000, s12  }
0x6: {  	s4 =	sshll.u32 s12, $0x1;
	s3 =	simm.s32 $0x0;
	s18 =	smul.u32 $0x14000, s12  }
0x7: {  	s8 =	sadd.s32 $0x3A00, s0;
	s21 =	smul.u32 $0x4E20, s12;
	p0 =	seq.s32 s12, $0xF  }
0x8: {  	s12 =	simm.s32 $0x5;
	s7 =	sor.u32 s6, s4;
	s15 =	smul.u32 $0x138800, s6  }
0x9: {  	[smem:$0x7FF] =	sst s3;
	s9 =	ssub.s32 $0x2, s6;
	s6 =	smul.u32 $0x2710, s6  }
0xa: {  	s4 =	sadd.s32 $0xD800, s0;
	s0 =	sadd.s32 $0x5BC00, s0;
	s5 =	smul.u32 $0x2710, s7  }
0xb: {  	s10 =	sshrl.u32 s9, $0x1;
	s7 =	sshll.u32 s7, $0xB;
	s11 =	sshrl.u32 s11, $0x2  }
0xc: {  	s9 =	ssub.s32 s9, s10;
	s1 =	sadd.s32 s1, s7;
	s10 =	sadd.s32 s11, s2  }
0xd: {  	_ =	strace $0x8000004D;
	[dreg:$0x8] =	wrdreg s1;
	s13 =	sadd.s32 $0x2800, s10  }
0xe: {  	s7 =	sadd.s32 s18, s15;
	s14 =	sadd.s32 $0x5000, s10;
	[dreg:$0x9] =	wrdreg s13  }
0xf: {  	s24 =	sadd.s32 s6, s21;
	s16 =	sadd.s32 $0x7800, s10;
	[dreg:$0xa] =	wrdreg s14  }
0x10: {  	s11 =	simm.s32 $0x4;
	s17 =	sadd.s32 $0xA000, s10;
	[dreg:$0xb] =	wrdreg s16  }
0x11: {  	s5 =	sshrl.u32 s5, $0x3;
	s19 =	sadd.s32 $0xC800, s10;
	[dreg:$0xc] =	wrdreg s17  }
0x12: {  	s20 =	sadd.s32 $0xF000, s10;
	s1 =	sshrl.u32 s15, $0x3;
	[dreg:$0xd] =	wrdreg s19  }
0x13: {  	s22 =	sadd.s32 $0x11800, s10;
	s7 =	sshrl.u32 s7, $0x3;
	[dreg:$0xe] =	wrdreg s20  }
0x14: {  	s6 =	sadd.s32 $0x190, s24;
	s5 =	sadd.s32 s8, s5;
	[dreg:$0xf] =	wrdreg s22  }
0x15: {  	s1 =	sadd.s32 s0, s1;
	s0 =	sadd.s32 s0, s7;
	s6 =	sshrl.u32 s6, $0x3  }
0x16: {  	s19 =	simm.s32 $0x138C0;
	s20 =	simm.s32 $0x13940;
	[dreg:$0x4] =	wrdreg s5  }
0x17: {  	s7 =	simm.s32 $0x1;
	s25 =	sadd.s32 $0xA, s5;
	[dreg:$0x10] =	wrdreg s0  }
0x18: {  	s13 =	simm.s32 $0x0;
	s26 =	sadd.s32 $0x14, s5;
	[dreg:$0x5] =	wrdreg s25  }
0x19: {  	s5 =	sadd.s32 $0x1E, s5;
	s23 =	sadd.s32 $0x25800, s1;
	[dreg:$0x6] =	wrdreg s26  }
0x1a: {  	s0 =	sadd.s32 $0x140, s24;
	s17 =	sadd.s32 s6, s8;
	[dreg:$0x7] =	wrdreg s5  }
.Ltmp0:
0x1b: {  	s6 =	simm.s32 $0xB;
	[dreg:$0x11] =	wrdreg s23;
	(pc) =	sbr.rel .LBB2_1-.Ltmp0, $4  }
0x1c: {  	s25 =	smax.u32 s9, $0x1;
	s26 =	sadd.s32 $0x1E0, s24;
	s0 =	sshrl.u32 s0, $0x3  }
0x1d: {  	s9 =	simm.s32 $0x2;
	[dreg:$0x12] =	wrdreg s25;
	s1 =	sshrl.u32 s26, $0x3  }
0x1e: {  	s16 =	sadd.s32 s0, s8;
	s0 =	simm.s32 $0x1CAC0;
	s26 =	simm.s32 $0x7  }
0x1f: {  	v0 =	vimm.f32 $0.0e+00;
	s18 =	sadd.s32 s1, s8;
	s1 =	simm.s32 $0x1A2C0;
	s8 =	simm.s32 $0x17840  }
.LBB2_8:
0x20: {  	_ =	swait.ge [sflag:s12], $0x2800  }
0x21: {  	[sflag:s12] =	ssyncset.done $0x0  }
0x22: {  	[sflag:s12] =	ssyncadd.s32 $0xFFFFD800  }
0x23: {  	[bflag:$0x0] =	sbarrier.arrive $0xFFFF  }
0x24: {  	s5 =	sshrl.u32 @p0 s10, $0x3;
	s14 =	simm.s32 @p0 $0x1FCC;
	s15 =	rddreg [dreg:$0x11]  }
0x25: {  	[hbm:s15], [sflag:s14] =	dma.local @p0 [spmem:s5], $0x1900  }
0x26: {  	s5 =	simm.s32 @p0 $0xC  }
0x27: {  	s14 =	stileid.u32;
	_ =	swait.ge @p0 [sflag:s5], $0x1900  }
0x28: {  	s14 =	sshll.u32 @!p0 s14, $0x6;
	[sflag:s5] =	ssyncset.done @p0 $0x0;
	s15 =	rddreg [dreg:$0x10]  }
0x29: {  	[sflag:s5] =	ssyncadd.s32 @p0 $0xFFFFE700;
	s5 =	sor.u32 @!p0 $0x1C0C, s14;
	s14 =	sshrl.u32 @!p0 s10, $0x3  }
0x2a: {  	[hbm:s15], [sflag:s5] =	dma.local @!p0 [spmem:s14], $0x2800  }
0x2b: {  	s5 =	simm.s32 @!p0 $0xC  }
0x2c: {  	_ =	swait.ge @!p0 [sflag:s5], $0x2800  }
0x2d: {  	s13 =	sadd.s32 $0x1, s13;
	s25 =	rddreg [dreg:$0x12]  }
0x2e: {  	p1 =	sne.s32 s13, s25  }
.Ltmp1:
0x2f: {  	_ = 	snop;
	(pc) =	sbr.rel @!p1 .LBB2_9-.Ltmp1, $3  }
0x30: {  	_ =	sdelay $0x1  }
0x31: {  	[sflag:s5] =	ssyncset.done @!p0 $0x0  }
0x32: {  	s19 =	simm.s32 $0x138C0;
	s20 =	simm.s32 $0x13940;
	[sflag:s5] =	ssyncadd.s32 @!p0 $0xFFFFD800  }
.LBB2_1:
0x33: {  	s5 =	rddreg [dreg:$0x4]  }
0x34: {  	s15 =	rddreg [dreg:$0x5]  }
0x35: {  	[tilespmem:s19], [sflag:$0x7] =	stream.linear.gather [hbm4b:s5+s3], $0x50, $0x38;
	[tilespmem:$0x1F2C0] =	vst v63  }
0x36: {  	s21 =	rddreg [dreg:$0x6]  }
0x37: {  	[tilespmem:s20], [sflag:$0x8] =	stream.linear.gather [hbm4b:s15+s3], $0x50, $0x38;
	[tilespmem:$0x1F2C0] =	vst v63  }
0x38: {  	s14 =	simm.s32 $0x139C0;
	s22 =	rddreg [dreg:$0x7]  }
0x39: {  	[tilespmem:s14], [sflag:$0x9] =	stream.linear.gather [hbm4b:s21+s3], $0x50, $0x38;
	[tilespmem:$0x1F2C0] =	vst v63  }
0x3a: {  	s23 =	simm.s32 $0x13A40;
	s24 =	rddreg [dreg:$0x8]  }
0x3b: {  	[tilespmem:s23], [sflag:$0xA] =	stream.linear.gather [hbm4b:s22+s3], $0x50, $0x38;
	[tilespmem:$0x1F2C0] =	vst v63  }
0x3c: {  	s25 =	simm.s32 $0x13AC0;
	s15 =	simm.s32 $0x200;
	s14 =	simm.s32 $0x0  }
0x3d: {  	[tilespmem:s25], [sflag:$0xB] =	stream.linear.gather [hbm4b:s24+s3], $0x3E80, $0x38;
	[tilespmem:$0x1F2C0] =	vst v63  }
.LBB2_2:
0x3e: {  	p1 =	sne.s32 s15, $0x9E00;
	[tilespmem:s14+$0x1CB30] =	vst v0  }
0x3f: {  	[tilespmem:s14+$0x17AC0] =	vst v0  }
0x40: {  	[tilespmem:s14+$0x17AD0] =	vst v0  }
0x41: {  	[tilespmem:s14+$0x17AE0] =	vst v0  }
0x42: {  	[tilespmem:s14+$0x17AF0] =	vst v0  }
0x43: {  	[tilespmem:s14+$0x17B00] =	vst v0  }
0x44: {  	[tilespmem:s14+$0x17B10] =	vst v0  }
0x45: {  	[tilespmem:s14+$0x17B20] =	vst v0  }
0x46: {  	[tilespmem:s14+$0x17B30] =	vst v0  }
0x47: {  	[tilespmem:s14+$0x1A2C0] =	vst v0  }
0x48: {  	[tilespmem:s14+$0x1A2D0] =	vst v0  }
0x49: {  	[tilespmem:s14+$0x1A2E0] =	vst v0  }
0x4a: {  	[tilespmem:s14+$0x1A2F0] =	vst v0  }
0x4b: {  	[tilespmem:s14+$0x1A300] =	vst v0  }
0x4c: {  	[tilespmem:s14+$0x1A310] =	vst v0  }
0x4d: {  	[tilespmem:s14+$0x1A320] =	vst v0  }
0x4e: {  	[tilespmem:s14+$0x1A330] =	vst v0  }
0x4f: {  	[tilespmem:s14+$0x1CAC0] =	vst v0  }
0x50: {  	[tilespmem:s14+$0x1CAD0] =	vst v0  }
.Ltmp2:
0x51: {  	[tilespmem:s14+$0x1CAE0] =	vst v0;
	(pc) =	sbr.rel @p1 .LBB2_2-.Ltmp2, $4  }
0x52: {  	[tilespmem:s14+$0x1CAF0] =	vst v0  }
0x53: {  	[tilespmem:s14+$0x1CB00] =	vst v0  }
0x54: {  	[tilespmem:s14+$0x1CB10] =	vst v0  }
0x55: {  	[tilespmem:s14+$0x1CB20] =	vst v0;
	s14 =	sshra.s32 s15, $0x2;
	s15 =	sadd.s32 $0x200, s15  }
0x56: {  	[tilespmem:s14+$0x1CB30] =	vst v0  }
0x57: {  	[tilespmem:s14+$0x17AC0] =	vst v0  }
0x58: {  	[tilespmem:s14+$0x17AD0] =	vst v0  }
0x59: {  	[tilespmem:s14+$0x17AE0] =	vst v0  }
0x5a: {  	[tilespmem:s14+$0x17AF0] =	vst v0  }
0x5b: {  	[tilespmem:s14+$0x17B00] =	vst v0  }
0x5c: {  	[tilespmem:s14+$0x17B10] =	vst v0  }
0x5d: {  	[tilespmem:s14+$0x17B20] =	vst v0  }
0x5e: {  	[tilespmem:s14+$0x17B30] =	vst v0  }
0x5f: {  	[tilespmem:s14+$0x1A2C0] =	vst v0  }
0x60: {  	[tilespmem:s14+$0x1A2D0] =	vst v0  }
0x61: {  	[tilespmem:s14+$0x1A2E0] =	vst v0  }
0x62: {  	[tilespmem:s14+$0x1A2F0] =	vst v0  }
0x63: {  	[tilespmem:s14+$0x1A300] =	vst v0  }
0x64: {  	[tilespmem:s14+$0x1A310] =	vst v0  }
0x65: {  	[tilespmem:s14+$0x1A320] =	vst v0  }
0x66: {  	[tilespmem:s14+$0x1A330] =	vst v0  }
0x67: {  	[tilespmem:s14+$0x1CAC0] =	vst v0  }
0x68: {  	[tilespmem:s14+$0x1CAD0] =	vst v0  }
0x69: {  	[tilespmem:s14+$0x1CAE0] =	vst v0  }
0x6a: {  	[tilespmem:s14+$0x1CAF0] =	vst v0  }
0x6b: {  	[tilespmem:s14+$0x1CB00] =	vst v0  }
0x6c: {  	[tilespmem:s14+$0x1CB10] =	vst v0  }
0x6d: {  	[tilespmem:s14+$0x1CB20] =	vst v0  }
0x6e: {  	[spmem:s10] =	stream.linear.scatter [tilespmem:s30], [sflag:$0xC], $0x2800, $0x38;
	[tilespmem:$0x1F2C0] =	vst v63  }
0x6f: {  	_ =	swait.ge [sflag:s31], $0x2800  }
0x70: {  	[sflag:s31] =	ssyncset.done $0x0  }
0x71: {  	s5 =	rddreg [dreg:$0x9];
	[sflag:s31] =	ssyncadd.s32 $0xFFFFD800  }
0x72: {  	[spmem:s5] =	stream.linear.scatter [tilespmem:s1], [sflag:$0xC], $0x2800, $0x38;
	[tilespmem:$0x1F2C0] =	vst v63  }
0x73: {  	_ =	swait.ge [sflag:s31], $0x2800  }
0x74: {  	[sflag:s31] =	ssyncset.done $0x0  }
0x75: {  	s23 =	rddreg [dreg:$0xa];
	[sflag:s31] =	ssyncadd.s32 $0xFFFFD800  }
0x76: {  	[spmem:s23] =	stream.linear.scatter [tilespmem:s0], [sflag:$0xC], $0x2800, $0x38;
	[tilespmem:$0x1F2C0] =	vst v63  }
0x77: {  	_ =	swait.ge [sflag:s31], $0x2800  }
0x78: {  	[sflag:s31] =	ssyncset.done $0x0  }
0x79: {  	s24 =	rddreg [dreg:$0xb];
	[sflag:s31] =	ssyncadd.s32 $0xFFFFD800  }
0x7a: {  	[spmem:s24] =	stream.linear.scatter [tilespmem:s30], [sflag:$0xC], $0x2800, $0x38;
	[tilespmem:$0x1F2C0] =	vst v63  }
0x7b: {  	_ =	swait.ge [sflag:s31], $0x2800  }
0x7c: {  	[sflag:s31] =	ssyncset.done $0x0  }
0x7d: {  	s25 =	rddreg [dreg:$0xc];
	[sflag:s31] =	ssyncadd.s32 $0xFFFFD800  }
0x7e: {  	[spmem:s25] =	stream.linear.scatter [tilespmem:s1], [sflag:$0xC], $0x2800, $0x38;
	[tilespmem:$0x1F2C0] =	vst v63  }
0x7f: {  	_ =	swait.ge [sflag:s31], $0x2800  }
0x80: {  	[sflag:s31] =	ssyncset.done $0x0  }
0x81: {  	s14 =	simm.s32 @!p0 $0x1CAC0;
	s5 =	rddreg [dreg:$0xd];
	[sflag:s31] =	ssyncadd.s32 $0xFFFFD800  }
0x82: {  	[spmem:s5] =	stream.linear.scatter @!p0 [tilespmem:s14], [sflag:$0xC], $0x2800, $0x38;
	[tilespmem:$0x1F2C0] =	vst v63  }
0x83: {  	s14 =	simm.s32 @!p0 $0xC  }
0x84: {  	_ =	swait.ge @!p0 [sflag:s14], $0x2800  }
0x85: {  	[sflag:s14] =	ssyncset.done @!p0 $0x0  }
0x86: {  	s15 =	simm.s32 @!p0 $0x17AC0;
	s5 =	rddreg [dreg:$0xe];
	[sflag:s14] =	ssyncadd.s32 @!p0 $0xFFFFD800  }
0x87: {  	[spmem:s5] =	stream.linear.scatter @!p0 [tilespmem:s15], [sflag:$0xC], $0x2800, $0x38;
	[tilespmem:$0x1F2C0] =	vst v63  }
0x88: {  	_ =	swait.ge @!p0 [sflag:s14], $0x2800  }
0x89: {  	[sflag:s14] =	ssyncset.done @!p0 $0x0  }
0x8a: {  	s15 =	simm.s32 @!p0 $0x1A2C0;
	s5 =	rddreg [dreg:$0xf];
	[sflag:s14] =	ssyncadd.s32 @!p0 $0xFFFFD800  }
0x8b: {  	[spmem:s5] =	stream.linear.scatter @!p0 [tilespmem:s15], [sflag:$0xC], $0x2800, $0x38;
	[tilespmem:$0x1F2C0] =	vst v63  }
0x8c: {  	_ =	swait.ge @!p0 [sflag:s14], $0x2800  }
0x8d: {  	[sflag:s14] =	ssyncset.done @!p0 $0x0  }
0x8e: {  	[sflag:s14] =	ssyncadd.s32 @!p0 $0xFFFFD800  }
0x8f: {  	[bflag:$0x0] =	sbarrier.arrive $0xFFFF  }
0x90: {  	_ =	swait.ge [sflag:s26], $0x50  }
0x91: {  	[sflag:s26] =	ssyncset.done $0x0  }
0x92: {  	[sflag:s26] =	ssyncadd.s32 $0xFFFFFFB0  }
0x93: {  	[tilespmem:s30], [sflag:$0x1] =	stream.indirect.gather [hbm4b:s4+s28], $0x80, s19, s28, $0xb8;
	[tilespmem:$0x1F2C0] =	vst v63  }
0x94: {  	_ =	swait.ge [sflag:s29], $0x50  }
0x95: {  	[sflag:s29] =	ssyncset.done $0x0  }
.Ltmp3:
0x96: {  	[sflag:s29] =	ssyncadd.s32 $0xFFFFFFB0;
	(pc) =	sbr.rel .LBB2_4-.Ltmp3, $4  }
0x97: {  	[tilespmem:s1], [sflag:$0x2] =	stream.indirect.gather [hbm4b:s4+s28], $0x80, s20, s28, $0xb8;
	[tilespmem:$0x1F2C0] =	vst v63  }
0x98: {  	s22 =	smov.u32 s17;
	s21 =	smov.u32 s18;
	_ =	swait.ge [sflag:s6], $0x3E80  }
0x99: {  	s23 =	smov.u32 s16;
	s15 =	simm.s32 $0x13AC0;
	[sflag:s6] =	ssyncset.done $0x0  }
0x9a: {  	s14 =	simm.s32 $0x0;
	s19 =	simm.s32 $0x0;
	[sflag:s6] =	ssyncadd.s32 $0xFFFFC180  }
.LBB2_6:
0x9b: {  	s20 =	sand.u32 $0x3, s14  }
0x9c: {  	s5 =	sxor.u32 $0x2, s20  }
0x9d: {  	s24 =	sadd.s32 $0x7, s5  }
0x9e: {  	_ =	swait.ge [sflag:s24], $0x50  }
0x9f: {  	s5 =	sshll.u32 s5, $0x7;
	[sflag:s24] =	ssyncset.done $0x0  }
0xa0: {  	s5 =	sadd.s32 $0x138C0, s5;
	[sflag:s24] =	ssyncadd.s32 $0xFFFFFFB0  }
0xa1: {  	[tilespmem:s0], [sflag:$0x3] =	stream.indirect.gather [hbm4b:s4+s28], $0x80, s5, s28, $0xb8;
	[tilespmem:$0x1F2C0] =	vst v63  }
0xa2: {  	s25 =	sshll.u32 s20, $0x7  }
0xa3: {  	[spmem:s2] =	stream.indirect.scatter.add.f32 [tilespmem:s30], [sflag:$0x4], $0x80, s15, s28, $0xb8;
	[tilespmem:$0x1F2C0] =	vst v63  }
0xa4: {  	p1 =	por $0x0, $0x0;
	s20 =	sadd.s32 $0x7, s20;
	s5 =	sadd.s32 $0x138C0, s25  }
0xa5: {  	[tilespmem:s5], [sflag:s20] =	stream.linear.gather [hbm4b:s23+s3], $0x50, $0x38;
	[tilespmem:$0x1F2C0] =	vst v63  }
.LBB2_7:
0xa6: {  	_ =	swait.ge [sflag:s9], $0x2800  }
0xa7: {  	[sflag:s9] =	ssyncset.done $0x0  }
0xa8: {  	[sflag:s9] =	ssyncadd.s32 $0xFFFFD800  }
0xa9: {  	s5 =	sadd.s32 @!p1 $0xFFFFFFFF, s14;
	_ =	swait.ge [sflag:s11], $0x2800  }
0xaa: {  	s5 =	sand.u32 @!p1 $0x3, s5;
	[sflag:s11] =	ssyncset.done $0x0  }
0xab: {  	s20 =	sadd.s32 @!p1 $0x7, s5;
	[sflag:s11] =	ssyncadd.s32 $0xFFFFD800  }
0xac: {  	_ =	swait.ge @!p1 [sflag:s20], $0x50  }
0xad: {  	s24 =	simm.s32 @!p1 $0x17AC0;
	s5 =	sshll.u32 @!p1 s5, $0x7;
	[sflag:s20] =	ssyncset.done @!p1 $0x0  }
0xae: {  	s5 =	sadd.s32 @!p1 $0x138C0, s5;
	[sflag:s20] =	ssyncadd.s32 @!p1 $0xFFFFFFB0;
	s20 =	simm.s32 @!p1 $0x50  }
0xaf: {  	[tilespmem:s24], [sflag:$0x1] =	stream.indirect.gather @!p1 [hbm4b:s4+s20], $0x80, s5, s20, $0xb8;
	[tilespmem:$0x1F2C0] =	vst v63  }
0xb0: {  	p2 =	sgt.u32 s19, $0x27;
	s5 =	sadd.s32 $0x1, s14  }
0xb1: {  	s25 =	sadd.s32 $0x80, s15;
	s5 =	sand.u32 @!p2 $0x3, s5  }
0xb2: {  	[spmem:s2] =	stream.indirect.scatter.add.f32 [tilespmem:s1], [sflag:$0x5], $0x80, s25, s28, $0xb8;
	[tilespmem:$0x1F2C0] =	vst v63  }
0xb3: {  	s24 =	sshll.u32 @!p2 s5, $0x7  }
0xb4: {  	s5 =	sadd.s32 @!p2 $0x7, s5;
	s25 =	simm.s32 @!p2 $0x0;
	s24 =	sadd.s32 @!p2 $0x138C0, s24  }
0xb5: {  	[tilespmem:s24], [sflag:s5] =	stream.linear.gather @!p2 [hbm4b:s22+s25], $0x50, $0x38;
	[tilespmem:$0x1F2C0] =	vst v63  }
0xb6: {  	s5 =	simm.s32 @!p1 $0x3  }
0xb7: {  	_ =	swait.ge @!p1 [sflag:s5], $0x2800  }
0xb8: {  	[sflag:s5] =	ssyncset.done @!p1 $0x0  }
0xb9: {  	[sflag:s5] =	ssyncadd.s32 @!p1 $0xFFFFD800;
	s5 =	simm.s32 @!p1 $0x5  }
0xba: {  	_ =	swait.ge @!p1 [sflag:s5], $0x2800  }
0xbb: {  	s24 =	sand.u32 @!p1 $0x3, s14;
	[sflag:s5] =	ssyncset.done @!p1 $0x0  }
0xbc: {  	[sflag:s5] =	ssyncadd.s32 @!p1 $0xFFFFD800;
	s5 =	sadd.s32 @!p1 $0x7, s24  }
0xbd: {  	_ =	swait.ge @!p1 [sflag:s5], $0x50  }
0xbe: {  	s24 =	sshll.u32 @!p1 s24, $0x7;
	[sflag:s5] =	ssyncset.done @!p1 $0x0  }
0xbf: {  	s24 =	sadd.s32 @!p1 $0x138C0, s24;
	[sflag:s5] =	ssyncadd.s32 @!p1 $0xFFFFFFB0;
	s5 =	simm.s32 @!p1 $0x1A2C0  }
0xc0: {  	[tilespmem:s5], [sflag:$0x2] =	stream.indirect.gather @!p1 [hbm4b:s4+s20], $0x80, s24, s20, $0xb8;
	[tilespmem:$0x1F2C0] =	vst v63  }
0xc1: {  	p2 =	sgt.u32 @!p1 s19, $0x27;
	s5 =	sadd.s32 @!p1 $0x100, s15;
	s24 =	simm.s32 @!p1 $0x1CAC0  }
0xc2: {  	[spmem:s2] =	stream.indirect.scatter.add.f32 @!p1 [tilespmem:s24], [sflag:$0x6], $0x80, s5, s20, $0xb8;
	[tilespmem:$0x1F2C0] =	vst v63  }
0xc3: {  	s5 =	sadd.s32 $0x2, s14;
	p1 =	por p2, p1  }
0xc4: {  	s5 =	sand.u32 @!p1 $0x3, s5  }
0xc5: {  	s14 =	sadd.s32 $0x3, s14;
	s20 =	sshll.u32 @!p1 s5, $0x7  }
0xc6: {  	s24 =	simm.s32 @!p1 $0x0;
	s5 =	sadd.s32 @!p1 $0x7, s5;
	s20 =	sadd.s32 @!p1 $0x138C0, s20  }
0xc7: {  	[tilespmem:s20], [sflag:s5] =	stream.linear.gather @!p1 [hbm4b:s21+s24], $0x50, $0x38;
	[tilespmem:$0x1F2C0] =	vst v63  }
0xc8: {  	p1 =	sne.s32 s14, $0x7E  }
.Ltmp4:
0xc9: {  	_ = 	snop;
	(pc) =	sbr.rel @!p1 .LBB2_8-.Ltmp4, $3  }
0xca: {  	_ =	sdelay $0x1  }
0xcb: {  	s23 =	sadd.s32 $0x1E, s23;
	s19 =	sadd.s32 $0x1, s19  }
0xcc: {  	s22 =	sadd.s32 $0x1E, s22;
	s15 =	sadd.s32 $0x180, s15;
	s21 =	sadd.s32 $0x1E, s21  }
.LBB2_4:
0xcd: {  	p1 =	seq.s32 s14, $0x0  }
0xce: {  	p2 =	sne.s32 @!p1 s14, $0x7B  }
0xcf: {  	_ =	swait.ge [sflag:s7], $0x2800;
	p2 =	por p1, p2  }
.Ltmp5:
0xd0: {  	[sflag:s7] =	ssyncset.done $0x0;
	(pc) =	sbr.rel @p2 .LBB2_6-.Ltmp5, $4  }
0xd1: {  	s20 =	simm.s32 @!p1 $0x6;
	[sflag:s7] =	ssyncadd.s32 $0xFFFFD800  }
0xd2: {  	_ =	swait.ge @!p1 [sflag:s20], $0x2800  }
0xd3: {  	[sflag:s20] =	ssyncset.done @!p1 $0x0  }
0xd4: {  	[sflag:s20] =	ssyncadd.s32 @!p1 $0xFFFFD800  }
.Ltmp6:
0xd5: {  	(pc) =	sbr.rel .LBB2_7-.Ltmp6, $3  }
0xd6: {  	_ =	sdelay $0x1  }
0xd7: {  	[spmem:s2] =	stream.indirect.scatter.add.f32 [tilespmem:s30], [sflag:$0x4], $0x80, s8, s28, $0xb8;
	[tilespmem:$0x1F2C0] =	vst v63  }
0xd8: {  	p1 =	por $0x1, $0x1  }
.LBB2_9:
0xd9: {  	_ =	sfence.sel $0x180000  }
0xda: {  	[bflag:$0x0] =	sbarrier.arrive $0xFFFF  }
0xdb: {  	_ =	strace $0x9000004D  }
0xdc: {  	s0 =	stileid.u32;
	[bflag:$0x2] =	sbarrier.arrive $0xFFFF  }
0xdd: {  	p0 =	sne.s32 s0, $0x0;
	s0 =	rddreg [dreg:$0x3]  }
0xde: {  	s0 =	sadd.s32 @!p0 $0x100000, s0  }
0xdf: {  	[sflag:s0] =	ssyncadd.tile.s32 @!p0 $0x1;
	_ =	shalt  }
.Lfunc_end2:
_tile_overlayer_lowered:
.L_overlay_start_2:
0xe0: {  	(tag) =	ssettag $0x2  }
0xe1: {  	s0 =	rddreg [dreg:$0x0];
	s2 =	stileid.u32  }
0xe2: {  	s1 =	rddreg [dreg:$0x1];
	p0 =	sne.s32 s2, $0x0  }
0xe3: {  	s3 =	rddreg [dreg:$0x2];
	[bflag:$0x3] =	sbarrier.arrive $0xFFFF;
	s2 =	simm.s32 @!p0 $0x1C0C  }
0xe4: {  	[timem:s3], [sflag:s2] =	dma.local @!p0 [hbm:s0], s1  }
0xe5: {  	s0 =	simm.s32 @!p0 $0xC  }
0xe6: {  	_ =	swait.ge @!p0 [sflag:s0], s1  }
0xe7: {  	s1 =	ssub.s32 @!p0 $0x0, s1;
	[sflag:s0] =	ssyncset.done @!p0 $0x0  }
0xe8: {  	[sflag:s0] =	ssyncadd.s32 @!p0 s1  }
0xe9: {  	[bflag:$0x3] =	sbarrier.arrive $0xFFFF  }
0xea: {  	_ =	shalt  }

// kernel: kernel.19.cloned.1.call-start
scs
__scs_entry_jumppad:
0x0: {  	(pc) =	sbr.rel $0x88, $3  }
0x1: {  	(tag) =	ssettag $0x0;
	lr =	simm.s32 $0x1  }
0x2: {  	[smem:$0x3F96] =	sst lr;
	_ =	strace $0xD0000000  }
0x3: {  	_ = 	snop  }
0x4: {  	_ = 	snop  }
0x5: {  	_ = 	snop  }
0x6: {  	_ = 	snop  }
0x7: {  	_ = 	snop  }
__scs_overlays_trampoline_lowered:
0x8: {  	[smem:$0x3FA5] =	sst s0  }
0x9: {  	[smem:$0x3FA6] =	sst s1  }
0xa: {  	[smem:$0x3FA7] =	sst s2  }
0xb: {  	[smem:$0x3FA8] =	sst s3  }
0xc: {  	[smem:$0x3FA9] =	sst s4  }
0xd: {  	[smem:$0x3FAA] =	sst s5  }
0xe: {  	[smem:$0x3FAB] =	sst s6  }
0xf: {  	[smem:$0x3FAC] =	sst s7  }
0x10: {  	[smem:$0x3FAD] =	sst s8  }
0x11: {  	[smem:$0x3FAE] =	sst s9;
	s0 =	simm.s32 @!p0 $0x0  }
0x12: {  	s1 =	sld [smem:$0x3F94];
	s0 =	simm.s32 @p0 $0x1  }
0x13: {  	[smem:$0x3FAF] =	sst s0;
	s0 =	simm.s32 @!p1 $0x0  }
0x14: {  	s2 =	sld [smem:$0x3F93];
	s0 =	simm.s32 @p1 $0x1  }
0x15: {  	[smem:$0x3FB0] =	sst s0;
	s0 =	simm.s32 @!p2 $0x0  }
0x16: {  	s3 =	sld [smem:$0x3FDB];
	s0 =	simm.s32 @p2 $0x1  }
0x17: {  	s4 =	simm.s32 $0x1BF5;
	[smem:$0x3FB2] =	sst s0  }
0x18: {  	s0 =	sld [smem:$0x3F95];
	_ =	swait.ge [sflag:s4], $0x0  }
0x19: {  	s7 =	sld [smem:$0x3F96]  }
0x1a: {  	s8 =	sadd.s32 $0xFFFFE003, lr  }
0x1b: {  	s9 =	sadd.s32 $0xFFFFFEF7, lr;
	s5 =	simm.s32 $0xFFFFFFFF;
	p2 =	slt.u32 s8, $0xFFFFF086  }
0x1c: {  	p1 =	slt.u32 s9, $0xF7A;
	s5 =	simm.s32 @!p2 $0x0  }
0x1d: {  	s5 =	simm.s32 @p1 $0x1;
	p0 =	seq.s32 s7, s2  }
0x1e: {  	s7 =	smul.u32 @!p0 $0xF7A, s2;
	p2 =	seq.s32 @!p0 s5, $0x0  }
0x1f: {  	s9 =	smul.u32 $0xF7A, s1;
	s8 =	simm.s32 @!p0 $0x1BF5;
	p2 =	por !p2, p0  }
0x20: {  	[sflag:s8] =	ssyncset.s32 @!p0 $0xFFFFF086;
	s6 =	sadd.s32 @!p0 s3, s7;
	s7 =	simm.s32 @!p0 $0x108  }
0x21: {  	s3 =	sadd.s32 s3, s9;
	s6 =	sadd.s32 @!p0 $0x88, s6;
	s7 =	simm.s32 @p2 $0x1082  }
0x22: {  	[simem:s7], [sflag:s8] =	dma.local @!p0 [hbm:s6], $0xF7A  }
0x23: {  	s9 =	sor.u32 $0xD0000000, s2;
	s6 =	simm.s32 $0x108;
	_ =	swait.ge @!p0 [sflag:s8], $0x0  }
0x24: {  	s3 =	sadd.s32 $0x88, s3;
	s6 =	simm.s32 @!p1 $0x1082;
	[sflag:s4] =	ssyncset.s32 $0xFFFFF086  }
0x25: {  	[simem:s6], [sflag:s4] =	dma.local [hbm:s3], $0xF7A  }
0x26: {  	[smem:$0x3F96] =	sst s1;
	(tag) =	ssettag s2;
	_ =	strace s9  }
0x27: {  	s1 =	sld [smem:$0x3FA6]  }
0x28: {  	s2 =	sld [smem:$0x3FA7]  }
0x29: {  	s4 =	sld [smem:$0x3FA9]  }
0x2a: {  	p0 =	seq.s32 s5, $0x0;
	s5 =	sld [smem:$0x3FAA]  }
0x2b: {  	s6 =	sld [smem:$0x3FAB]  }
0x2c: {  	s7 =	sld [smem:$0x3FAC]  }
0x2d: {  	s3 =	simm.s32 $0x108;
	s8 =	sld [smem:$0x3FAD]  }
0x2e: {  	s3 =	simm.s32 @!p0 $0x1082;
	s9 =	sld [smem:$0x3FAE]  }
0x2f: {  	lr =	sadd.s32 s0, s3;
	s0 =	sld [smem:$0x3FA5]  }
0x30: {  	s3 =	sld [smem:$0x3FA8]  }
0x31: {  	[smem:$0x3FB1] =	sst s10  }
0x32: {  	s10 =	sld [smem:$0x3FAF];
	_ =	sdelay $0x3  }
0x33: {  	p0 =	seq.s32 s10, $0x1;
	s10 =	sld [smem:$0x3FB1];
	_ =	sdelay $0x3  }
0x34: {  	[smem:$0x3FB1] =	sst s10  }
0x35: {  	s10 =	sld [smem:$0x3FB0];
	_ =	sdelay $0x3  }
0x36: {  	p1 =	seq.s32 s10, $0x1;
	s10 =	sld [smem:$0x3FB1];
	_ =	sdelay $0x3  }
0x37: {  	[smem:$0x3FB1] =	sst s10  }
0x38: {  	s10 =	sld [smem:$0x3FB2]  }
0x39: {  	_ = 	snop;
	(pc) =	sbr.ind lr, $3  }
0x3a: {  	_ = 	snop  }
0x3b: {  	_ = 	snop  }
0x3c: {  	p2 =	seq.s32 s10, $0x1;
	s10 =	sld [smem:$0x3FB1]  }
0x3d: {  	_ =	shalt  }
0x3e: {  	_ =	shalt  }
0x3f: {  	_ =	shalt  }
0x40: {  	_ =	shalt  }
0x41: {  	_ =	shalt  }
0x42: {  	_ =	shalt  }
0x43: {  	_ =	shalt  }
0x44: {  	_ =	shalt  }
0x45: {  	_ =	shalt  }
0x46: {  	_ =	shalt  }
0x47: {  	_ =	shalt  }
0x48: {  	_ =	shalt  }
0x49: {  	_ =	shalt  }
0x4a: {  	_ =	shalt  }
0x4b: {  	_ =	shalt  }
0x4c: {  	_ =	shalt  }
0x4d: {  	_ =	shalt  }
0x4e: {  	_ =	shalt  }
0x4f: {  	_ =	shalt  }
0x50: {  	_ =	shalt  }
0x51: {  	_ =	shalt  }
0x52: {  	_ =	shalt  }
0x53: {  	_ =	shalt  }
0x54: {  	_ =	shalt  }
0x55: {  	_ =	shalt  }
0x56: {  	_ =	shalt  }
0x57: {  	_ =	shalt  }
0x58: {  	_ =	shalt  }
0x59: {  	_ =	shalt  }
0x5a: {  	_ =	shalt  }
0x5b: {  	_ =	shalt  }
0x5c: {  	_ =	shalt  }
0x5d: {  	_ =	shalt  }
0x5e: {  	_ =	shalt  }
0x5f: {  	_ =	shalt  }
0x60: {  	_ =	shalt  }
0x61: {  	_ =	shalt  }
0x62: {  	_ =	shalt  }
0x63: {  	_ =	shalt  }
0x64: {  	_ =	shalt  }
0x65: {  	_ =	shalt  }
0x66: {  	_ =	shalt  }
0x67: {  	_ =	shalt  }
0x68: {  	_ =	shalt  }
0x69: {  	_ =	shalt  }
0x6a: {  	_ =	shalt  }
0x6b: {  	_ =	shalt  }
0x6c: {  	_ =	shalt  }
0x6d: {  	_ =	shalt  }
0x6e: {  	_ =	shalt  }
0x6f: {  	_ =	shalt  }
0x70: {  	_ =	shalt  }
0x71: {  	_ =	shalt  }
0x72: {  	_ =	shalt  }
0x73: {  	_ =	shalt  }
0x74: {  	_ =	shalt  }
0x75: {  	_ =	shalt  }
0x76: {  	_ =	shalt  }
0x77: {  	_ =	shalt  }
0x78: {  	_ =	shalt  }
0x79: {  	_ =	shalt  }
0x7a: {  	_ =	shalt  }
0x7b: {  	_ =	shalt  }
0x7c: {  	_ =	shalt  }
0x7d: {  	_ =	shalt  }
0x7e: {  	_ =	shalt  }
0x7f: {  	_ =	shalt  }
0x80: {  	_ =	shalt  }
0x81: {  	_ =	shalt  }
0x82: {  	_ =	shalt  }
0x83: {  	_ =	shalt  }
0x84: {  	_ =	shalt  }
0x85: {  	_ =	shalt  }
0x86: {  	_ =	shalt  }
0x87: {  	_ =	shalt  }
.Lfunc_end0:
.L_simem_size_0:
called_computation.3_lowered:
.L_overlay_start_0:
0x88: {  	s2 =	sld [smem:$0x3FD9]  }
0x89: {  	s3 =	sld [smem:$0x3FFE];
	_ =	sdelay $0x1  }
0x8a: {  	s1 =	srdreg.scid  }
0x8b: {  	s0 =	sand.u32 $0x1, s1  }
0x8c: {  	s17 =	sshll.u32 s0, $0xA;
	s2 =	sadd.s32 s3, s2  }
0x8d: {  	s2 =	sadd.s32 s2, s17  }
0x8e: {  	[smem:$0x3FBD] =	sst s2  }
0x8f: {  	_ = 	snop  }
0x90: {  	s2 =	sld [smem:$0x3FD0];
	(tm) =	ssettm $0x1  }
0x91: {  	s18 =	sld [smem:$0x3FFB];
	_ =	sdelay $0x3  }
0x92: {  	_ =	strace s18  }
0x93: {  	s3 =	sld [smem:$0x3FFC];
	_ =	sdelay $0x3  }
0x94: {  	_ =	strace s3  }
0x95: {  	s3 =	sld [smem:$0x3FFD];
	_ =	sdelay $0x3  }
0x96: {  	_ =	strace s3  }
0x97: {  	_ =	strace $0x8FFFFFFF  }
0x98: {  	s19 =	sld [smem:$0x3FDB];
	_ =	sdelay $0x1  }
0x99: {  	s4 =	simm.s32 $_scs_section_size  }
0x9a: {  	s5 =	simm.s32 $_size__tile_overlayer_lowered;
	s6 =	simm.s32 $_tile_overlayer_lowered  }
0x9b: {  	s22 =	simm.s32 $0x1BFF;
	s21 =	sshll.u32 s6, $0x1;
	s3 =	sadd.s32 s4, s19  }
0x9c: {  	s7 =	simm.s32 $0x0;
	s20 =	sshll.u32 s5, $0x1;
	s5 =	sadd.s32 s21, s3  }
0x9d: {  	[timem:s7], [sflag:s22] =	dma.local [hbm:s5], s20  }
0x9e: {  	_ =	swait.ge [sflag:s22], s20  }
0x9f: {  	s4 =	ssub.s32 $0x0, s20;
	[sflag:s22] =	ssyncset.done $0x0  }
0xa0: {  	[sflag:s22] =	ssyncadd.s32 s4;
	_ =	sdelay $0x1  }
0xa1: {  	s23 =	simm.s32 $0x1B8B  }
0xa2: {  	_ =	swait.ge [sflag:s23], $0x1  }
0xa3: {  	[sflag:s23] =	ssyncset.done $0x0  }
0xa4: {  	s25 =	simm.s32 $0x1B8E;
	s24 =	sld [smem:$0x3FFE];
	[sflag:s23] =	ssyncadd.s32 $0xFFFFFFFF  }
0xa5: {  	s26 =	simm.s32 $execute0_lowered;
	[smem:$0x3FD2] =	sst s25  }
0xa6: {  	s5 =	sshll.u32 s26, $0x1;
	_ =	strace $0x8000004F;
	[dreg:$0x1] =	wrdreg $0xFFFFFFFF  }
0xa7: {  	s28 =	simm.s32 $_size_execute0_lowered;
	s3 =	sadd.s32 s3, s5;
	[dreg:$0x0] =	wrdreg $0x0  }
0xa8: {  	s5 =	sshll.u32 s28, $0x1;
	[dreg:$0x2] =	wrdreg s3  }
0xa9: {  	[dreg:$0x3] =	wrdreg s5  }
0xaa: {  	[dreg:$0x4] =	wrdreg $0xC0  }
0xab: {  	_ =	task [dreg:s7], $0x5FFFF  }
0xac: {  	[dreg:$0x1] =	wrdreg $0xFFFFFFFF  }
0xad: {  	[dreg:$0x0] =	wrdreg $0x60  }
0xae: {  	[dreg:$0x2] =	wrdreg s24  }
0xaf: {  	[dreg:$0x3] =	wrdreg s2  }
0xb0: {  	[dreg:$0x4] =	wrdreg $0x0  }
0xb1: {  	[dreg:$0x5] =	wrdreg $0x9  }
0xb2: {  	_ =	task.clear_ibuf [dreg:s7], $0x6FFFF;
	_ =	strace $0x9000004F  }
0xb3: {  	s29 =	simm.s32 $0x9;
	_ =	strace $0x80000051  }
0xb4: {  	_ =	swait.ge [sflag:s29], $0x1  }
0xb5: {  	[sflag:s29] =	ssyncadd.s32 $0xFFFFFFFF  }
0xb6: {  	_ =	strace $0x90000051  }
0xb7: {  	_ =	sfence  }
0xb8: {  	s30 =	sld [smem:$0x0];
	_ =	sdelay $0x2  }
0xb9: {  	s31 =	sshll.u32 s1, $0xD;
	s1 =	sshrl.u32 s1, $0x2  }
0xba: {  	s3 =	sand.u32 $0x4000, s31;
	s1 =	sadd.s32 s1, s30  }
0xbb: {  	s0 =	sor.u32 s3, s0;
	s1 =	sshll.u32 s1, $0x11  }
0xbc: {  	s0 =	sor.u32 s1, s0  }
0xbd: {  	s0 =	sadd.s32 $0x8F2B, s0  }
0xbe: {  	[sflag:s0] =	ssyncadd.remote.s32 $0x1  }
0xbf: {  	_ =	sfence.sel $0xFFFF  }
0xc0: {  	[dreg:$0x0] =	wrdreg $0xFFFFFFFF;
	(pc) =	sbr.abs _section_cstart, $3  }
0xc1: {  	[dreg:$0x1] =	wrdreg $0xFFFFFFFF  }
0xc2: {  	_ =	task.clear_ibuf [dreg:s7], $0x2FFFF;
	_ =	strace $0x9FFFFFFF  }
0xc3: {  	(tm) =	ssettm $0x7FFFFFFF  }
tec
execute0_lowered:
.L_overlay_start_1:
0x0: {  	(tag) =	ssettag $0x1  }
0x1: {  	s0 =	rddreg [dreg:$0x0]  }
0x2: {  	s1 =	rddreg [dreg:$0x1];
	s3 =	srdreg.scid  }
0x3: {  	s12 =	stileid.u32;
	s2 =	rddreg [dreg:$0x2]  }
0x4: {  	s30 =	simm.s32 $0x17AC0;
	s31 =	simm.s32 $0xC;
	s28 =	simm.s32 $0x50  }
0x5: {  	s29 =	simm.s32 $0x8;
	s6 =	sand.u32 $0x1, s3;
	s11 =	smul.u32 $0x50000, s12  }
0x6: {  	s4 =	sshll.u32 s12, $0x1;
	s3 =	simm.s32 $0x0;
	s18 =	smul.u32 $0x14000, s12  }
0x7: {  	s8 =	sadd.s32 $0x3A00, s0;
	s21 =	smul.u32 $0x4E20, s12;
	p0 =	seq.s32 s12, $0xF  }
0x8: {  	s12 =	simm.s32 $0x5;
	s7 =	sor.u32 s6, s4;
	s15 =	smul.u32 $0x138800, s6  }
0x9: {  	[smem:$0x7FF] =	sst s3;
	s9 =	ssub.s32 $0x2, s6;
	s6 =	smul.u32 $0x2710, s6  }
0xa: {  	s4 =	sadd.s32 $0xD800, s0;
	s0 =	sadd.s32 $0x34A00, s0;
	s5 =	smul.u32 $0x2710, s7  }
0xb: {  	s10 =	sshrl.u32 s9, $0x1;
	s7 =	sshll.u32 s7, $0xB;
	s11 =	sshrl.u32 s11, $0x2  }
0xc: {  	s9 =	ssub.s32 s9, s10;
	s1 =	sadd.s32 s1, s7;
	s10 =	sadd.s32 s11, s2  }
0xd: {  	_ =	strace $0x80000050;
	[dreg:$0x8] =	wrdreg s1;
	s13 =	sadd.s32 $0x2800, s10  }
0xe: {  	s7 =	sadd.s32 s18, s15;
	s14 =	sadd.s32 $0x5000, s10;
	[dreg:$0x9] =	wrdreg s13  }
0xf: {  	s24 =	sadd.s32 s6, s21;
	s16 =	sadd.s32 $0x7800, s10;
	[dreg:$0xa] =	wrdreg s14  }
0x10: {  	s11 =	simm.s32 $0x4;
	s17 =	sadd.s32 $0xA000, s10;
	[dreg:$0xb] =	wrdreg s16  }
0x11: {  	s5 =	sshrl.u32 s5, $0x3;
	s19 =	sadd.s32 $0xC800, s10;
	[dreg:$0xc] =	wrdreg s17  }
0x12: {  	s20 =	sadd.s32 $0xF000, s10;
	s1 =	sshrl.u32 s15, $0x3;
	[dreg:$0xd] =	wrdreg s19  }
0x13: {  	s22 =	sadd.s32 $0x11800, s10;
	s7 =	sshrl.u32 s7, $0x3;
	[dreg:$0xe] =	wrdreg s20  }
0x14: {  	s6 =	sadd.s32 $0x190, s24;
	s5 =	sadd.s32 s8, s5;
	[dreg:$0xf] =	wrdreg s22  }
0x15: {  	s1 =	sadd.s32 s0, s1;
	s0 =	sadd.s32 s0, s7;
	s6 =	sshrl.u32 s6, $0x3  }
0x16: {  	s19 =	simm.s32 $0x138C0;
	s20 =	simm.s32 $0x13940;
	[dreg:$0x4] =	wrdreg s5  }
0x17: {  	s7 =	simm.s32 $0x1;
	s25 =	sadd.s32 $0xA, s5;
	[dreg:$0x10] =	wrdreg s0  }
0x18: {  	s13 =	simm.s32 $0x0;
	s26 =	sadd.s32 $0x14, s5;
	[dreg:$0x5] =	wrdreg s25  }
0x19: {  	s5 =	sadd.s32 $0x1E, s5;
	s23 =	sadd.s32 $0x25800, s1;
	[dreg:$0x6] =	wrdreg s26  }
0x1a: {  	s0 =	sadd.s32 $0x140, s24;
	s17 =	sadd.s32 s6, s8;
	[dreg:$0x7] =	wrdreg s5  }
.Ltmp0:
0x1b: {  	s6 =	simm.s32 $0xB;
	[dreg:$0x11] =	wrdreg s23;
	(pc) =	sbr.rel .LBB2_1-.Ltmp0, $4  }
0x1c: {  	s25 =	smax.u32 s9, $0x1;
	s26 =	sadd.s32 $0x1E0, s24;
	s0 =	sshrl.u32 s0, $0x3  }
0x1d: {  	s9 =	simm.s32 $0x2;
	[dreg:$0x12] =	wrdreg s25;
	s1 =	sshrl.u32 s26, $0x3  }
0x1e: {  	s16 =	sadd.s32 s0, s8;
	s0 =	simm.s32 $0x1CAC0;
	s26 =	simm.s32 $0x7  }
0x1f: {  	v0 =	vimm.f32 $0.0e+00;
	s18 =	sadd.s32 s1, s8;
	s1 =	simm.s32 $0x1A2C0;
	s8 =	simm.s32 $0x17840  }
.LBB2_8:
0x20: {  	_ =	swait.ge [sflag:s12], $0x2800  }
0x21: {  	[sflag:s12] =	ssyncset.done $0x0  }
0x22: {  	[sflag:s12] =	ssyncadd.s32 $0xFFFFD800  }
0x23: {  	[bflag:$0x0] =	sbarrier.arrive $0xFFFF  }
0x24: {  	s5 =	sshrl.u32 @p0 s10, $0x3;
	s14 =	simm.s32 @p0 $0x1FCC;
	s15 =	rddreg [dreg:$0x11]  }
0x25: {  	[hbm:s15], [sflag:s14] =	dma.local @p0 [spmem:s5], $0x1900  }
0x26: {  	s5 =	simm.s32 @p0 $0xC  }
0x27: {  	s14 =	stileid.u32;
	_ =	swait.ge @p0 [sflag:s5], $0x1900  }
0x28: {  	s14 =	sshll.u32 @!p0 s14, $0x6;
	[sflag:s5] =	ssyncset.done @p0 $0x0;
	s15 =	rddreg [dreg:$0x10]  }
0x29: {  	[sflag:s5] =	ssyncadd.s32 @p0 $0xFFFFE700;
	s5 =	sor.u32 @!p0 $0x1C0C, s14;
	s14 =	sshrl.u32 @!p0 s10, $0x3  }
0x2a: {  	[hbm:s15], [sflag:s5] =	dma.local @!p0 [spmem:s14], $0x2800  }
0x2b: {  	s5 =	simm.s32 @!p0 $0xC  }
0x2c: {  	_ =	swait.ge @!p0 [sflag:s5], $0x2800  }
0x2d: {  	s13 =	sadd.s32 $0x1, s13;
	s25 =	rddreg [dreg:$0x12]  }
0x2e: {  	p1 =	sne.s32 s13, s25  }
.Ltmp1:
0x2f: {  	_ = 	snop;
	(pc) =	sbr.rel @!p1 .LBB2_9-.Ltmp1, $3  }
0x30: {  	_ =	sdelay $0x1  }
0x31: {  	[sflag:s5] =	ssyncset.done @!p0 $0x0  }
0x32: {  	s19 =	simm.s32 $0x138C0;
	s20 =	simm.s32 $0x13940;
	[sflag:s5] =	ssyncadd.s32 @!p0 $0xFFFFD800  }
.LBB2_1:
0x33: {  	s5 =	rddreg [dreg:$0x4]  }
0x34: {  	s15 =	rddreg [dreg:$0x5]  }
0x35: {  	[tilespmem:s19], [sflag:$0x7] =	stream.linear.gather [hbm4b:s5+s3], $0x50, $0x38;
	[tilespmem:$0x1F2C0] =	vst v63  }
0x36: {  	s21 =	rddreg [dreg:$0x6]  }
0x37: {  	[tilespmem:s20], [sflag:$0x8] =	stream.linear.gather [hbm4b:s15+s3], $0x50, $0x38;
	[tilespmem:$0x1F2C0] =	vst v63  }
0x38: {  	s14 =	simm.s32 $0x139C0;
	s22 =	rddreg [dreg:$0x7]  }
0x39: {  	[tilespmem:s14], [sflag:$0x9] =	stream.linear.gather [hbm4b:s21+s3], $0x50, $0x38;
	[tilespmem:$0x1F2C0] =	vst v63  }
0x3a: {  	s23 =	simm.s32 $0x13A40;
	s24 =	rddreg [dreg:$0x8]  }
0x3b: {  	[tilespmem:s23], [sflag:$0xA] =	stream.linear.gather [hbm4b:s22+s3], $0x50, $0x38;
	[tilespmem:$0x1F2C0] =	vst v63  }
0x3c: {  	s25 =	simm.s32 $0x13AC0;
	s15 =	simm.s32 $0x200;
	s14 =	simm.s32 $0x0  }
0x3d: {  	[tilespmem:s25], [sflag:$0xB] =	stream.linear.gather [hbm4b:s24+s3], $0x3E80, $0x38;
	[tilespmem:$0x1F2C0] =	vst v63  }
.LBB2_2:
0x3e: {  	p1 =	sne.s32 s15, $0x9E00;
	[tilespmem:s14+$0x1CB30] =	vst v0  }
0x3f: {  	[tilespmem:s14+$0x17AC0] =	vst v0  }
0x40: {  	[tilespmem:s14+$0x17AD0] =	vst v0  }
0x41: {  	[tilespmem:s14+$0x17AE0] =	vst v0  }
0x42: {  	[tilespmem:s14+$0x17AF0] =	vst v0  }
0x43: {  	[tilespmem:s14+$0x17B00] =	vst v0  }
0x44: {  	[tilespmem:s14+$0x17B10] =	vst v0  }
0x45: {  	[tilespmem:s14+$0x17B20] =	vst v0  }
0x46: {  	[tilespmem:s14+$0x17B30] =	vst v0  }
0x47: {  	[tilespmem:s14+$0x1A2C0] =	vst v0  }
0x48: {  	[tilespmem:s14+$0x1A2D0] =	vst v0  }
0x49: {  	[tilespmem:s14+$0x1A2E0] =	vst v0  }
0x4a: {  	[tilespmem:s14+$0x1A2F0] =	vst v0  }
0x4b: {  	[tilespmem:s14+$0x1A300] =	vst v0  }
0x4c: {  	[tilespmem:s14+$0x1A310] =	vst v0  }
0x4d: {  	[tilespmem:s14+$0x1A320] =	vst v0  }
0x4e: {  	[tilespmem:s14+$0x1A330] =	vst v0  }
0x4f: {  	[tilespmem:s14+$0x1CAC0] =	vst v0  }
0x50: {  	[tilespmem:s14+$0x1CAD0] =	vst v0  }
.Ltmp2:
0x51: {  	[tilespmem:s14+$0x1CAE0] =	vst v0;
	(pc) =	sbr.rel @p1 .LBB2_2-.Ltmp2, $4  }
0x52: {  	[tilespmem:s14+$0x1CAF0] =	vst v0  }
0x53: {  	[tilespmem:s14+$0x1CB00] =	vst v0  }
0x54: {  	[tilespmem:s14+$0x1CB10] =	vst v0  }
0x55: {  	[tilespmem:s14+$0x1CB20] =	vst v0;
	s14 =	sshra.s32 s15, $0x2;
	s15 =	sadd.s32 $0x200, s15  }
0x56: {  	[tilespmem:s14+$0x1CB30] =	vst v0  }
0x57: {  	[tilespmem:s14+$0x17AC0] =	vst v0  }
0x58: {  	[tilespmem:s14+$0x17AD0] =	vst v0  }
0x59: {  	[tilespmem:s14+$0x17AE0] =	vst v0  }
0x5a: {  	[tilespmem:s14+$0x17AF0] =	vst v0  }
0x5b: {  	[tilespmem:s14+$0x17B00] =	vst v0  }
0x5c: {  	[tilespmem:s14+$0x17B10] =	vst v0  }
0x5d: {  	[tilespmem:s14+$0x17B20] =	vst v0  }
0x5e: {  	[tilespmem:s14+$0x17B30] =	vst v0  }
0x5f: {  	[tilespmem:s14+$0x1A2C0] =	vst v0  }
0x60: {  	[tilespmem:s14+$0x1A2D0] =	vst v0  }
0x61: {  	[tilespmem:s14+$0x1A2E0] =	vst v0  }
0x62: {  	[tilespmem:s14+$0x1A2F0] =	vst v0  }
0x63: {  	[tilespmem:s14+$0x1A300] =	vst v0  }
0x64: {  	[tilespmem:s14+$0x1A310] =	vst v0  }
0x65: {  	[tilespmem:s14+$0x1A320] =	vst v0  }
0x66: {  	[tilespmem:s14+$0x1A330] =	vst v0  }
0x67: {  	[tilespmem:s14+$0x1CAC0] =	vst v0  }
0x68: {  	[tilespmem:s14+$0x1CAD0] =	vst v0  }
0x69: {  	[tilespmem:s14+$0x1CAE0] =	vst v0  }
0x6a: {  	[tilespmem:s14+$0x1CAF0] =	vst v0  }
0x6b: {  	[tilespmem:s14+$0x1CB00] =	vst v0  }
0x6c: {  	[tilespmem:s14+$0x1CB10] =	vst v0  }
0x6d: {  	[tilespmem:s14+$0x1CB20] =	vst v0  }
0x6e: {  	[spmem:s10] =	stream.linear.scatter [tilespmem:s30], [sflag:$0xC], $0x2800, $0x38;
	[tilespmem:$0x1F2C0] =	vst v63  }
0x6f: {  	_ =	swait.ge [sflag:s31], $0x2800  }
0x70: {  	[sflag:s31] =	ssyncset.done $0x0  }
0x71: {  	s5 =	rddreg [dreg:$0x9];
	[sflag:s31] =	ssyncadd.s32 $0xFFFFD800  }
0x72: {  	[spmem:s5] =	stream.linear.scatter [tilespmem:s1], [sflag:$0xC], $0x2800, $0x38;
	[tilespmem:$0x1F2C0] =	vst v63  }
0x73: {  	_ =	swait.ge [sflag:s31], $0x2800  }
0x74: {  	[sflag:s31] =	ssyncset.done $0x0  }
0x75: {  	s23 =	rddreg [dreg:$0xa];
	[sflag:s31] =	ssyncadd.s32 $0xFFFFD800  }
0x76: {  	[spmem:s23] =	stream.linear.scatter [tilespmem:s0], [sflag:$0xC], $0x2800, $0x38;
	[tilespmem:$0x1F2C0] =	vst v63  }
0x77: {  	_ =	swait.ge [sflag:s31], $0x2800  }
0x78: {  	[sflag:s31] =	ssyncset.done $0x0  }
0x79: {  	s24 =	rddreg [dreg:$0xb];
	[sflag:s31] =	ssyncadd.s32 $0xFFFFD800  }
0x7a: {  	[spmem:s24] =	stream.linear.scatter [tilespmem:s30], [sflag:$0xC], $0x2800, $0x38;
	[tilespmem:$0x1F2C0] =	vst v63  }
0x7b: {  	_ =	swait.ge [sflag:s31], $0x2800  }
0x7c: {  	[sflag:s31] =	ssyncset.done $0x0  }
0x7d: {  	s25 =	rddreg [dreg:$0xc];
	[sflag:s31] =	ssyncadd.s32 $0xFFFFD800  }
0x7e: {  	[spmem:s25] =	stream.linear.scatter [tilespmem:s1], [sflag:$0xC], $0x2800, $0x38;
	[tilespmem:$0x1F2C0] =	vst v63  }
0x7f: {  	_ =	swait.ge [sflag:s31], $0x2800  }
0x80: {  	[sflag:s31] =	ssyncset.done $0x0  }
0x81: {  	s14 =	simm.s32 @!p0 $0x1CAC0;
	s5 =	rddreg [dreg:$0xd];
	[sflag:s31] =	ssyncadd.s32 $0xFFFFD800  }
0x82: {  	[spmem:s5] =	stream.linear.scatter @!p0 [tilespmem:s14], [sflag:$0xC], $0x2800, $0x38;
	[tilespmem:$0x1F2C0] =	vst v63  }
0x83: {  	s14 =	simm.s32 @!p0 $0xC  }
0x84: {  	_ =	swait.ge @!p0 [sflag:s14], $0x2800  }
0x85: {  	[sflag:s14] =	ssyncset.done @!p0 $0x0  }
0x86: {  	s15 =	simm.s32 @!p0 $0x17AC0;
	s5 =	rddreg [dreg:$0xe];
	[sflag:s14] =	ssyncadd.s32 @!p0 $0xFFFFD800  }
0x87: {  	[spmem:s5] =	stream.linear.scatter @!p0 [tilespmem:s15], [sflag:$0xC], $0x2800, $0x38;
	[tilespmem:$0x1F2C0] =	vst v63  }
0x88: {  	_ =	swait.ge @!p0 [sflag:s14], $0x2800  }
0x89: {  	[sflag:s14] =	ssyncset.done @!p0 $0x0  }
0x8a: {  	s15 =	simm.s32 @!p0 $0x1A2C0;
	s5 =	rddreg [dreg:$0xf];
	[sflag:s14] =	ssyncadd.s32 @!p0 $0xFFFFD800  }
0x8b: {  	[spmem:s5] =	stream.linear.scatter @!p0 [tilespmem:s15], [sflag:$0xC], $0x2800, $0x38;
	[tilespmem:$0x1F2C0] =	vst v63  }
0x8c: {  	_ =	swait.ge @!p0 [sflag:s14], $0x2800  }
0x8d: {  	[sflag:s14] =	ssyncset.done @!p0 $0x0  }
0x8e: {  	[sflag:s14] =	ssyncadd.s32 @!p0 $0xFFFFD800  }
0x8f: {  	[bflag:$0x0] =	sbarrier.arrive $0xFFFF  }
0x90: {  	_ =	swait.ge [sflag:s26], $0x50  }
0x91: {  	[sflag:s26] =	ssyncset.done $0x0  }
0x92: {  	[sflag:s26] =	ssyncadd.s32 $0xFFFFFFB0  }
0x93: {  	[tilespmem:s30], [sflag:$0x1] =	stream.indirect.gather [hbm4b:s4+s28], $0x80, s19, s28, $0xb8;
	[tilespmem:$0x1F2C0] =	vst v63  }
0x94: {  	_ =	swait.ge [sflag:s29], $0x50  }
0x95: {  	[sflag:s29] =	ssyncset.done $0x0  }
.Ltmp3:
0x96: {  	[sflag:s29] =	ssyncadd.s32 $0xFFFFFFB0;
	(pc) =	sbr.rel .LBB2_4-.Ltmp3, $4  }
0x97: {  	[tilespmem:s1], [sflag:$0x2] =	stream.indirect.gather [hbm4b:s4+s28], $0x80, s20, s28, $0xb8;
	[tilespmem:$0x1F2C0] =	vst v63  }
0x98: {  	s22 =	smov.u32 s17;
	s21 =	smov.u32 s18;
	_ =	swait.ge [sflag:s6], $0x3E80  }
0x99: {  	s23 =	smov.u32 s16;
	s15 =	simm.s32 $0x13AC0;
	[sflag:s6] =	ssyncset.done $0x0  }
0x9a: {  	s14 =	simm.s32 $0x0;
	s19 =	simm.s32 $0x0;
	[sflag:s6] =	ssyncadd.s32 $0xFFFFC180  }
.LBB2_6:
0x9b: {  	s20 =	sand.u32 $0x3, s14  }
0x9c: {  	s5 =	sxor.u32 $0x2, s20  }
0x9d: {  	s24 =	sadd.s32 $0x7, s5  }
0x9e: {  	_ =	swait.ge [sflag:s24], $0x50  }
0x9f: {  	s5 =	sshll.u32 s5, $0x7;
	[sflag:s24] =	ssyncset.done $0x0  }
0xa0: {  	s5 =	sadd.s32 $0x138C0, s5;
	[sflag:s24] =	ssyncadd.s32 $0xFFFFFFB0  }
0xa1: {  	[tilespmem:s0], [sflag:$0x3] =	stream.indirect.gather [hbm4b:s4+s28], $0x80, s5, s28, $0xb8;
	[tilespmem:$0x1F2C0] =	vst v63  }
0xa2: {  	s25 =	sshll.u32 s20, $0x7  }
0xa3: {  	[spmem:s2] =	stream.indirect.scatter.add.f32 [tilespmem:s30], [sflag:$0x4], $0x80, s15, s28, $0xb8;
	[tilespmem:$0x1F2C0] =	vst v63  }
0xa4: {  	p1 =	por $0x0, $0x0;
	s20 =	sadd.s32 $0x7, s20;
	s5 =	sadd.s32 $0x138C0, s25  }
0xa5: {  	[tilespmem:s5], [sflag:s20] =	stream.linear.gather [hbm4b:s23+s3], $0x50, $0x38;
	[tilespmem:$0x1F2C0] =	vst v63  }
.LBB2_7:
0xa6: {  	_ =	swait.ge [sflag:s9], $0x2800  }
0xa7: {  	[sflag:s9] =	ssyncset.done $0x0  }
0xa8: {  	[sflag:s9] =	ssyncadd.s32 $0xFFFFD800  }
0xa9: {  	s5 =	sadd.s32 @!p1 $0xFFFFFFFF, s14;
	_ =	swait.ge [sflag:s11], $0x2800  }
0xaa: {  	s5 =	sand.u32 @!p1 $0x3, s5;
	[sflag:s11] =	ssyncset.done $0x0  }
0xab: {  	s20 =	sadd.s32 @!p1 $0x7, s5;
	[sflag:s11] =	ssyncadd.s32 $0xFFFFD800  }
0xac: {  	_ =	swait.ge @!p1 [sflag:s20], $0x50  }
0xad: {  	s24 =	simm.s32 @!p1 $0x17AC0;
	s5 =	sshll.u32 @!p1 s5, $0x7;
	[sflag:s20] =	ssyncset.done @!p1 $0x0  }
0xae: {  	s5 =	sadd.s32 @!p1 $0x138C0, s5;
	[sflag:s20] =	ssyncadd.s32 @!p1 $0xFFFFFFB0;
	s20 =	simm.s32 @!p1 $0x50  }
0xaf: {  	[tilespmem:s24], [sflag:$0x1] =	stream.indirect.gather @!p1 [hbm4b:s4+s20], $0x80, s5, s20, $0xb8;
	[tilespmem:$0x1F2C0] =	vst v63  }
0xb0: {  	p2 =	sgt.u32 s19, $0x27;
	s5 =	sadd.s32 $0x1, s14  }
0xb1: {  	s25 =	sadd.s32 $0x80, s15;
	s5 =	sand.u32 @!p2 $0x3, s5  }
0xb2: {  	[spmem:s2] =	stream.indirect.scatter.add.f32 [tilespmem:s1], [sflag:$0x5], $0x80, s25, s28, $0xb8;
	[tilespmem:$0x1F2C0] =	vst v63  }
0xb3: {  	s24 =	sshll.u32 @!p2 s5, $0x7  }
0xb4: {  	s5 =	sadd.s32 @!p2 $0x7, s5;
	s25 =	simm.s32 @!p2 $0x0;
	s24 =	sadd.s32 @!p2 $0x138C0, s24  }
0xb5: {  	[tilespmem:s24], [sflag:s5] =	stream.linear.gather @!p2 [hbm4b:s22+s25], $0x50, $0x38;
	[tilespmem:$0x1F2C0] =	vst v63  }
0xb6: {  	s5 =	simm.s32 @!p1 $0x3  }
0xb7: {  	_ =	swait.ge @!p1 [sflag:s5], $0x2800  }
0xb8: {  	[sflag:s5] =	ssyncset.done @!p1 $0x0  }
0xb9: {  	[sflag:s5] =	ssyncadd.s32 @!p1 $0xFFFFD800;
	s5 =	simm.s32 @!p1 $0x5  }
0xba: {  	_ =	swait.ge @!p1 [sflag:s5], $0x2800  }
0xbb: {  	s24 =	sand.u32 @!p1 $0x3, s14;
	[sflag:s5] =	ssyncset.done @!p1 $0x0  }
0xbc: {  	[sflag:s5] =	ssyncadd.s32 @!p1 $0xFFFFD800;
	s5 =	sadd.s32 @!p1 $0x7, s24  }
0xbd: {  	_ =	swait.ge @!p1 [sflag:s5], $0x50  }
0xbe: {  	s24 =	sshll.u32 @!p1 s24, $0x7;
	[sflag:s5] =	ssyncset.done @!p1 $0x0  }
0xbf: {  	s24 =	sadd.s32 @!p1 $0x138C0, s24;
	[sflag:s5] =	ssyncadd.s32 @!p1 $0xFFFFFFB0;
	s5 =	simm.s32 @!p1 $0x1A2C0  }
0xc0: {  	[tilespmem:s5], [sflag:$0x2] =	stream.indirect.gather @!p1 [hbm4b:s4+s20], $0x80, s24, s20, $0xb8;
	[tilespmem:$0x1F2C0] =	vst v63  }
0xc1: {  	p2 =	sgt.u32 @!p1 s19, $0x27;
	s5 =	sadd.s32 @!p1 $0x100, s15;
	s24 =	simm.s32 @!p1 $0x1CAC0  }
0xc2: {  	[spmem:s2] =	stream.indirect.scatter.add.f32 @!p1 [tilespmem:s24], [sflag:$0x6], $0x80, s5, s20, $0xb8;
	[tilespmem:$0x1F2C0] =	vst v63  }
0xc3: {  	s5 =	sadd.s32 $0x2, s14;
	p1 =	por p2, p1  }
0xc4: {  	s5 =	sand.u32 @!p1 $0x3, s5  }
0xc5: {  	s14 =	sadd.s32 $0x3, s14;
	s20 =	sshll.u32 @!p1 s5, $0x7  }
0xc6: {  	s24 =	simm.s32 @!p1 $0x0;
	s5 =	sadd.s32 @!p1 $0x7, s5;
	s20 =	sadd.s32 @!p1 $0x138C0, s20  }
0xc7: {  	[tilespmem:s20], [sflag:s5] =	stream.linear.gather @!p1 [hbm4b:s21+s24], $0x50, $0x38;
	[tilespmem:$0x1F2C0] =	vst v63  }
0xc8: {  	p1 =	sne.s32 s14, $0x7E  }
.Ltmp4:
0xc9: {  	_ = 	snop;
	(pc) =	sbr.rel @!p1 .LBB2_8-.Ltmp4, $3  }
0xca: {  	_ =	sdelay $0x1  }
0xcb: {  	s23 =	sadd.s32 $0x1E, s23;
	s19 =	sadd.s32 $0x1, s19  }
0xcc: {  	s22 =	sadd.s32 $0x1E, s22;
	s15 =	sadd.s32 $0x180, s15;
	s21 =	sadd.s32 $0x1E, s21  }
.LBB2_4:
0xcd: {  	p1 =	seq.s32 s14, $0x0  }
0xce: {  	p2 =	sne.s32 @!p1 s14, $0x7B  }
0xcf: {  	_ =	swait.ge [sflag:s7], $0x2800;
	p2 =	por p1, p2  }
.Ltmp5:
0xd0: {  	[sflag:s7] =	ssyncset.done $0x0;
	(pc) =	sbr.rel @p2 .LBB2_6-.Ltmp5, $4  }
0xd1: {  	s20 =	simm.s32 @!p1 $0x6;
	[sflag:s7] =	ssyncadd.s32 $0xFFFFD800  }
0xd2: {  	_ =	swait.ge @!p1 [sflag:s20], $0x2800  }
0xd3: {  	[sflag:s20] =	ssyncset.done @!p1 $0x0  }
0xd4: {  	[sflag:s20] =	ssyncadd.s32 @!p1 $0xFFFFD800  }
.Ltmp6:
0xd5: {  	(pc) =	sbr.rel .LBB2_7-.Ltmp6, $3  }
0xd6: {  	_ =	sdelay $0x1  }
0xd7: {  	[spmem:s2] =	stream.indirect.scatter.add.f32 [tilespmem:s30], [sflag:$0x4], $0x80, s8, s28, $0xb8;
	[tilespmem:$0x1F2C0] =	vst v63  }
0xd8: {  	p1 =	por $0x1, $0x1  }
.LBB2_9:
0xd9: {  	_ =	sfence.sel $0x180000  }
0xda: {  	[bflag:$0x0] =	sbarrier.arrive $0xFFFF  }
0xdb: {  	_ =	strace $0x90000050  }
0xdc: {  	s0 =	stileid.u32;
	[bflag:$0x2] =	sbarrier.arrive $0xFFFF  }
0xdd: {  	p0 =	sne.s32 s0, $0x0;
	s0 =	rddreg [dreg:$0x3]  }
0xde: {  	s0 =	sadd.s32 @!p0 $0x100000, s0  }
0xdf: {  	[sflag:s0] =	ssyncadd.tile.s32 @!p0 $0x1;
	_ =	shalt  }
.Lfunc_end2:
_tile_overlayer_lowered:
.L_overlay_start_2:
0xe0: {  	(tag) =	ssettag $0x2  }
0xe1: {  	s0 =	rddreg [dreg:$0x0];
	s2 =	stileid.u32  }
0xe2: {  	s1 =	rddreg [dreg:$0x1];
	p0 =	sne.s32 s2, $0x0  }
0xe3: {  	s3 =	rddreg [dreg:$0x2];
	[bflag:$0x3] =	sbarrier.arrive $0xFFFF;
	s2 =	simm.s32 @!p0 $0x1C0C  }
0xe4: {  	[timem:s3], [sflag:s2] =	dma.local @!p0 [hbm:s0], s1  }
0xe5: {  	s0 =	simm.s32 @!p0 $0xC  }
0xe6: {  	_ =	swait.ge @!p0 [sflag:s0], s1  }
0xe7: {  	s1 =	ssub.s32 @!p0 $0x0, s1;
	[sflag:s0] =	ssyncset.done @!p0 $0x0  }
0xe8: {  	[sflag:s0] =	ssyncadd.s32 @!p0 s1  }
0xe9: {  	[bflag:$0x3] =	sbarrier.arrive $0xFFFF  }
0xea: {  	_ =	shalt  }

</sc_bundles>
